<compile_context>
chip_gen: v7x
topology: tpu7x:2x2x1
jax: 0.10.2.dev20260603
libtpu: 0.0.44.dev20260713+nightly
codegen_flags: <defaults>
</compile_context>

<pallas_src>
import functools

import jax
import jax.numpy as jnp
from jax import lax
from jax.experimental import pallas as pl
from jax.experimental.pallas import tpu as pltpu
from jax.experimental.pallas import tpu_sc as plsc

VOCAB = 100000
EMBED_DIM = 64
BATCH = 4096
HIST = 50

NUM_CORES = 2
NUM_SUBCORES = 16
NW = NUM_CORES * NUM_SUBCORES
BLK = BATCH // NW
NCHUNK = HIST
NBUF = 4


def _make_kernel():
    mesh = plsc.VectorSubcoreMesh(
        core_axis_name="c", subcore_axis_name="s",
        num_cores=NUM_CORES, num_subcores=NUM_SUBCORES)

    @functools.partial(
        pl.kernel,
        out_type=jax.ShapeDtypeStruct((HIST, BATCH, EMBED_DIM), jnp.float32),
        mesh=mesh,
        compiler_params=pltpu.CompilerParams(
            use_tc_tiling_on_sc=False, skip_device_barrier=True),
        scratch_types=(
            [pltpu.VMEM((NCHUNK, BLK), jnp.int32)]
            + [pltpu.VMEM((BLK, EMBED_DIM), jnp.float32)
               for _ in range(NBUF)]
            + [pltpu.SemaphoreType.DMA for _ in range(2 * NBUF + 1)]
        ),
    )
    def gather_kernel(idx_hbm, table_hbm, out_hbm, *scratch):
        idx_v = scratch[0]
        rows = scratch[1:1 + NBUF]
        gsem = scratch[1 + NBUF:1 + 2 * NBUF]
        wsem = scratch[1 + 2 * NBUF:1 + 3 * NBUF]
        isem = scratch[1 + 3 * NBUF]
        wid = lax.axis_index("s") * NUM_CORES + lax.axis_index("c")
        col0 = wid * BLK

        pltpu.async_copy(
            idx_hbm.at[:, pl.ds(col0, BLK)], idx_v, isem).wait()

        gathers = [None] * NCHUNK
        writes = [None] * NCHUNK

        for c in range(NBUF):
            gathers[c] = pltpu.async_copy(
                table_hbm.at[idx_v.at[c]], rows[c % NBUF], gsem[c % NBUF])
        for c in range(NCHUNK):
            nxt = c + NBUF - 1
            if c >= 1 and nxt < NCHUNK:
                b = (c - 1) % NBUF
                writes[c - 1].wait()
                gathers[nxt] = pltpu.async_copy(
                    table_hbm.at[idx_v.at[nxt]], rows[b], gsem[b])
            gathers[c].wait()
            writes[c] = pltpu.async_copy(
                rows[c % NBUF],
                out_hbm.at[c, pl.ds(col0, BLK)],
                wsem[c % NBUF])
        for c in range(max(0, NCHUNK - NBUF), NCHUNK):
            writes[c].wait()

    return gather_kernel


_gather = _make_kernel()


@jax.jit
def kernel(input_seq, embedding_matrix):
    idx_t = input_seq.T.astype(jnp.int32)
    out_t = _gather(idx_t, embedding_matrix)
    return out_t.transpose(1, 0, 2)

# --- scband reference (transcript-rebuilt; emitter-appended) ---
"""Pipeline reference for scband-embedding-layer-9337258901653 (READ-ONLY COPY).

The authoritative reference and input builder live on the scoring server;
editing this copy changes nothing except your own understanding.
"""

import jax, jax.numpy as jnp
import numpy as np

VOCAB = 100000
EMBED_DIM = 64
BATCH = 4096
HIST = 50

def setup_inputs(seed: int = 0) -> dict:
    key = jax.random.key(seed)
    k_idx, k_w = jax.random.split(key)
    input_seq = jax.random.randint(k_idx, (BATCH, HIST), 0, VOCAB, dtype=jnp.int64 if jax.config.jax_enable_x64 else jnp.int32)
    embedding_matrix = jax.random.normal(k_w, (VOCAB, EMBED_DIM), dtype=jnp.float32)
    return {"input_seq": input_seq, "embedding_matrix": embedding_matrix}

def reference(input_seq, embedding_matrix):
    # embedded = self.embedding_matrix[input_seq]
    embedded = jnp.take(embedding_matrix, input_seq, axis=0)
    return embedded

if __name__ == "__main__":
    import jax
    _d = setup_inputs()
    print(jax.jit(kernel)(*tuple(_d.values())))

</pallas_src>

<mosaic_0001>
#map = affine_map<(d0, d1) -> (0, 0)>
#map1 = affine_map<(d0, d1) -> (0, 0, 0)>
module attributes {stable_mosaic.version = 14 : i64} {
  func.func @gather_kernel(%arg0: i32, %arg1: i32, %arg2: memref<50x4096xi32, #tpu.memory_space<hbm>>, %arg3: memref<100000x64xf32, #tpu.memory_space<hbm>>, %arg4: memref<50x4096x64xf32, #tpu.memory_space<hbm>>, %arg5: memref<50x128xi32, #tpu.memory_space<vmem>>, %arg6: memref<128x64xf32, #tpu.memory_space<vmem>>, %arg7: memref<128x64xf32, #tpu.memory_space<vmem>>, %arg8: memref<128x64xf32, #tpu.memory_space<vmem>>, %arg9: memref<128x64xf32, #tpu.memory_space<vmem>>, %arg10: memref<!tpu.dma_semaphore, #tpu.memory_space<semaphore_mem>>, %arg11: memref<!tpu.dma_semaphore, #tpu.memory_space<semaphore_mem>>, %arg12: memref<!tpu.dma_semaphore, #tpu.memory_space<semaphore_mem>>, %arg13: memref<!tpu.dma_semaphore, #tpu.memory_space<semaphore_mem>>, %arg14: memref<!tpu.dma_semaphore, #tpu.memory_space<semaphore_mem>>, %arg15: memref<!tpu.dma_semaphore, #tpu.memory_space<semaphore_mem>>, %arg16: memref<!tpu.dma_semaphore, #tpu.memory_space<semaphore_mem>>, %arg17: memref<!tpu.dma_semaphore, #tpu.memory_space<semaphore_mem>>, %arg18: memref<!tpu.dma_semaphore, #tpu.memory_space<semaphore_mem>>) attributes {dimension_semantics = [#tpu.dimension_semantics<core_parallel>, #tpu.dimension_semantics<subcore_parallel>], iteration_bounds = array<i64: 2, 16>, scalar_prefetch = 0 : i64, scratch_operands = 14 : i64, tpu.core_type = #tpu.core_type<sc_vector_subcore>, window_params = [{transform_indices = #map}, {transform_indices = #map}, {transform_indices = #map1}]} {
    %mul3A = arith.constant 2 : i32
    %mul3A_0 = arith.muli %arg1, %mul3A : i32
    %add3A = arith.addi %mul3A_0, %arg0 : i32
    %mul3A_1 = arith.constant 128 : i32
    %mul3A_2 = arith.muli %add3A, %mul3A_1 : i32
    %dma_start3A = arith.constant 0 : i32
    %dma_start3A_3 = tpu.memref_slice %arg2[%dma_start3A, %mul3A_2] : memref<50x4096xi32, #tpu.memory_space<hbm>> -> memref<50x128xi32, #tpu.memory_space<hbm>>
    %dma_start3A_4 = arith.constant 0 : i32
    %dma_start3A_5 = tpu.memref_slice %arg2[%dma_start3A_4, %mul3A_2] : memref<50x4096xi32, #tpu.memory_space<hbm>> -> memref<50x128xi32, #tpu.memory_space<hbm>>
    tpu.enqueue_dma source(%dma_start3A_5 : memref<50x128xi32, #tpu.memory_space<hbm>>) target(%arg5 : memref<50x128xi32, #tpu.memory_space<vmem>>) target_semaphore(%arg18 : memref<!tpu.dma_semaphore, #tpu.memory_space<semaphore_mem>>)
    %dma_wait3A = arith.constant 0 : i32
    %dma_wait3A_6 = tpu.memref_slice %arg2[%dma_wait3A, %mul3A_2] : memref<50x4096xi32, #tpu.memory_space<hbm>> -> memref<50x128xi32, #tpu.memory_space<hbm>>
    %dma_wait3A_7 = arith.constant 0 : i32
    %dma_wait3A_8 = tpu.memref_slice %arg2[%dma_wait3A_7, %mul3A_2] : memref<50x4096xi32, #tpu.memory_space<hbm>> -> memref<50x128xi32, #tpu.memory_space<hbm>>
    tpu.wait_dma2 semaphore(%arg18 : memref<!tpu.dma_semaphore, #tpu.memory_space<semaphore_mem>>) src(%dma_wait3A_8 : memref<50x128xi32, #tpu.memory_space<hbm>>) dst(%arg5 : memref<50x128xi32, #tpu.memory_space<vmem>>)
    %dma_start3A_9 = arith.constant 0 : i32
    %dma_start3A_10 = arith.constant 0 : i32
    %dma_start3A_11 = tpu.memref_slice %arg5[%dma_start3A_9, %dma_start3A_10] : memref<50x128xi32, #tpu.memory_space<vmem>> -> memref<1x128xi32, #tpu.memory_space<vmem>>
    %dma_start3A_12 = tpu.memref_squeeze %dma_start3A_11 : memref<1x128xi32, #tpu.memory_space<vmem>> -> memref<128xi32, #tpu.memory_space<vmem>>
    %dma_start3A_13 = arith.constant 0 : i32
    %dma_start3A_14 = arith.constant 0 : i32
    %dma_start3A_15 = tpu.memref_slice %arg3[%dma_start3A_13, %dma_start3A_14] : memref<100000x64xf32, #tpu.memory_space<hbm>> -> memref<100000x64xf32, #tpu.memory_space<hbm>>
    tpu.enqueue_indirect_dma source(%dma_start3A_15 : memref<100000x64xf32, #tpu.memory_space<hbm>>) target(%arg6 : memref<128x64xf32, #tpu.memory_space<vmem>>) offsets(%dma_start3A_12 : memref<128xi32, #tpu.memory_space<vmem>>) semaphore(%arg10 : memref<!tpu.dma_semaphore, #tpu.memory_space<semaphore_mem>>)
    %dma_start3A_16 = arith.constant 1 : i32
    %dma_start3A_17 = arith.constant 0 : i32
    %dma_start3A_18 = tpu.memref_slice %arg5[%dma_start3A_16, %dma_start3A_17] : memref<50x128xi32, #tpu.memory_space<vmem>> -> memref<1x128xi32, #tpu.memory_space<vmem>>
    %dma_start3A_19 = tpu.memref_squeeze %dma_start3A_18 : memref<1x128xi32, #tpu.memory_space<vmem>> -> memref<128xi32, #tpu.memory_space<vmem>>
    %dma_start3A_20 = arith.constant 0 : i32
    %dma_start3A_21 = arith.constant 0 : i32
    %dma_start3A_22 = tpu.memref_slice %arg3[%dma_start3A_20, %dma_start3A_21] : memref<100000x64xf32, #tpu.memory_space<hbm>> -> memref<100000x64xf32, #tpu.memory_space<hbm>>
    tpu.enqueue_indirect_dma source(%dma_start3A_22 : memref<100000x64xf32, #tpu.memory_space<hbm>>) target(%arg7 : memref<128x64xf32, #tpu.memory_space<vmem>>) offsets(%dma_start3A_19 : memref<128xi32, #tpu.memory_space<vmem>>) semaphore(%arg11 : memref<!tpu.dma_semaphore, #tpu.memory_space<semaphore_mem>>)
    %dma_start3A_23 = arith.constant 2 : i32
    %dma_start3A_24 = arith.constant 0 : i32
    %dma_start3A_25 = tpu.memref_slice %arg5[%dma_start3A_23, %dma_start3A_24] : memref<50x128xi32, #tpu.memory_space<vmem>> -> memref<1x128xi32, #tpu.memory_space<vmem>>
    %dma_start3A_26 = tpu.memref_squeeze %dma_start3A_25 : memref<1x128xi32, #tpu.memory_space<vmem>> -> memref<128xi32, #tpu.memory_space<vmem>>
    %dma_start3A_27 = arith.constant 0 : i32
    %dma_start3A_28 = arith.constant 0 : i32
    %dma_start3A_29 = tpu.memref_slice %arg3[%dma_start3A_27, %dma_start3A_28] : memref<100000x64xf32, #tpu.memory_space<hbm>> -> memref<100000x64xf32, #tpu.memory_space<hbm>>
    tpu.enqueue_indirect_dma source(%dma_start3A_29 : memref<100000x64xf32, #tpu.memory_space<hbm>>) target(%arg8 : memref<128x64xf32, #tpu.memory_space<vmem>>) offsets(%dma_start3A_26 : memref<128xi32, #tpu.memory_space<vmem>>) semaphore(%arg12 : memref<!tpu.dma_semaphore, #tpu.memory_space<semaphore_mem>>)
    %dma_start3A_30 = arith.constant 3 : i32
    %dma_start3A_31 = arith.constant 0 : i32
    %dma_start3A_32 = tpu.memref_slice %arg5[%dma_start3A_30, %dma_start3A_31] : memref<50x128xi32, #tpu.memory_space<vmem>> -> memref<1x128xi32, #tpu.memory_space<vmem>>
    %dma_start3A_33 = tpu.memref_squeeze %dma_start3A_32 : memref<1x128xi32, #tpu.memory_space<vmem>> -> memref<128xi32, #tpu.memory_space<vmem>>
    %dma_start3A_34 = arith.constant 0 : i32
    %dma_start3A_35 = arith.constant 0 : i32
    %dma_start3A_36 = tpu.memref_slice %arg3[%dma_start3A_34, %dma_start3A_35] : memref<100000x64xf32, #tpu.memory_space<hbm>> -> memref<100000x64xf32, #tpu.memory_space<hbm>>
    tpu.enqueue_indirect_dma source(%dma_start3A_36 : memref<100000x64xf32, #tpu.memory_space<hbm>>) target(%arg9 : memref<128x64xf32, #tpu.memory_space<vmem>>) offsets(%dma_start3A_33 : memref<128xi32, #tpu.memory_space<vmem>>) semaphore(%arg13 : memref<!tpu.dma_semaphore, #tpu.memory_space<semaphore_mem>>)
    %dma_wait3A_37 = arith.constant 0 : i32
    %dma_wait3A_38 = arith.constant 0 : i32
    %dma_wait3A_39 = tpu.memref_slice %arg5[%dma_wait3A_37, %dma_wait3A_38] : memref<50x128xi32, #tpu.memory_space<vmem>> -> memref<1x128xi32, #tpu.memory_space<vmem>>
    %dma_wait3A_40 = tpu.memref_squeeze %dma_wait3A_39 : memref<1x128xi32, #tpu.memory_space<vmem>> -> memref<128xi32, #tpu.memory_space<vmem>>
    %dma_wait3A_41 = arith.constant 0 : i32
    %dma_wait3A_42 = arith.constant 0 : i32
    %dma_wait3A_43 = tpu.memref_slice %arg3[%dma_wait3A_41, %dma_wait3A_42] : memref<100000x64xf32, #tpu.memory_space<hbm>> -> memref<100000x64xf32, #tpu.memory_space<hbm>>
    tpu.wait_indirect_dma semaphore(%arg10 : memref<!tpu.dma_semaphore, #tpu.memory_space<semaphore_mem>>) src(%dma_wait3A_43 : memref<100000x64xf32, #tpu.memory_space<hbm>>) dst(%arg6 : memref<128x64xf32, #tpu.memory_space<vmem>>)
    %dma_start3A_44 = arith.constant 0 : i32
    %dma_start3A_45 = arith.constant 0 : i32
    %dma_start3A_46 = tpu.memref_slice %arg4[%dma_start3A_44, %mul3A_2, %dma_start3A_45] : memref<50x4096x64xf32, #tpu.memory_space<hbm>> -> memref<1x128x64xf32, #tpu.memory_space<hbm>>
    %dma_start3A_47 = tpu.memref_squeeze %dma_start3A_46 : memref<1x128x64xf32, #tpu.memory_space<hbm>> -> memref<128x64xf32, #tpu.memory_space<hbm>>
    %dma_start3A_48 = arith.constant 0 : i32
    %dma_start3A_49 = tpu.memref_slice %arg4[%dma_start3A_44, %mul3A_2, %dma_start3A_48] : memref<50x4096x64xf32, #tpu.memory_space<hbm>> -> memref<1x128x64xf32, #tpu.memory_space<hbm>>
    %dma_start3A_50 = tpu.memref_squeeze %dma_start3A_49 : memref<1x128x64xf32, #tpu.memory_space<hbm>> -> memref<128x64xf32, #tpu.memory_space<hbm>>
    tpu.enqueue_dma source(%arg6 : memref<128x64xf32, #tpu.memory_space<vmem>>) target(%dma_start3A_50 : memref<128x64xf32, #tpu.memory_space<hbm>>) target_semaphore(%arg14 : memref<!tpu.dma_semaphore, #tpu.memory_space<semaphore_mem>>)
    %dma_wait3A_51 = arith.constant 0 : i32
    %dma_wait3A_52 = arith.constant 0 : i32
    %dma_wait3A_53 = tpu.memref_slice %arg4[%dma_wait3A_51, %mul3A_2, %dma_wait3A_52] : memref<50x4096x64xf32, #tpu.memory_space<hbm>> -> memref<1x128x64xf32, #tpu.memory_space<hbm>>
    %dma_wait3A_54 = tpu.memref_squeeze %dma_wait3A_53 : memref<1x128x64xf32, #tpu.memory_space<hbm>> -> memref<128x64xf32, #tpu.memory_space<hbm>>
    %dma_wait3A_55 = arith.constant 0 : i32
    %dma_wait3A_56 = tpu.memref_slice %arg4[%dma_wait3A_51, %mul3A_2, %dma_wait3A_55] : memref<50x4096x64xf32, #tpu.memory_space<hbm>> -> memref<1x128x64xf32, #tpu.memory_space<hbm>>
    %dma_wait3A_57 = tpu.memref_squeeze %dma_wait3A_56 : memref<1x128x64xf32, #tpu.memory_space<hbm>> -> memref<128x64xf32, #tpu.memory_space<hbm>>
    tpu.wait_dma2 semaphore(%arg14 : memref<!tpu.dma_semaphore, #tpu.memory_space<semaphore_mem>>) src(%arg6 : memref<128x64xf32, #tpu.memory_space<vmem>>) dst(%dma_wait3A_57 : memref<128x64xf32, #tpu.memory_space<hbm>>)
    %dma_start3A_58 = arith.constant 4 : i32
    %dma_start3A_59 = arith.constant 0 : i32
    %dma_start3A_60 = tpu.memref_slice %arg5[%dma_start3A_58, %dma_start3A_59] : memref<50x128xi32, #tpu.memory_space<vmem>> -> memref<1x128xi32, #tpu.memory_space<vmem>>
    %dma_start3A_61 = tpu.memref_squeeze %dma_start3A_60 : memref<1x128xi32, #tpu.memory_space<vmem>> -> memref<128xi32, #tpu.memory_space<vmem>>
    %dma_start3A_62 = arith.constant 0 : i32
    %dma_start3A_63 = arith.constant 0 : i32
    %dma_start3A_64 = tpu.memref_slice %arg3[%dma_start3A_62, %dma_start3A_63] : memref<100000x64xf32, #tpu.memory_space<hbm>> -> memref<100000x64xf32, #tpu.memory_space<hbm>>
    tpu.enqueue_indirect_dma source(%dma_start3A_64 : memref<100000x64xf32, #tpu.memory_space<hbm>>) target(%arg6 : memref<128x64xf32, #tpu.memory_space<vmem>>) offsets(%dma_start3A_61 : memref<128xi32, #tpu.memory_space<vmem>>) semaphore(%arg10 : memref<!tpu.dma_semaphore, #tpu.memory_space<semaphore_mem>>)
    %dma_wait3A_65 = arith.constant 1 : i32
    %dma_wait3A_66 = arith.constant 0 : i32
    %dma_wait3A_67 = tpu.memref_slice %arg5[%dma_wait3A_65, %dma_wait3A_66] : memref<50x128xi32, #tpu.memory_space<vmem>> -> memref<1x128xi32, #tpu.memory_space<vmem>>
    %dma_wait3A_68 = tpu.memref_squeeze %dma_wait3A_67 : memref<1x128xi32, #tpu.memory_space<vmem>> -> memref<128xi32, #tpu.memory_space<vmem>>
    %dma_wait3A_69 = arith.constant 0 : i32
    %dma_wait3A_70 = arith.constant 0 : i32
    %dma_wait3A_71 = tpu.memref_slice %arg3[%dma_wait3A_69, %dma_wait3A_70] : memref<100000x64xf32, #tpu.memory_space<hbm>> -> memref<100000x64xf32, #tpu.memory_space<hbm>>
    tpu.wait_indirect_dma semaphore(%arg11 : memref<!tpu.dma_semaphore, #tpu.memory_space<semaphore_mem>>) src(%dma_wait3A_71 : memref<100000x64xf32, #tpu.memory_space<hbm>>) dst(%arg7 : memref<128x64xf32, #tpu.memory_space<vmem>>)
    %dma_start3A_72 = arith.constant 1 : i32
    %dma_start3A_73 = arith.constant 0 : i32
    %dma_start3A_74 = tpu.memref_slice %arg4[%dma_start3A_72, %mul3A_2, %dma_start3A_73] : memref<50x4096x64xf32, #tpu.memory_space<hbm>> -> memref<1x128x64xf32, #tpu.memory_space<hbm>>
    %dma_start3A_75 = tpu.memref_squeeze %dma_start3A_74 : memref<1x128x64xf32, #tpu.memory_space<hbm>> -> memref<128x64xf32, #tpu.memory_space<hbm>>
    %dma_start3A_76 = arith.constant 0 : i32
    %dma_start3A_77 = tpu.memref_slice %arg4[%dma_start3A_72, %mul3A_2, %dma_start3A_76] : memref<50x4096x64xf32, #tpu.memory_space<hbm>> -> memref<1x128x64xf32, #tpu.memory_space<hbm>>
    %dma_start3A_78 = tpu.memref_squeeze %dma_start3A_77 : memref<1x128x64xf32, #tpu.memory_space<hbm>> -> memref<128x64xf32, #tpu.memory_space<hbm>>
    tpu.enqueue_dma source(%arg7 : memref<128x64xf32, #tpu.memory_space<vmem>>) target(%dma_start3A_78 : memref<128x64xf32, #tpu.memory_space<hbm>>) target_semaphore(%arg15 : memref<!tpu.dma_semaphore, #tpu.memory_space<semaphore_mem>>)
    %dma_wait3A_79 = arith.constant 1 : i32
    %dma_wait3A_80 = arith.constant 0 : i32
    %dma_wait3A_81 = tpu.memref_slice %arg4[%dma_wait3A_79, %mul3A_2, %dma_wait3A_80] : memref<50x4096x64xf32, #tpu.memory_space<hbm>> -> memref<1x128x64xf32, #tpu.memory_space<hbm>>
    %dma_wait3A_82 = tpu.memref_squeeze %dma_wait3A_81 : memref<1x128x64xf32, #tpu.memory_space<hbm>> -> memref<128x64xf32, #tpu.memory_space<hbm>>
    %dma_wait3A_83 = arith.constant 0 : i32
    %dma_wait3A_84 = tpu.memref_slice %arg4[%dma_wait3A_79, %mul3A_2, %dma_wait3A_83] : memref<50x4096x64xf32, #tpu.memory_space<hbm>> -> memref<1x128x64xf32, #tpu.memory_space<hbm>>
    %dma_wait3A_85 = tpu.memref_squeeze %dma_wait3A_84 : memref<1x128x64xf32, #tpu.memory_space<hbm>> -> memref<128x64xf32, #tpu.memory_space<hbm>>
    tpu.wait_dma2 semaphore(%arg15 : memref<!tpu.dma_semaphore, #tpu.memory_space<semaphore_mem>>) src(%arg7 : memref<128x64xf32, #tpu.memory_space<vmem>>) dst(%dma_wait3A_85 : memref<128x64xf32, #tpu.memory_space<hbm>>)
    %dma_start3A_86 = arith.constant 5 : i32
    %dma_start3A_87 = arith.constant 0 : i32
    %dma_start3A_88 = tpu.memref_slice %arg5[%dma_start3A_86, %dma_start3A_87] : memref<50x128xi32, #tpu.memory_space<vmem>> -> memref<1x128xi32, #tpu.memory_space<vmem>>
    %dma_start3A_89 = tpu.memref_squeeze %dma_start3A_88 : memref<1x128xi32, #tpu.memory_space<vmem>> -> memref<128xi32, #tpu.memory_space<vmem>>
    %dma_start3A_90 = arith.constant 0 : i32
    %dma_start3A_91 = arith.constant 0 : i32
    %dma_start3A_92 = tpu.memref_slice %arg3[%dma_start3A_90, %dma_start3A_91] : memref<100000x64xf32, #tpu.memory_space<hbm>> -> memref<100000x64xf32, #tpu.memory_space<hbm>>
    tpu.enqueue_indirect_dma source(%dma_start3A_92 : memref<100000x64xf32, #tpu.memory_space<hbm>>) target(%arg7 : memref<128x64xf32, #tpu.memory_space<vmem>>) offsets(%dma_start3A_89 : memref<128xi32, #tpu.memory_space<vmem>>) semaphore(%arg11 : memref<!tpu.dma_semaphore, #tpu.memory_space<semaphore_mem>>)
    %dma_wait3A_93 = arith.constant 2 : i32
    %dma_wait3A_94 = arith.constant 0 : i32
    %dma_wait3A_95 = tpu.memref_slice %arg5[%dma_wait3A_93, %dma_wait3A_94] : memref<50x128xi32, #tpu.memory_space<vmem>> -> memref<1x128xi32, #tpu.memory_space<vmem>>
    %dma_wait3A_96 = tpu.memref_squeeze %dma_wait3A_95 : memref<1x128xi32, #tpu.memory_space<vmem>> -> memref<128xi32, #tpu.memory_space<vmem>>
    %dma_wait3A_97 = arith.constant 0 : i32
    %dma_wait3A_98 = arith.constant 0 : i32
    %dma_wait3A_99 = tpu.memref_slice %arg3[%dma_wait3A_97, %dma_wait3A_98] : memref<100000x64xf32, #tpu.memory_space<hbm>> -> memref<100000x64xf32, #tpu.memory_space<hbm>>
    tpu.wait_indirect_dma semaphore(%arg12 : memref<!tpu.dma_semaphore, #tpu.memory_space<semaphore_mem>>) src(%dma_wait3A_99 : memref<100000x64xf32, #tpu.memory_space<hbm>>) dst(%arg8 : memref<128x64xf32, #tpu.memory_space<vmem>>)
    %dma_start3A_100 = arith.constant 2 : i32
    %dma_start3A_101 = arith.constant 0 : i32
    %dma_start3A_102 = tpu.memref_slice %arg4[%dma_start3A_100, %mul3A_2, %dma_start3A_101] : memref<50x4096x64xf32, #tpu.memory_space<hbm>> -> memref<1x128x64xf32, #tpu.memory_space<hbm>>
    %dma_start3A_103 = tpu.memref_squeeze %dma_start3A_102 : memref<1x128x64xf32, #tpu.memory_space<hbm>> -> memref<128x64xf32, #tpu.memory_space<hbm>>
    %dma_start3A_104 = arith.constant 0 : i32
    %dma_start3A_105 = tpu.memref_slice %arg4[%dma_start3A_100, %mul3A_2, %dma_start3A_104] : memref<50x4096x64xf32, #tpu.memory_space<hbm>> -> memref<1x128x64xf32, #tpu.memory_space<hbm>>
    %dma_start3A_106 = tpu.memref_squeeze %dma_start3A_105 : memref<1x128x64xf32, #tpu.memory_space<hbm>> -> memref<128x64xf32, #tpu.memory_space<hbm>>
    tpu.enqueue_dma source(%arg8 : memref<128x64xf32, #tpu.memory_space<vmem>>) target(%dma_start3A_106 : memref<128x64xf32, #tpu.memory_space<hbm>>) target_semaphore(%arg16 : memref<!tpu.dma_semaphore, #tpu.memory_space<semaphore_mem>>)
    %dma_wait3A_107 = arith.constant 2 : i32
    %dma_wait3A_108 = arith.constant 0 : i32
    %dma_wait3A_109 = tpu.memref_slice %arg4[%dma_wait3A_107, %mul3A_2, %dma_wait3A_108] : memref<50x4096x64xf32, #tpu.memory_space<hbm>> -> memref<1x128x64xf32, #tpu.memory_space<hbm>>
    %dma_wait3A_110 = tpu.memref_squeeze %dma_wait3A_109 : memref<1x128x64xf32, #tpu.memory_space<hbm>> -> memref<128x64xf32, #tpu.memory_space<hbm>>
    %dma_wait3A_111 = arith.constant 0 : i32
    %dma_wait3A_112 = tpu.memref_slice %arg4[%dma_wait3A_107, %mul3A_2, %dma_wait3A_111] : memref<50x4096x64xf32, #tpu.memory_space<hbm>> -> memref<1x128x64xf32, #tpu.memory_space<hbm>>
    %dma_wait3A_113 = tpu.memref_squeeze %dma_wait3A_112 : memref<1x128x64xf32, #tpu.memory_space<hbm>> -> memref<128x64xf32, #tpu.memory_space<hbm>>
    tpu.wait_dma2 semaphore(%arg16 : memref<!tpu.dma_semaphore, #tpu.memory_space<semaphore_mem>>) src(%arg8 : memref<128x64xf32, #tpu.memory_space<vmem>>) dst(%dma_wait3A_113 : memref<128x64xf32, #tpu.memory_space<hbm>>)
    %dma_start3A_114 = arith.constant 6 : i32
    %dma_start3A_115 = arith.constant 0 : i32
    %dma_start3A_116 = tpu.memref_slice %arg5[%dma_start3A_114, %dma_start3A_115] : memref<50x128xi32, #tpu.memory_space<vmem>> -> memref<1x128xi32, #tpu.memory_space<vmem>>
    %dma_start3A_117 = tpu.memref_squeeze %dma_start3A_116 : memref<1x128xi32, #tpu.memory_space<vmem>> -> memref<128xi32, #tpu.memory_space<vmem>>
    %dma_start3A_118 = arith.constant 0 : i32
    %dma_start3A_119 = arith.constant 0 : i32
    %dma_start3A_120 = tpu.memref_slice %arg3[%dma_start3A_118, %dma_start3A_119] : memref<100000x64xf32, #tpu.memory_space<hbm>> -> memref<100000x64xf32, #tpu.memory_space<hbm>>
    tpu.enqueue_indirect_dma source(%dma_start3A_120 : memref<100000x64xf32, #tpu.memory_space<hbm>>) target(%arg8 : memref<128x64xf32, #tpu.memory_space<vmem>>) offsets(%dma_start3A_117 : memref<128xi32, #tpu.memory_space<vmem>>) semaphore(%arg12 : memref<!tpu.dma_semaphore, #tpu.memory_space<semaphore_mem>>)
    %dma_wait3A_121 = arith.constant 3 : i32
    %dma_wait3A_122 = arith.constant 0 : i32
    %dma_wait3A_123 = tpu.memref_slice %arg5[%dma_wait3A_121, %dma_wait3A_122] : memref<50x128xi32, #tpu.memory_space<vmem>> -> memref<1x128xi32, #tpu.memory_space<vmem>>
    %dma_wait3A_124 = tpu.memref_squeeze %dma_wait3A_123 : memref<1x128xi32, #tpu.memory_space<vmem>> -> memref<128xi32, #tpu.memory_space<vmem>>
    %dma_wait3A_125 = arith.constant 0 : i32
    %dma_wait3A_126 = arith.constant 0 : i32
    %dma_wait3A_127 = tpu.memref_slice %arg3[%dma_wait3A_125, %dma_wait3A_126] : memref<100000x64xf32, #tpu.memory_space<hbm>> -> memref<100000x64xf32, #tpu.memory_space<hbm>>
    tpu.wait_indirect_dma semaphore(%arg13 : memref<!tpu.dma_semaphore, #tpu.memory_space<semaphore_mem>>) src(%dma_wait3A_127 : memref<100000x64xf32, #tpu.memory_space<hbm>>) dst(%arg9 : memref<128x64xf32, #tpu.memory_space<vmem>>)
    %dma_start3A_128 = arith.constant 3 : i32
    %dma_start3A_129 = arith.constant 0 : i32
    %dma_start3A_130 = tpu.memref_slice %arg4[%dma_start3A_128, %mul3A_2, %dma_start3A_129] : memref<50x4096x64xf32, #tpu.memory_space<hbm>> -> memref<1x128x64xf32, #tpu.memory_space<hbm>>
    %dma_start3A_131 = tpu.memref_squeeze %dma_start3A_130 : memref<1x128x64xf32, #tpu.memory_space<hbm>> -> memref<128x64xf32, #tpu.memory_space<hbm>>
    %dma_start3A_132 = arith.constant 0 : i32
    %dma_start3A_133 = tpu.memref_slice %arg4[%dma_start3A_128, %mul3A_2, %dma_start3A_132] : memref<50x4096x64xf32, #tpu.memory_space<hbm>> -> memref<1x128x64xf32, #tpu.memory_space<hbm>>
    %dma_start3A_134 = tpu.memref_squeeze %dma_start3A_133 : memref<1x128x64xf32, #tpu.memory_space<hbm>> -> memref<128x64xf32, #tpu.memory_space<hbm>>
    tpu.enqueue_dma source(%arg9 : memref<128x64xf32, #tpu.memory_space<vmem>>) target(%dma_start3A_134 : memref<128x64xf32, #tpu.memory_space<hbm>>) target_semaphore(%arg17 : memref<!tpu.dma_semaphore, #tpu.memory_space<semaphore_mem>>)
    %dma_wait3A_135 = arith.constant 3 : i32
    %dma_wait3A_136 = arith.constant 0 : i32
    %dma_wait3A_137 = tpu.memref_slice %arg4[%dma_wait3A_135, %mul3A_2, %dma_wait3A_136] : memref<50x4096x64xf32, #tpu.memory_space<hbm>> -> memref<1x128x64xf32, #tpu.memory_space<hbm>>
    %dma_wait3A_138 = tpu.memref_squeeze %dma_wait3A_137 : memref<1x128x64xf32, #tpu.memory_space<hbm>> -> memref<128x64xf32, #tpu.memory_space<hbm>>
    %dma_wait3A_139 = arith.constant 0 : i32
    %dma_wait3A_140 = tpu.memref_slice %arg4[%dma_wait3A_135, %mul3A_2, %dma_wait3A_139] : memref<50x4096x64xf32, #tpu.memory_space<hbm>> -> memref<1x128x64xf32, #tpu.memory_space<hbm>>
    %dma_wait3A_141 = tpu.memref_squeeze %dma_wait3A_140 : memref<1x128x64xf32, #tpu.memory_space<hbm>> -> memref<128x64xf32, #tpu.memory_space<hbm>>
    tpu.wait_dma2 semaphore(%arg17 : memref<!tpu.dma_semaphore, #tpu.memory_space<semaphore_mem>>) src(%arg9 : memref<128x64xf32, #tpu.memory_space<vmem>>) dst(%dma_wait3A_141 : memref<128x64xf32, #tpu.memory_space<hbm>>)
    %dma_start3A_142 = arith.constant 7 : i32
    %dma_start3A_143 = arith.constant 0 : i32
    %dma_start3A_144 = tpu.memref_slice %arg5[%dma_start3A_142, %dma_start3A_143] : memref<50x128xi32, #tpu.memory_space<vmem>> -> memref<1x128xi32, #tpu.memory_space<vmem>>
    %dma_start3A_145 = tpu.memref_squeeze %dma_start3A_144 : memref<1x128xi32, #tpu.memory_space<vmem>> -> memref<128xi32, #tpu.memory_space<vmem>>
    %dma_start3A_146 = arith.constant 0 : i32
    %dma_start3A_147 = arith.constant 0 : i32
    %dma_start3A_148 = tpu.memref_slice %arg3[%dma_start3A_146, %dma_start3A_147] : memref<100000x64xf32, #tpu.memory_space<hbm>> -> memref<100000x64xf32, #tpu.memory_space<hbm>>
    tpu.enqueue_indirect_dma source(%dma_start3A_148 : memref<100000x64xf32, #tpu.memory_space<hbm>>) target(%arg9 : memref<128x64xf32, #tpu.memory_space<vmem>>) offsets(%dma_start3A_145 : memref<128xi32, #tpu.memory_space<vmem>>) semaphore(%arg13 : memref<!tpu.dma_semaphore, #tpu.memory_space<semaphore_mem>>)
    %dma_wait3A_149 = arith.constant 4 : i32
    %dma_wait3A_150 = arith.constant 0 : i32
    %dma_wait3A_151 = tpu.memref_slice %arg5[%dma_wait3A_149, %dma_wait3A_150] : memref<50x128xi32, #tpu.memory_space<vmem>> -> memref<1x128xi32, #tpu.memory_space<vmem>>
    %dma_wait3A_152 = tpu.memref_squeeze %dma_wait3A_151 : memref<1x128xi32, #tpu.memory_space<vmem>> -> memref<128xi32, #tpu.memory_space<vmem>>
    %dma_wait3A_153 = arith.constant 0 : i32
    %dma_wait3A_154 = arith.constant 0 : i32
    %dma_wait3A_155 = tpu.memref_slice %arg3[%dma_wait3A_153, %dma_wait3A_154] : memref<100000x64xf32, #tpu.memory_space<hbm>> -> memref<100000x64xf32, #tpu.memory_space<hbm>>
    tpu.wait_indirect_dma semaphore(%arg10 : memref<!tpu.dma_semaphore, #tpu.memory_space<semaphore_mem>>) src(%dma_wait3A_155 : memref<100000x64xf32, #tpu.memory_space<hbm>>) dst(%arg6 : memref<128x64xf32, #tpu.memory_space<vmem>>)
    %dma_start3A_156 = arith.constant 4 : i32
    %dma_start3A_157 = arith.constant 0 : i32
    %dma_start3A_158 = tpu.memref_slice %arg4[%dma_start3A_156, %mul3A_2, %dma_start3A_157] : memref<50x4096x64xf32, #tpu.memory_space<hbm>> -> memref<1x128x64xf32, #tpu.memory_space<hbm>>
    %dma_start3A_159 = tpu.memref_squeeze %dma_start3A_158 : memref<1x128x64xf32, #tpu.memory_space<hbm>> -> memref<128x64xf32, #tpu.memory_space<hbm>>
    %dma_start3A_160 = arith.constant 0 : i32
    %dma_start3A_161 = tpu.memref_slice %arg4[%dma_start3A_156, %mul3A_2, %dma_start3A_160] : memref<50x4096x64xf32, #tpu.memory_space<hbm>> -> memref<1x128x64xf32, #tpu.memory_space<hbm>>
    %dma_start3A_162 = tpu.memref_squeeze %dma_start3A_161 : memref<1x128x64xf32, #tpu.memory_space<hbm>> -> memref<128x64xf32, #tpu.memory_space<hbm>>
    tpu.enqueue_dma source(%arg6 : memref<128x64xf32, #tpu.memory_space<vmem>>) target(%dma_start3A_162 : memref<128x64xf32, #tpu.memory_space<hbm>>) target_semaphore(%arg14 : memref<!tpu.dma_semaphore, #tpu.memory_space<semaphore_mem>>)
    %dma_wait3A_163 = arith.constant 4 : i32
    %dma_wait3A_164 = arith.constant 0 : i32
    %dma_wait3A_165 = tpu.memref_slice %arg4[%dma_wait3A_163, %mul3A_2, %dma_wait3A_164] : memref<50x4096x64xf32, #tpu.memory_space<hbm>> -> memref<1x128x64xf32, #tpu.memory_space<hbm>>
    %dma_wait3A_166 = tpu.memref_squeeze %dma_wait3A_165 : memref<1x128x64xf32, #tpu.memory_space<hbm>> -> memref<128x64xf32, #tpu.memory_space<hbm>>
    %dma_wait3A_167 = arith.constant 0 : i32
    %dma_wait3A_168 = tpu.memref_slice %arg4[%dma_wait3A_163, %mul3A_2, %dma_wait3A_167] : memref<50x4096x64xf32, #tpu.memory_space<hbm>> -> memref<1x128x64xf32, #tpu.memory_space<hbm>>
    %dma_wait3A_169 = tpu.memref_squeeze %dma_wait3A_168 : memref<1x128x64xf32, #tpu.memory_space<hbm>> -> memref<128x64xf32, #tpu.memory_space<hbm>>
    tpu.wait_dma2 semaphore(%arg14 : memref<!tpu.dma_semaphore, #tpu.memory_space<semaphore_mem>>) src(%arg6 : memref<128x64xf32, #tpu.memory_space<vmem>>) dst(%dma_wait3A_169 : memref<128x64xf32, #tpu.memory_space<hbm>>)
    %dma_start3A_170 = arith.constant 8 : i32
    %dma_start3A_171 = arith.constant 0 : i32
    %dma_start3A_172 = tpu.memref_slice %arg5[%dma_start3A_170, %dma_start3A_171] : memref<50x128xi32, #tpu.memory_space<vmem>> -> memref<1x128xi32, #tpu.memory_space<vmem>>
    %dma_start3A_173 = tpu.memref_squeeze %dma_start3A_172 : memref<1x128xi32, #tpu.memory_space<vmem>> -> memref<128xi32, #tpu.memory_space<vmem>>
    %dma_start3A_174 = arith.constant 0 : i32
    %dma_start3A_175 = arith.constant 0 : i32
    %dma_start3A_176 = tpu.memref_slice %arg3[%dma_start3A_174, %dma_start3A_175] : memref<100000x64xf32, #tpu.memory_space<hbm>> -> memref<100000x64xf32, #tpu.memory_space<hbm>>
    tpu.enqueue_indirect_dma source(%dma_start3A_176 : memref<100000x64xf32, #tpu.memory_space<hbm>>) target(%arg6 : memref<128x64xf32, #tpu.memory_space<vmem>>) offsets(%dma_start3A_173 : memref<128xi32, #tpu.memory_space<vmem>>) semaphore(%arg10 : memref<!tpu.dma_semaphore, #tpu.memory_space<semaphore_mem>>)
    %dma_wait3A_177 = arith.constant 5 : i32
    %dma_wait3A_178 = arith.constant 0 : i32
    %dma_wait3A_179 = tpu.memref_slice %arg5[%dma_wait3A_177, %dma_wait3A_178] : memref<50x128xi32, #tpu.memory_space<vmem>> -> memref<1x128xi32, #tpu.memory_space<vmem>>
    %dma_wait3A_180 = tpu.memref_squeeze %dma_wait3A_179 : memref<1x128xi32, #tpu.memory_space<vmem>> -> memref<128xi32, #tpu.memory_space<vmem>>
    %dma_wait3A_181 = arith.constant 0 : i32
    %dma_wait3A_182 = arith.constant 0 : i32
    %dma_wait3A_183 = tpu.memref_slice %arg3[%dma_wait3A_181, %dma_wait3A_182] : memref<100000x64xf32, #tpu.memory_space<hbm>> -> memref<100000x64xf32, #tpu.memory_space<hbm>>
    tpu.wait_indirect_dma semaphore(%arg11 : memref<!tpu.dma_semaphore, #tpu.memory_space<semaphore_mem>>) src(%dma_wait3A_183 : memref<100000x64xf32, #tpu.memory_space<hbm>>) dst(%arg7 : memref<128x64xf32, #tpu.memory_space<vmem>>)
    %dma_start3A_184 = arith.constant 5 : i32
    %dma_start3A_185 = arith.constant 0 : i32
    %dma_start3A_186 = tpu.memref_slice %arg4[%dma_start3A_184, %mul3A_2, %dma_start3A_185] : memref<50x4096x64xf32, #tpu.memory_space<hbm>> -> memref<1x128x64xf32, #tpu.memory_space<hbm>>
    %dma_start3A_187 = tpu.memref_squeeze %dma_start3A_186 : memref<1x128x64xf32, #tpu.memory_space<hbm>> -> memref<128x64xf32, #tpu.memory_space<hbm>>
    %dma_start3A_188 = arith.constant 0 : i32
    %dma_start3A_189 = tpu.memref_slice %arg4[%dma_start3A_184, %mul3A_2, %dma_start3A_188] : memref<50x4096x64xf32, #tpu.memory_space<hbm>> -> memref<1x128x64xf32, #tpu.memory_space<hbm>>
    %dma_start3A_190 = tpu.memref_squeeze %dma_start3A_189 : memref<1x128x64xf32, #tpu.memory_space<hbm>> -> memref<128x64xf32, #tpu.memory_space<hbm>>
    tpu.enqueue_dma source(%arg7 : memref<128x64xf32, #tpu.memory_space<vmem>>) target(%dma_start3A_190 : memref<128x64xf32, #tpu.memory_space<hbm>>) target_semaphore(%arg15 : memref<!tpu.dma_semaphore, #tpu.memory_space<semaphore_mem>>)
    %dma_wait3A_191 = arith.constant 5 : i32
    %dma_wait3A_192 = arith.constant 0 : i32
    %dma_wait3A_193 = tpu.memref_slice %arg4[%dma_wait3A_191, %mul3A_2, %dma_wait3A_192] : memref<50x4096x64xf32, #tpu.memory_space<hbm>> -> memref<1x128x64xf32, #tpu.memory_space<hbm>>
    %dma_wait3A_194 = tpu.memref_squeeze %dma_wait3A_193 : memref<1x128x64xf32, #tpu.memory_space<hbm>> -> memref<128x64xf32, #tpu.memory_space<hbm>>
    %dma_wait3A_195 = arith.constant 0 : i32
    %dma_wait3A_196 = tpu.memref_slice %arg4[%dma_wait3A_191, %mul3A_2, %dma_wait3A_195] : memref<50x4096x64xf32, #tpu.memory_space<hbm>> -> memref<1x128x64xf32, #tpu.memory_space<hbm>>
    %dma_wait3A_197 = tpu.memref_squeeze %dma_wait3A_196 : memref<1x128x64xf32, #tpu.memory_space<hbm>> -> memref<128x64xf32, #tpu.memory_space<hbm>>
    tpu.wait_dma2 semaphore(%arg15 : memref<!tpu.dma_semaphore, #tpu.memory_space<semaphore_mem>>) src(%arg7 : memref<128x64xf32, #tpu.memory_space<vmem>>) dst(%dma_wait3A_197 : memref<128x64xf32, #tpu.memory_space<hbm>>)
    %dma_start3A_198 = arith.constant 9 : i32
    %dma_start3A_199 = arith.constant 0 : i32
    %dma_start3A_200 = tpu.memref_slice %arg5[%dma_start3A_198, %dma_start3A_199] : memref<50x128xi32, #tpu.memory_space<vmem>> -> memref<1x128xi32, #tpu.memory_space<vmem>>
    %dma_start3A_201 = tpu.memref_squeeze %dma_start3A_200 : memref<1x128xi32, #tpu.memory_space<vmem>> -> memref<128xi32, #tpu.memory_space<vmem>>
    %dma_start3A_202 = arith.constant 0 : i32
    %dma_start3A_203 = arith.constant 0 : i32
    %dma_start3A_204 = tpu.memref_slice %arg3[%dma_start3A_202, %dma_start3A_203] : memref<100000x64xf32, #tpu.memory_space<hbm>> -> memref<100000x64xf32, #tpu.memory_space<hbm>>
    tpu.enqueue_indirect_dma source(%dma_start3A_204 : memref<100000x64xf32, #tpu.memory_space<hbm>>) target(%arg7 : memref<128x64xf32, #tpu.memory_space<vmem>>) offsets(%dma_start3A_201 : memref<128xi32, #tpu.memory_space<vmem>>) semaphore(%arg11 : memref<!tpu.dma_semaphore, #tpu.memory_space<semaphore_mem>>)
    %dma_wait3A_205 = arith.constant 6 : i32
    %dma_wait3A_206 = arith.constant 0 : i32
    %dma_wait3A_207 = tpu.memref_slice %arg5[%dma_wait3A_205, %dma_wait3A_206] : memref<50x128xi32, #tpu.memory_space<vmem>> -> memref<1x128xi32, #tpu.memory_space<vmem>>
    %dma_wait3A_208 = tpu.memref_squeeze %dma_wait3A_207 : memref<1x128xi32, #tpu.memory_space<vmem>> -> memref<128xi32, #tpu.memory_space<vmem>>
    %dma_wait3A_209 = arith.constant 0 : i32
    %dma_wait3A_210 = arith.constant 0 : i32
    %dma_wait3A_211 = tpu.memref_slice %arg3[%dma_wait3A_209, %dma_wait3A_210] : memref<100000x64xf32, #tpu.memory_space<hbm>> -> memref<100000x64xf32, #tpu.memory_space<hbm>>
    tpu.wait_indirect_dma semaphore(%arg12 : memref<!tpu.dma_semaphore, #tpu.memory_space<semaphore_mem>>) src(%dma_wait3A_211 : memref<100000x64xf32, #tpu.memory_space<hbm>>) dst(%arg8 : memref<128x64xf32, #tpu.memory_space<vmem>>)
    %dma_start3A_212 = arith.constant 6 : i32
    %dma_start3A_213 = arith.constant 0 : i32
    %dma_start3A_214 = tpu.memref_slice %arg4[%dma_start3A_212, %mul3A_2, %dma_start3A_213] : memref<50x4096x64xf32, #tpu.memory_space<hbm>> -> memref<1x128x64xf32, #tpu.memory_space<hbm>>
    %dma_start3A_215 = tpu.memref_squeeze %dma_start3A_214 : memref<1x128x64xf32, #tpu.memory_space<hbm>> -> memref<128x64xf32, #tpu.memory_space<hbm>>
    %dma_start3A_216 = arith.constant 0 : i32
    %dma_start3A_217 = tpu.memref_slice %arg4[%dma_start3A_212, %mul3A_2, %dma_start3A_216] : memref<50x4096x64xf32, #tpu.memory_space<hbm>> -> memref<1x128x64xf32, #tpu.memory_space<hbm>>
    %dma_start3A_218 = tpu.memref_squeeze %dma_start3A_217 : memref<1x128x64xf32, #tpu.memory_space<hbm>> -> memref<128x64xf32, #tpu.memory_space<hbm>>
    tpu.enqueue_dma source(%arg8 : memref<128x64xf32, #tpu.memory_space<vmem>>) target(%dma_start3A_218 : memref<128x64xf32, #tpu.memory_space<hbm>>) target_semaphore(%arg16 : memref<!tpu.dma_semaphore, #tpu.memory_space<semaphore_mem>>)
    %dma_wait3A_219 = arith.constant 6 : i32
    %dma_wait3A_220 = arith.constant 0 : i32
    %dma_wait3A_221 = tpu.memref_slice %arg4[%dma_wait3A_219, %mul3A_2, %dma_wait3A_220] : memref<50x4096x64xf32, #tpu.memory_space<hbm>> -> memref<1x128x64xf32, #tpu.memory_space<hbm>>
    %dma_wait3A_222 = tpu.memref_squeeze %dma_wait3A_221 : memref<1x128x64xf32, #tpu.memory_space<hbm>> -> memref<128x64xf32, #tpu.memory_space<hbm>>
    %dma_wait3A_223 = arith.constant 0 : i32
    %dma_wait3A_224 = tpu.memref_slice %arg4[%dma_wait3A_219, %mul3A_2, %dma_wait3A_223] : memref<50x4096x64xf32, #tpu.memory_space<hbm>> -> memref<1x128x64xf32, #tpu.memory_space<hbm>>
    %dma_wait3A_225 = tpu.memref_squeeze %dma_wait3A_224 : memref<1x128x64xf32, #tpu.memory_space<hbm>> -> memref<128x64xf32, #tpu.memory_space<hbm>>
    tpu.wait_dma2 semaphore(%arg16 : memref<!tpu.dma_semaphore, #tpu.memory_space<semaphore_mem>>) src(%arg8 : memref<128x64xf32, #tpu.memory_space<vmem>>) dst(%dma_wait3A_225 : memref<128x64xf32, #tpu.memory_space<hbm>>)
    %dma_start3A_226 = arith.constant 10 : i32
    %dma_start3A_227 = arith.constant 0 : i32
    %dma_start3A_228 = tpu.memref_slice %arg5[%dma_start3A_226, %dma_start3A_227] : memref<50x128xi32, #tpu.memory_space<vmem>> -> memref<1x128xi32, #tpu.memory_space<vmem>>
    %dma_start3A_229 = tpu.memref_squeeze %dma_start3A_228 : memref<1x128xi32, #tpu.memory_space<vmem>> -> memref<128xi32, #tpu.memory_space<vmem>>
    %dma_start3A_230 = arith.constant 0 : i32
    %dma_start3A_231 = arith.constant 0 : i32
    %dma_start3A_232 = tpu.memref_slice %arg3[%dma_start3A_230, %dma_start3A_231] : memref<100000x64xf32, #tpu.memory_space<hbm>> -> memref<100000x64xf32, #tpu.memory_space<hbm>>
    tpu.enqueue_indirect_dma source(%dma_start3A_232 : memref<100000x64xf32, #tpu.memory_space<hbm>>) target(%arg8 : memref<128x64xf32, #tpu.memory_space<vmem>>) offsets(%dma_start3A_229 : memref<128xi32, #tpu.memory_space<vmem>>) semaphore(%arg12 : memref<!tpu.dma_semaphore, #tpu.memory_space<semaphore_mem>>)
    %dma_wait3A_233 = arith.constant 7 : i32
    %dma_wait3A_234 = arith.constant 0 : i32
    %dma_wait3A_235 = tpu.memref_slice %arg5[%dma_wait3A_233, %dma_wait3A_234] : memref<50x128xi32, #tpu.memory_space<vmem>> -> memref<1x128xi32, #tpu.memory_space<vmem>>
    %dma_wait3A_236 = tpu.memref_squeeze %dma_wait3A_235 : memref<1x128xi32, #tpu.memory_space<vmem>> -> memref<128xi32, #tpu.memory_space<vmem>>
    %dma_wait3A_237 = arith.constant 0 : i32
    %dma_wait3A_238 = arith.constant 0 : i32
    %dma_wait3A_239 = tpu.memref_slice %arg3[%dma_wait3A_237, %dma_wait3A_238] : memref<100000x64xf32, #tpu.memory_space<hbm>> -> memref<100000x64xf32, #tpu.memory_space<hbm>>
    tpu.wait_indirect_dma semaphore(%arg13 : memref<!tpu.dma_semaphore, #tpu.memory_space<semaphore_mem>>) src(%dma_wait3A_239 : memref<100000x64xf32, #tpu.memory_space<hbm>>) dst(%arg9 : memref<128x64xf32, #tpu.memory_space<vmem>>)
    %dma_start3A_240 = arith.constant 7 : i32
    %dma_start3A_241 = arith.constant 0 : i32
    %dma_start3A_242 = tpu.memref_slice %arg4[%dma_start3A_240, %mul3A_2, %dma_start3A_241] : memref<50x4096x64xf32, #tpu.memory_space<hbm>> -> memref<1x128x64xf32, #tpu.memory_space<hbm>>
    %dma_start3A_243 = tpu.memref_squeeze %dma_start3A_242 : memref<1x128x64xf32, #tpu.memory_space<hbm>> -> memref<128x64xf32, #tpu.memory_space<hbm>>
    %dma_start3A_244 = arith.constant 0 : i32
    %dma_start3A_245 = tpu.memref_slice %arg4[%dma_start3A_240, %mul3A_2, %dma_start3A_244] : memref<50x4096x64xf32, #tpu.memory_space<hbm>> -> memref<1x128x64xf32, #tpu.memory_space<hbm>>
    %dma_start3A_246 = tpu.memref_squeeze %dma_start3A_245 : memref<1x128x64xf32, #tpu.memory_space<hbm>> -> memref<128x64xf32, #tpu.memory_space<hbm>>
    tpu.enqueue_dma source(%arg9 : memref<128x64xf32, #tpu.memory_space<vmem>>) target(%dma_start3A_246 : memref<128x64xf32, #tpu.memory_space<hbm>>) target_semaphore(%arg17 : memref<!tpu.dma_semaphore, #tpu.memory_space<semaphore_mem>>)
    %dma_wait3A_247 = arith.constant 7 : i32
    %dma_wait3A_248 = arith.constant 0 : i32
    %dma_wait3A_249 = tpu.memref_slice %arg4[%dma_wait3A_247, %mul3A_2, %dma_wait3A_248] : memref<50x4096x64xf32, #tpu.memory_space<hbm>> -> memref<1x128x64xf32, #tpu.memory_space<hbm>>
    %dma_wait3A_250 = tpu.memref_squeeze %dma_wait3A_249 : memref<1x128x64xf32, #tpu.memory_space<hbm>> -> memref<128x64xf32, #tpu.memory_space<hbm>>
    %dma_wait3A_251 = arith.constant 0 : i32
    %dma_wait3A_252 = tpu.memref_slice %arg4[%dma_wait3A_247, %mul3A_2, %dma_wait3A_251] : memref<50x4096x64xf32, #tpu.memory_space<hbm>> -> memref<1x128x64xf32, #tpu.memory_space<hbm>>
    %dma_wait3A_253 = tpu.memref_squeeze %dma_wait3A_252 : memref<1x128x64xf32, #tpu.memory_space<hbm>> -> memref<128x64xf32, #tpu.memory_space<hbm>>
    tpu.wait_dma2 semaphore(%arg17 : memref<!tpu.dma_semaphore, #tpu.memory_space<semaphore_mem>>) src(%arg9 : memref<128x64xf32, #tpu.memory_space<vmem>>) dst(%dma_wait3A_253 : memref<128x64xf32, #tpu.memory_space<hbm>>)
    %dma_start3A_254 = arith.constant 11 : i32
    %dma_start3A_255 = arith.constant 0 : i32
    %dma_start3A_256 = tpu.memref_slice %arg5[%dma_start3A_254, %dma_start3A_255] : memref<50x128xi32, #tpu.memory_space<vmem>> -> memref<1x128xi32, #tpu.memory_space<vmem>>
    %dma_start3A_257 = tpu.memref_squeeze %dma_start3A_256 : memref<1x128xi32, #tpu.memory_space<vmem>> -> memref<128xi32, #tpu.memory_space<vmem>>
    %dma_start3A_258 = arith.constant 0 : i32
    %dma_start3A_259 = arith.constant 0 : i32
    %dma_start3A_260 = tpu.memref_slice %arg3[%dma_start3A_258, %dma_start3A_259] : memref<100000x64xf32, #tpu.memory_space<hbm>> -> memref<100000x64xf32, #tpu.memory_space<hbm>>
    tpu.enqueue_indirect_dma source(%dma_start3A_260 : memref<100000x64xf32, #tpu.memory_space<hbm>>) target(%arg9 : memref<128x64xf32, #tpu.memory_space<vmem>>) offsets(%dma_start3A_257 : memref<128xi32, #tpu.memory_space<vmem>>) semaphore(%arg13 : memref<!tpu.dma_semaphore, #tpu.memory_space<semaphore_mem>>)
    %dma_wait3A_261 = arith.constant 8 : i32
    %dma_wait3A_262 = arith.constant 0 : i32
    %dma_wait3A_263 = tpu.memref_slice %arg5[%dma_wait3A_261, %dma_wait3A_262] : memref<50x128xi32, #tpu.memory_space<vmem>> -> memref<1x128xi32, #tpu.memory_space<vmem>>
    %dma_wait3A_264 = tpu.memref_squeeze %dma_wait3A_263 : memref<1x128xi32, #tpu.memory_space<vmem>> -> memref<128xi32, #tpu.memory_space<vmem>>
    %dma_wait3A_265 = arith.constant 0 : i32
    %dma_wait3A_266 = arith.constant 0 : i32
    %dma_wait3A_267 = tpu.memref_slice %arg3[%dma_wait3A_265, %dma_wait3A_266] : memref<100000x64xf32, #tpu.memory_space<hbm>> -> memref<100000x64xf32, #tpu.memory_space<hbm>>
    tpu.wait_indirect_dma semaphore(%arg10 : memref<!tpu.dma_semaphore, #tpu.memory_space<semaphore_mem>>) src(%dma_wait3A_267 : memref<100000x64xf32, #tpu.memory_space<hbm>>) dst(%arg6 : memref<128x64xf32, #tpu.memory_space<vmem>>)
    %dma_start3A_268 = arith.constant 8 : i32
    %dma_start3A_269 = arith.constant 0 : i32
    %dma_start3A_270 = tpu.memref_slice %arg4[%dma_start3A_268, %mul3A_2, %dma_start3A_269] : memref<50x4096x64xf32, #tpu.memory_space<hbm>> -> memref<1x128x64xf32, #tpu.memory_space<hbm>>
    %dma_start3A_271 = tpu.memref_squeeze %dma_start3A_270 : memref<1x128x64xf32, #tpu.memory_space<hbm>> -> memref<128x64xf32, #tpu.memory_space<hbm>>
    %dma_start3A_272 = arith.constant 0 : i32
    %dma_start3A_273 = tpu.memref_slice %arg4[%dma_start3A_268, %mul3A_2, %dma_start3A_272] : memref<50x4096x64xf32, #tpu.memory_space<hbm>> -> memref<1x128x64xf32, #tpu.memory_space<hbm>>
    %dma_start3A_274 = tpu.memref_squeeze %dma_start3A_273 : memref<1x128x64xf32, #tpu.memory_space<hbm>> -> memref<128x64xf32, #tpu.memory_space<hbm>>
    tpu.enqueue_dma source(%arg6 : memref<128x64xf32, #tpu.memory_space<vmem>>) target(%dma_start3A_274 : memref<128x64xf32, #tpu.memory_space<hbm>>) target_semaphore(%arg14 : memref<!tpu.dma_semaphore, #tpu.memory_space<semaphore_mem>>)
    %dma_wait3A_275 = arith.constant 8 : i32
    %dma_wait3A_276 = arith.constant 0 : i32
    %dma_wait3A_277 = tpu.memref_slice %arg4[%dma_wait3A_275, %mul3A_2, %dma_wait3A_276] : memref<50x4096x64xf32, #tpu.memory_space<hbm>> -> memref<1x128x64xf32, #tpu.memory_space<hbm>>
    %dma_wait3A_278 = tpu.memref_squeeze %dma_wait3A_277 : memref<1x128x64xf32, #tpu.memory_space<hbm>> -> memref<128x64xf32, #tpu.memory_space<hbm>>
    %dma_wait3A_279 = arith.constant 0 : i32
    %dma_wait3A_280 = tpu.memref_slice %arg4[%dma_wait3A_275, %mul3A_2, %dma_wait3A_279] : memref<50x4096x64xf32, #tpu.memory_space<hbm>> -> memref<1x128x64xf32, #tpu.memory_space<hbm>>
    %dma_wait3A_281 = tpu.memref_squeeze %dma_wait3A_280 : memref<1x128x64xf32, #tpu.memory_space<hbm>> -> memref<128x64xf32, #tpu.memory_space<hbm>>
    tpu.wait_dma2 semaphore(%arg14 : memref<!tpu.dma_semaphore, #tpu.memory_space<semaphore_mem>>) src(%arg6 : memref<128x64xf32, #tpu.memory_space<vmem>>) dst(%dma_wait3A_281 : memref<128x64xf32, #tpu.memory_space<hbm>>)
    %dma_start3A_282 = arith.constant 12 : i32
    %dma_start3A_283 = arith.constant 0 : i32
    %dma_start3A_284 = tpu.memref_slice %arg5[%dma_start3A_282, %dma_start3A_283] : memref<50x128xi32, #tpu.memory_space<vmem>> -> memref<1x128xi32, #tpu.memory_space<vmem>>
    %dma_start3A_285 = tpu.memref_squeeze %dma_start3A_284 : memref<1x128xi32, #tpu.memory_space<vmem>> -> memref<128xi32, #tpu.memory_space<vmem>>
    %dma_start3A_286 = arith.constant 0 : i32
    %dma_start3A_287 = arith.constant 0 : i32
    %dma_start3A_288 = tpu.memref_slice %arg3[%dma_start3A_286, %dma_start3A_287] : memref<100000x64xf32, #tpu.memory_space<hbm>> -> memref<100000x64xf32, #tpu.memory_space<hbm>>
    tpu.enqueue_indirect_dma source(%dma_start3A_288 : memref<100000x64xf32, #tpu.memory_space<hbm>>) target(%arg6 : memref<128x64xf32, #tpu.memory_space<vmem>>) offsets(%dma_start3A_285 : memref<128xi32, #tpu.memory_space<vmem>>) semaphore(%arg10 : memref<!tpu.dma_semaphore, #tpu.memory_space<semaphore_mem>>)
    %dma_wait3A_289 = arith.constant 9 : i32
    %dma_wait3A_290 = arith.constant 0 : i32
    %dma_wait3A_291 = tpu.memref_slice %arg5[%dma_wait3A_289, %dma_wait3A_290] : memref<50x128xi32, #tpu.memory_space<vmem>> -> memref<1x128xi32, #tpu.memory_space<vmem>>
    %dma_wait3A_292 = tpu.memref_squeeze %dma_wait3A_291 : memref<1x128xi32, #tpu.memory_space<vmem>> -> memref<128xi32, #tpu.memory_space<vmem>>
    %dma_wait3A_293 = arith.constant 0 : i32
    %dma_wait3A_294 = arith.constant 0 : i32
    %dma_wait3A_295 = tpu.memref_slice %arg3[%dma_wait3A_293, %dma_wait3A_294] : memref<100000x64xf32, #tpu.memory_space<hbm>> -> memref<100000x64xf32, #tpu.memory_space<hbm>>
    tpu.wait_indirect_dma semaphore(%arg11 : memref<!tpu.dma_semaphore, #tpu.memory_space<semaphore_mem>>) src(%dma_wait3A_295 : memref<100000x64xf32, #tpu.memory_space<hbm>>) dst(%arg7 : memref<128x64xf32, #tpu.memory_space<vmem>>)
    %dma_start3A_296 = arith.constant 9 : i32
    %dma_start3A_297 = arith.constant 0 : i32
    %dma_start3A_298 = tpu.memref_slice %arg4[%dma_start3A_296, %mul3A_2, %dma_start3A_297] : memref<50x4096x64xf32, #tpu.memory_space<hbm>> -> memref<1x128x64xf32, #tpu.memory_space<hbm>>
    %dma_start3A_299 = tpu.memref_squeeze %dma_start3A_298 : memref<1x128x64xf32, #tpu.memory_space<hbm>> -> memref<128x64xf32, #tpu.memory_space<hbm>>
    %dma_start3A_300 = arith.constant 0 : i32
    %dma_start3A_301 = tpu.memref_slice %arg4[%dma_start3A_296, %mul3A_2, %dma_start3A_300] : memref<50x4096x64xf32, #tpu.memory_space<hbm>> -> memref<1x128x64xf32, #tpu.memory_space<hbm>>
    %dma_start3A_302 = tpu.memref_squeeze %dma_start3A_301 : memref<1x128x64xf32, #tpu.memory_space<hbm>> -> memref<128x64xf32, #tpu.memory_space<hbm>>
    tpu.enqueue_dma source(%arg7 : memref<128x64xf32, #tpu.memory_space<vmem>>) target(%dma_start3A_302 : memref<128x64xf32, #tpu.memory_space<hbm>>) target_semaphore(%arg15 : memref<!tpu.dma_semaphore, #tpu.memory_space<semaphore_mem>>)
    %dma_wait3A_303 = arith.constant 9 : i32
    %dma_wait3A_304 = arith.constant 0 : i32
    %dma_wait3A_305 = tpu.memref_slice %arg4[%dma_wait3A_303, %mul3A_2, %dma_wait3A_304] : memref<50x4096x64xf32, #tpu.memory_space<hbm>> -> memref<1x128x64xf32, #tpu.memory_space<hbm>>
    %dma_wait3A_306 = tpu.memref_squeeze %dma_wait3A_305 : memref<1x128x64xf32, #tpu.memory_space<hbm>> -> memref<128x64xf32, #tpu.memory_space<hbm>>
    %dma_wait3A_307 = arith.constant 0 : i32
    %dma_wait3A_308 = tpu.memref_slice %arg4[%dma_wait3A_303, %mul3A_2, %dma_wait3A_307] : memref<50x4096x64xf32, #tpu.memory_space<hbm>> -> memref<1x128x64xf32, #tpu.memory_space<hbm>>
    %dma_wait3A_309 = tpu.memref_squeeze %dma_wait3A_308 : memref<1x128x64xf32, #tpu.memory_space<hbm>> -> memref<128x64xf32, #tpu.memory_space<hbm>>
    tpu.wait_dma2 semaphore(%arg15 : memref<!tpu.dma_semaphore, #tpu.memory_space<semaphore_mem>>) src(%arg7 : memref<128x64xf32, #tpu.memory_space<vmem>>) dst(%dma_wait3A_309 : memref<128x64xf32, #tpu.memory_space<hbm>>)
    %dma_start3A_310 = arith.constant 13 : i32
    %dma_start3A_311 = arith.constant 0 : i32
    %dma_start3A_312 = tpu.memref_slice %arg5[%dma_start3A_310, %dma_start3A_311] : memref<50x128xi32, #tpu.memory_space<vmem>> -> memref<1x128xi32, #tpu.memory_space<vmem>>
    %dma_start3A_313 = tpu.memref_squeeze %dma_start3A_312 : memref<1x128xi32, #tpu.memory_space<vmem>> -> memref<128xi32, #tpu.memory_space<vmem>>
    %dma_start3A_314 = arith.constant 0 : i32
    %dma_start3A_315 = arith.constant 0 : i32
    %dma_start3A_316 = tpu.memref_slice %arg3[%dma_start3A_314, %dma_start3A_315] : memref<100000x64xf32, #tpu.memory_space<hbm>> -> memref<100000x64xf32, #tpu.memory_space<hbm>>
    tpu.enqueue_indirect_dma source(%dma_start3A_316 : memref<100000x64xf32, #tpu.memory_space<hbm>>) target(%arg7 : memref<128x64xf32, #tpu.memory_space<vmem>>) offsets(%dma_start3A_313 : memref<128xi32, #tpu.memory_space<vmem>>) semaphore(%arg11 : memref<!tpu.dma_semaphore, #tpu.memory_space<semaphore_mem>>)
    %dma_wait3A_317 = arith.constant 10 : i32
    %dma_wait3A_318 = arith.constant 0 : i32
    %dma_wait3A_319 = tpu.memref_slice %arg5[%dma_wait3A_317, %dma_wait3A_318] : memref<50x128xi32, #tpu.memory_space<vmem>> -> memref<1x128xi32, #tpu.memory_space<vmem>>
    %dma_wait3A_320 = tpu.memref_squeeze %dma_wait3A_319 : memref<1x128xi32, #tpu.memory_space<vmem>> -> memref<128xi32, #tpu.memory_space<vmem>>
    %dma_wait3A_321 = arith.constant 0 : i32
    %dma_wait3A_322 = arith.constant 0 : i32
    %dma_wait3A_323 = tpu.memref_slice %arg3[%dma_wait3A_321, %dma_wait3A_322] : memref<100000x64xf32, #tpu.memory_space<hbm>> -> memref<100000x64xf32, #tpu.memory_space<hbm>>
    tpu.wait_indirect_dma semaphore(%arg12 : memref<!tpu.dma_semaphore, #tpu.memory_space<semaphore_mem>>) src(%dma_wait3A_323 : memref<100000x64xf32, #tpu.memory_space<hbm>>) dst(%arg8 : memref<128x64xf32, #tpu.memory_space<vmem>>)
    %dma_start3A_324 = arith.constant 10 : i32
    %dma_start3A_325 = arith.constant 0 : i32
    %dma_start3A_326 = tpu.memref_slice %arg4[%dma_start3A_324, %mul3A_2, %dma_start3A_325] : memref<50x4096x64xf32, #tpu.memory_space<hbm>> -> memref<1x128x64xf32, #tpu.memory_space<hbm>>
    %dma_start3A_327 = tpu.memref_squeeze %dma_start3A_326 : memref<1x128x64xf32, #tpu.memory_space<hbm>> -> memref<128x64xf32, #tpu.memory_space<hbm>>
    %dma_start3A_328 = arith.constant 0 : i32
    %dma_start3A_329 = tpu.memref_slice %arg4[%dma_start3A_324, %mul3A_2, %dma_start3A_328] : memref<50x4096x64xf32, #tpu.memory_space<hbm>> -> memref<1x128x64xf32, #tpu.memory_space<hbm>>
    %dma_start3A_330 = tpu.memref_squeeze %dma_start3A_329 : memref<1x128x64xf32, #tpu.memory_space<hbm>> -> memref<128x64xf32, #tpu.memory_space<hbm>>
    tpu.enqueue_dma source(%arg8 : memref<128x64xf32, #tpu.memory_space<vmem>>) target(%dma_start3A_330 : memref<128x64xf32, #tpu.memory_space<hbm>>) target_semaphore(%arg16 : memref<!tpu.dma_semaphore, #tpu.memory_space<semaphore_mem>>)
    %dma_wait3A_331 = arith.constant 10 : i32
    %dma_wait3A_332 = arith.constant 0 : i32
    %dma_wait3A_333 = tpu.memref_slice %arg4[%dma_wait3A_331, %mul3A_2, %dma_wait3A_332] : memref<50x4096x64xf32, #tpu.memory_space<hbm>> -> memref<1x128x64xf32, #tpu.memory_space<hbm>>
    %dma_wait3A_334 = tpu.memref_squeeze %dma_wait3A_333 : memref<1x128x64xf32, #tpu.memory_space<hbm>> -> memref<128x64xf32, #tpu.memory_space<hbm>>
    %dma_wait3A_335 = arith.constant 0 : i32
    %dma_wait3A_336 = tpu.memref_slice %arg4[%dma_wait3A_331, %mul3A_2, %dma_wait3A_335] : memref<50x4096x64xf32, #tpu.memory_space<hbm>> -> memref<1x128x64xf32, #tpu.memory_space<hbm>>
    %dma_wait3A_337 = tpu.memref_squeeze %dma_wait3A_336 : memref<1x128x64xf32, #tpu.memory_space<hbm>> -> memref<128x64xf32, #tpu.memory_space<hbm>>
    tpu.wait_dma2 semaphore(%arg16 : memref<!tpu.dma_semaphore, #tpu.memory_space<semaphore_mem>>) src(%arg8 : memref<128x64xf32, #tpu.memory_space<vmem>>) dst(%dma_wait3A_337 : memref<128x64xf32, #tpu.memory_space<hbm>>)
    %dma_start3A_338 = arith.constant 14 : i32
    %dma_start3A_339 = arith.constant 0 : i32
    %dma_start3A_340 = tpu.memref_slice %arg5[%dma_start3A_338, %dma_start3A_339] : memref<50x128xi32, #tpu.memory_space<vmem>> -> memref<1x128xi32, #tpu.memory_space<vmem>>
    %dma_start3A_341 = tpu.memref_squeeze %dma_start3A_340 : memref<1x128xi32, #tpu.memory_space<vmem>> -> memref<128xi32, #tpu.memory_space<vmem>>
    %dma_start3A_342 = arith.constant 0 : i32
    %dma_start3A_343 = arith.constant 0 : i32
    %dma_start3A_344 = tpu.memref_slice %arg3[%dma_start3A_342, %dma_start3A_343] : memref<100000x64xf32, #tpu.memory_space<hbm>> -> memref<100000x64xf32, #tpu.memory_space<hbm>>
    tpu.enqueue_indirect_dma source(%dma_start3A_344 : memref<100000x64xf32, #tpu.memory_space<hbm>>) target(%arg8 : memref<128x64xf32, #tpu.memory_space<vmem>>) offsets(%dma_start3A_341 : memref<128xi32, #tpu.memory_space<vmem>>) semaphore(%arg12 : memref<!tpu.dma_semaphore, #tpu.memory_space<semaphore_mem>>)
    %dma_wait3A_345 = arith.constant 11 : i32
    %dma_wait3A_346 = arith.constant 0 : i32
    %dma_wait3A_347 = tpu.memref_slice %arg5[%dma_wait3A_345, %dma_wait3A_346] : memref<50x128xi32, #tpu.memory_space<vmem>> -> memref<1x128xi32, #tpu.memory_space<vmem>>
    %dma_wait3A_348 = tpu.memref_squeeze %dma_wait3A_347 : memref<1x128xi32, #tpu.memory_space<vmem>> -> memref<128xi32, #tpu.memory_space<vmem>>
    %dma_wait3A_349 = arith.constant 0 : i32
    %dma_wait3A_350 = arith.constant 0 : i32
    %dma_wait3A_351 = tpu.memref_slice %arg3[%dma_wait3A_349, %dma_wait3A_350] : memref<100000x64xf32, #tpu.memory_space<hbm>> -> memref<100000x64xf32, #tpu.memory_space<hbm>>
    tpu.wait_indirect_dma semaphore(%arg13 : memref<!tpu.dma_semaphore, #tpu.memory_space<semaphore_mem>>) src(%dma_wait3A_351 : memref<100000x64xf32, #tpu.memory_space<hbm>>) dst(%arg9 : memref<128x64xf32, #tpu.memory_space<vmem>>)
    %dma_start3A_352 = arith.constant 11 : i32
    %dma_start3A_353 = arith.constant 0 : i32
    %dma_start3A_354 = tpu.memref_slice %arg4[%dma_start3A_352, %mul3A_2, %dma_start3A_353] : memref<50x4096x64xf32, #tpu.memory_space<hbm>> -> memref<1x128x64xf32, #tpu.memory_space<hbm>>
    %dma_start3A_355 = tpu.memref_squeeze %dma_start3A_354 : memref<1x128x64xf32, #tpu.memory_space<hbm>> -> memref<128x64xf32, #tpu.memory_space<hbm>>
    %dma_start3A_356 = arith.constant 0 : i32
    %dma_start3A_357 = tpu.memref_slice %arg4[%dma_start3A_352, %mul3A_2, %dma_start3A_356] : memref<50x4096x64xf32, #tpu.memory_space<hbm>> -> memref<1x128x64xf32, #tpu.memory_space<hbm>>
    %dma_start3A_358 = tpu.memref_squeeze %dma_start3A_357 : memref<1x128x64xf32, #tpu.memory_space<hbm>> -> memref<128x64xf32, #tpu.memory_space<hbm>>
    tpu.enqueue_dma source(%arg9 : memref<128x64xf32, #tpu.memory_space<vmem>>) target(%dma_start3A_358 : memref<128x64xf32, #tpu.memory_space<hbm>>) target_semaphore(%arg17 : memref<!tpu.dma_semaphore, #tpu.memory_space<semaphore_mem>>)
    %dma_wait3A_359 = arith.constant 11 : i32
    %dma_wait3A_360 = arith.constant 0 : i32
    %dma_wait3A_361 = tpu.memref_slice %arg4[%dma_wait3A_359, %mul3A_2, %dma_wait3A_360] : memref<50x4096x64xf32, #tpu.memory_space<hbm>> -> memref<1x128x64xf32, #tpu.memory_space<hbm>>
    %dma_wait3A_362 = tpu.memref_squeeze %dma_wait3A_361 : memref<1x128x64xf32, #tpu.memory_space<hbm>> -> memref<128x64xf32, #tpu.memory_space<hbm>>
    %dma_wait3A_363 = arith.constant 0 : i32
    %dma_wait3A_364 = tpu.memref_slice %arg4[%dma_wait3A_359, %mul3A_2, %dma_wait3A_363] : memref<50x4096x64xf32, #tpu.memory_space<hbm>> -> memref<1x128x64xf32, #tpu.memory_space<hbm>>
    %dma_wait3A_365 = tpu.memref_squeeze %dma_wait3A_364 : memref<1x128x64xf32, #tpu.memory_space<hbm>> -> memref<128x64xf32, #tpu.memory_space<hbm>>
    tpu.wait_dma2 semaphore(%arg17 : memref<!tpu.dma_semaphore, #tpu.memory_space<semaphore_mem>>) src(%arg9 : memref<128x64xf32, #tpu.memory_space<vmem>>) dst(%dma_wait3A_365 : memref<128x64xf32, #tpu.memory_space<hbm>>)
    %dma_start3A_366 = arith.constant 15 : i32
    %dma_start3A_367 = arith.constant 0 : i32
    %dma_start3A_368 = tpu.memref_slice %arg5[%dma_start3A_366, %dma_start3A_367] : memref<50x128xi32, #tpu.memory_space<vmem>> -> memref<1x128xi32, #tpu.memory_space<vmem>>
    %dma_start3A_369 = tpu.memref_squeeze %dma_start3A_368 : memref<1x128xi32, #tpu.memory_space<vmem>> -> memref<128xi32, #tpu.memory_space<vmem>>
    %dma_start3A_370 = arith.constant 0 : i32
    %dma_start3A_371 = arith.constant 0 : i32
    %dma_start3A_372 = tpu.memref_slice %arg3[%dma_start3A_370, %dma_start3A_371] : memref<100000x64xf32, #tpu.memory_space<hbm>> -> memref<100000x64xf32, #tpu.memory_space<hbm>>
    tpu.enqueue_indirect_dma source(%dma_start3A_372 : memref<100000x64xf32, #tpu.memory_space<hbm>>) target(%arg9 : memref<128x64xf32, #tpu.memory_space<vmem>>) offsets(%dma_start3A_369 : memref<128xi32, #tpu.memory_space<vmem>>) semaphore(%arg13 : memref<!tpu.dma_semaphore, #tpu.memory_space<semaphore_mem>>)
    %dma_wait3A_373 = arith.constant 12 : i32
    %dma_wait3A_374 = arith.constant 0 : i32
    %dma_wait3A_375 = tpu.memref_slice %arg5[%dma_wait3A_373, %dma_wait3A_374] : memref<50x128xi32, #tpu.memory_space<vmem>> -> memref<1x128xi32, #tpu.memory_space<vmem>>
    %dma_wait3A_376 = tpu.memref_squeeze %dma_wait3A_375 : memref<1x128xi32, #tpu.memory_space<vmem>> -> memref<128xi32, #tpu.memory_space<vmem>>
    %dma_wait3A_377 = arith.constant 0 : i32
    %dma_wait3A_378 = arith.constant 0 : i32
    %dma_wait3A_379 = tpu.memref_slice %arg3[%dma_wait3A_377, %dma_wait3A_378] : memref<100000x64xf32, #tpu.memory_space<hbm>> -> memref<100000x64xf32, #tpu.memory_space<hbm>>
    tpu.wait_indirect_dma semaphore(%arg10 : memref<!tpu.dma_semaphore, #tpu.memory_space<semaphore_mem>>) src(%dma_wait3A_379 : memref<100000x64xf32, #tpu.memory_space<hbm>>) dst(%arg6 : memref<128x64xf32, #tpu.memory_space<vmem>>)
    %dma_start3A_380 = arith.constant 12 : i32
    %dma_start3A_381 = arith.constant 0 : i32
    %dma_start3A_382 = tpu.memref_slice %arg4[%dma_start3A_380, %mul3A_2, %dma_start3A_381] : memref<50x4096x64xf32, #tpu.memory_space<hbm>> -> memref<1x128x64xf32, #tpu.memory_space<hbm>>
    %dma_start3A_383 = tpu.memref_squeeze %dma_start3A_382 : memref<1x128x64xf32, #tpu.memory_space<hbm>> -> memref<128x64xf32, #tpu.memory_space<hbm>>
    %dma_start3A_384 = arith.constant 0 : i32
    %dma_start3A_385 = tpu.memref_slice %arg4[%dma_start3A_380, %mul3A_2, %dma_start3A_384] : memref<50x4096x64xf32, #tpu.memory_space<hbm>> -> memref<1x128x64xf32, #tpu.memory_space<hbm>>
    %dma_start3A_386 = tpu.memref_squeeze %dma_start3A_385 : memref<1x128x64xf32, #tpu.memory_space<hbm>> -> memref<128x64xf32, #tpu.memory_space<hbm>>
    tpu.enqueue_dma source(%arg6 : memref<128x64xf32, #tpu.memory_space<vmem>>) target(%dma_start3A_386 : memref<128x64xf32, #tpu.memory_space<hbm>>) target_semaphore(%arg14 : memref<!tpu.dma_semaphore, #tpu.memory_space<semaphore_mem>>)
    %dma_wait3A_387 = arith.constant 12 : i32
    %dma_wait3A_388 = arith.constant 0 : i32
    %dma_wait3A_389 = tpu.memref_slice %arg4[%dma_wait3A_387, %mul3A_2, %dma_wait3A_388] : memref<50x4096x64xf32, #tpu.memory_space<hbm>> -> memref<1x128x64xf32, #tpu.memory_space<hbm>>
    %dma_wait3A_390 = tpu.memref_squeeze %dma_wait3A_389 : memref<1x128x64xf32, #tpu.memory_space<hbm>> -> memref<128x64xf32, #tpu.memory_space<hbm>>
    %dma_wait3A_391 = arith.constant 0 : i32
    %dma_wait3A_392 = tpu.memref_slice %arg4[%dma_wait3A_387, %mul3A_2, %dma_wait3A_391] : memref<50x4096x64xf32, #tpu.memory_space<hbm>> -> memref<1x128x64xf32, #tpu.memory_space<hbm>>
    %dma_wait3A_393 = tpu.memref_squeeze %dma_wait3A_392 : memref<1x128x64xf32, #tpu.memory_space<hbm>> -> memref<128x64xf32, #tpu.memory_space<hbm>>
    tpu.wait_dma2 semaphore(%arg14 : memref<!tpu.dma_semaphore, #tpu.memory_space<semaphore_mem>>) src(%arg6 : memref<128x64xf32, #tpu.memory_space<vmem>>) dst(%dma_wait3A_393 : memref<128x64xf32, #tpu.memory_space<hbm>>)
    %dma_start3A_394 = arith.constant 16 : i32
    %dma_start3A_395 = arith.constant 0 : i32
    %dma_start3A_396 = tpu.memref_slice %arg5[%dma_start3A_394, %dma_start3A_395] : memref<50x128xi32, #tpu.memory_space<vmem>> -> memref<1x128xi32, #tpu.memory_space<vmem>>
    %dma_start3A_397 = tpu.memref_squeeze %dma_start3A_396 : memref<1x128xi32, #tpu.memory_space<vmem>> -> memref<128xi32, #tpu.memory_space<vmem>>
    %dma_start3A_398 = arith.constant 0 : i32
    %dma_start3A_399 = arith.constant 0 : i32
    %dma_start3A_400 = tpu.memref_slice %arg3[%dma_start3A_398, %dma_start3A_399] : memref<100000x64xf32, #tpu.memory_space<hbm>> -> memref<100000x64xf32, #tpu.memory_space<hbm>>
    tpu.enqueue_indirect_dma source(%dma_start3A_400 : memref<100000x64xf32, #tpu.memory_space<hbm>>) target(%arg6 : memref<128x64xf32, #tpu.memory_space<vmem>>) offsets(%dma_start3A_397 : memref<128xi32, #tpu.memory_space<vmem>>) semaphore(%arg10 : memref<!tpu.dma_semaphore, #tpu.memory_space<semaphore_mem>>)
    %dma_wait3A_401 = arith.constant 13 : i32
    %dma_wait3A_402 = arith.constant 0 : i32
    %dma_wait3A_403 = tpu.memref_slice %arg5[%dma_wait3A_401, %dma_wait3A_402] : memref<50x128xi32, #tpu.memory_space<vmem>> -> memref<1x128xi32, #tpu.memory_space<vmem>>
    %dma_wait3A_404 = tpu.memref_squeeze %dma_wait3A_403 : memref<1x128xi32, #tpu.memory_space<vmem>> -> memref<128xi32, #tpu.memory_space<vmem>>
    %dma_wait3A_405 = arith.constant 0 : i32
    %dma_wait3A_406 = arith.constant 0 : i32
    %dma_wait3A_407 = tpu.memref_slice %arg3[%dma_wait3A_405, %dma_wait3A_406] : memref<100000x64xf32, #tpu.memory_space<hbm>> -> memref<100000x64xf32, #tpu.memory_space<hbm>>
    tpu.wait_indirect_dma semaphore(%arg11 : memref<!tpu.dma_semaphore, #tpu.memory_space<semaphore_mem>>) src(%dma_wait3A_407 : memref<100000x64xf32, #tpu.memory_space<hbm>>) dst(%arg7 : memref<128x64xf32, #tpu.memory_space<vmem>>)
    %dma_start3A_408 = arith.constant 13 : i32
    %dma_start3A_409 = arith.constant 0 : i32
    %dma_start3A_410 = tpu.memref_slice %arg4[%dma_start3A_408, %mul3A_2, %dma_start3A_409] : memref<50x4096x64xf32, #tpu.memory_space<hbm>> -> memref<1x128x64xf32, #tpu.memory_space<hbm>>
    %dma_start3A_411 = tpu.memref_squeeze %dma_start3A_410 : memref<1x128x64xf32, #tpu.memory_space<hbm>> -> memref<128x64xf32, #tpu.memory_space<hbm>>
    %dma_start3A_412 = arith.constant 0 : i32
    %dma_start3A_413 = tpu.memref_slice %arg4[%dma_start3A_408, %mul3A_2, %dma_start3A_412] : memref<50x4096x64xf32, #tpu.memory_space<hbm>> -> memref<1x128x64xf32, #tpu.memory_space<hbm>>
    %dma_start3A_414 = tpu.memref_squeeze %dma_start3A_413 : memref<1x128x64xf32, #tpu.memory_space<hbm>> -> memref<128x64xf32, #tpu.memory_space<hbm>>
    tpu.enqueue_dma source(%arg7 : memref<128x64xf32, #tpu.memory_space<vmem>>) target(%dma_start3A_414 : memref<128x64xf32, #tpu.memory_space<hbm>>) target_semaphore(%arg15 : memref<!tpu.dma_semaphore, #tpu.memory_space<semaphore_mem>>)
    %dma_wait3A_415 = arith.constant 13 : i32
    %dma_wait3A_416 = arith.constant 0 : i32
    %dma_wait3A_417 = tpu.memref_slice %arg4[%dma_wait3A_415, %mul3A_2, %dma_wait3A_416] : memref<50x4096x64xf32, #tpu.memory_space<hbm>> -> memref<1x128x64xf32, #tpu.memory_space<hbm>>
    %dma_wait3A_418 = tpu.memref_squeeze %dma_wait3A_417 : memref<1x128x64xf32, #tpu.memory_space<hbm>> -> memref<128x64xf32, #tpu.memory_space<hbm>>
    %dma_wait3A_419 = arith.constant 0 : i32
    %dma_wait3A_420 = tpu.memref_slice %arg4[%dma_wait3A_415, %mul3A_2, %dma_wait3A_419] : memref<50x4096x64xf32, #tpu.memory_space<hbm>> -> memref<1x128x64xf32, #tpu.memory_space<hbm>>
    %dma_wait3A_421 = tpu.memref_squeeze %dma_wait3A_420 : memref<1x128x64xf32, #tpu.memory_space<hbm>> -> memref<128x64xf32, #tpu.memory_space<hbm>>
    tpu.wait_dma2 semaphore(%arg15 : memref<!tpu.dma_semaphore, #tpu.memory_space<semaphore_mem>>) src(%arg7 : memref<128x64xf32, #tpu.memory_space<vmem>>) dst(%dma_wait3A_421 : memref<128x64xf32, #tpu.memory_space<hbm>>)
    %dma_start3A_422 = arith.constant 17 : i32
    %dma_start3A_423 = arith.constant 0 : i32
    %dma_start3A_424 = tpu.memref_slice %arg5[%dma_start3A_422, %dma_start3A_423] : memref<50x128xi32, #tpu.memory_space<vmem>> -> memref<1x128xi32, #tpu.memory_space<vmem>>
    %dma_start3A_425 = tpu.memref_squeeze %dma_start3A_424 : memref<1x128xi32, #tpu.memory_space<vmem>> -> memref<128xi32, #tpu.memory_space<vmem>>
    %dma_start3A_426 = arith.constant 0 : i32
    %dma_start3A_427 = arith.constant 0 : i32
    %dma_start3A_428 = tpu.memref_slice %arg3[%dma_start3A_426, %dma_start3A_427] : memref<100000x64xf32, #tpu.memory_space<hbm>> -> memref<100000x64xf32, #tpu.memory_space<hbm>>
    tpu.enqueue_indirect_dma source(%dma_start3A_428 : memref<100000x64xf32, #tpu.memory_space<hbm>>) target(%arg7 : memref<128x64xf32, #tpu.memory_space<vmem>>) offsets(%dma_start3A_425 : memref<128xi32, #tpu.memory_space<vmem>>) semaphore(%arg11 : memref<!tpu.dma_semaphore, #tpu.memory_space<semaphore_mem>>)
    %dma_wait3A_429 = arith.constant 14 : i32
    %dma_wait3A_430 = arith.constant 0 : i32
    %dma_wait3A_431 = tpu.memref_slice %arg5[%dma_wait3A_429, %dma_wait3A_430] : memref<50x128xi32, #tpu.memory_space<vmem>> -> memref<1x128xi32, #tpu.memory_space<vmem>>
    %dma_wait3A_432 = tpu.memref_squeeze %dma_wait3A_431 : memref<1x128xi32, #tpu.memory_space<vmem>> -> memref<128xi32, #tpu.memory_space<vmem>>
    %dma_wait3A_433 = arith.constant 0 : i32
    %dma_wait3A_434 = arith.constant 0 : i32
    %dma_wait3A_435 = tpu.memref_slice %arg3[%dma_wait3A_433, %dma_wait3A_434] : memref<100000x64xf32, #tpu.memory_space<hbm>> -> memref<100000x64xf32, #tpu.memory_space<hbm>>
    tpu.wait_indirect_dma semaphore(%arg12 : memref<!tpu.dma_semaphore, #tpu.memory_space<semaphore_mem>>) src(%dma_wait3A_435 : memref<100000x64xf32, #tpu.memory_space<hbm>>) dst(%arg8 : memref<128x64xf32, #tpu.memory_space<vmem>>)
    %dma_start3A_436 = arith.constant 14 : i32
    %dma_start3A_437 = arith.constant 0 : i32
    %dma_start3A_438 = tpu.memref_slice %arg4[%dma_start3A_436, %mul3A_2, %dma_start3A_437] : memref<50x4096x64xf32, #tpu.memory_space<hbm>> -> memref<1x128x64xf32, #tpu.memory_space<hbm>>
    %dma_start3A_439 = tpu.memref_squeeze %dma_start3A_438 : memref<1x128x64xf32, #tpu.memory_space<hbm>> -> memref<128x64xf32, #tpu.memory_space<hbm>>
    %dma_start3A_440 = arith.constant 0 : i32
    %dma_start3A_441 = tpu.memref_slice %arg4[%dma_start3A_436, %mul3A_2, %dma_start3A_440] : memref<50x4096x64xf32, #tpu.memory_space<hbm>> -> memref<1x128x64xf32, #tpu.memory_space<hbm>>
    %dma_start3A_442 = tpu.memref_squeeze %dma_start3A_441 : memref<1x128x64xf32, #tpu.memory_space<hbm>> -> memref<128x64xf32, #tpu.memory_space<hbm>>
    tpu.enqueue_dma source(%arg8 : memref<128x64xf32, #tpu.memory_space<vmem>>) target(%dma_start3A_442 : memref<128x64xf32, #tpu.memory_space<hbm>>) target_semaphore(%arg16 : memref<!tpu.dma_semaphore, #tpu.memory_space<semaphore_mem>>)
    %dma_wait3A_443 = arith.constant 14 : i32
    %dma_wait3A_444 = arith.constant 0 : i32
    %dma_wait3A_445 = tpu.memref_slice %arg4[%dma_wait3A_443, %mul3A_2, %dma_wait3A_444] : memref<50x4096x64xf32, #tpu.memory_space<hbm>> -> memref<1x128x64xf32, #tpu.memory_space<hbm>>
    %dma_wait3A_446 = tpu.memref_squeeze %dma_wait3A_445 : memref<1x128x64xf32, #tpu.memory_space<hbm>> -> memref<128x64xf32, #tpu.memory_space<hbm>>
    %dma_wait3A_447 = arith.constant 0 : i32
    %dma_wait3A_448 = tpu.memref_slice %arg4[%dma_wait3A_443, %mul3A_2, %dma_wait3A_447] : memref<50x4096x64xf32, #tpu.memory_space<hbm>> -> memref<1x128x64xf32, #tpu.memory_space<hbm>>
    %dma_wait3A_449 = tpu.memref_squeeze %dma_wait3A_448 : memref<1x128x64xf32, #tpu.memory_space<hbm>> -> memref<128x64xf32, #tpu.memory_space<hbm>>
    tpu.wait_dma2 semaphore(%arg16 : memref<!tpu.dma_semaphore, #tpu.memory_space<semaphore_mem>>) src(%arg8 : memref<128x64xf32, #tpu.memory_space<vmem>>) dst(%dma_wait3A_449 : memref<128x64xf32, #tpu.memory_space<hbm>>)
    %dma_start3A_450 = arith.constant 18 : i32
    %dma_start3A_451 = arith.constant 0 : i32
    %dma_start3A_452 = tpu.memref_slice %arg5[%dma_start3A_450, %dma_start3A_451] : memref<50x128xi32, #tpu.memory_space<vmem>> -> memref<1x128xi32, #tpu.memory_space<vmem>>
    %dma_start3A_453 = tpu.memref_squeeze %dma_start3A_452 : memref<1x128xi32, #tpu.memory_space<vmem>> -> memref<128xi32, #tpu.memory_space<vmem>>
    %dma_start3A_454 = arith.constant 0 : i32
    %dma_start3A_455 = arith.constant 0 : i32
    %dma_start3A_456 = tpu.memref_slice %arg3[%dma_start3A_454, %dma_start3A_455] : memref<100000x64xf32, #tpu.memory_space<hbm>> -> memref<100000x64xf32, #tpu.memory_space<hbm>>
    tpu.enqueue_indirect_dma source(%dma_start3A_456 : memref<100000x64xf32, #tpu.memory_space<hbm>>) target(%arg8 : memref<128x64xf32, #tpu.memory_space<vmem>>) offsets(%dma_start3A_453 : memref<128xi32, #tpu.memory_space<vmem>>) semaphore(%arg12 : memref<!tpu.dma_semaphore, #tpu.memory_space<semaphore_mem>>)
    %dma_wait3A_457 = arith.constant 15 : i32
    %dma_wait3A_458 = arith.constant 0 : i32
    %dma_wait3A_459 = tpu.memref_slice %arg5[%dma_wait3A_457, %dma_wait3A_458] : memref<50x128xi32, #tpu.memory_space<vmem>> -> memref<1x128xi32, #tpu.memory_space<vmem>>
    %dma_wait3A_460 = tpu.memref_squeeze %dma_wait3A_459 : memref<1x128xi32, #tpu.memory_space<vmem>> -> memref<128xi32, #tpu.memory_space<vmem>>
    %dma_wait3A_461 = arith.constant 0 : i32
    %dma_wait3A_462 = arith.constant 0 : i32
    %dma_wait3A_463 = tpu.memref_slice %arg3[%dma_wait3A_461, %dma_wait3A_462] : memref<100000x64xf32, #tpu.memory_space<hbm>> -> memref<100000x64xf32, #tpu.memory_space<hbm>>
    tpu.wait_indirect_dma semaphore(%arg13 : memref<!tpu.dma_semaphore, #tpu.memory_space<semaphore_mem>>) src(%dma_wait3A_463 : memref<100000x64xf32, #tpu.memory_space<hbm>>) dst(%arg9 : memref<128x64xf32, #tpu.memory_space<vmem>>)
    %dma_start3A_464 = arith.constant 15 : i32
    %dma_start3A_465 = arith.constant 0 : i32
    %dma_start3A_466 = tpu.memref_slice %arg4[%dma_start3A_464, %mul3A_2, %dma_start3A_465] : memref<50x4096x64xf32, #tpu.memory_space<hbm>> -> memref<1x128x64xf32, #tpu.memory_space<hbm>>
    %dma_start3A_467 = tpu.memref_squeeze %dma_start3A_466 : memref<1x128x64xf32, #tpu.memory_space<hbm>> -> memref<128x64xf32, #tpu.memory_space<hbm>>
    %dma_start3A_468 = arith.constant 0 : i32
    %dma_start3A_469 = tpu.memref_slice %arg4[%dma_start3A_464, %mul3A_2, %dma_start3A_468] : memref<50x4096x64xf32, #tpu.memory_space<hbm>> -> memref<1x128x64xf32, #tpu.memory_space<hbm>>
    %dma_start3A_470 = tpu.memref_squeeze %dma_start3A_469 : memref<1x128x64xf32, #tpu.memory_space<hbm>> -> memref<128x64xf32, #tpu.memory_space<hbm>>
    tpu.enqueue_dma source(%arg9 : memref<128x64xf32, #tpu.memory_space<vmem>>) target(%dma_start3A_470 : memref<128x64xf32, #tpu.memory_space<hbm>>) target_semaphore(%arg17 : memref<!tpu.dma_semaphore, #tpu.memory_space<semaphore_mem>>)
    %dma_wait3A_471 = arith.constant 15 : i32
    %dma_wait3A_472 = arith.constant 0 : i32
    %dma_wait3A_473 = tpu.memref_slice %arg4[%dma_wait3A_471, %mul3A_2, %dma_wait3A_472] : memref<50x4096x64xf32, #tpu.memory_space<hbm>> -> memref<1x128x64xf32, #tpu.memory_space<hbm>>
    %dma_wait3A_474 = tpu.memref_squeeze %dma_wait3A_473 : memref<1x128x64xf32, #tpu.memory_space<hbm>> -> memref<128x64xf32, #tpu.memory_space<hbm>>
    %dma_wait3A_475 = arith.constant 0 : i32
    %dma_wait3A_476 = tpu.memref_slice %arg4[%dma_wait3A_471, %mul3A_2, %dma_wait3A_475] : memref<50x4096x64xf32, #tpu.memory_space<hbm>> -> memref<1x128x64xf32, #tpu.memory_space<hbm>>
    %dma_wait3A_477 = tpu.memref_squeeze %dma_wait3A_476 : memref<1x128x64xf32, #tpu.memory_space<hbm>> -> memref<128x64xf32, #tpu.memory_space<hbm>>
    tpu.wait_dma2 semaphore(%arg17 : memref<!tpu.dma_semaphore, #tpu.memory_space<semaphore_mem>>) src(%arg9 : memref<128x64xf32, #tpu.memory_space<vmem>>) dst(%dma_wait3A_477 : memref<128x64xf32, #tpu.memory_space<hbm>>)
    %dma_start3A_478 = arith.constant 19 : i32
    %dma_start3A_479 = arith.constant 0 : i32
    %dma_start3A_480 = tpu.memref_slice %arg5[%dma_start3A_478, %dma_start3A_479] : memref<50x128xi32, #tpu.memory_space<vmem>> -> memref<1x128xi32, #tpu.memory_space<vmem>>
    %dma_start3A_481 = tpu.memref_squeeze %dma_start3A_480 : memref<1x128xi32, #tpu.memory_space<vmem>> -> memref<128xi32, #tpu.memory_space<vmem>>
    %dma_start3A_482 = arith.constant 0 : i32
    %dma_start3A_483 = arith.constant 0 : i32
    %dma_start3A_484 = tpu.memref_slice %arg3[%dma_start3A_482, %dma_start3A_483] : memref<100000x64xf32, #tpu.memory_space<hbm>> -> memref<100000x64xf32, #tpu.memory_space<hbm>>
    tpu.enqueue_indirect_dma source(%dma_start3A_484 : memref<100000x64xf32, #tpu.memory_space<hbm>>) target(%arg9 : memref<128x64xf32, #tpu.memory_space<vmem>>) offsets(%dma_start3A_481 : memref<128xi32, #tpu.memory_space<vmem>>) semaphore(%arg13 : memref<!tpu.dma_semaphore, #tpu.memory_space<semaphore_mem>>)
    %dma_wait3A_485 = arith.constant 16 : i32
    %dma_wait3A_486 = arith.constant 0 : i32
    %dma_wait3A_487 = tpu.memref_slice %arg5[%dma_wait3A_485, %dma_wait3A_486] : memref<50x128xi32, #tpu.memory_space<vmem>> -> memref<1x128xi32, #tpu.memory_space<vmem>>
    %dma_wait3A_488 = tpu.memref_squeeze %dma_wait3A_487 : memref<1x128xi32, #tpu.memory_space<vmem>> -> memref<128xi32, #tpu.memory_space<vmem>>
    %dma_wait3A_489 = arith.constant 0 : i32
    %dma_wait3A_490 = arith.constant 0 : i32
    %dma_wait3A_491 = tpu.memref_slice %arg3[%dma_wait3A_489, %dma_wait3A_490] : memref<100000x64xf32, #tpu.memory_space<hbm>> -> memref<100000x64xf32, #tpu.memory_space<hbm>>
    tpu.wait_indirect_dma semaphore(%arg10 : memref<!tpu.dma_semaphore, #tpu.memory_space<semaphore_mem>>) src(%dma_wait3A_491 : memref<100000x64xf32, #tpu.memory_space<hbm>>) dst(%arg6 : memref<128x64xf32, #tpu.memory_space<vmem>>)
    %dma_start3A_492 = arith.constant 16 : i32
    %dma_start3A_493 = arith.constant 0 : i32
    %dma_start3A_494 = tpu.memref_slice %arg4[%dma_start3A_492, %mul3A_2, %dma_start3A_493] : memref<50x4096x64xf32, #tpu.memory_space<hbm>> -> memref<1x128x64xf32, #tpu.memory_space<hbm>>
    %dma_start3A_495 = tpu.memref_squeeze %dma_start3A_494 : memref<1x128x64xf32, #tpu.memory_space<hbm>> -> memref<128x64xf32, #tpu.memory_space<hbm>>
    %dma_start3A_496 = arith.constant 0 : i32
    %dma_start3A_497 = tpu.memref_slice %arg4[%dma_start3A_492, %mul3A_2, %dma_start3A_496] : memref<50x4096x64xf32, #tpu.memory_space<hbm>> -> memref<1x128x64xf32, #tpu.memory_space<hbm>>
    %dma_start3A_498 = tpu.memref_squeeze %dma_start3A_497 : memref<1x128x64xf32, #tpu.memory_space<hbm>> -> memref<128x64xf32, #tpu.memory_space<hbm>>
    tpu.enqueue_dma source(%arg6 : memref<128x64xf32, #tpu.memory_space<vmem>>) target(%dma_start3A_498 : memref<128x64xf32, #tpu.memory_space<hbm>>) target_semaphore(%arg14 : memref<!tpu.dma_semaphore, #tpu.memory_space<semaphore_mem>>)
    %dma_wait3A_499 = arith.constant 16 : i32
    %dma_wait3A_500 = arith.constant 0 : i32
    %dma_wait3A_501 = tpu.memref_slice %arg4[%dma_wait3A_499, %mul3A_2, %dma_wait3A_500] : memref<50x4096x64xf32, #tpu.memory_space<hbm>> -> memref<1x128x64xf32, #tpu.memory_space<hbm>>
    %dma_wait3A_502 = tpu.memref_squeeze %dma_wait3A_501 : memref<1x128x64xf32, #tpu.memory_space<hbm>> -> memref<128x64xf32, #tpu.memory_space<hbm>>
    %dma_wait3A_503 = arith.constant 0 : i32
    %dma_wait3A_504 = tpu.memref_slice %arg4[%dma_wait3A_499, %mul3A_2, %dma_wait3A_503] : memref<50x4096x64xf32, #tpu.memory_space<hbm>> -> memref<1x128x64xf32, #tpu.memory_space<hbm>>
    %dma_wait3A_505 = tpu.memref_squeeze %dma_wait3A_504 : memref<1x128x64xf32, #tpu.memory_space<hbm>> -> memref<128x64xf32, #tpu.memory_space<hbm>>
    tpu.wait_dma2 semaphore(%arg14 : memref<!tpu.dma_semaphore, #tpu.memory_space<semaphore_mem>>) src(%arg6 : memref<128x64xf32, #tpu.memory_space<vmem>>) dst(%dma_wait3A_505 : memref<128x64xf32, #tpu.memory_space<hbm>>)
    %dma_start3A_506 = arith.constant 20 : i32
    %dma_start3A_507 = arith.constant 0 : i32
    %dma_start3A_508 = tpu.memref_slice %arg5[%dma_start3A_506, %dma_start3A_507] : memref<50x128xi32, #tpu.memory_space<vmem>> -> memref<1x128xi32, #tpu.memory_space<vmem>>
    %dma_start3A_509 = tpu.memref_squeeze %dma_start3A_508 : memref<1x128xi32, #tpu.memory_space<vmem>> -> memref<128xi32, #tpu.memory_space<vmem>>
    %dma_start3A_510 = arith.constant 0 : i32
    %dma_start3A_511 = arith.constant 0 : i32
    %dma_start3A_512 = tpu.memref_slice %arg3[%dma_start3A_510, %dma_start3A_511] : memref<100000x64xf32, #tpu.memory_space<hbm>> -> memref<100000x64xf32, #tpu.memory_space<hbm>>
    tpu.enqueue_indirect_dma source(%dma_start3A_512 : memref<100000x64xf32, #tpu.memory_space<hbm>>) target(%arg6 : memref<128x64xf32, #tpu.memory_space<vmem>>) offsets(%dma_start3A_509 : memref<128xi32, #tpu.memory_space<vmem>>) semaphore(%arg10 : memref<!tpu.dma_semaphore, #tpu.memory_space<semaphore_mem>>)
    %dma_wait3A_513 = arith.constant 17 : i32
    %dma_wait3A_514 = arith.constant 0 : i32
    %dma_wait3A_515 = tpu.memref_slice %arg5[%dma_wait3A_513, %dma_wait3A_514] : memref<50x128xi32, #tpu.memory_space<vmem>> -> memref<1x128xi32, #tpu.memory_space<vmem>>
    %dma_wait3A_516 = tpu.memref_squeeze %dma_wait3A_515 : memref<1x128xi32, #tpu.memory_space<vmem>> -> memref<128xi32, #tpu.memory_space<vmem>>
    %dma_wait3A_517 = arith.constant 0 : i32
    %dma_wait3A_518 = arith.constant 0 : i32
    %dma_wait3A_519 = tpu.memref_slice %arg3[%dma_wait3A_517, %dma_wait3A_518] : memref<100000x64xf32, #tpu.memory_space<hbm>> -> memref<100000x64xf32, #tpu.memory_space<hbm>>
    tpu.wait_indirect_dma semaphore(%arg11 : memref<!tpu.dma_semaphore, #tpu.memory_space<semaphore_mem>>) src(%dma_wait3A_519 : memref<100000x64xf32, #tpu.memory_space<hbm>>) dst(%arg7 : memref<128x64xf32, #tpu.memory_space<vmem>>)
    %dma_start3A_520 = arith.constant 17 : i32
    %dma_start3A_521 = arith.constant 0 : i32
    %dma_start3A_522 = tpu.memref_slice %arg4[%dma_start3A_520, %mul3A_2, %dma_start3A_521] : memref<50x4096x64xf32, #tpu.memory_space<hbm>> -> memref<1x128x64xf32, #tpu.memory_space<hbm>>
    %dma_start3A_523 = tpu.memref_squeeze %dma_start3A_522 : memref<1x128x64xf32, #tpu.memory_space<hbm>> -> memref<128x64xf32, #tpu.memory_space<hbm>>
    %dma_start3A_524 = arith.constant 0 : i32
    %dma_start3A_525 = tpu.memref_slice %arg4[%dma_start3A_520, %mul3A_2, %dma_start3A_524] : memref<50x4096x64xf32, #tpu.memory_space<hbm>> -> memref<1x128x64xf32, #tpu.memory_space<hbm>>
    %dma_start3A_526 = tpu.memref_squeeze %dma_start3A_525 : memref<1x128x64xf32, #tpu.memory_space<hbm>> -> memref<128x64xf32, #tpu.memory_space<hbm>>
    tpu.enqueue_dma source(%arg7 : memref<128x64xf32, #tpu.memory_space<vmem>>) target(%dma_start3A_526 : memref<128x64xf32, #tpu.memory_space<hbm>>) target_semaphore(%arg15 : memref<!tpu.dma_semaphore, #tpu.memory_space<semaphore_mem>>)
    %dma_wait3A_527 = arith.constant 17 : i32
    %dma_wait3A_528 = arith.constant 0 : i32
    %dma_wait3A_529 = tpu.memref_slice %arg4[%dma_wait3A_527, %mul3A_2, %dma_wait3A_528] : memref<50x4096x64xf32, #tpu.memory_space<hbm>> -> memref<1x128x64xf32, #tpu.memory_space<hbm>>
    %dma_wait3A_530 = tpu.memref_squeeze %dma_wait3A_529 : memref<1x128x64xf32, #tpu.memory_space<hbm>> -> memref<128x64xf32, #tpu.memory_space<hbm>>
    %dma_wait3A_531 = arith.constant 0 : i32
    %dma_wait3A_532 = tpu.memref_slice %arg4[%dma_wait3A_527, %mul3A_2, %dma_wait3A_531] : memref<50x4096x64xf32, #tpu.memory_space<hbm>> -> memref<1x128x64xf32, #tpu.memory_space<hbm>>
    %dma_wait3A_533 = tpu.memref_squeeze %dma_wait3A_532 : memref<1x128x64xf32, #tpu.memory_space<hbm>> -> memref<128x64xf32, #tpu.memory_space<hbm>>
    tpu.wait_dma2 semaphore(%arg15 : memref<!tpu.dma_semaphore, #tpu.memory_space<semaphore_mem>>) src(%arg7 : memref<128x64xf32, #tpu.memory_space<vmem>>) dst(%dma_wait3A_533 : memref<128x64xf32, #tpu.memory_space<hbm>>)
    %dma_start3A_534 = arith.constant 21 : i32
    %dma_start3A_535 = arith.constant 0 : i32
    %dma_start3A_536 = tpu.memref_slice %arg5[%dma_start3A_534, %dma_start3A_535] : memref<50x128xi32, #tpu.memory_space<vmem>> -> memref<1x128xi32, #tpu.memory_space<vmem>>
    %dma_start3A_537 = tpu.memref_squeeze %dma_start3A_536 : memref<1x128xi32, #tpu.memory_space<vmem>> -> memref<128xi32, #tpu.memory_space<vmem>>
    %dma_start3A_538 = arith.constant 0 : i32
    %dma_start3A_539 = arith.constant 0 : i32
    %dma_start3A_540 = tpu.memref_slice %arg3[%dma_start3A_538, %dma_start3A_539] : memref<100000x64xf32, #tpu.memory_space<hbm>> -> memref<100000x64xf32, #tpu.memory_space<hbm>>
    tpu.enqueue_indirect_dma source(%dma_start3A_540 : memref<100000x64xf32, #tpu.memory_space<hbm>>) target(%arg7 : memref<128x64xf32, #tpu.memory_space<vmem>>) offsets(%dma_start3A_537 : memref<128xi32, #tpu.memory_space<vmem>>) semaphore(%arg11 : memref<!tpu.dma_semaphore, #tpu.memory_space<semaphore_mem>>)
    %dma_wait3A_541 = arith.constant 18 : i32
    %dma_wait3A_542 = arith.constant 0 : i32
    %dma_wait3A_543 = tpu.memref_slice %arg5[%dma_wait3A_541, %dma_wait3A_542] : memref<50x128xi32, #tpu.memory_space<vmem>> -> memref<1x128xi32, #tpu.memory_space<vmem>>
    %dma_wait3A_544 = tpu.memref_squeeze %dma_wait3A_543 : memref<1x128xi32, #tpu.memory_space<vmem>> -> memref<128xi32, #tpu.memory_space<vmem>>
    %dma_wait3A_545 = arith.constant 0 : i32
    %dma_wait3A_546 = arith.constant 0 : i32
    %dma_wait3A_547 = tpu.memref_slice %arg3[%dma_wait3A_545, %dma_wait3A_546] : memref<100000x64xf32, #tpu.memory_space<hbm>> -> memref<100000x64xf32, #tpu.memory_space<hbm>>
    tpu.wait_indirect_dma semaphore(%arg12 : memref<!tpu.dma_semaphore, #tpu.memory_space<semaphore_mem>>) src(%dma_wait3A_547 : memref<100000x64xf32, #tpu.memory_space<hbm>>) dst(%arg8 : memref<128x64xf32, #tpu.memory_space<vmem>>)
    %dma_start3A_548 = arith.constant 18 : i32
    %dma_start3A_549 = arith.constant 0 : i32
    %dma_start3A_550 = tpu.memref_slice %arg4[%dma_start3A_548, %mul3A_2, %dma_start3A_549] : memref<50x4096x64xf32, #tpu.memory_space<hbm>> -> memref<1x128x64xf32, #tpu.memory_space<hbm>>
    %dma_start3A_551 = tpu.memref_squeeze %dma_start3A_550 : memref<1x128x64xf32, #tpu.memory_space<hbm>> -> memref<128x64xf32, #tpu.memory_space<hbm>>
    %dma_start3A_552 = arith.constant 0 : i32
    %dma_start3A_553 = tpu.memref_slice %arg4[%dma_start3A_548, %mul3A_2, %dma_start3A_552] : memref<50x4096x64xf32, #tpu.memory_space<hbm>> -> memref<1x128x64xf32, #tpu.memory_space<hbm>>
    %dma_start3A_554 = tpu.memref_squeeze %dma_start3A_553 : memref<1x128x64xf32, #tpu.memory_space<hbm>> -> memref<128x64xf32, #tpu.memory_space<hbm>>
    tpu.enqueue_dma source(%arg8 : memref<128x64xf32, #tpu.memory_space<vmem>>) target(%dma_start3A_554 : memref<128x64xf32, #tpu.memory_space<hbm>>) target_semaphore(%arg16 : memref<!tpu.dma_semaphore, #tpu.memory_space<semaphore_mem>>)
    %dma_wait3A_555 = arith.constant 18 : i32
    %dma_wait3A_556 = arith.constant 0 : i32
    %dma_wait3A_557 = tpu.memref_slice %arg4[%dma_wait3A_555, %mul3A_2, %dma_wait3A_556] : memref<50x4096x64xf32, #tpu.memory_space<hbm>> -> memref<1x128x64xf32, #tpu.memory_space<hbm>>
    %dma_wait3A_558 = tpu.memref_squeeze %dma_wait3A_557 : memref<1x128x64xf32, #tpu.memory_space<hbm>> -> memref<128x64xf32, #tpu.memory_space<hbm>>
    %dma_wait3A_559 = arith.constant 0 : i32
    %dma_wait3A_560 = tpu.memref_slice %arg4[%dma_wait3A_555, %mul3A_2, %dma_wait3A_559] : memref<50x4096x64xf32, #tpu.memory_space<hbm>> -> memref<1x128x64xf32, #tpu.memory_space<hbm>>
    %dma_wait3A_561 = tpu.memref_squeeze %dma_wait3A_560 : memref<1x128x64xf32, #tpu.memory_space<hbm>> -> memref<128x64xf32, #tpu.memory_space<hbm>>
    tpu.wait_dma2 semaphore(%arg16 : memref<!tpu.dma_semaphore, #tpu.memory_space<semaphore_mem>>) src(%arg8 : memref<128x64xf32, #tpu.memory_space<vmem>>) dst(%dma_wait3A_561 : memref<128x64xf32, #tpu.memory_space<hbm>>)
    %dma_start3A_562 = arith.constant 22 : i32
    %dma_start3A_563 = arith.constant 0 : i32
    %dma_start3A_564 = tpu.memref_slice %arg5[%dma_start3A_562, %dma_start3A_563] : memref<50x128xi32, #tpu.memory_space<vmem>> -> memref<1x128xi32, #tpu.memory_space<vmem>>
    %dma_start3A_565 = tpu.memref_squeeze %dma_start3A_564 : memref<1x128xi32, #tpu.memory_space<vmem>> -> memref<128xi32, #tpu.memory_space<vmem>>
    %dma_start3A_566 = arith.constant 0 : i32
    %dma_start3A_567 = arith.constant 0 : i32
    %dma_start3A_568 = tpu.memref_slice %arg3[%dma_start3A_566, %dma_start3A_567] : memref<100000x64xf32, #tpu.memory_space<hbm>> -> memref<100000x64xf32, #tpu.memory_space<hbm>>
    tpu.enqueue_indirect_dma source(%dma_start3A_568 : memref<100000x64xf32, #tpu.memory_space<hbm>>) target(%arg8 : memref<128x64xf32, #tpu.memory_space<vmem>>) offsets(%dma_start3A_565 : memref<128xi32, #tpu.memory_space<vmem>>) semaphore(%arg12 : memref<!tpu.dma_semaphore, #tpu.memory_space<semaphore_mem>>)
    %dma_wait3A_569 = arith.constant 19 : i32
    %dma_wait3A_570 = arith.constant 0 : i32
    %dma_wait3A_571 = tpu.memref_slice %arg5[%dma_wait3A_569, %dma_wait3A_570] : memref<50x128xi32, #tpu.memory_space<vmem>> -> memref<1x128xi32, #tpu.memory_space<vmem>>
    %dma_wait3A_572 = tpu.memref_squeeze %dma_wait3A_571 : memref<1x128xi32, #tpu.memory_space<vmem>> -> memref<128xi32, #tpu.memory_space<vmem>>
    %dma_wait3A_573 = arith.constant 0 : i32
    %dma_wait3A_574 = arith.constant 0 : i32
    %dma_wait3A_575 = tpu.memref_slice %arg3[%dma_wait3A_573, %dma_wait3A_574] : memref<100000x64xf32, #tpu.memory_space<hbm>> -> memref<100000x64xf32, #tpu.memory_space<hbm>>
    tpu.wait_indirect_dma semaphore(%arg13 : memref<!tpu.dma_semaphore, #tpu.memory_space<semaphore_mem>>) src(%dma_wait3A_575 : memref<100000x64xf32, #tpu.memory_space<hbm>>) dst(%arg9 : memref<128x64xf32, #tpu.memory_space<vmem>>)
    %dma_start3A_576 = arith.constant 19 : i32
    %dma_start3A_577 = arith.constant 0 : i32
    %dma_start3A_578 = tpu.memref_slice %arg4[%dma_start3A_576, %mul3A_2, %dma_start3A_577] : memref<50x4096x64xf32, #tpu.memory_space<hbm>> -> memref<1x128x64xf32, #tpu.memory_space<hbm>>
    %dma_start3A_579 = tpu.memref_squeeze %dma_start3A_578 : memref<1x128x64xf32, #tpu.memory_space<hbm>> -> memref<128x64xf32, #tpu.memory_space<hbm>>
    %dma_start3A_580 = arith.constant 0 : i32
    %dma_start3A_581 = tpu.memref_slice %arg4[%dma_start3A_576, %mul3A_2, %dma_start3A_580] : memref<50x4096x64xf32, #tpu.memory_space<hbm>> -> memref<1x128x64xf32, #tpu.memory_space<hbm>>
    %dma_start3A_582 = tpu.memref_squeeze %dma_start3A_581 : memref<1x128x64xf32, #tpu.memory_space<hbm>> -> memref<128x64xf32, #tpu.memory_space<hbm>>
    tpu.enqueue_dma source(%arg9 : memref<128x64xf32, #tpu.memory_space<vmem>>) target(%dma_start3A_582 : memref<128x64xf32, #tpu.memory_space<hbm>>) target_semaphore(%arg17 : memref<!tpu.dma_semaphore, #tpu.memory_space<semaphore_mem>>)
    %dma_wait3A_583 = arith.constant 19 : i32
    %dma_wait3A_584 = arith.constant 0 : i32
    %dma_wait3A_585 = tpu.memref_slice %arg4[%dma_wait3A_583, %mul3A_2, %dma_wait3A_584] : memref<50x4096x64xf32, #tpu.memory_space<hbm>> -> memref<1x128x64xf32, #tpu.memory_space<hbm>>
    %dma_wait3A_586 = tpu.memref_squeeze %dma_wait3A_585 : memref<1x128x64xf32, #tpu.memory_space<hbm>> -> memref<128x64xf32, #tpu.memory_space<hbm>>
    %dma_wait3A_587 = arith.constant 0 : i32
    %dma_wait3A_588 = tpu.memref_slice %arg4[%dma_wait3A_583, %mul3A_2, %dma_wait3A_587] : memref<50x4096x64xf32, #tpu.memory_space<hbm>> -> memref<1x128x64xf32, #tpu.memory_space<hbm>>
    %dma_wait3A_589 = tpu.memref_squeeze %dma_wait3A_588 : memref<1x128x64xf32, #tpu.memory_space<hbm>> -> memref<128x64xf32, #tpu.memory_space<hbm>>
    tpu.wait_dma2 semaphore(%arg17 : memref<!tpu.dma_semaphore, #tpu.memory_space<semaphore_mem>>) src(%arg9 : memref<128x64xf32, #tpu.memory_space<vmem>>) dst(%dma_wait3A_589 : memref<128x64xf32, #tpu.memory_space<hbm>>)
    %dma_start3A_590 = arith.constant 23 : i32
    %dma_start3A_591 = arith.constant 0 : i32
    %dma_start3A_592 = tpu.memref_slice %arg5[%dma_start3A_590, %dma_start3A_591] : memref<50x128xi32, #tpu.memory_space<vmem>> -> memref<1x128xi32, #tpu.memory_space<vmem>>
    %dma_start3A_593 = tpu.memref_squeeze %dma_start3A_592 : memref<1x128xi32, #tpu.memory_space<vmem>> -> memref<128xi32, #tpu.memory_space<vmem>>
    %dma_start3A_594 = arith.constant 0 : i32
    %dma_start3A_595 = arith.constant 0 : i32
    %dma_start3A_596 = tpu.memref_slice %arg3[%dma_start3A_594, %dma_start3A_595] : memref<100000x64xf32, #tpu.memory_space<hbm>> -> memref<100000x64xf32, #tpu.memory_space<hbm>>
    tpu.enqueue_indirect_dma source(%dma_start3A_596 : memref<100000x64xf32, #tpu.memory_space<hbm>>) target(%arg9 : memref<128x64xf32, #tpu.memory_space<vmem>>) offsets(%dma_start3A_593 : memref<128xi32, #tpu.memory_space<vmem>>) semaphore(%arg13 : memref<!tpu.dma_semaphore, #tpu.memory_space<semaphore_mem>>)
    %dma_wait3A_597 = arith.constant 20 : i32
    %dma_wait3A_598 = arith.constant 0 : i32
    %dma_wait3A_599 = tpu.memref_slice %arg5[%dma_wait3A_597, %dma_wait3A_598] : memref<50x128xi32, #tpu.memory_space<vmem>> -> memref<1x128xi32, #tpu.memory_space<vmem>>
    %dma_wait3A_600 = tpu.memref_squeeze %dma_wait3A_599 : memref<1x128xi32, #tpu.memory_space<vmem>> -> memref<128xi32, #tpu.memory_space<vmem>>
    %dma_wait3A_601 = arith.constant 0 : i32
    %dma_wait3A_602 = arith.constant 0 : i32
    %dma_wait3A_603 = tpu.memref_slice %arg3[%dma_wait3A_601, %dma_wait3A_602] : memref<100000x64xf32, #tpu.memory_space<hbm>> -> memref<100000x64xf32, #tpu.memory_space<hbm>>
    tpu.wait_indirect_dma semaphore(%arg10 : memref<!tpu.dma_semaphore, #tpu.memory_space<semaphore_mem>>) src(%dma_wait3A_603 : memref<100000x64xf32, #tpu.memory_space<hbm>>) dst(%arg6 : memref<128x64xf32, #tpu.memory_space<vmem>>)
    %dma_start3A_604 = arith.constant 20 : i32
    %dma_start3A_605 = arith.constant 0 : i32
    %dma_start3A_606 = tpu.memref_slice %arg4[%dma_start3A_604, %mul3A_2, %dma_start3A_605] : memref<50x4096x64xf32, #tpu.memory_space<hbm>> -> memref<1x128x64xf32, #tpu.memory_space<hbm>>
    %dma_start3A_607 = tpu.memref_squeeze %dma_start3A_606 : memref<1x128x64xf32, #tpu.memory_space<hbm>> -> memref<128x64xf32, #tpu.memory_space<hbm>>
    %dma_start3A_608 = arith.constant 0 : i32
    %dma_start3A_609 = tpu.memref_slice %arg4[%dma_start3A_604, %mul3A_2, %dma_start3A_608] : memref<50x4096x64xf32, #tpu.memory_space<hbm>> -> memref<1x128x64xf32, #tpu.memory_space<hbm>>
    %dma_start3A_610 = tpu.memref_squeeze %dma_start3A_609 : memref<1x128x64xf32, #tpu.memory_space<hbm>> -> memref<128x64xf32, #tpu.memory_space<hbm>>
    tpu.enqueue_dma source(%arg6 : memref<128x64xf32, #tpu.memory_space<vmem>>) target(%dma_start3A_610 : memref<128x64xf32, #tpu.memory_space<hbm>>) target_semaphore(%arg14 : memref<!tpu.dma_semaphore, #tpu.memory_space<semaphore_mem>>)
    %dma_wait3A_611 = arith.constant 20 : i32
    %dma_wait3A_612 = arith.constant 0 : i32
    %dma_wait3A_613 = tpu.memref_slice %arg4[%dma_wait3A_611, %mul3A_2, %dma_wait3A_612] : memref<50x4096x64xf32, #tpu.memory_space<hbm>> -> memref<1x128x64xf32, #tpu.memory_space<hbm>>
    %dma_wait3A_614 = tpu.memref_squeeze %dma_wait3A_613 : memref<1x128x64xf32, #tpu.memory_space<hbm>> -> memref<128x64xf32, #tpu.memory_space<hbm>>
    %dma_wait3A_615 = arith.constant 0 : i32
    %dma_wait3A_616 = tpu.memref_slice %arg4[%dma_wait3A_611, %mul3A_2, %dma_wait3A_615] : memref<50x4096x64xf32, #tpu.memory_space<hbm>> -> memref<1x128x64xf32, #tpu.memory_space<hbm>>
    %dma_wait3A_617 = tpu.memref_squeeze %dma_wait3A_616 : memref<1x128x64xf32, #tpu.memory_space<hbm>> -> memref<128x64xf32, #tpu.memory_space<hbm>>
    tpu.wait_dma2 semaphore(%arg14 : memref<!tpu.dma_semaphore, #tpu.memory_space<semaphore_mem>>) src(%arg6 : memref<128x64xf32, #tpu.memory_space<vmem>>) dst(%dma_wait3A_617 : memref<128x64xf32, #tpu.memory_space<hbm>>)
    %dma_start3A_618 = arith.constant 24 : i32
    %dma_start3A_619 = arith.constant 0 : i32
    %dma_start3A_620 = tpu.memref_slice %arg5[%dma_start3A_618, %dma_start3A_619] : memref<50x128xi32, #tpu.memory_space<vmem>> -> memref<1x128xi32, #tpu.memory_space<vmem>>
    %dma_start3A_621 = tpu.memref_squeeze %dma_start3A_620 : memref<1x128xi32, #tpu.memory_space<vmem>> -> memref<128xi32, #tpu.memory_space<vmem>>
    %dma_start3A_622 = arith.constant 0 : i32
    %dma_start3A_623 = arith.constant 0 : i32
    %dma_start3A_624 = tpu.memref_slice %arg3[%dma_start3A_622, %dma_start3A_623] : memref<100000x64xf32, #tpu.memory_space<hbm>> -> memref<100000x64xf32, #tpu.memory_space<hbm>>
    tpu.enqueue_indirect_dma source(%dma_start3A_624 : memref<100000x64xf32, #tpu.memory_space<hbm>>) target(%arg6 : memref<128x64xf32, #tpu.memory_space<vmem>>) offsets(%dma_start3A_621 : memref<128xi32, #tpu.memory_space<vmem>>) semaphore(%arg10 : memref<!tpu.dma_semaphore, #tpu.memory_space<semaphore_mem>>)
    %dma_wait3A_625 = arith.constant 21 : i32
    %dma_wait3A_626 = arith.constant 0 : i32
    %dma_wait3A_627 = tpu.memref_slice %arg5[%dma_wait3A_625, %dma_wait3A_626] : memref<50x128xi32, #tpu.memory_space<vmem>> -> memref<1x128xi32, #tpu.memory_space<vmem>>
    %dma_wait3A_628 = tpu.memref_squeeze %dma_wait3A_627 : memref<1x128xi32, #tpu.memory_space<vmem>> -> memref<128xi32, #tpu.memory_space<vmem>>
    %dma_wait3A_629 = arith.constant 0 : i32
    %dma_wait3A_630 = arith.constant 0 : i32
    %dma_wait3A_631 = tpu.memref_slice %arg3[%dma_wait3A_629, %dma_wait3A_630] : memref<100000x64xf32, #tpu.memory_space<hbm>> -> memref<100000x64xf32, #tpu.memory_space<hbm>>
    tpu.wait_indirect_dma semaphore(%arg11 : memref<!tpu.dma_semaphore, #tpu.memory_space<semaphore_mem>>) src(%dma_wait3A_631 : memref<100000x64xf32, #tpu.memory_space<hbm>>) dst(%arg7 : memref<128x64xf32, #tpu.memory_space<vmem>>)
    %dma_start3A_632 = arith.constant 21 : i32
    %dma_start3A_633 = arith.constant 0 : i32
    %dma_start3A_634 = tpu.memref_slice %arg4[%dma_start3A_632, %mul3A_2, %dma_start3A_633] : memref<50x4096x64xf32, #tpu.memory_space<hbm>> -> memref<1x128x64xf32, #tpu.memory_space<hbm>>
    %dma_start3A_635 = tpu.memref_squeeze %dma_start3A_634 : memref<1x128x64xf32, #tpu.memory_space<hbm>> -> memref<128x64xf32, #tpu.memory_space<hbm>>
    %dma_start3A_636 = arith.constant 0 : i32
    %dma_start3A_637 = tpu.memref_slice %arg4[%dma_start3A_632, %mul3A_2, %dma_start3A_636] : memref<50x4096x64xf32, #tpu.memory_space<hbm>> -> memref<1x128x64xf32, #tpu.memory_space<hbm>>
    %dma_start3A_638 = tpu.memref_squeeze %dma_start3A_637 : memref<1x128x64xf32, #tpu.memory_space<hbm>> -> memref<128x64xf32, #tpu.memory_space<hbm>>
    tpu.enqueue_dma source(%arg7 : memref<128x64xf32, #tpu.memory_space<vmem>>) target(%dma_start3A_638 : memref<128x64xf32, #tpu.memory_space<hbm>>) target_semaphore(%arg15 : memref<!tpu.dma_semaphore, #tpu.memory_space<semaphore_mem>>)
    %dma_wait3A_639 = arith.constant 21 : i32
    %dma_wait3A_640 = arith.constant 0 : i32
    %dma_wait3A_641 = tpu.memref_slice %arg4[%dma_wait3A_639, %mul3A_2, %dma_wait3A_640] : memref<50x4096x64xf32, #tpu.memory_space<hbm>> -> memref<1x128x64xf32, #tpu.memory_space<hbm>>
    %dma_wait3A_642 = tpu.memref_squeeze %dma_wait3A_641 : memref<1x128x64xf32, #tpu.memory_space<hbm>> -> memref<128x64xf32, #tpu.memory_space<hbm>>
    %dma_wait3A_643 = arith.constant 0 : i32
    %dma_wait3A_644 = tpu.memref_slice %arg4[%dma_wait3A_639, %mul3A_2, %dma_wait3A_643] : memref<50x4096x64xf32, #tpu.memory_space<hbm>> -> memref<1x128x64xf32, #tpu.memory_space<hbm>>
    %dma_wait3A_645 = tpu.memref_squeeze %dma_wait3A_644 : memref<1x128x64xf32, #tpu.memory_space<hbm>> -> memref<128x64xf32, #tpu.memory_space<hbm>>
    tpu.wait_dma2 semaphore(%arg15 : memref<!tpu.dma_semaphore, #tpu.memory_space<semaphore_mem>>) src(%arg7 : memref<128x64xf32, #tpu.memory_space<vmem>>) dst(%dma_wait3A_645 : memref<128x64xf32, #tpu.memory_space<hbm>>)
    %dma_start3A_646 = arith.constant 25 : i32
    %dma_start3A_647 = arith.constant 0 : i32
    %dma_start3A_648 = tpu.memref_slice %arg5[%dma_start3A_646, %dma_start3A_647] : memref<50x128xi32, #tpu.memory_space<vmem>> -> memref<1x128xi32, #tpu.memory_space<vmem>>
    %dma_start3A_649 = tpu.memref_squeeze %dma_start3A_648 : memref<1x128xi32, #tpu.memory_space<vmem>> -> memref<128xi32, #tpu.memory_space<vmem>>
    %dma_start3A_650 = arith.constant 0 : i32
    %dma_start3A_651 = arith.constant 0 : i32
    %dma_start3A_652 = tpu.memref_slice %arg3[%dma_start3A_650, %dma_start3A_651] : memref<100000x64xf32, #tpu.memory_space<hbm>> -> memref<100000x64xf32, #tpu.memory_space<hbm>>
    tpu.enqueue_indirect_dma source(%dma_start3A_652 : memref<100000x64xf32, #tpu.memory_space<hbm>>) target(%arg7 : memref<128x64xf32, #tpu.memory_space<vmem>>) offsets(%dma_start3A_649 : memref<128xi32, #tpu.memory_space<vmem>>) semaphore(%arg11 : memref<!tpu.dma_semaphore, #tpu.memory_space<semaphore_mem>>)
    %dma_wait3A_653 = arith.constant 22 : i32
    %dma_wait3A_654 = arith.constant 0 : i32
    %dma_wait3A_655 = tpu.memref_slice %arg5[%dma_wait3A_653, %dma_wait3A_654] : memref<50x128xi32, #tpu.memory_space<vmem>> -> memref<1x128xi32, #tpu.memory_space<vmem>>
    %dma_wait3A_656 = tpu.memref_squeeze %dma_wait3A_655 : memref<1x128xi32, #tpu.memory_space<vmem>> -> memref<128xi32, #tpu.memory_space<vmem>>
    %dma_wait3A_657 = arith.constant 0 : i32
    %dma_wait3A_658 = arith.constant 0 : i32
    %dma_wait3A_659 = tpu.memref_slice %arg3[%dma_wait3A_657, %dma_wait3A_658] : memref<100000x64xf32, #tpu.memory_space<hbm>> -> memref<100000x64xf32, #tpu.memory_space<hbm>>
    tpu.wait_indirect_dma semaphore(%arg12 : memref<!tpu.dma_semaphore, #tpu.memory_space<semaphore_mem>>) src(%dma_wait3A_659 : memref<100000x64xf32, #tpu.memory_space<hbm>>) dst(%arg8 : memref<128x64xf32, #tpu.memory_space<vmem>>)
    %dma_start3A_660 = arith.constant 22 : i32
    %dma_start3A_661 = arith.constant 0 : i32
    %dma_start3A_662 = tpu.memref_slice %arg4[%dma_start3A_660, %mul3A_2, %dma_start3A_661] : memref<50x4096x64xf32, #tpu.memory_space<hbm>> -> memref<1x128x64xf32, #tpu.memory_space<hbm>>
    %dma_start3A_663 = tpu.memref_squeeze %dma_start3A_662 : memref<1x128x64xf32, #tpu.memory_space<hbm>> -> memref<128x64xf32, #tpu.memory_space<hbm>>
    %dma_start3A_664 = arith.constant 0 : i32
    %dma_start3A_665 = tpu.memref_slice %arg4[%dma_start3A_660, %mul3A_2, %dma_start3A_664] : memref<50x4096x64xf32, #tpu.memory_space<hbm>> -> memref<1x128x64xf32, #tpu.memory_space<hbm>>
    %dma_start3A_666 = tpu.memref_squeeze %dma_start3A_665 : memref<1x128x64xf32, #tpu.memory_space<hbm>> -> memref<128x64xf32, #tpu.memory_space<hbm>>
    tpu.enqueue_dma source(%arg8 : memref<128x64xf32, #tpu.memory_space<vmem>>) target(%dma_start3A_666 : memref<128x64xf32, #tpu.memory_space<hbm>>) target_semaphore(%arg16 : memref<!tpu.dma_semaphore, #tpu.memory_space<semaphore_mem>>)
    %dma_wait3A_667 = arith.constant 22 : i32
    %dma_wait3A_668 = arith.constant 0 : i32
    %dma_wait3A_669 = tpu.memref_slice %arg4[%dma_wait3A_667, %mul3A_2, %dma_wait3A_668] : memref<50x4096x64xf32, #tpu.memory_space<hbm>> -> memref<1x128x64xf32, #tpu.memory_space<hbm>>
    %dma_wait3A_670 = tpu.memref_squeeze %dma_wait3A_669 : memref<1x128x64xf32, #tpu.memory_space<hbm>> -> memref<128x64xf32, #tpu.memory_space<hbm>>
    %dma_wait3A_671 = arith.constant 0 : i32
    %dma_wait3A_672 = tpu.memref_slice %arg4[%dma_wait3A_667, %mul3A_2, %dma_wait3A_671] : memref<50x4096x64xf32, #tpu.memory_space<hbm>> -> memref<1x128x64xf32, #tpu.memory_space<hbm>>
    %dma_wait3A_673 = tpu.memref_squeeze %dma_wait3A_672 : memref<1x128x64xf32, #tpu.memory_space<hbm>> -> memref<128x64xf32, #tpu.memory_space<hbm>>
    tpu.wait_dma2 semaphore(%arg16 : memref<!tpu.dma_semaphore, #tpu.memory_space<semaphore_mem>>) src(%arg8 : memref<128x64xf32, #tpu.memory_space<vmem>>) dst(%dma_wait3A_673 : memref<128x64xf32, #tpu.memory_space<hbm>>)
    %dma_start3A_674 = arith.constant 26 : i32
    %dma_start3A_675 = arith.constant 0 : i32
    %dma_start3A_676 = tpu.memref_slice %arg5[%dma_start3A_674, %dma_start3A_675] : memref<50x128xi32, #tpu.memory_space<vmem>> -> memref<1x128xi32, #tpu.memory_space<vmem>>
    %dma_start3A_677 = tpu.memref_squeeze %dma_start3A_676 : memref<1x128xi32, #tpu.memory_space<vmem>> -> memref<128xi32, #tpu.memory_space<vmem>>
    %dma_start3A_678 = arith.constant 0 : i32
    %dma_start3A_679 = arith.constant 0 : i32
    %dma_start3A_680 = tpu.memref_slice %arg3[%dma_start3A_678, %dma_start3A_679] : memref<100000x64xf32, #tpu.memory_space<hbm>> -> memref<100000x64xf32, #tpu.memory_space<hbm>>
    tpu.enqueue_indirect_dma source(%dma_start3A_680 : memref<100000x64xf32, #tpu.memory_space<hbm>>) target(%arg8 : memref<128x64xf32, #tpu.memory_space<vmem>>) offsets(%dma_start3A_677 : memref<128xi32, #tpu.memory_space<vmem>>) semaphore(%arg12 : memref<!tpu.dma_semaphore, #tpu.memory_space<semaphore_mem>>)
    %dma_wait3A_681 = arith.constant 23 : i32
    %dma_wait3A_682 = arith.constant 0 : i32
    %dma_wait3A_683 = tpu.memref_slice %arg5[%dma_wait3A_681, %dma_wait3A_682] : memref<50x128xi32, #tpu.memory_space<vmem>> -> memref<1x128xi32, #tpu.memory_space<vmem>>
    %dma_wait3A_684 = tpu.memref_squeeze %dma_wait3A_683 : memref<1x128xi32, #tpu.memory_space<vmem>> -> memref<128xi32, #tpu.memory_space<vmem>>
    %dma_wait3A_685 = arith.constant 0 : i32
    %dma_wait3A_686 = arith.constant 0 : i32
    %dma_wait3A_687 = tpu.memref_slice %arg3[%dma_wait3A_685, %dma_wait3A_686] : memref<100000x64xf32, #tpu.memory_space<hbm>> -> memref<100000x64xf32, #tpu.memory_space<hbm>>
    tpu.wait_indirect_dma semaphore(%arg13 : memref<!tpu.dma_semaphore, #tpu.memory_space<semaphore_mem>>) src(%dma_wait3A_687 : memref<100000x64xf32, #tpu.memory_space<hbm>>) dst(%arg9 : memref<128x64xf32, #tpu.memory_space<vmem>>)
    %dma_start3A_688 = arith.constant 23 : i32
    %dma_start3A_689 = arith.constant 0 : i32
    %dma_start3A_690 = tpu.memref_slice %arg4[%dma_start3A_688, %mul3A_2, %dma_start3A_689] : memref<50x4096x64xf32, #tpu.memory_space<hbm>> -> memref<1x128x64xf32, #tpu.memory_space<hbm>>
    %dma_start3A_691 = tpu.memref_squeeze %dma_start3A_690 : memref<1x128x64xf32, #tpu.memory_space<hbm>> -> memref<128x64xf32, #tpu.memory_space<hbm>>
    %dma_start3A_692 = arith.constant 0 : i32
    %dma_start3A_693 = tpu.memref_slice %arg4[%dma_start3A_688, %mul3A_2, %dma_start3A_692] : memref<50x4096x64xf32, #tpu.memory_space<hbm>> -> memref<1x128x64xf32, #tpu.memory_space<hbm>>
    %dma_start3A_694 = tpu.memref_squeeze %dma_start3A_693 : memref<1x128x64xf32, #tpu.memory_space<hbm>> -> memref<128x64xf32, #tpu.memory_space<hbm>>
    tpu.enqueue_dma source(%arg9 : memref<128x64xf32, #tpu.memory_space<vmem>>) target(%dma_start3A_694 : memref<128x64xf32, #tpu.memory_space<hbm>>) target_semaphore(%arg17 : memref<!tpu.dma_semaphore, #tpu.memory_space<semaphore_mem>>)
    %dma_wait3A_695 = arith.constant 23 : i32
    %dma_wait3A_696 = arith.constant 0 : i32
    %dma_wait3A_697 = tpu.memref_slice %arg4[%dma_wait3A_695, %mul3A_2, %dma_wait3A_696] : memref<50x4096x64xf32, #tpu.memory_space<hbm>> -> memref<1x128x64xf32, #tpu.memory_space<hbm>>
    %dma_wait3A_698 = tpu.memref_squeeze %dma_wait3A_697 : memref<1x128x64xf32, #tpu.memory_space<hbm>> -> memref<128x64xf32, #tpu.memory_space<hbm>>
    %dma_wait3A_699 = arith.constant 0 : i32
    %dma_wait3A_700 = tpu.memref_slice %arg4[%dma_wait3A_695, %mul3A_2, %dma_wait3A_699] : memref<50x4096x64xf32, #tpu.memory_space<hbm>> -> memref<1x128x64xf32, #tpu.memory_space<hbm>>
    %dma_wait3A_701 = tpu.memref_squeeze %dma_wait3A_700 : memref<1x128x64xf32, #tpu.memory_space<hbm>> -> memref<128x64xf32, #tpu.memory_space<hbm>>
    tpu.wait_dma2 semaphore(%arg17 : memref<!tpu.dma_semaphore, #tpu.memory_space<semaphore_mem>>) src(%arg9 : memref<128x64xf32, #tpu.memory_space<vmem>>) dst(%dma_wait3A_701 : memref<128x64xf32, #tpu.memory_space<hbm>>)
    %dma_start3A_702 = arith.constant 27 : i32
    %dma_start3A_703 = arith.constant 0 : i32
    %dma_start3A_704 = tpu.memref_slice %arg5[%dma_start3A_702, %dma_start3A_703] : memref<50x128xi32, #tpu.memory_space<vmem>> -> memref<1x128xi32, #tpu.memory_space<vmem>>
    %dma_start3A_705 = tpu.memref_squeeze %dma_start3A_704 : memref<1x128xi32, #tpu.memory_space<vmem>> -> memref<128xi32, #tpu.memory_space<vmem>>
    %dma_start3A_706 = arith.constant 0 : i32
    %dma_start3A_707 = arith.constant 0 : i32
    %dma_start3A_708 = tpu.memref_slice %arg3[%dma_start3A_706, %dma_start3A_707] : memref<100000x64xf32, #tpu.memory_space<hbm>> -> memref<100000x64xf32, #tpu.memory_space<hbm>>
    tpu.enqueue_indirect_dma source(%dma_start3A_708 : memref<100000x64xf32, #tpu.memory_space<hbm>>) target(%arg9 : memref<128x64xf32, #tpu.memory_space<vmem>>) offsets(%dma_start3A_705 : memref<128xi32, #tpu.memory_space<vmem>>) semaphore(%arg13 : memref<!tpu.dma_semaphore, #tpu.memory_space<semaphore_mem>>)
    %dma_wait3A_709 = arith.constant 24 : i32
    %dma_wait3A_710 = arith.constant 0 : i32
    %dma_wait3A_711 = tpu.memref_slice %arg5[%dma_wait3A_709, %dma_wait3A_710] : memref<50x128xi32, #tpu.memory_space<vmem>> -> memref<1x128xi32, #tpu.memory_space<vmem>>
    %dma_wait3A_712 = tpu.memref_squeeze %dma_wait3A_711 : memref<1x128xi32, #tpu.memory_space<vmem>> -> memref<128xi32, #tpu.memory_space<vmem>>
    %dma_wait3A_713 = arith.constant 0 : i32
    %dma_wait3A_714 = arith.constant 0 : i32
    %dma_wait3A_715 = tpu.memref_slice %arg3[%dma_wait3A_713, %dma_wait3A_714] : memref<100000x64xf32, #tpu.memory_space<hbm>> -> memref<100000x64xf32, #tpu.memory_space<hbm>>
    tpu.wait_indirect_dma semaphore(%arg10 : memref<!tpu.dma_semaphore, #tpu.memory_space<semaphore_mem>>) src(%dma_wait3A_715 : memref<100000x64xf32, #tpu.memory_space<hbm>>) dst(%arg6 : memref<128x64xf32, #tpu.memory_space<vmem>>)
    %dma_start3A_716 = arith.constant 24 : i32
    %dma_start3A_717 = arith.constant 0 : i32
    %dma_start3A_718 = tpu.memref_slice %arg4[%dma_start3A_716, %mul3A_2, %dma_start3A_717] : memref<50x4096x64xf32, #tpu.memory_space<hbm>> -> memref<1x128x64xf32, #tpu.memory_space<hbm>>
    %dma_start3A_719 = tpu.memref_squeeze %dma_start3A_718 : memref<1x128x64xf32, #tpu.memory_space<hbm>> -> memref<128x64xf32, #tpu.memory_space<hbm>>
    %dma_start3A_720 = arith.constant 0 : i32
    %dma_start3A_721 = tpu.memref_slice %arg4[%dma_start3A_716, %mul3A_2, %dma_start3A_720] : memref<50x4096x64xf32, #tpu.memory_space<hbm>> -> memref<1x128x64xf32, #tpu.memory_space<hbm>>
    %dma_start3A_722 = tpu.memref_squeeze %dma_start3A_721 : memref<1x128x64xf32, #tpu.memory_space<hbm>> -> memref<128x64xf32, #tpu.memory_space<hbm>>
    tpu.enqueue_dma source(%arg6 : memref<128x64xf32, #tpu.memory_space<vmem>>) target(%dma_start3A_722 : memref<128x64xf32, #tpu.memory_space<hbm>>) target_semaphore(%arg14 : memref<!tpu.dma_semaphore, #tpu.memory_space<semaphore_mem>>)
    %dma_wait3A_723 = arith.constant 24 : i32
    %dma_wait3A_724 = arith.constant 0 : i32
    %dma_wait3A_725 = tpu.memref_slice %arg4[%dma_wait3A_723, %mul3A_2, %dma_wait3A_724] : memref<50x4096x64xf32, #tpu.memory_space<hbm>> -> memref<1x128x64xf32, #tpu.memory_space<hbm>>
    %dma_wait3A_726 = tpu.memref_squeeze %dma_wait3A_725 : memref<1x128x64xf32, #tpu.memory_space<hbm>> -> memref<128x64xf32, #tpu.memory_space<hbm>>
    %dma_wait3A_727 = arith.constant 0 : i32
    %dma_wait3A_728 = tpu.memref_slice %arg4[%dma_wait3A_723, %mul3A_2, %dma_wait3A_727] : memref<50x4096x64xf32, #tpu.memory_space<hbm>> -> memref<1x128x64xf32, #tpu.memory_space<hbm>>
    %dma_wait3A_729 = tpu.memref_squeeze %dma_wait3A_728 : memref<1x128x64xf32, #tpu.memory_space<hbm>> -> memref<128x64xf32, #tpu.memory_space<hbm>>
    tpu.wait_dma2 semaphore(%arg14 : memref<!tpu.dma_semaphore, #tpu.memory_space<semaphore_mem>>) src(%arg6 : memref<128x64xf32, #tpu.memory_space<vmem>>) dst(%dma_wait3A_729 : memref<128x64xf32, #tpu.memory_space<hbm>>)
    %dma_start3A_730 = arith.constant 28 : i32
    %dma_start3A_731 = arith.constant 0 : i32
    %dma_start3A_732 = tpu.memref_slice %arg5[%dma_start3A_730, %dma_start3A_731] : memref<50x128xi32, #tpu.memory_space<vmem>> -> memref<1x128xi32, #tpu.memory_space<vmem>>
    %dma_start3A_733 = tpu.memref_squeeze %dma_start3A_732 : memref<1x128xi32, #tpu.memory_space<vmem>> -> memref<128xi32, #tpu.memory_space<vmem>>
    %dma_start3A_734 = arith.constant 0 : i32
    %dma_start3A_735 = arith.constant 0 : i32
    %dma_start3A_736 = tpu.memref_slice %arg3[%dma_start3A_734, %dma_start3A_735] : memref<100000x64xf32, #tpu.memory_space<hbm>> -> memref<100000x64xf32, #tpu.memory_space<hbm>>
    tpu.enqueue_indirect_dma source(%dma_start3A_736 : memref<100000x64xf32, #tpu.memory_space<hbm>>) target(%arg6 : memref<128x64xf32, #tpu.memory_space<vmem>>) offsets(%dma_start3A_733 : memref<128xi32, #tpu.memory_space<vmem>>) semaphore(%arg10 : memref<!tpu.dma_semaphore, #tpu.memory_space<semaphore_mem>>)
    %dma_wait3A_737 = arith.constant 25 : i32
    %dma_wait3A_738 = arith.constant 0 : i32
    %dma_wait3A_739 = tpu.memref_slice %arg5[%dma_wait3A_737, %dma_wait3A_738] : memref<50x128xi32, #tpu.memory_space<vmem>> -> memref<1x128xi32, #tpu.memory_space<vmem>>
    %dma_wait3A_740 = tpu.memref_squeeze %dma_wait3A_739 : memref<1x128xi32, #tpu.memory_space<vmem>> -> memref<128xi32, #tpu.memory_space<vmem>>
    %dma_wait3A_741 = arith.constant 0 : i32
    %dma_wait3A_742 = arith.constant 0 : i32
    %dma_wait3A_743 = tpu.memref_slice %arg3[%dma_wait3A_741, %dma_wait3A_742] : memref<100000x64xf32, #tpu.memory_space<hbm>> -> memref<100000x64xf32, #tpu.memory_space<hbm>>
    tpu.wait_indirect_dma semaphore(%arg11 : memref<!tpu.dma_semaphore, #tpu.memory_space<semaphore_mem>>) src(%dma_wait3A_743 : memref<100000x64xf32, #tpu.memory_space<hbm>>) dst(%arg7 : memref<128x64xf32, #tpu.memory_space<vmem>>)
    %dma_start3A_744 = arith.constant 25 : i32
    %dma_start3A_745 = arith.constant 0 : i32
    %dma_start3A_746 = tpu.memref_slice %arg4[%dma_start3A_744, %mul3A_2, %dma_start3A_745] : memref<50x4096x64xf32, #tpu.memory_space<hbm>> -> memref<1x128x64xf32, #tpu.memory_space<hbm>>
    %dma_start3A_747 = tpu.memref_squeeze %dma_start3A_746 : memref<1x128x64xf32, #tpu.memory_space<hbm>> -> memref<128x64xf32, #tpu.memory_space<hbm>>
    %dma_start3A_748 = arith.constant 0 : i32
    %dma_start3A_749 = tpu.memref_slice %arg4[%dma_start3A_744, %mul3A_2, %dma_start3A_748] : memref<50x4096x64xf32, #tpu.memory_space<hbm>> -> memref<1x128x64xf32, #tpu.memory_space<hbm>>
    %dma_start3A_750 = tpu.memref_squeeze %dma_start3A_749 : memref<1x128x64xf32, #tpu.memory_space<hbm>> -> memref<128x64xf32, #tpu.memory_space<hbm>>
    tpu.enqueue_dma source(%arg7 : memref<128x64xf32, #tpu.memory_space<vmem>>) target(%dma_start3A_750 : memref<128x64xf32, #tpu.memory_space<hbm>>) target_semaphore(%arg15 : memref<!tpu.dma_semaphore, #tpu.memory_space<semaphore_mem>>)
    %dma_wait3A_751 = arith.constant 25 : i32
    %dma_wait3A_752 = arith.constant 0 : i32
    %dma_wait3A_753 = tpu.memref_slice %arg4[%dma_wait3A_751, %mul3A_2, %dma_wait3A_752] : memref<50x4096x64xf32, #tpu.memory_space<hbm>> -> memref<1x128x64xf32, #tpu.memory_space<hbm>>
    %dma_wait3A_754 = tpu.memref_squeeze %dma_wait3A_753 : memref<1x128x64xf32, #tpu.memory_space<hbm>> -> memref<128x64xf32, #tpu.memory_space<hbm>>
    %dma_wait3A_755 = arith.constant 0 : i32
    %dma_wait3A_756 = tpu.memref_slice %arg4[%dma_wait3A_751, %mul3A_2, %dma_wait3A_755] : memref<50x4096x64xf32, #tpu.memory_space<hbm>> -> memref<1x128x64xf32, #tpu.memory_space<hbm>>
    %dma_wait3A_757 = tpu.memref_squeeze %dma_wait3A_756 : memref<1x128x64xf32, #tpu.memory_space<hbm>> -> memref<128x64xf32, #tpu.memory_space<hbm>>
    tpu.wait_dma2 semaphore(%arg15 : memref<!tpu.dma_semaphore, #tpu.memory_space<semaphore_mem>>) src(%arg7 : memref<128x64xf32, #tpu.memory_space<vmem>>) dst(%dma_wait3A_757 : memref<128x64xf32, #tpu.memory_space<hbm>>)
    %dma_start3A_758 = arith.constant 29 : i32
    %dma_start3A_759 = arith.constant 0 : i32
    %dma_start3A_760 = tpu.memref_slice %arg5[%dma_start3A_758, %dma_start3A_759] : memref<50x128xi32, #tpu.memory_space<vmem>> -> memref<1x128xi32, #tpu.memory_space<vmem>>
    %dma_start3A_761 = tpu.memref_squeeze %dma_start3A_760 : memref<1x128xi32, #tpu.memory_space<vmem>> -> memref<128xi32, #tpu.memory_space<vmem>>
    %dma_start3A_762 = arith.constant 0 : i32
    %dma_start3A_763 = arith.constant 0 : i32
    %dma_start3A_764 = tpu.memref_slice %arg3[%dma_start3A_762, %dma_start3A_763] : memref<100000x64xf32, #tpu.memory_space<hbm>> -> memref<100000x64xf32, #tpu.memory_space<hbm>>
    tpu.enqueue_indirect_dma source(%dma_start3A_764 : memref<100000x64xf32, #tpu.memory_space<hbm>>) target(%arg7 : memref<128x64xf32, #tpu.memory_space<vmem>>) offsets(%dma_start3A_761 : memref<128xi32, #tpu.memory_space<vmem>>) semaphore(%arg11 : memref<!tpu.dma_semaphore, #tpu.memory_space<semaphore_mem>>)
    %dma_wait3A_765 = arith.constant 26 : i32
    %dma_wait3A_766 = arith.constant 0 : i32
    %dma_wait3A_767 = tpu.memref_slice %arg5[%dma_wait3A_765, %dma_wait3A_766] : memref<50x128xi32, #tpu.memory_space<vmem>> -> memref<1x128xi32, #tpu.memory_space<vmem>>
    %dma_wait3A_768 = tpu.memref_squeeze %dma_wait3A_767 : memref<1x128xi32, #tpu.memory_space<vmem>> -> memref<128xi32, #tpu.memory_space<vmem>>
    %dma_wait3A_769 = arith.constant 0 : i32
    %dma_wait3A_770 = arith.constant 0 : i32
    %dma_wait3A_771 = tpu.memref_slice %arg3[%dma_wait3A_769, %dma_wait3A_770] : memref<100000x64xf32, #tpu.memory_space<hbm>> -> memref<100000x64xf32, #tpu.memory_space<hbm>>
    tpu.wait_indirect_dma semaphore(%arg12 : memref<!tpu.dma_semaphore, #tpu.memory_space<semaphore_mem>>) src(%dma_wait3A_771 : memref<100000x64xf32, #tpu.memory_space<hbm>>) dst(%arg8 : memref<128x64xf32, #tpu.memory_space<vmem>>)
    %dma_start3A_772 = arith.constant 26 : i32
    %dma_start3A_773 = arith.constant 0 : i32
    %dma_start3A_774 = tpu.memref_slice %arg4[%dma_start3A_772, %mul3A_2, %dma_start3A_773] : memref<50x4096x64xf32, #tpu.memory_space<hbm>> -> memref<1x128x64xf32, #tpu.memory_space<hbm>>
    %dma_start3A_775 = tpu.memref_squeeze %dma_start3A_774 : memref<1x128x64xf32, #tpu.memory_space<hbm>> -> memref<128x64xf32, #tpu.memory_space<hbm>>
    %dma_start3A_776 = arith.constant 0 : i32
    %dma_start3A_777 = tpu.memref_slice %arg4[%dma_start3A_772, %mul3A_2, %dma_start3A_776] : memref<50x4096x64xf32, #tpu.memory_space<hbm>> -> memref<1x128x64xf32, #tpu.memory_space<hbm>>
    %dma_start3A_778 = tpu.memref_squeeze %dma_start3A_777 : memref<1x128x64xf32, #tpu.memory_space<hbm>> -> memref<128x64xf32, #tpu.memory_space<hbm>>
    tpu.enqueue_dma source(%arg8 : memref<128x64xf32, #tpu.memory_space<vmem>>) target(%dma_start3A_778 : memref<128x64xf32, #tpu.memory_space<hbm>>) target_semaphore(%arg16 : memref<!tpu.dma_semaphore, #tpu.memory_space<semaphore_mem>>)
    %dma_wait3A_779 = arith.constant 26 : i32
    %dma_wait3A_780 = arith.constant 0 : i32
    %dma_wait3A_781 = tpu.memref_slice %arg4[%dma_wait3A_779, %mul3A_2, %dma_wait3A_780] : memref<50x4096x64xf32, #tpu.memory_space<hbm>> -> memref<1x128x64xf32, #tpu.memory_space<hbm>>
    %dma_wait3A_782 = tpu.memref_squeeze %dma_wait3A_781 : memref<1x128x64xf32, #tpu.memory_space<hbm>> -> memref<128x64xf32, #tpu.memory_space<hbm>>
    %dma_wait3A_783 = arith.constant 0 : i32
    %dma_wait3A_784 = tpu.memref_slice %arg4[%dma_wait3A_779, %mul3A_2, %dma_wait3A_783] : memref<50x4096x64xf32, #tpu.memory_space<hbm>> -> memref<1x128x64xf32, #tpu.memory_space<hbm>>
    %dma_wait3A_785 = tpu.memref_squeeze %dma_wait3A_784 : memref<1x128x64xf32, #tpu.memory_space<hbm>> -> memref<128x64xf32, #tpu.memory_space<hbm>>
    tpu.wait_dma2 semaphore(%arg16 : memref<!tpu.dma_semaphore, #tpu.memory_space<semaphore_mem>>) src(%arg8 : memref<128x64xf32, #tpu.memory_space<vmem>>) dst(%dma_wait3A_785 : memref<128x64xf32, #tpu.memory_space<hbm>>)
    %dma_start3A_786 = arith.constant 30 : i32
    %dma_start3A_787 = arith.constant 0 : i32
    %dma_start3A_788 = tpu.memref_slice %arg5[%dma_start3A_786, %dma_start3A_787] : memref<50x128xi32, #tpu.memory_space<vmem>> -> memref<1x128xi32, #tpu.memory_space<vmem>>
    %dma_start3A_789 = tpu.memref_squeeze %dma_start3A_788 : memref<1x128xi32, #tpu.memory_space<vmem>> -> memref<128xi32, #tpu.memory_space<vmem>>
    %dma_start3A_790 = arith.constant 0 : i32
    %dma_start3A_791 = arith.constant 0 : i32
    %dma_start3A_792 = tpu.memref_slice %arg3[%dma_start3A_790, %dma_start3A_791] : memref<100000x64xf32, #tpu.memory_space<hbm>> -> memref<100000x64xf32, #tpu.memory_space<hbm>>
    tpu.enqueue_indirect_dma source(%dma_start3A_792 : memref<100000x64xf32, #tpu.memory_space<hbm>>) target(%arg8 : memref<128x64xf32, #tpu.memory_space<vmem>>) offsets(%dma_start3A_789 : memref<128xi32, #tpu.memory_space<vmem>>) semaphore(%arg12 : memref<!tpu.dma_semaphore, #tpu.memory_space<semaphore_mem>>)
    %dma_wait3A_793 = arith.constant 27 : i32
    %dma_wait3A_794 = arith.constant 0 : i32
    %dma_wait3A_795 = tpu.memref_slice %arg5[%dma_wait3A_793, %dma_wait3A_794] : memref<50x128xi32, #tpu.memory_space<vmem>> -> memref<1x128xi32, #tpu.memory_space<vmem>>
    %dma_wait3A_796 = tpu.memref_squeeze %dma_wait3A_795 : memref<1x128xi32, #tpu.memory_space<vmem>> -> memref<128xi32, #tpu.memory_space<vmem>>
    %dma_wait3A_797 = arith.constant 0 : i32
    %dma_wait3A_798 = arith.constant 0 : i32
    %dma_wait3A_799 = tpu.memref_slice %arg3[%dma_wait3A_797, %dma_wait3A_798] : memref<100000x64xf32, #tpu.memory_space<hbm>> -> memref<100000x64xf32, #tpu.memory_space<hbm>>
    tpu.wait_indirect_dma semaphore(%arg13 : memref<!tpu.dma_semaphore, #tpu.memory_space<semaphore_mem>>) src(%dma_wait3A_799 : memref<100000x64xf32, #tpu.memory_space<hbm>>) dst(%arg9 : memref<128x64xf32, #tpu.memory_space<vmem>>)
    %dma_start3A_800 = arith.constant 27 : i32
    %dma_start3A_801 = arith.constant 0 : i32
    %dma_start3A_802 = tpu.memref_slice %arg4[%dma_start3A_800, %mul3A_2, %dma_start3A_801] : memref<50x4096x64xf32, #tpu.memory_space<hbm>> -> memref<1x128x64xf32, #tpu.memory_space<hbm>>
    %dma_start3A_803 = tpu.memref_squeeze %dma_start3A_802 : memref<1x128x64xf32, #tpu.memory_space<hbm>> -> memref<128x64xf32, #tpu.memory_space<hbm>>
    %dma_start3A_804 = arith.constant 0 : i32
    %dma_start3A_805 = tpu.memref_slice %arg4[%dma_start3A_800, %mul3A_2, %dma_start3A_804] : memref<50x4096x64xf32, #tpu.memory_space<hbm>> -> memref<1x128x64xf32, #tpu.memory_space<hbm>>
    %dma_start3A_806 = tpu.memref_squeeze %dma_start3A_805 : memref<1x128x64xf32, #tpu.memory_space<hbm>> -> memref<128x64xf32, #tpu.memory_space<hbm>>
    tpu.enqueue_dma source(%arg9 : memref<128x64xf32, #tpu.memory_space<vmem>>) target(%dma_start3A_806 : memref<128x64xf32, #tpu.memory_space<hbm>>) target_semaphore(%arg17 : memref<!tpu.dma_semaphore, #tpu.memory_space<semaphore_mem>>)
    %dma_wait3A_807 = arith.constant 27 : i32
    %dma_wait3A_808 = arith.constant 0 : i32
    %dma_wait3A_809 = tpu.memref_slice %arg4[%dma_wait3A_807, %mul3A_2, %dma_wait3A_808] : memref<50x4096x64xf32, #tpu.memory_space<hbm>> -> memref<1x128x64xf32, #tpu.memory_space<hbm>>
    %dma_wait3A_810 = tpu.memref_squeeze %dma_wait3A_809 : memref<1x128x64xf32, #tpu.memory_space<hbm>> -> memref<128x64xf32, #tpu.memory_space<hbm>>
    %dma_wait3A_811 = arith.constant 0 : i32
    %dma_wait3A_812 = tpu.memref_slice %arg4[%dma_wait3A_807, %mul3A_2, %dma_wait3A_811] : memref<50x4096x64xf32, #tpu.memory_space<hbm>> -> memref<1x128x64xf32, #tpu.memory_space<hbm>>
    %dma_wait3A_813 = tpu.memref_squeeze %dma_wait3A_812 : memref<1x128x64xf32, #tpu.memory_space<hbm>> -> memref<128x64xf32, #tpu.memory_space<hbm>>
    tpu.wait_dma2 semaphore(%arg17 : memref<!tpu.dma_semaphore, #tpu.memory_space<semaphore_mem>>) src(%arg9 : memref<128x64xf32, #tpu.memory_space<vmem>>) dst(%dma_wait3A_813 : memref<128x64xf32, #tpu.memory_space<hbm>>)
    %dma_start3A_814 = arith.constant 31 : i32
    %dma_start3A_815 = arith.constant 0 : i32
    %dma_start3A_816 = tpu.memref_slice %arg5[%dma_start3A_814, %dma_start3A_815] : memref<50x128xi32, #tpu.memory_space<vmem>> -> memref<1x128xi32, #tpu.memory_space<vmem>>
    %dma_start3A_817 = tpu.memref_squeeze %dma_start3A_816 : memref<1x128xi32, #tpu.memory_space<vmem>> -> memref<128xi32, #tpu.memory_space<vmem>>
    %dma_start3A_818 = arith.constant 0 : i32
    %dma_start3A_819 = arith.constant 0 : i32
    %dma_start3A_820 = tpu.memref_slice %arg3[%dma_start3A_818, %dma_start3A_819] : memref<100000x64xf32, #tpu.memory_space<hbm>> -> memref<100000x64xf32, #tpu.memory_space<hbm>>
    tpu.enqueue_indirect_dma source(%dma_start3A_820 : memref<100000x64xf32, #tpu.memory_space<hbm>>) target(%arg9 : memref<128x64xf32, #tpu.memory_space<vmem>>) offsets(%dma_start3A_817 : memref<128xi32, #tpu.memory_space<vmem>>) semaphore(%arg13 : memref<!tpu.dma_semaphore, #tpu.memory_space<semaphore_mem>>)
    %dma_wait3A_821 = arith.constant 28 : i32
    %dma_wait3A_822 = arith.constant 0 : i32
    %dma_wait3A_823 = tpu.memref_slice %arg5[%dma_wait3A_821, %dma_wait3A_822] : memref<50x128xi32, #tpu.memory_space<vmem>> -> memref<1x128xi32, #tpu.memory_space<vmem>>
    %dma_wait3A_824 = tpu.memref_squeeze %dma_wait3A_823 : memref<1x128xi32, #tpu.memory_space<vmem>> -> memref<128xi32, #tpu.memory_space<vmem>>
    %dma_wait3A_825 = arith.constant 0 : i32
    %dma_wait3A_826 = arith.constant 0 : i32
    %dma_wait3A_827 = tpu.memref_slice %arg3[%dma_wait3A_825, %dma_wait3A_826] : memref<100000x64xf32, #tpu.memory_space<hbm>> -> memref<100000x64xf32, #tpu.memory_space<hbm>>
    tpu.wait_indirect_dma semaphore(%arg10 : memref<!tpu.dma_semaphore, #tpu.memory_space<semaphore_mem>>) src(%dma_wait3A_827 : memref<100000x64xf32, #tpu.memory_space<hbm>>) dst(%arg6 : memref<128x64xf32, #tpu.memory_space<vmem>>)
    %dma_start3A_828 = arith.constant 28 : i32
    %dma_start3A_829 = arith.constant 0 : i32
    %dma_start3A_830 = tpu.memref_slice %arg4[%dma_start3A_828, %mul3A_2, %dma_start3A_829] : memref<50x4096x64xf32, #tpu.memory_space<hbm>> -> memref<1x128x64xf32, #tpu.memory_space<hbm>>
    %dma_start3A_831 = tpu.memref_squeeze %dma_start3A_830 : memref<1x128x64xf32, #tpu.memory_space<hbm>> -> memref<128x64xf32, #tpu.memory_space<hbm>>
    %dma_start3A_832 = arith.constant 0 : i32
    %dma_start3A_833 = tpu.memref_slice %arg4[%dma_start3A_828, %mul3A_2, %dma_start3A_832] : memref<50x4096x64xf32, #tpu.memory_space<hbm>> -> memref<1x128x64xf32, #tpu.memory_space<hbm>>
    %dma_start3A_834 = tpu.memref_squeeze %dma_start3A_833 : memref<1x128x64xf32, #tpu.memory_space<hbm>> -> memref<128x64xf32, #tpu.memory_space<hbm>>
    tpu.enqueue_dma source(%arg6 : memref<128x64xf32, #tpu.memory_space<vmem>>) target(%dma_start3A_834 : memref<128x64xf32, #tpu.memory_space<hbm>>) target_semaphore(%arg14 : memref<!tpu.dma_semaphore, #tpu.memory_space<semaphore_mem>>)
    %dma_wait3A_835 = arith.constant 28 : i32
    %dma_wait3A_836 = arith.constant 0 : i32
    %dma_wait3A_837 = tpu.memref_slice %arg4[%dma_wait3A_835, %mul3A_2, %dma_wait3A_836] : memref<50x4096x64xf32, #tpu.memory_space<hbm>> -> memref<1x128x64xf32, #tpu.memory_space<hbm>>
    %dma_wait3A_838 = tpu.memref_squeeze %dma_wait3A_837 : memref<1x128x64xf32, #tpu.memory_space<hbm>> -> memref<128x64xf32, #tpu.memory_space<hbm>>
    %dma_wait3A_839 = arith.constant 0 : i32
    %dma_wait3A_840 = tpu.memref_slice %arg4[%dma_wait3A_835, %mul3A_2, %dma_wait3A_839] : memref<50x4096x64xf32, #tpu.memory_space<hbm>> -> memref<1x128x64xf32, #tpu.memory_space<hbm>>
    %dma_wait3A_841 = tpu.memref_squeeze %dma_wait3A_840 : memref<1x128x64xf32, #tpu.memory_space<hbm>> -> memref<128x64xf32, #tpu.memory_space<hbm>>
    tpu.wait_dma2 semaphore(%arg14 : memref<!tpu.dma_semaphore, #tpu.memory_space<semaphore_mem>>) src(%arg6 : memref<128x64xf32, #tpu.memory_space<vmem>>) dst(%dma_wait3A_841 : memref<128x64xf32, #tpu.memory_space<hbm>>)
    %dma_start3A_842 = arith.constant 32 : i32
    %dma_start3A_843 = arith.constant 0 : i32
    %dma_start3A_844 = tpu.memref_slice %arg5[%dma_start3A_842, %dma_start3A_843] : memref<50x128xi32, #tpu.memory_space<vmem>> -> memref<1x128xi32, #tpu.memory_space<vmem>>
    %dma_start3A_845 = tpu.memref_squeeze %dma_start3A_844 : memref<1x128xi32, #tpu.memory_space<vmem>> -> memref<128xi32, #tpu.memory_space<vmem>>
    %dma_start3A_846 = arith.constant 0 : i32
    %dma_start3A_847 = arith.constant 0 : i32
    %dma_start3A_848 = tpu.memref_slice %arg3[%dma_start3A_846, %dma_start3A_847] : memref<100000x64xf32, #tpu.memory_space<hbm>> -> memref<100000x64xf32, #tpu.memory_space<hbm>>
    tpu.enqueue_indirect_dma source(%dma_start3A_848 : memref<100000x64xf32, #tpu.memory_space<hbm>>) target(%arg6 : memref<128x64xf32, #tpu.memory_space<vmem>>) offsets(%dma_start3A_845 : memref<128xi32, #tpu.memory_space<vmem>>) semaphore(%arg10 : memref<!tpu.dma_semaphore, #tpu.memory_space<semaphore_mem>>)
    %dma_wait3A_849 = arith.constant 29 : i32
    %dma_wait3A_850 = arith.constant 0 : i32
    %dma_wait3A_851 = tpu.memref_slice %arg5[%dma_wait3A_849, %dma_wait3A_850] : memref<50x128xi32, #tpu.memory_space<vmem>> -> memref<1x128xi32, #tpu.memory_space<vmem>>
    %dma_wait3A_852 = tpu.memref_squeeze %dma_wait3A_851 : memref<1x128xi32, #tpu.memory_space<vmem>> -> memref<128xi32, #tpu.memory_space<vmem>>
    %dma_wait3A_853 = arith.constant 0 : i32
    %dma_wait3A_854 = arith.constant 0 : i32
    %dma_wait3A_855 = tpu.memref_slice %arg3[%dma_wait3A_853, %dma_wait3A_854] : memref<100000x64xf32, #tpu.memory_space<hbm>> -> memref<100000x64xf32, #tpu.memory_space<hbm>>
    tpu.wait_indirect_dma semaphore(%arg11 : memref<!tpu.dma_semaphore, #tpu.memory_space<semaphore_mem>>) src(%dma_wait3A_855 : memref<100000x64xf32, #tpu.memory_space<hbm>>) dst(%arg7 : memref<128x64xf32, #tpu.memory_space<vmem>>)
    %dma_start3A_856 = arith.constant 29 : i32
    %dma_start3A_857 = arith.constant 0 : i32
    %dma_start3A_858 = tpu.memref_slice %arg4[%dma_start3A_856, %mul3A_2, %dma_start3A_857] : memref<50x4096x64xf32, #tpu.memory_space<hbm>> -> memref<1x128x64xf32, #tpu.memory_space<hbm>>
    %dma_start3A_859 = tpu.memref_squeeze %dma_start3A_858 : memref<1x128x64xf32, #tpu.memory_space<hbm>> -> memref<128x64xf32, #tpu.memory_space<hbm>>
    %dma_start3A_860 = arith.constant 0 : i32
    %dma_start3A_861 = tpu.memref_slice %arg4[%dma_start3A_856, %mul3A_2, %dma_start3A_860] : memref<50x4096x64xf32, #tpu.memory_space<hbm>> -> memref<1x128x64xf32, #tpu.memory_space<hbm>>
    %dma_start3A_862 = tpu.memref_squeeze %dma_start3A_861 : memref<1x128x64xf32, #tpu.memory_space<hbm>> -> memref<128x64xf32, #tpu.memory_space<hbm>>
    tpu.enqueue_dma source(%arg7 : memref<128x64xf32, #tpu.memory_space<vmem>>) target(%dma_start3A_862 : memref<128x64xf32, #tpu.memory_space<hbm>>) target_semaphore(%arg15 : memref<!tpu.dma_semaphore, #tpu.memory_space<semaphore_mem>>)
    %dma_wait3A_863 = arith.constant 29 : i32
    %dma_wait3A_864 = arith.constant 0 : i32
    %dma_wait3A_865 = tpu.memref_slice %arg4[%dma_wait3A_863, %mul3A_2, %dma_wait3A_864] : memref<50x4096x64xf32, #tpu.memory_space<hbm>> -> memref<1x128x64xf32, #tpu.memory_space<hbm>>
    %dma_wait3A_866 = tpu.memref_squeeze %dma_wait3A_865 : memref<1x128x64xf32, #tpu.memory_space<hbm>> -> memref<128x64xf32, #tpu.memory_space<hbm>>
    %dma_wait3A_867 = arith.constant 0 : i32
    %dma_wait3A_868 = tpu.memref_slice %arg4[%dma_wait3A_863, %mul3A_2, %dma_wait3A_867] : memref<50x4096x64xf32, #tpu.memory_space<hbm>> -> memref<1x128x64xf32, #tpu.memory_space<hbm>>
    %dma_wait3A_869 = tpu.memref_squeeze %dma_wait3A_868 : memref<1x128x64xf32, #tpu.memory_space<hbm>> -> memref<128x64xf32, #tpu.memory_space<hbm>>
    tpu.wait_dma2 semaphore(%arg15 : memref<!tpu.dma_semaphore, #tpu.memory_space<semaphore_mem>>) src(%arg7 : memref<128x64xf32, #tpu.memory_space<vmem>>) dst(%dma_wait3A_869 : memref<128x64xf32, #tpu.memory_space<hbm>>)
    %dma_start3A_870 = arith.constant 33 : i32
    %dma_start3A_871 = arith.constant 0 : i32
    %dma_start3A_872 = tpu.memref_slice %arg5[%dma_start3A_870, %dma_start3A_871] : memref<50x128xi32, #tpu.memory_space<vmem>> -> memref<1x128xi32, #tpu.memory_space<vmem>>
    %dma_start3A_873 = tpu.memref_squeeze %dma_start3A_872 : memref<1x128xi32, #tpu.memory_space<vmem>> -> memref<128xi32, #tpu.memory_space<vmem>>
    %dma_start3A_874 = arith.constant 0 : i32
    %dma_start3A_875 = arith.constant 0 : i32
    %dma_start3A_876 = tpu.memref_slice %arg3[%dma_start3A_874, %dma_start3A_875] : memref<100000x64xf32, #tpu.memory_space<hbm>> -> memref<100000x64xf32, #tpu.memory_space<hbm>>
    tpu.enqueue_indirect_dma source(%dma_start3A_876 : memref<100000x64xf32, #tpu.memory_space<hbm>>) target(%arg7 : memref<128x64xf32, #tpu.memory_space<vmem>>) offsets(%dma_start3A_873 : memref<128xi32, #tpu.memory_space<vmem>>) semaphore(%arg11 : memref<!tpu.dma_semaphore, #tpu.memory_space<semaphore_mem>>)
    %dma_wait3A_877 = arith.constant 30 : i32
    %dma_wait3A_878 = arith.constant 0 : i32
    %dma_wait3A_879 = tpu.memref_slice %arg5[%dma_wait3A_877, %dma_wait3A_878] : memref<50x128xi32, #tpu.memory_space<vmem>> -> memref<1x128xi32, #tpu.memory_space<vmem>>
    %dma_wait3A_880 = tpu.memref_squeeze %dma_wait3A_879 : memref<1x128xi32, #tpu.memory_space<vmem>> -> memref<128xi32, #tpu.memory_space<vmem>>
    %dma_wait3A_881 = arith.constant 0 : i32
    %dma_wait3A_882 = arith.constant 0 : i32
    %dma_wait3A_883 = tpu.memref_slice %arg3[%dma_wait3A_881, %dma_wait3A_882] : memref<100000x64xf32, #tpu.memory_space<hbm>> -> memref<100000x64xf32, #tpu.memory_space<hbm>>
    tpu.wait_indirect_dma semaphore(%arg12 : memref<!tpu.dma_semaphore, #tpu.memory_space<semaphore_mem>>) src(%dma_wait3A_883 : memref<100000x64xf32, #tpu.memory_space<hbm>>) dst(%arg8 : memref<128x64xf32, #tpu.memory_space<vmem>>)
    %dma_start3A_884 = arith.constant 30 : i32
    %dma_start3A_885 = arith.constant 0 : i32
    %dma_start3A_886 = tpu.memref_slice %arg4[%dma_start3A_884, %mul3A_2, %dma_start3A_885] : memref<50x4096x64xf32, #tpu.memory_space<hbm>> -> memref<1x128x64xf32, #tpu.memory_space<hbm>>
    %dma_start3A_887 = tpu.memref_squeeze %dma_start3A_886 : memref<1x128x64xf32, #tpu.memory_space<hbm>> -> memref<128x64xf32, #tpu.memory_space<hbm>>
    %dma_start3A_888 = arith.constant 0 : i32
    %dma_start3A_889 = tpu.memref_slice %arg4[%dma_start3A_884, %mul3A_2, %dma_start3A_888] : memref<50x4096x64xf32, #tpu.memory_space<hbm>> -> memref<1x128x64xf32, #tpu.memory_space<hbm>>
    %dma_start3A_890 = tpu.memref_squeeze %dma_start3A_889 : memref<1x128x64xf32, #tpu.memory_space<hbm>> -> memref<128x64xf32, #tpu.memory_space<hbm>>
    tpu.enqueue_dma source(%arg8 : memref<128x64xf32, #tpu.memory_space<vmem>>) target(%dma_start3A_890 : memref<128x64xf32, #tpu.memory_space<hbm>>) target_semaphore(%arg16 : memref<!tpu.dma_semaphore, #tpu.memory_space<semaphore_mem>>)
    %dma_wait3A_891 = arith.constant 30 : i32
    %dma_wait3A_892 = arith.constant 0 : i32
    %dma_wait3A_893 = tpu.memref_slice %arg4[%dma_wait3A_891, %mul3A_2, %dma_wait3A_892] : memref<50x4096x64xf32, #tpu.memory_space<hbm>> -> memref<1x128x64xf32, #tpu.memory_space<hbm>>
    %dma_wait3A_894 = tpu.memref_squeeze %dma_wait3A_893 : memref<1x128x64xf32, #tpu.memory_space<hbm>> -> memref<128x64xf32, #tpu.memory_space<hbm>>
    %dma_wait3A_895 = arith.constant 0 : i32
    %dma_wait3A_896 = tpu.memref_slice %arg4[%dma_wait3A_891, %mul3A_2, %dma_wait3A_895] : memref<50x4096x64xf32, #tpu.memory_space<hbm>> -> memref<1x128x64xf32, #tpu.memory_space<hbm>>
    %dma_wait3A_897 = tpu.memref_squeeze %dma_wait3A_896 : memref<1x128x64xf32, #tpu.memory_space<hbm>> -> memref<128x64xf32, #tpu.memory_space<hbm>>
    tpu.wait_dma2 semaphore(%arg16 : memref<!tpu.dma_semaphore, #tpu.memory_space<semaphore_mem>>) src(%arg8 : memref<128x64xf32, #tpu.memory_space<vmem>>) dst(%dma_wait3A_897 : memref<128x64xf32, #tpu.memory_space<hbm>>)
    %dma_start3A_898 = arith.constant 34 : i32
    %dma_start3A_899 = arith.constant 0 : i32
    %dma_start3A_900 = tpu.memref_slice %arg5[%dma_start3A_898, %dma_start3A_899] : memref<50x128xi32, #tpu.memory_space<vmem>> -> memref<1x128xi32, #tpu.memory_space<vmem>>
    %dma_start3A_901 = tpu.memref_squeeze %dma_start3A_900 : memref<1x128xi32, #tpu.memory_space<vmem>> -> memref<128xi32, #tpu.memory_space<vmem>>
    %dma_start3A_902 = arith.constant 0 : i32
    %dma_start3A_903 = arith.constant 0 : i32
    %dma_start3A_904 = tpu.memref_slice %arg3[%dma_start3A_902, %dma_start3A_903] : memref<100000x64xf32, #tpu.memory_space<hbm>> -> memref<100000x64xf32, #tpu.memory_space<hbm>>
    tpu.enqueue_indirect_dma source(%dma_start3A_904 : memref<100000x64xf32, #tpu.memory_space<hbm>>) target(%arg8 : memref<128x64xf32, #tpu.memory_space<vmem>>) offsets(%dma_start3A_901 : memref<128xi32, #tpu.memory_space<vmem>>) semaphore(%arg12 : memref<!tpu.dma_semaphore, #tpu.memory_space<semaphore_mem>>)
    %dma_wait3A_905 = arith.constant 31 : i32
    %dma_wait3A_906 = arith.constant 0 : i32
    %dma_wait3A_907 = tpu.memref_slice %arg5[%dma_wait3A_905, %dma_wait3A_906] : memref<50x128xi32, #tpu.memory_space<vmem>> -> memref<1x128xi32, #tpu.memory_space<vmem>>
    %dma_wait3A_908 = tpu.memref_squeeze %dma_wait3A_907 : memref<1x128xi32, #tpu.memory_space<vmem>> -> memref<128xi32, #tpu.memory_space<vmem>>
    %dma_wait3A_909 = arith.constant 0 : i32
    %dma_wait3A_910 = arith.constant 0 : i32
    %dma_wait3A_911 = tpu.memref_slice %arg3[%dma_wait3A_909, %dma_wait3A_910] : memref<100000x64xf32, #tpu.memory_space<hbm>> -> memref<100000x64xf32, #tpu.memory_space<hbm>>
    tpu.wait_indirect_dma semaphore(%arg13 : memref<!tpu.dma_semaphore, #tpu.memory_space<semaphore_mem>>) src(%dma_wait3A_911 : memref<100000x64xf32, #tpu.memory_space<hbm>>) dst(%arg9 : memref<128x64xf32, #tpu.memory_space<vmem>>)
    %dma_start3A_912 = arith.constant 31 : i32
    %dma_start3A_913 = arith.constant 0 : i32
    %dma_start3A_914 = tpu.memref_slice %arg4[%dma_start3A_912, %mul3A_2, %dma_start3A_913] : memref<50x4096x64xf32, #tpu.memory_space<hbm>> -> memref<1x128x64xf32, #tpu.memory_space<hbm>>
    %dma_start3A_915 = tpu.memref_squeeze %dma_start3A_914 : memref<1x128x64xf32, #tpu.memory_space<hbm>> -> memref<128x64xf32, #tpu.memory_space<hbm>>
    %dma_start3A_916 = arith.constant 0 : i32
    %dma_start3A_917 = tpu.memref_slice %arg4[%dma_start3A_912, %mul3A_2, %dma_start3A_916] : memref<50x4096x64xf32, #tpu.memory_space<hbm>> -> memref<1x128x64xf32, #tpu.memory_space<hbm>>
    %dma_start3A_918 = tpu.memref_squeeze %dma_start3A_917 : memref<1x128x64xf32, #tpu.memory_space<hbm>> -> memref<128x64xf32, #tpu.memory_space<hbm>>
    tpu.enqueue_dma source(%arg9 : memref<128x64xf32, #tpu.memory_space<vmem>>) target(%dma_start3A_918 : memref<128x64xf32, #tpu.memory_space<hbm>>) target_semaphore(%arg17 : memref<!tpu.dma_semaphore, #tpu.memory_space<semaphore_mem>>)
    %dma_wait3A_919 = arith.constant 31 : i32
    %dma_wait3A_920 = arith.constant 0 : i32
    %dma_wait3A_921 = tpu.memref_slice %arg4[%dma_wait3A_919, %mul3A_2, %dma_wait3A_920] : memref<50x4096x64xf32, #tpu.memory_space<hbm>> -> memref<1x128x64xf32, #tpu.memory_space<hbm>>
    %dma_wait3A_922 = tpu.memref_squeeze %dma_wait3A_921 : memref<1x128x64xf32, #tpu.memory_space<hbm>> -> memref<128x64xf32, #tpu.memory_space<hbm>>
    %dma_wait3A_923 = arith.constant 0 : i32
    %dma_wait3A_924 = tpu.memref_slice %arg4[%dma_wait3A_919, %mul3A_2, %dma_wait3A_923] : memref<50x4096x64xf32, #tpu.memory_space<hbm>> -> memref<1x128x64xf32, #tpu.memory_space<hbm>>
    %dma_wait3A_925 = tpu.memref_squeeze %dma_wait3A_924 : memref<1x128x64xf32, #tpu.memory_space<hbm>> -> memref<128x64xf32, #tpu.memory_space<hbm>>
    tpu.wait_dma2 semaphore(%arg17 : memref<!tpu.dma_semaphore, #tpu.memory_space<semaphore_mem>>) src(%arg9 : memref<128x64xf32, #tpu.memory_space<vmem>>) dst(%dma_wait3A_925 : memref<128x64xf32, #tpu.memory_space<hbm>>)
    %dma_start3A_926 = arith.constant 35 : i32
    %dma_start3A_927 = arith.constant 0 : i32
    %dma_start3A_928 = tpu.memref_slice %arg5[%dma_start3A_926, %dma_start3A_927] : memref<50x128xi32, #tpu.memory_space<vmem>> -> memref<1x128xi32, #tpu.memory_space<vmem>>
    %dma_start3A_929 = tpu.memref_squeeze %dma_start3A_928 : memref<1x128xi32, #tpu.memory_space<vmem>> -> memref<128xi32, #tpu.memory_space<vmem>>
    %dma_start3A_930 = arith.constant 0 : i32
    %dma_start3A_931 = arith.constant 0 : i32
    %dma_start3A_932 = tpu.memref_slice %arg3[%dma_start3A_930, %dma_start3A_931] : memref<100000x64xf32, #tpu.memory_space<hbm>> -> memref<100000x64xf32, #tpu.memory_space<hbm>>
    tpu.enqueue_indirect_dma source(%dma_start3A_932 : memref<100000x64xf32, #tpu.memory_space<hbm>>) target(%arg9 : memref<128x64xf32, #tpu.memory_space<vmem>>) offsets(%dma_start3A_929 : memref<128xi32, #tpu.memory_space<vmem>>) semaphore(%arg13 : memref<!tpu.dma_semaphore, #tpu.memory_space<semaphore_mem>>)
    %dma_wait3A_933 = arith.constant 32 : i32
    %dma_wait3A_934 = arith.constant 0 : i32
    %dma_wait3A_935 = tpu.memref_slice %arg5[%dma_wait3A_933, %dma_wait3A_934] : memref<50x128xi32, #tpu.memory_space<vmem>> -> memref<1x128xi32, #tpu.memory_space<vmem>>
    %dma_wait3A_936 = tpu.memref_squeeze %dma_wait3A_935 : memref<1x128xi32, #tpu.memory_space<vmem>> -> memref<128xi32, #tpu.memory_space<vmem>>
    %dma_wait3A_937 = arith.constant 0 : i32
    %dma_wait3A_938 = arith.constant 0 : i32
    %dma_wait3A_939 = tpu.memref_slice %arg3[%dma_wait3A_937, %dma_wait3A_938] : memref<100000x64xf32, #tpu.memory_space<hbm>> -> memref<100000x64xf32, #tpu.memory_space<hbm>>
    tpu.wait_indirect_dma semaphore(%arg10 : memref<!tpu.dma_semaphore, #tpu.memory_space<semaphore_mem>>) src(%dma_wait3A_939 : memref<100000x64xf32, #tpu.memory_space<hbm>>) dst(%arg6 : memref<128x64xf32, #tpu.memory_space<vmem>>)
    %dma_start3A_940 = arith.constant 32 : i32
    %dma_start3A_941 = arith.constant 0 : i32
    %dma_start3A_942 = tpu.memref_slice %arg4[%dma_start3A_940, %mul3A_2, %dma_start3A_941] : memref<50x4096x64xf32, #tpu.memory_space<hbm>> -> memref<1x128x64xf32, #tpu.memory_space<hbm>>
    %dma_start3A_943 = tpu.memref_squeeze %dma_start3A_942 : memref<1x128x64xf32, #tpu.memory_space<hbm>> -> memref<128x64xf32, #tpu.memory_space<hbm>>
    %dma_start3A_944 = arith.constant 0 : i32
    %dma_start3A_945 = tpu.memref_slice %arg4[%dma_start3A_940, %mul3A_2, %dma_start3A_944] : memref<50x4096x64xf32, #tpu.memory_space<hbm>> -> memref<1x128x64xf32, #tpu.memory_space<hbm>>
    %dma_start3A_946 = tpu.memref_squeeze %dma_start3A_945 : memref<1x128x64xf32, #tpu.memory_space<hbm>> -> memref<128x64xf32, #tpu.memory_space<hbm>>
    tpu.enqueue_dma source(%arg6 : memref<128x64xf32, #tpu.memory_space<vmem>>) target(%dma_start3A_946 : memref<128x64xf32, #tpu.memory_space<hbm>>) target_semaphore(%arg14 : memref<!tpu.dma_semaphore, #tpu.memory_space<semaphore_mem>>)
    %dma_wait3A_947 = arith.constant 32 : i32
    %dma_wait3A_948 = arith.constant 0 : i32
    %dma_wait3A_949 = tpu.memref_slice %arg4[%dma_wait3A_947, %mul3A_2, %dma_wait3A_948] : memref<50x4096x64xf32, #tpu.memory_space<hbm>> -> memref<1x128x64xf32, #tpu.memory_space<hbm>>
    %dma_wait3A_950 = tpu.memref_squeeze %dma_wait3A_949 : memref<1x128x64xf32, #tpu.memory_space<hbm>> -> memref<128x64xf32, #tpu.memory_space<hbm>>
    %dma_wait3A_951 = arith.constant 0 : i32
    %dma_wait3A_952 = tpu.memref_slice %arg4[%dma_wait3A_947, %mul3A_2, %dma_wait3A_951] : memref<50x4096x64xf32, #tpu.memory_space<hbm>> -> memref<1x128x64xf32, #tpu.memory_space<hbm>>
    %dma_wait3A_953 = tpu.memref_squeeze %dma_wait3A_952 : memref<1x128x64xf32, #tpu.memory_space<hbm>> -> memref<128x64xf32, #tpu.memory_space<hbm>>
    tpu.wait_dma2 semaphore(%arg14 : memref<!tpu.dma_semaphore, #tpu.memory_space<semaphore_mem>>) src(%arg6 : memref<128x64xf32, #tpu.memory_space<vmem>>) dst(%dma_wait3A_953 : memref<128x64xf32, #tpu.memory_space<hbm>>)
    %dma_start3A_954 = arith.constant 36 : i32
    %dma_start3A_955 = arith.constant 0 : i32
    %dma_start3A_956 = tpu.memref_slice %arg5[%dma_start3A_954, %dma_start3A_955] : memref<50x128xi32, #tpu.memory_space<vmem>> -> memref<1x128xi32, #tpu.memory_space<vmem>>
    %dma_start3A_957 = tpu.memref_squeeze %dma_start3A_956 : memref<1x128xi32, #tpu.memory_space<vmem>> -> memref<128xi32, #tpu.memory_space<vmem>>
    %dma_start3A_958 = arith.constant 0 : i32
    %dma_start3A_959 = arith.constant 0 : i32
    %dma_start3A_960 = tpu.memref_slice %arg3[%dma_start3A_958, %dma_start3A_959] : memref<100000x64xf32, #tpu.memory_space<hbm>> -> memref<100000x64xf32, #tpu.memory_space<hbm>>
    tpu.enqueue_indirect_dma source(%dma_start3A_960 : memref<100000x64xf32, #tpu.memory_space<hbm>>) target(%arg6 : memref<128x64xf32, #tpu.memory_space<vmem>>) offsets(%dma_start3A_957 : memref<128xi32, #tpu.memory_space<vmem>>) semaphore(%arg10 : memref<!tpu.dma_semaphore, #tpu.memory_space<semaphore_mem>>)
    %dma_wait3A_961 = arith.constant 33 : i32
    %dma_wait3A_962 = arith.constant 0 : i32
    %dma_wait3A_963 = tpu.memref_slice %arg5[%dma_wait3A_961, %dma_wait3A_962] : memref<50x128xi32, #tpu.memory_space<vmem>> -> memref<1x128xi32, #tpu.memory_space<vmem>>
    %dma_wait3A_964 = tpu.memref_squeeze %dma_wait3A_963 : memref<1x128xi32, #tpu.memory_space<vmem>> -> memref<128xi32, #tpu.memory_space<vmem>>
    %dma_wait3A_965 = arith.constant 0 : i32
    %dma_wait3A_966 = arith.constant 0 : i32
    %dma_wait3A_967 = tpu.memref_slice %arg3[%dma_wait3A_965, %dma_wait3A_966] : memref<100000x64xf32, #tpu.memory_space<hbm>> -> memref<100000x64xf32, #tpu.memory_space<hbm>>
    tpu.wait_indirect_dma semaphore(%arg11 : memref<!tpu.dma_semaphore, #tpu.memory_space<semaphore_mem>>) src(%dma_wait3A_967 : memref<100000x64xf32, #tpu.memory_space<hbm>>) dst(%arg7 : memref<128x64xf32, #tpu.memory_space<vmem>>)
    %dma_start3A_968 = arith.constant 33 : i32
    %dma_start3A_969 = arith.constant 0 : i32
    %dma_start3A_970 = tpu.memref_slice %arg4[%dma_start3A_968, %mul3A_2, %dma_start3A_969] : memref<50x4096x64xf32, #tpu.memory_space<hbm>> -> memref<1x128x64xf32, #tpu.memory_space<hbm>>
    %dma_start3A_971 = tpu.memref_squeeze %dma_start3A_970 : memref<1x128x64xf32, #tpu.memory_space<hbm>> -> memref<128x64xf32, #tpu.memory_space<hbm>>
    %dma_start3A_972 = arith.constant 0 : i32
    %dma_start3A_973 = tpu.memref_slice %arg4[%dma_start3A_968, %mul3A_2, %dma_start3A_972] : memref<50x4096x64xf32, #tpu.memory_space<hbm>> -> memref<1x128x64xf32, #tpu.memory_space<hbm>>
    %dma_start3A_974 = tpu.memref_squeeze %dma_start3A_973 : memref<1x128x64xf32, #tpu.memory_space<hbm>> -> memref<128x64xf32, #tpu.memory_space<hbm>>
    tpu.enqueue_dma source(%arg7 : memref<128x64xf32, #tpu.memory_space<vmem>>) target(%dma_start3A_974 : memref<128x64xf32, #tpu.memory_space<hbm>>) target_semaphore(%arg15 : memref<!tpu.dma_semaphore, #tpu.memory_space<semaphore_mem>>)
    %dma_wait3A_975 = arith.constant 33 : i32
    %dma_wait3A_976 = arith.constant 0 : i32
    %dma_wait3A_977 = tpu.memref_slice %arg4[%dma_wait3A_975, %mul3A_2, %dma_wait3A_976] : memref<50x4096x64xf32, #tpu.memory_space<hbm>> -> memref<1x128x64xf32, #tpu.memory_space<hbm>>
    %dma_wait3A_978 = tpu.memref_squeeze %dma_wait3A_977 : memref<1x128x64xf32, #tpu.memory_space<hbm>> -> memref<128x64xf32, #tpu.memory_space<hbm>>
    %dma_wait3A_979 = arith.constant 0 : i32
    %dma_wait3A_980 = tpu.memref_slice %arg4[%dma_wait3A_975, %mul3A_2, %dma_wait3A_979] : memref<50x4096x64xf32, #tpu.memory_space<hbm>> -> memref<1x128x64xf32, #tpu.memory_space<hbm>>
    %dma_wait3A_981 = tpu.memref_squeeze %dma_wait3A_980 : memref<1x128x64xf32, #tpu.memory_space<hbm>> -> memref<128x64xf32, #tpu.memory_space<hbm>>
    tpu.wait_dma2 semaphore(%arg15 : memref<!tpu.dma_semaphore, #tpu.memory_space<semaphore_mem>>) src(%arg7 : memref<128x64xf32, #tpu.memory_space<vmem>>) dst(%dma_wait3A_981 : memref<128x64xf32, #tpu.memory_space<hbm>>)
    %dma_start3A_982 = arith.constant 37 : i32
    %dma_start3A_983 = arith.constant 0 : i32
    %dma_start3A_984 = tpu.memref_slice %arg5[%dma_start3A_982, %dma_start3A_983] : memref<50x128xi32, #tpu.memory_space<vmem>> -> memref<1x128xi32, #tpu.memory_space<vmem>>
    %dma_start3A_985 = tpu.memref_squeeze %dma_start3A_984 : memref<1x128xi32, #tpu.memory_space<vmem>> -> memref<128xi32, #tpu.memory_space<vmem>>
    %dma_start3A_986 = arith.constant 0 : i32
    %dma_start3A_987 = arith.constant 0 : i32
    %dma_start3A_988 = tpu.memref_slice %arg3[%dma_start3A_986, %dma_start3A_987] : memref<100000x64xf32, #tpu.memory_space<hbm>> -> memref<100000x64xf32, #tpu.memory_space<hbm>>
    tpu.enqueue_indirect_dma source(%dma_start3A_988 : memref<100000x64xf32, #tpu.memory_space<hbm>>) target(%arg7 : memref<128x64xf32, #tpu.memory_space<vmem>>) offsets(%dma_start3A_985 : memref<128xi32, #tpu.memory_space<vmem>>) semaphore(%arg11 : memref<!tpu.dma_semaphore, #tpu.memory_space<semaphore_mem>>)
    %dma_wait3A_989 = arith.constant 34 : i32
    %dma_wait3A_990 = arith.constant 0 : i32
    %dma_wait3A_991 = tpu.memref_slice %arg5[%dma_wait3A_989, %dma_wait3A_990] : memref<50x128xi32, #tpu.memory_space<vmem>> -> memref<1x128xi32, #tpu.memory_space<vmem>>
    %dma_wait3A_992 = tpu.memref_squeeze %dma_wait3A_991 : memref<1x128xi32, #tpu.memory_space<vmem>> -> memref<128xi32, #tpu.memory_space<vmem>>
    %dma_wait3A_993 = arith.constant 0 : i32
    %dma_wait3A_994 = arith.constant 0 : i32
    %dma_wait3A_995 = tpu.memref_slice %arg3[%dma_wait3A_993, %dma_wait3A_994] : memref<100000x64xf32, #tpu.memory_space<hbm>> -> memref<100000x64xf32, #tpu.memory_space<hbm>>
    tpu.wait_indirect_dma semaphore(%arg12 : memref<!tpu.dma_semaphore, #tpu.memory_space<semaphore_mem>>) src(%dma_wait3A_995 : memref<100000x64xf32, #tpu.memory_space<hbm>>) dst(%arg8 : memref<128x64xf32, #tpu.memory_space<vmem>>)
    %dma_start3A_996 = arith.constant 34 : i32
    %dma_start3A_997 = arith.constant 0 : i32
    %dma_start3A_998 = tpu.memref_slice %arg4[%dma_start3A_996, %mul3A_2, %dma_start3A_997] : memref<50x4096x64xf32, #tpu.memory_space<hbm>> -> memref<1x128x64xf32, #tpu.memory_space<hbm>>
    %dma_start3A_999 = tpu.memref_squeeze %dma_start3A_998 : memref<1x128x64xf32, #tpu.memory_space<hbm>> -> memref<128x64xf32, #tpu.memory_space<hbm>>
    %dma_start3A_1000 = arith.constant 0 : i32
    %dma_start3A_1001 = tpu.memref_slice %arg4[%dma_start3A_996, %mul3A_2, %dma_start3A_1000] : memref<50x4096x64xf32, #tpu.memory_space<hbm>> -> memref<1x128x64xf32, #tpu.memory_space<hbm>>
    %dma_start3A_1002 = tpu.memref_squeeze %dma_start3A_1001 : memref<1x128x64xf32, #tpu.memory_space<hbm>> -> memref<128x64xf32, #tpu.memory_space<hbm>>
    tpu.enqueue_dma source(%arg8 : memref<128x64xf32, #tpu.memory_space<vmem>>) target(%dma_start3A_1002 : memref<128x64xf32, #tpu.memory_space<hbm>>) target_semaphore(%arg16 : memref<!tpu.dma_semaphore, #tpu.memory_space<semaphore_mem>>)
    %dma_wait3A_1003 = arith.constant 34 : i32
    %dma_wait3A_1004 = arith.constant 0 : i32
    %dma_wait3A_1005 = tpu.memref_slice %arg4[%dma_wait3A_1003, %mul3A_2, %dma_wait3A_1004] : memref<50x4096x64xf32, #tpu.memory_space<hbm>> -> memref<1x128x64xf32, #tpu.memory_space<hbm>>
    %dma_wait3A_1006 = tpu.memref_squeeze %dma_wait3A_1005 : memref<1x128x64xf32, #tpu.memory_space<hbm>> -> memref<128x64xf32, #tpu.memory_space<hbm>>
    %dma_wait3A_1007 = arith.constant 0 : i32
    %dma_wait3A_1008 = tpu.memref_slice %arg4[%dma_wait3A_1003, %mul3A_2, %dma_wait3A_1007] : memref<50x4096x64xf32, #tpu.memory_space<hbm>> -> memref<1x128x64xf32, #tpu.memory_space<hbm>>
    %dma_wait3A_1009 = tpu.memref_squeeze %dma_wait3A_1008 : memref<1x128x64xf32, #tpu.memory_space<hbm>> -> memref<128x64xf32, #tpu.memory_space<hbm>>
    tpu.wait_dma2 semaphore(%arg16 : memref<!tpu.dma_semaphore, #tpu.memory_space<semaphore_mem>>) src(%arg8 : memref<128x64xf32, #tpu.memory_space<vmem>>) dst(%dma_wait3A_1009 : memref<128x64xf32, #tpu.memory_space<hbm>>)
    %dma_start3A_1010 = arith.constant 38 : i32
    %dma_start3A_1011 = arith.constant 0 : i32
    %dma_start3A_1012 = tpu.memref_slice %arg5[%dma_start3A_1010, %dma_start3A_1011] : memref<50x128xi32, #tpu.memory_space<vmem>> -> memref<1x128xi32, #tpu.memory_space<vmem>>
    %dma_start3A_1013 = tpu.memref_squeeze %dma_start3A_1012 : memref<1x128xi32, #tpu.memory_space<vmem>> -> memref<128xi32, #tpu.memory_space<vmem>>
    %dma_start3A_1014 = arith.constant 0 : i32
    %dma_start3A_1015 = arith.constant 0 : i32
    %dma_start3A_1016 = tpu.memref_slice %arg3[%dma_start3A_1014, %dma_start3A_1015] : memref<100000x64xf32, #tpu.memory_space<hbm>> -> memref<100000x64xf32, #tpu.memory_space<hbm>>
    tpu.enqueue_indirect_dma source(%dma_start3A_1016 : memref<100000x64xf32, #tpu.memory_space<hbm>>) target(%arg8 : memref<128x64xf32, #tpu.memory_space<vmem>>) offsets(%dma_start3A_1013 : memref<128xi32, #tpu.memory_space<vmem>>) semaphore(%arg12 : memref<!tpu.dma_semaphore, #tpu.memory_space<semaphore_mem>>)
    %dma_wait3A_1017 = arith.constant 35 : i32
    %dma_wait3A_1018 = arith.constant 0 : i32
    %dma_wait3A_1019 = tpu.memref_slice %arg5[%dma_wait3A_1017, %dma_wait3A_1018] : memref<50x128xi32, #tpu.memory_space<vmem>> -> memref<1x128xi32, #tpu.memory_space<vmem>>
    %dma_wait3A_1020 = tpu.memref_squeeze %dma_wait3A_1019 : memref<1x128xi32, #tpu.memory_space<vmem>> -> memref<128xi32, #tpu.memory_space<vmem>>
    %dma_wait3A_1021 = arith.constant 0 : i32
    %dma_wait3A_1022 = arith.constant 0 : i32
    %dma_wait3A_1023 = tpu.memref_slice %arg3[%dma_wait3A_1021, %dma_wait3A_1022] : memref<100000x64xf32, #tpu.memory_space<hbm>> -> memref<100000x64xf32, #tpu.memory_space<hbm>>
    tpu.wait_indirect_dma semaphore(%arg13 : memref<!tpu.dma_semaphore, #tpu.memory_space<semaphore_mem>>) src(%dma_wait3A_1023 : memref<100000x64xf32, #tpu.memory_space<hbm>>) dst(%arg9 : memref<128x64xf32, #tpu.memory_space<vmem>>)
    %dma_start3A_1024 = arith.constant 35 : i32
    %dma_start3A_1025 = arith.constant 0 : i32
    %dma_start3A_1026 = tpu.memref_slice %arg4[%dma_start3A_1024, %mul3A_2, %dma_start3A_1025] : memref<50x4096x64xf32, #tpu.memory_space<hbm>> -> memref<1x128x64xf32, #tpu.memory_space<hbm>>
    %dma_start3A_1027 = tpu.memref_squeeze %dma_start3A_1026 : memref<1x128x64xf32, #tpu.memory_space<hbm>> -> memref<128x64xf32, #tpu.memory_space<hbm>>
    %dma_start3A_1028 = arith.constant 0 : i32
    %dma_start3A_1029 = tpu.memref_slice %arg4[%dma_start3A_1024, %mul3A_2, %dma_start3A_1028] : memref<50x4096x64xf32, #tpu.memory_space<hbm>> -> memref<1x128x64xf32, #tpu.memory_space<hbm>>
    %dma_start3A_1030 = tpu.memref_squeeze %dma_start3A_1029 : memref<1x128x64xf32, #tpu.memory_space<hbm>> -> memref<128x64xf32, #tpu.memory_space<hbm>>
    tpu.enqueue_dma source(%arg9 : memref<128x64xf32, #tpu.memory_space<vmem>>) target(%dma_start3A_1030 : memref<128x64xf32, #tpu.memory_space<hbm>>) target_semaphore(%arg17 : memref<!tpu.dma_semaphore, #tpu.memory_space<semaphore_mem>>)
    %dma_wait3A_1031 = arith.constant 35 : i32
    %dma_wait3A_1032 = arith.constant 0 : i32
    %dma_wait3A_1033 = tpu.memref_slice %arg4[%dma_wait3A_1031, %mul3A_2, %dma_wait3A_1032] : memref<50x4096x64xf32, #tpu.memory_space<hbm>> -> memref<1x128x64xf32, #tpu.memory_space<hbm>>
    %dma_wait3A_1034 = tpu.memref_squeeze %dma_wait3A_1033 : memref<1x128x64xf32, #tpu.memory_space<hbm>> -> memref<128x64xf32, #tpu.memory_space<hbm>>
    %dma_wait3A_1035 = arith.constant 0 : i32
    %dma_wait3A_1036 = tpu.memref_slice %arg4[%dma_wait3A_1031, %mul3A_2, %dma_wait3A_1035] : memref<50x4096x64xf32, #tpu.memory_space<hbm>> -> memref<1x128x64xf32, #tpu.memory_space<hbm>>
    %dma_wait3A_1037 = tpu.memref_squeeze %dma_wait3A_1036 : memref<1x128x64xf32, #tpu.memory_space<hbm>> -> memref<128x64xf32, #tpu.memory_space<hbm>>
    tpu.wait_dma2 semaphore(%arg17 : memref<!tpu.dma_semaphore, #tpu.memory_space<semaphore_mem>>) src(%arg9 : memref<128x64xf32, #tpu.memory_space<vmem>>) dst(%dma_wait3A_1037 : memref<128x64xf32, #tpu.memory_space<hbm>>)
    %dma_start3A_1038 = arith.constant 39 : i32
    %dma_start3A_1039 = arith.constant 0 : i32
    %dma_start3A_1040 = tpu.memref_slice %arg5[%dma_start3A_1038, %dma_start3A_1039] : memref<50x128xi32, #tpu.memory_space<vmem>> -> memref<1x128xi32, #tpu.memory_space<vmem>>
    %dma_start3A_1041 = tpu.memref_squeeze %dma_start3A_1040 : memref<1x128xi32, #tpu.memory_space<vmem>> -> memref<128xi32, #tpu.memory_space<vmem>>
    %dma_start3A_1042 = arith.constant 0 : i32
    %dma_start3A_1043 = arith.constant 0 : i32
    %dma_start3A_1044 = tpu.memref_slice %arg3[%dma_start3A_1042, %dma_start3A_1043] : memref<100000x64xf32, #tpu.memory_space<hbm>> -> memref<100000x64xf32, #tpu.memory_space<hbm>>
    tpu.enqueue_indirect_dma source(%dma_start3A_1044 : memref<100000x64xf32, #tpu.memory_space<hbm>>) target(%arg9 : memref<128x64xf32, #tpu.memory_space<vmem>>) offsets(%dma_start3A_1041 : memref<128xi32, #tpu.memory_space<vmem>>) semaphore(%arg13 : memref<!tpu.dma_semaphore, #tpu.memory_space<semaphore_mem>>)
    %dma_wait3A_1045 = arith.constant 36 : i32
    %dma_wait3A_1046 = arith.constant 0 : i32
    %dma_wait3A_1047 = tpu.memref_slice %arg5[%dma_wait3A_1045, %dma_wait3A_1046] : memref<50x128xi32, #tpu.memory_space<vmem>> -> memref<1x128xi32, #tpu.memory_space<vmem>>
    %dma_wait3A_1048 = tpu.memref_squeeze %dma_wait3A_1047 : memref<1x128xi32, #tpu.memory_space<vmem>> -> memref<128xi32, #tpu.memory_space<vmem>>
    %dma_wait3A_1049 = arith.constant 0 : i32
    %dma_wait3A_1050 = arith.constant 0 : i32
    %dma_wait3A_1051 = tpu.memref_slice %arg3[%dma_wait3A_1049, %dma_wait3A_1050] : memref<100000x64xf32, #tpu.memory_space<hbm>> -> memref<100000x64xf32, #tpu.memory_space<hbm>>
    tpu.wait_indirect_dma semaphore(%arg10 : memref<!tpu.dma_semaphore, #tpu.memory_space<semaphore_mem>>) src(%dma_wait3A_1051 : memref<100000x64xf32, #tpu.memory_space<hbm>>) dst(%arg6 : memref<128x64xf32, #tpu.memory_space<vmem>>)
    %dma_start3A_1052 = arith.constant 36 : i32
    %dma_start3A_1053 = arith.constant 0 : i32
    %dma_start3A_1054 = tpu.memref_slice %arg4[%dma_start3A_1052, %mul3A_2, %dma_start3A_1053] : memref<50x4096x64xf32, #tpu.memory_space<hbm>> -> memref<1x128x64xf32, #tpu.memory_space<hbm>>
    %dma_start3A_1055 = tpu.memref_squeeze %dma_start3A_1054 : memref<1x128x64xf32, #tpu.memory_space<hbm>> -> memref<128x64xf32, #tpu.memory_space<hbm>>
    %dma_start3A_1056 = arith.constant 0 : i32
    %dma_start3A_1057 = tpu.memref_slice %arg4[%dma_start3A_1052, %mul3A_2, %dma_start3A_1056] : memref<50x4096x64xf32, #tpu.memory_space<hbm>> -> memref<1x128x64xf32, #tpu.memory_space<hbm>>
    %dma_start3A_1058 = tpu.memref_squeeze %dma_start3A_1057 : memref<1x128x64xf32, #tpu.memory_space<hbm>> -> memref<128x64xf32, #tpu.memory_space<hbm>>
    tpu.enqueue_dma source(%arg6 : memref<128x64xf32, #tpu.memory_space<vmem>>) target(%dma_start3A_1058 : memref<128x64xf32, #tpu.memory_space<hbm>>) target_semaphore(%arg14 : memref<!tpu.dma_semaphore, #tpu.memory_space<semaphore_mem>>)
    %dma_wait3A_1059 = arith.constant 36 : i32
    %dma_wait3A_1060 = arith.constant 0 : i32
    %dma_wait3A_1061 = tpu.memref_slice %arg4[%dma_wait3A_1059, %mul3A_2, %dma_wait3A_1060] : memref<50x4096x64xf32, #tpu.memory_space<hbm>> -> memref<1x128x64xf32, #tpu.memory_space<hbm>>
    %dma_wait3A_1062 = tpu.memref_squeeze %dma_wait3A_1061 : memref<1x128x64xf32, #tpu.memory_space<hbm>> -> memref<128x64xf32, #tpu.memory_space<hbm>>
    %dma_wait3A_1063 = arith.constant 0 : i32
    %dma_wait3A_1064 = tpu.memref_slice %arg4[%dma_wait3A_1059, %mul3A_2, %dma_wait3A_1063] : memref<50x4096x64xf32, #tpu.memory_space<hbm>> -> memref<1x128x64xf32, #tpu.memory_space<hbm>>
    %dma_wait3A_1065 = tpu.memref_squeeze %dma_wait3A_1064 : memref<1x128x64xf32, #tpu.memory_space<hbm>> -> memref<128x64xf32, #tpu.memory_space<hbm>>
    tpu.wait_dma2 semaphore(%arg14 : memref<!tpu.dma_semaphore, #tpu.memory_space<semaphore_mem>>) src(%arg6 : memref<128x64xf32, #tpu.memory_space<vmem>>) dst(%dma_wait3A_1065 : memref<128x64xf32, #tpu.memory_space<hbm>>)
    %dma_start3A_1066 = arith.constant 40 : i32
    %dma_start3A_1067 = arith.constant 0 : i32
    %dma_start3A_1068 = tpu.memref_slice %arg5[%dma_start3A_1066, %dma_start3A_1067] : memref<50x128xi32, #tpu.memory_space<vmem>> -> memref<1x128xi32, #tpu.memory_space<vmem>>
    %dma_start3A_1069 = tpu.memref_squeeze %dma_start3A_1068 : memref<1x128xi32, #tpu.memory_space<vmem>> -> memref<128xi32, #tpu.memory_space<vmem>>
    %dma_start3A_1070 = arith.constant 0 : i32
    %dma_start3A_1071 = arith.constant 0 : i32
    %dma_start3A_1072 = tpu.memref_slice %arg3[%dma_start3A_1070, %dma_start3A_1071] : memref<100000x64xf32, #tpu.memory_space<hbm>> -> memref<100000x64xf32, #tpu.memory_space<hbm>>
    tpu.enqueue_indirect_dma source(%dma_start3A_1072 : memref<100000x64xf32, #tpu.memory_space<hbm>>) target(%arg6 : memref<128x64xf32, #tpu.memory_space<vmem>>) offsets(%dma_start3A_1069 : memref<128xi32, #tpu.memory_space<vmem>>) semaphore(%arg10 : memref<!tpu.dma_semaphore, #tpu.memory_space<semaphore_mem>>)
    %dma_wait3A_1073 = arith.constant 37 : i32
    %dma_wait3A_1074 = arith.constant 0 : i32
    %dma_wait3A_1075 = tpu.memref_slice %arg5[%dma_wait3A_1073, %dma_wait3A_1074] : memref<50x128xi32, #tpu.memory_space<vmem>> -> memref<1x128xi32, #tpu.memory_space<vmem>>
    %dma_wait3A_1076 = tpu.memref_squeeze %dma_wait3A_1075 : memref<1x128xi32, #tpu.memory_space<vmem>> -> memref<128xi32, #tpu.memory_space<vmem>>
    %dma_wait3A_1077 = arith.constant 0 : i32
    %dma_wait3A_1078 = arith.constant 0 : i32
    %dma_wait3A_1079 = tpu.memref_slice %arg3[%dma_wait3A_1077, %dma_wait3A_1078] : memref<100000x64xf32, #tpu.memory_space<hbm>> -> memref<100000x64xf32, #tpu.memory_space<hbm>>
    tpu.wait_indirect_dma semaphore(%arg11 : memref<!tpu.dma_semaphore, #tpu.memory_space<semaphore_mem>>) src(%dma_wait3A_1079 : memref<100000x64xf32, #tpu.memory_space<hbm>>) dst(%arg7 : memref<128x64xf32, #tpu.memory_space<vmem>>)
    %dma_start3A_1080 = arith.constant 37 : i32
    %dma_start3A_1081 = arith.constant 0 : i32
    %dma_start3A_1082 = tpu.memref_slice %arg4[%dma_start3A_1080, %mul3A_2, %dma_start3A_1081] : memref<50x4096x64xf32, #tpu.memory_space<hbm>> -> memref<1x128x64xf32, #tpu.memory_space<hbm>>
    %dma_start3A_1083 = tpu.memref_squeeze %dma_start3A_1082 : memref<1x128x64xf32, #tpu.memory_space<hbm>> -> memref<128x64xf32, #tpu.memory_space<hbm>>
    %dma_start3A_1084 = arith.constant 0 : i32
    %dma_start3A_1085 = tpu.memref_slice %arg4[%dma_start3A_1080, %mul3A_2, %dma_start3A_1084] : memref<50x4096x64xf32, #tpu.memory_space<hbm>> -> memref<1x128x64xf32, #tpu.memory_space<hbm>>
    %dma_start3A_1086 = tpu.memref_squeeze %dma_start3A_1085 : memref<1x128x64xf32, #tpu.memory_space<hbm>> -> memref<128x64xf32, #tpu.memory_space<hbm>>
    tpu.enqueue_dma source(%arg7 : memref<128x64xf32, #tpu.memory_space<vmem>>) target(%dma_start3A_1086 : memref<128x64xf32, #tpu.memory_space<hbm>>) target_semaphore(%arg15 : memref<!tpu.dma_semaphore, #tpu.memory_space<semaphore_mem>>)
    %dma_wait3A_1087 = arith.constant 37 : i32
    %dma_wait3A_1088 = arith.constant 0 : i32
    %dma_wait3A_1089 = tpu.memref_slice %arg4[%dma_wait3A_1087, %mul3A_2, %dma_wait3A_1088] : memref<50x4096x64xf32, #tpu.memory_space<hbm>> -> memref<1x128x64xf32, #tpu.memory_space<hbm>>
    %dma_wait3A_1090 = tpu.memref_squeeze %dma_wait3A_1089 : memref<1x128x64xf32, #tpu.memory_space<hbm>> -> memref<128x64xf32, #tpu.memory_space<hbm>>
    %dma_wait3A_1091 = arith.constant 0 : i32
    %dma_wait3A_1092 = tpu.memref_slice %arg4[%dma_wait3A_1087, %mul3A_2, %dma_wait3A_1091] : memref<50x4096x64xf32, #tpu.memory_space<hbm>> -> memref<1x128x64xf32, #tpu.memory_space<hbm>>
    %dma_wait3A_1093 = tpu.memref_squeeze %dma_wait3A_1092 : memref<1x128x64xf32, #tpu.memory_space<hbm>> -> memref<128x64xf32, #tpu.memory_space<hbm>>
    tpu.wait_dma2 semaphore(%arg15 : memref<!tpu.dma_semaphore, #tpu.memory_space<semaphore_mem>>) src(%arg7 : memref<128x64xf32, #tpu.memory_space<vmem>>) dst(%dma_wait3A_1093 : memref<128x64xf32, #tpu.memory_space<hbm>>)
    %dma_start3A_1094 = arith.constant 41 : i32
    %dma_start3A_1095 = arith.constant 0 : i32
    %dma_start3A_1096 = tpu.memref_slice %arg5[%dma_start3A_1094, %dma_start3A_1095] : memref<50x128xi32, #tpu.memory_space<vmem>> -> memref<1x128xi32, #tpu.memory_space<vmem>>
    %dma_start3A_1097 = tpu.memref_squeeze %dma_start3A_1096 : memref<1x128xi32, #tpu.memory_space<vmem>> -> memref<128xi32, #tpu.memory_space<vmem>>
    %dma_start3A_1098 = arith.constant 0 : i32
    %dma_start3A_1099 = arith.constant 0 : i32
    %dma_start3A_1100 = tpu.memref_slice %arg3[%dma_start3A_1098, %dma_start3A_1099] : memref<100000x64xf32, #tpu.memory_space<hbm>> -> memref<100000x64xf32, #tpu.memory_space<hbm>>
    tpu.enqueue_indirect_dma source(%dma_start3A_1100 : memref<100000x64xf32, #tpu.memory_space<hbm>>) target(%arg7 : memref<128x64xf32, #tpu.memory_space<vmem>>) offsets(%dma_start3A_1097 : memref<128xi32, #tpu.memory_space<vmem>>) semaphore(%arg11 : memref<!tpu.dma_semaphore, #tpu.memory_space<semaphore_mem>>)
    %dma_wait3A_1101 = arith.constant 38 : i32
    %dma_wait3A_1102 = arith.constant 0 : i32
    %dma_wait3A_1103 = tpu.memref_slice %arg5[%dma_wait3A_1101, %dma_wait3A_1102] : memref<50x128xi32, #tpu.memory_space<vmem>> -> memref<1x128xi32, #tpu.memory_space<vmem>>
    %dma_wait3A_1104 = tpu.memref_squeeze %dma_wait3A_1103 : memref<1x128xi32, #tpu.memory_space<vmem>> -> memref<128xi32, #tpu.memory_space<vmem>>
    %dma_wait3A_1105 = arith.constant 0 : i32
    %dma_wait3A_1106 = arith.constant 0 : i32
    %dma_wait3A_1107 = tpu.memref_slice %arg3[%dma_wait3A_1105, %dma_wait3A_1106] : memref<100000x64xf32, #tpu.memory_space<hbm>> -> memref<100000x64xf32, #tpu.memory_space<hbm>>
    tpu.wait_indirect_dma semaphore(%arg12 : memref<!tpu.dma_semaphore, #tpu.memory_space<semaphore_mem>>) src(%dma_wait3A_1107 : memref<100000x64xf32, #tpu.memory_space<hbm>>) dst(%arg8 : memref<128x64xf32, #tpu.memory_space<vmem>>)
    %dma_start3A_1108 = arith.constant 38 : i32
    %dma_start3A_1109 = arith.constant 0 : i32
    %dma_start3A_1110 = tpu.memref_slice %arg4[%dma_start3A_1108, %mul3A_2, %dma_start3A_1109] : memref<50x4096x64xf32, #tpu.memory_space<hbm>> -> memref<1x128x64xf32, #tpu.memory_space<hbm>>
    %dma_start3A_1111 = tpu.memref_squeeze %dma_start3A_1110 : memref<1x128x64xf32, #tpu.memory_space<hbm>> -> memref<128x64xf32, #tpu.memory_space<hbm>>
    %dma_start3A_1112 = arith.constant 0 : i32
    %dma_start3A_1113 = tpu.memref_slice %arg4[%dma_start3A_1108, %mul3A_2, %dma_start3A_1112] : memref<50x4096x64xf32, #tpu.memory_space<hbm>> -> memref<1x128x64xf32, #tpu.memory_space<hbm>>
    %dma_start3A_1114 = tpu.memref_squeeze %dma_start3A_1113 : memref<1x128x64xf32, #tpu.memory_space<hbm>> -> memref<128x64xf32, #tpu.memory_space<hbm>>
    tpu.enqueue_dma source(%arg8 : memref<128x64xf32, #tpu.memory_space<vmem>>) target(%dma_start3A_1114 : memref<128x64xf32, #tpu.memory_space<hbm>>) target_semaphore(%arg16 : memref<!tpu.dma_semaphore, #tpu.memory_space<semaphore_mem>>)
    %dma_wait3A_1115 = arith.constant 38 : i32
    %dma_wait3A_1116 = arith.constant 0 : i32
    %dma_wait3A_1117 = tpu.memref_slice %arg4[%dma_wait3A_1115, %mul3A_2, %dma_wait3A_1116] : memref<50x4096x64xf32, #tpu.memory_space<hbm>> -> memref<1x128x64xf32, #tpu.memory_space<hbm>>
    %dma_wait3A_1118 = tpu.memref_squeeze %dma_wait3A_1117 : memref<1x128x64xf32, #tpu.memory_space<hbm>> -> memref<128x64xf32, #tpu.memory_space<hbm>>
    %dma_wait3A_1119 = arith.constant 0 : i32
    %dma_wait3A_1120 = tpu.memref_slice %arg4[%dma_wait3A_1115, %mul3A_2, %dma_wait3A_1119] : memref<50x4096x64xf32, #tpu.memory_space<hbm>> -> memref<1x128x64xf32, #tpu.memory_space<hbm>>
    %dma_wait3A_1121 = tpu.memref_squeeze %dma_wait3A_1120 : memref<1x128x64xf32, #tpu.memory_space<hbm>> -> memref<128x64xf32, #tpu.memory_space<hbm>>
    tpu.wait_dma2 semaphore(%arg16 : memref<!tpu.dma_semaphore, #tpu.memory_space<semaphore_mem>>) src(%arg8 : memref<128x64xf32, #tpu.memory_space<vmem>>) dst(%dma_wait3A_1121 : memref<128x64xf32, #tpu.memory_space<hbm>>)
    %dma_start3A_1122 = arith.constant 42 : i32
    %dma_start3A_1123 = arith.constant 0 : i32
    %dma_start3A_1124 = tpu.memref_slice %arg5[%dma_start3A_1122, %dma_start3A_1123] : memref<50x128xi32, #tpu.memory_space<vmem>> -> memref<1x128xi32, #tpu.memory_space<vmem>>
    %dma_start3A_1125 = tpu.memref_squeeze %dma_start3A_1124 : memref<1x128xi32, #tpu.memory_space<vmem>> -> memref<128xi32, #tpu.memory_space<vmem>>
    %dma_start3A_1126 = arith.constant 0 : i32
    %dma_start3A_1127 = arith.constant 0 : i32
    %dma_start3A_1128 = tpu.memref_slice %arg3[%dma_start3A_1126, %dma_start3A_1127] : memref<100000x64xf32, #tpu.memory_space<hbm>> -> memref<100000x64xf32, #tpu.memory_space<hbm>>
    tpu.enqueue_indirect_dma source(%dma_start3A_1128 : memref<100000x64xf32, #tpu.memory_space<hbm>>) target(%arg8 : memref<128x64xf32, #tpu.memory_space<vmem>>) offsets(%dma_start3A_1125 : memref<128xi32, #tpu.memory_space<vmem>>) semaphore(%arg12 : memref<!tpu.dma_semaphore, #tpu.memory_space<semaphore_mem>>)
    %dma_wait3A_1129 = arith.constant 39 : i32
    %dma_wait3A_1130 = arith.constant 0 : i32
    %dma_wait3A_1131 = tpu.memref_slice %arg5[%dma_wait3A_1129, %dma_wait3A_1130] : memref<50x128xi32, #tpu.memory_space<vmem>> -> memref<1x128xi32, #tpu.memory_space<vmem>>
    %dma_wait3A_1132 = tpu.memref_squeeze %dma_wait3A_1131 : memref<1x128xi32, #tpu.memory_space<vmem>> -> memref<128xi32, #tpu.memory_space<vmem>>
    %dma_wait3A_1133 = arith.constant 0 : i32
    %dma_wait3A_1134 = arith.constant 0 : i32
    %dma_wait3A_1135 = tpu.memref_slice %arg3[%dma_wait3A_1133, %dma_wait3A_1134] : memref<100000x64xf32, #tpu.memory_space<hbm>> -> memref<100000x64xf32, #tpu.memory_space<hbm>>
    tpu.wait_indirect_dma semaphore(%arg13 : memref<!tpu.dma_semaphore, #tpu.memory_space<semaphore_mem>>) src(%dma_wait3A_1135 : memref<100000x64xf32, #tpu.memory_space<hbm>>) dst(%arg9 : memref<128x64xf32, #tpu.memory_space<vmem>>)
    %dma_start3A_1136 = arith.constant 39 : i32
    %dma_start3A_1137 = arith.constant 0 : i32
    %dma_start3A_1138 = tpu.memref_slice %arg4[%dma_start3A_1136, %mul3A_2, %dma_start3A_1137] : memref<50x4096x64xf32, #tpu.memory_space<hbm>> -> memref<1x128x64xf32, #tpu.memory_space<hbm>>
    %dma_start3A_1139 = tpu.memref_squeeze %dma_start3A_1138 : memref<1x128x64xf32, #tpu.memory_space<hbm>> -> memref<128x64xf32, #tpu.memory_space<hbm>>
    %dma_start3A_1140 = arith.constant 0 : i32
    %dma_start3A_1141 = tpu.memref_slice %arg4[%dma_start3A_1136, %mul3A_2, %dma_start3A_1140] : memref<50x4096x64xf32, #tpu.memory_space<hbm>> -> memref<1x128x64xf32, #tpu.memory_space<hbm>>
    %dma_start3A_1142 = tpu.memref_squeeze %dma_start3A_1141 : memref<1x128x64xf32, #tpu.memory_space<hbm>> -> memref<128x64xf32, #tpu.memory_space<hbm>>
    tpu.enqueue_dma source(%arg9 : memref<128x64xf32, #tpu.memory_space<vmem>>) target(%dma_start3A_1142 : memref<128x64xf32, #tpu.memory_space<hbm>>) target_semaphore(%arg17 : memref<!tpu.dma_semaphore, #tpu.memory_space<semaphore_mem>>)
    %dma_wait3A_1143 = arith.constant 39 : i32
    %dma_wait3A_1144 = arith.constant 0 : i32
    %dma_wait3A_1145 = tpu.memref_slice %arg4[%dma_wait3A_1143, %mul3A_2, %dma_wait3A_1144] : memref<50x4096x64xf32, #tpu.memory_space<hbm>> -> memref<1x128x64xf32, #tpu.memory_space<hbm>>
    %dma_wait3A_1146 = tpu.memref_squeeze %dma_wait3A_1145 : memref<1x128x64xf32, #tpu.memory_space<hbm>> -> memref<128x64xf32, #tpu.memory_space<hbm>>
    %dma_wait3A_1147 = arith.constant 0 : i32
    %dma_wait3A_1148 = tpu.memref_slice %arg4[%dma_wait3A_1143, %mul3A_2, %dma_wait3A_1147] : memref<50x4096x64xf32, #tpu.memory_space<hbm>> -> memref<1x128x64xf32, #tpu.memory_space<hbm>>
    %dma_wait3A_1149 = tpu.memref_squeeze %dma_wait3A_1148 : memref<1x128x64xf32, #tpu.memory_space<hbm>> -> memref<128x64xf32, #tpu.memory_space<hbm>>
    tpu.wait_dma2 semaphore(%arg17 : memref<!tpu.dma_semaphore, #tpu.memory_space<semaphore_mem>>) src(%arg9 : memref<128x64xf32, #tpu.memory_space<vmem>>) dst(%dma_wait3A_1149 : memref<128x64xf32, #tpu.memory_space<hbm>>)
    %dma_start3A_1150 = arith.constant 43 : i32
    %dma_start3A_1151 = arith.constant 0 : i32
    %dma_start3A_1152 = tpu.memref_slice %arg5[%dma_start3A_1150, %dma_start3A_1151] : memref<50x128xi32, #tpu.memory_space<vmem>> -> memref<1x128xi32, #tpu.memory_space<vmem>>
    %dma_start3A_1153 = tpu.memref_squeeze %dma_start3A_1152 : memref<1x128xi32, #tpu.memory_space<vmem>> -> memref<128xi32, #tpu.memory_space<vmem>>
    %dma_start3A_1154 = arith.constant 0 : i32
    %dma_start3A_1155 = arith.constant 0 : i32
    %dma_start3A_1156 = tpu.memref_slice %arg3[%dma_start3A_1154, %dma_start3A_1155] : memref<100000x64xf32, #tpu.memory_space<hbm>> -> memref<100000x64xf32, #tpu.memory_space<hbm>>
    tpu.enqueue_indirect_dma source(%dma_start3A_1156 : memref<100000x64xf32, #tpu.memory_space<hbm>>) target(%arg9 : memref<128x64xf32, #tpu.memory_space<vmem>>) offsets(%dma_start3A_1153 : memref<128xi32, #tpu.memory_space<vmem>>) semaphore(%arg13 : memref<!tpu.dma_semaphore, #tpu.memory_space<semaphore_mem>>)
    %dma_wait3A_1157 = arith.constant 40 : i32
    %dma_wait3A_1158 = arith.constant 0 : i32
    %dma_wait3A_1159 = tpu.memref_slice %arg5[%dma_wait3A_1157, %dma_wait3A_1158] : memref<50x128xi32, #tpu.memory_space<vmem>> -> memref<1x128xi32, #tpu.memory_space<vmem>>
    %dma_wait3A_1160 = tpu.memref_squeeze %dma_wait3A_1159 : memref<1x128xi32, #tpu.memory_space<vmem>> -> memref<128xi32, #tpu.memory_space<vmem>>
    %dma_wait3A_1161 = arith.constant 0 : i32
    %dma_wait3A_1162 = arith.constant 0 : i32
    %dma_wait3A_1163 = tpu.memref_slice %arg3[%dma_wait3A_1161, %dma_wait3A_1162] : memref<100000x64xf32, #tpu.memory_space<hbm>> -> memref<100000x64xf32, #tpu.memory_space<hbm>>
    tpu.wait_indirect_dma semaphore(%arg10 : memref<!tpu.dma_semaphore, #tpu.memory_space<semaphore_mem>>) src(%dma_wait3A_1163 : memref<100000x64xf32, #tpu.memory_space<hbm>>) dst(%arg6 : memref<128x64xf32, #tpu.memory_space<vmem>>)
    %dma_start3A_1164 = arith.constant 40 : i32
    %dma_start3A_1165 = arith.constant 0 : i32
    %dma_start3A_1166 = tpu.memref_slice %arg4[%dma_start3A_1164, %mul3A_2, %dma_start3A_1165] : memref<50x4096x64xf32, #tpu.memory_space<hbm>> -> memref<1x128x64xf32, #tpu.memory_space<hbm>>
    %dma_start3A_1167 = tpu.memref_squeeze %dma_start3A_1166 : memref<1x128x64xf32, #tpu.memory_space<hbm>> -> memref<128x64xf32, #tpu.memory_space<hbm>>
    %dma_start3A_1168 = arith.constant 0 : i32
    %dma_start3A_1169 = tpu.memref_slice %arg4[%dma_start3A_1164, %mul3A_2, %dma_start3A_1168] : memref<50x4096x64xf32, #tpu.memory_space<hbm>> -> memref<1x128x64xf32, #tpu.memory_space<hbm>>
    %dma_start3A_1170 = tpu.memref_squeeze %dma_start3A_1169 : memref<1x128x64xf32, #tpu.memory_space<hbm>> -> memref<128x64xf32, #tpu.memory_space<hbm>>
    tpu.enqueue_dma source(%arg6 : memref<128x64xf32, #tpu.memory_space<vmem>>) target(%dma_start3A_1170 : memref<128x64xf32, #tpu.memory_space<hbm>>) target_semaphore(%arg14 : memref<!tpu.dma_semaphore, #tpu.memory_space<semaphore_mem>>)
    %dma_wait3A_1171 = arith.constant 40 : i32
    %dma_wait3A_1172 = arith.constant 0 : i32
    %dma_wait3A_1173 = tpu.memref_slice %arg4[%dma_wait3A_1171, %mul3A_2, %dma_wait3A_1172] : memref<50x4096x64xf32, #tpu.memory_space<hbm>> -> memref<1x128x64xf32, #tpu.memory_space<hbm>>
    %dma_wait3A_1174 = tpu.memref_squeeze %dma_wait3A_1173 : memref<1x128x64xf32, #tpu.memory_space<hbm>> -> memref<128x64xf32, #tpu.memory_space<hbm>>
    %dma_wait3A_1175 = arith.constant 0 : i32
    %dma_wait3A_1176 = tpu.memref_slice %arg4[%dma_wait3A_1171, %mul3A_2, %dma_wait3A_1175] : memref<50x4096x64xf32, #tpu.memory_space<hbm>> -> memref<1x128x64xf32, #tpu.memory_space<hbm>>
    %dma_wait3A_1177 = tpu.memref_squeeze %dma_wait3A_1176 : memref<1x128x64xf32, #tpu.memory_space<hbm>> -> memref<128x64xf32, #tpu.memory_space<hbm>>
    tpu.wait_dma2 semaphore(%arg14 : memref<!tpu.dma_semaphore, #tpu.memory_space<semaphore_mem>>) src(%arg6 : memref<128x64xf32, #tpu.memory_space<vmem>>) dst(%dma_wait3A_1177 : memref<128x64xf32, #tpu.memory_space<hbm>>)
    %dma_start3A_1178 = arith.constant 44 : i32
    %dma_start3A_1179 = arith.constant 0 : i32
    %dma_start3A_1180 = tpu.memref_slice %arg5[%dma_start3A_1178, %dma_start3A_1179] : memref<50x128xi32, #tpu.memory_space<vmem>> -> memref<1x128xi32, #tpu.memory_space<vmem>>
    %dma_start3A_1181 = tpu.memref_squeeze %dma_start3A_1180 : memref<1x128xi32, #tpu.memory_space<vmem>> -> memref<128xi32, #tpu.memory_space<vmem>>
    %dma_start3A_1182 = arith.constant 0 : i32
    %dma_start3A_1183 = arith.constant 0 : i32
    %dma_start3A_1184 = tpu.memref_slice %arg3[%dma_start3A_1182, %dma_start3A_1183] : memref<100000x64xf32, #tpu.memory_space<hbm>> -> memref<100000x64xf32, #tpu.memory_space<hbm>>
    tpu.enqueue_indirect_dma source(%dma_start3A_1184 : memref<100000x64xf32, #tpu.memory_space<hbm>>) target(%arg6 : memref<128x64xf32, #tpu.memory_space<vmem>>) offsets(%dma_start3A_1181 : memref<128xi32, #tpu.memory_space<vmem>>) semaphore(%arg10 : memref<!tpu.dma_semaphore, #tpu.memory_space<semaphore_mem>>)
    %dma_wait3A_1185 = arith.constant 41 : i32
    %dma_wait3A_1186 = arith.constant 0 : i32
    %dma_wait3A_1187 = tpu.memref_slice %arg5[%dma_wait3A_1185, %dma_wait3A_1186] : memref<50x128xi32, #tpu.memory_space<vmem>> -> memref<1x128xi32, #tpu.memory_space<vmem>>
    %dma_wait3A_1188 = tpu.memref_squeeze %dma_wait3A_1187 : memref<1x128xi32, #tpu.memory_space<vmem>> -> memref<128xi32, #tpu.memory_space<vmem>>
    %dma_wait3A_1189 = arith.constant 0 : i32
    %dma_wait3A_1190 = arith.constant 0 : i32
    %dma_wait3A_1191 = tpu.memref_slice %arg3[%dma_wait3A_1189, %dma_wait3A_1190] : memref<100000x64xf32, #tpu.memory_space<hbm>> -> memref<100000x64xf32, #tpu.memory_space<hbm>>
    tpu.wait_indirect_dma semaphore(%arg11 : memref<!tpu.dma_semaphore, #tpu.memory_space<semaphore_mem>>) src(%dma_wait3A_1191 : memref<100000x64xf32, #tpu.memory_space<hbm>>) dst(%arg7 : memref<128x64xf32, #tpu.memory_space<vmem>>)
    %dma_start3A_1192 = arith.constant 41 : i32
    %dma_start3A_1193 = arith.constant 0 : i32
    %dma_start3A_1194 = tpu.memref_slice %arg4[%dma_start3A_1192, %mul3A_2, %dma_start3A_1193] : memref<50x4096x64xf32, #tpu.memory_space<hbm>> -> memref<1x128x64xf32, #tpu.memory_space<hbm>>
    %dma_start3A_1195 = tpu.memref_squeeze %dma_start3A_1194 : memref<1x128x64xf32, #tpu.memory_space<hbm>> -> memref<128x64xf32, #tpu.memory_space<hbm>>
    %dma_start3A_1196 = arith.constant 0 : i32
    %dma_start3A_1197 = tpu.memref_slice %arg4[%dma_start3A_1192, %mul3A_2, %dma_start3A_1196] : memref<50x4096x64xf32, #tpu.memory_space<hbm>> -> memref<1x128x64xf32, #tpu.memory_space<hbm>>
    %dma_start3A_1198 = tpu.memref_squeeze %dma_start3A_1197 : memref<1x128x64xf32, #tpu.memory_space<hbm>> -> memref<128x64xf32, #tpu.memory_space<hbm>>
    tpu.enqueue_dma source(%arg7 : memref<128x64xf32, #tpu.memory_space<vmem>>) target(%dma_start3A_1198 : memref<128x64xf32, #tpu.memory_space<hbm>>) target_semaphore(%arg15 : memref<!tpu.dma_semaphore, #tpu.memory_space<semaphore_mem>>)
    %dma_wait3A_1199 = arith.constant 41 : i32
    %dma_wait3A_1200 = arith.constant 0 : i32
    %dma_wait3A_1201 = tpu.memref_slice %arg4[%dma_wait3A_1199, %mul3A_2, %dma_wait3A_1200] : memref<50x4096x64xf32, #tpu.memory_space<hbm>> -> memref<1x128x64xf32, #tpu.memory_space<hbm>>
    %dma_wait3A_1202 = tpu.memref_squeeze %dma_wait3A_1201 : memref<1x128x64xf32, #tpu.memory_space<hbm>> -> memref<128x64xf32, #tpu.memory_space<hbm>>
    %dma_wait3A_1203 = arith.constant 0 : i32
    %dma_wait3A_1204 = tpu.memref_slice %arg4[%dma_wait3A_1199, %mul3A_2, %dma_wait3A_1203] : memref<50x4096x64xf32, #tpu.memory_space<hbm>> -> memref<1x128x64xf32, #tpu.memory_space<hbm>>
    %dma_wait3A_1205 = tpu.memref_squeeze %dma_wait3A_1204 : memref<1x128x64xf32, #tpu.memory_space<hbm>> -> memref<128x64xf32, #tpu.memory_space<hbm>>
    tpu.wait_dma2 semaphore(%arg15 : memref<!tpu.dma_semaphore, #tpu.memory_space<semaphore_mem>>) src(%arg7 : memref<128x64xf32, #tpu.memory_space<vmem>>) dst(%dma_wait3A_1205 : memref<128x64xf32, #tpu.memory_space<hbm>>)
    %dma_start3A_1206 = arith.constant 45 : i32
    %dma_start3A_1207 = arith.constant 0 : i32
    %dma_start3A_1208 = tpu.memref_slice %arg5[%dma_start3A_1206, %dma_start3A_1207] : memref<50x128xi32, #tpu.memory_space<vmem>> -> memref<1x128xi32, #tpu.memory_space<vmem>>
    %dma_start3A_1209 = tpu.memref_squeeze %dma_start3A_1208 : memref<1x128xi32, #tpu.memory_space<vmem>> -> memref<128xi32, #tpu.memory_space<vmem>>
    %dma_start3A_1210 = arith.constant 0 : i32
    %dma_start3A_1211 = arith.constant 0 : i32
    %dma_start3A_1212 = tpu.memref_slice %arg3[%dma_start3A_1210, %dma_start3A_1211] : memref<100000x64xf32, #tpu.memory_space<hbm>> -> memref<100000x64xf32, #tpu.memory_space<hbm>>
    tpu.enqueue_indirect_dma source(%dma_start3A_1212 : memref<100000x64xf32, #tpu.memory_space<hbm>>) target(%arg7 : memref<128x64xf32, #tpu.memory_space<vmem>>) offsets(%dma_start3A_1209 : memref<128xi32, #tpu.memory_space<vmem>>) semaphore(%arg11 : memref<!tpu.dma_semaphore, #tpu.memory_space<semaphore_mem>>)
    %dma_wait3A_1213 = arith.constant 42 : i32
    %dma_wait3A_1214 = arith.constant 0 : i32
    %dma_wait3A_1215 = tpu.memref_slice %arg5[%dma_wait3A_1213, %dma_wait3A_1214] : memref<50x128xi32, #tpu.memory_space<vmem>> -> memref<1x128xi32, #tpu.memory_space<vmem>>
    %dma_wait3A_1216 = tpu.memref_squeeze %dma_wait3A_1215 : memref<1x128xi32, #tpu.memory_space<vmem>> -> memref<128xi32, #tpu.memory_space<vmem>>
    %dma_wait3A_1217 = arith.constant 0 : i32
    %dma_wait3A_1218 = arith.constant 0 : i32
    %dma_wait3A_1219 = tpu.memref_slice %arg3[%dma_wait3A_1217, %dma_wait3A_1218] : memref<100000x64xf32, #tpu.memory_space<hbm>> -> memref<100000x64xf32, #tpu.memory_space<hbm>>
    tpu.wait_indirect_dma semaphore(%arg12 : memref<!tpu.dma_semaphore, #tpu.memory_space<semaphore_mem>>) src(%dma_wait3A_1219 : memref<100000x64xf32, #tpu.memory_space<hbm>>) dst(%arg8 : memref<128x64xf32, #tpu.memory_space<vmem>>)
    %dma_start3A_1220 = arith.constant 42 : i32
    %dma_start3A_1221 = arith.constant 0 : i32
    %dma_start3A_1222 = tpu.memref_slice %arg4[%dma_start3A_1220, %mul3A_2, %dma_start3A_1221] : memref<50x4096x64xf32, #tpu.memory_space<hbm>> -> memref<1x128x64xf32, #tpu.memory_space<hbm>>
    %dma_start3A_1223 = tpu.memref_squeeze %dma_start3A_1222 : memref<1x128x64xf32, #tpu.memory_space<hbm>> -> memref<128x64xf32, #tpu.memory_space<hbm>>
    %dma_start3A_1224 = arith.constant 0 : i32
    %dma_start3A_1225 = tpu.memref_slice %arg4[%dma_start3A_1220, %mul3A_2, %dma_start3A_1224] : memref<50x4096x64xf32, #tpu.memory_space<hbm>> -> memref<1x128x64xf32, #tpu.memory_space<hbm>>
    %dma_start3A_1226 = tpu.memref_squeeze %dma_start3A_1225 : memref<1x128x64xf32, #tpu.memory_space<hbm>> -> memref<128x64xf32, #tpu.memory_space<hbm>>
    tpu.enqueue_dma source(%arg8 : memref<128x64xf32, #tpu.memory_space<vmem>>) target(%dma_start3A_1226 : memref<128x64xf32, #tpu.memory_space<hbm>>) target_semaphore(%arg16 : memref<!tpu.dma_semaphore, #tpu.memory_space<semaphore_mem>>)
    %dma_wait3A_1227 = arith.constant 42 : i32
    %dma_wait3A_1228 = arith.constant 0 : i32
    %dma_wait3A_1229 = tpu.memref_slice %arg4[%dma_wait3A_1227, %mul3A_2, %dma_wait3A_1228] : memref<50x4096x64xf32, #tpu.memory_space<hbm>> -> memref<1x128x64xf32, #tpu.memory_space<hbm>>
    %dma_wait3A_1230 = tpu.memref_squeeze %dma_wait3A_1229 : memref<1x128x64xf32, #tpu.memory_space<hbm>> -> memref<128x64xf32, #tpu.memory_space<hbm>>
    %dma_wait3A_1231 = arith.constant 0 : i32
    %dma_wait3A_1232 = tpu.memref_slice %arg4[%dma_wait3A_1227, %mul3A_2, %dma_wait3A_1231] : memref<50x4096x64xf32, #tpu.memory_space<hbm>> -> memref<1x128x64xf32, #tpu.memory_space<hbm>>
    %dma_wait3A_1233 = tpu.memref_squeeze %dma_wait3A_1232 : memref<1x128x64xf32, #tpu.memory_space<hbm>> -> memref<128x64xf32, #tpu.memory_space<hbm>>
    tpu.wait_dma2 semaphore(%arg16 : memref<!tpu.dma_semaphore, #tpu.memory_space<semaphore_mem>>) src(%arg8 : memref<128x64xf32, #tpu.memory_space<vmem>>) dst(%dma_wait3A_1233 : memref<128x64xf32, #tpu.memory_space<hbm>>)
    %dma_start3A_1234 = arith.constant 46 : i32
    %dma_start3A_1235 = arith.constant 0 : i32
    %dma_start3A_1236 = tpu.memref_slice %arg5[%dma_start3A_1234, %dma_start3A_1235] : memref<50x128xi32, #tpu.memory_space<vmem>> -> memref<1x128xi32, #tpu.memory_space<vmem>>
    %dma_start3A_1237 = tpu.memref_squeeze %dma_start3A_1236 : memref<1x128xi32, #tpu.memory_space<vmem>> -> memref<128xi32, #tpu.memory_space<vmem>>
    %dma_start3A_1238 = arith.constant 0 : i32
    %dma_start3A_1239 = arith.constant 0 : i32
    %dma_start3A_1240 = tpu.memref_slice %arg3[%dma_start3A_1238, %dma_start3A_1239] : memref<100000x64xf32, #tpu.memory_space<hbm>> -> memref<100000x64xf32, #tpu.memory_space<hbm>>
    tpu.enqueue_indirect_dma source(%dma_start3A_1240 : memref<100000x64xf32, #tpu.memory_space<hbm>>) target(%arg8 : memref<128x64xf32, #tpu.memory_space<vmem>>) offsets(%dma_start3A_1237 : memref<128xi32, #tpu.memory_space<vmem>>) semaphore(%arg12 : memref<!tpu.dma_semaphore, #tpu.memory_space<semaphore_mem>>)
    %dma_wait3A_1241 = arith.constant 43 : i32
    %dma_wait3A_1242 = arith.constant 0 : i32
    %dma_wait3A_1243 = tpu.memref_slice %arg5[%dma_wait3A_1241, %dma_wait3A_1242] : memref<50x128xi32, #tpu.memory_space<vmem>> -> memref<1x128xi32, #tpu.memory_space<vmem>>
    %dma_wait3A_1244 = tpu.memref_squeeze %dma_wait3A_1243 : memref<1x128xi32, #tpu.memory_space<vmem>> -> memref<128xi32, #tpu.memory_space<vmem>>
    %dma_wait3A_1245 = arith.constant 0 : i32
    %dma_wait3A_1246 = arith.constant 0 : i32
    %dma_wait3A_1247 = tpu.memref_slice %arg3[%dma_wait3A_1245, %dma_wait3A_1246] : memref<100000x64xf32, #tpu.memory_space<hbm>> -> memref<100000x64xf32, #tpu.memory_space<hbm>>
    tpu.wait_indirect_dma semaphore(%arg13 : memref<!tpu.dma_semaphore, #tpu.memory_space<semaphore_mem>>) src(%dma_wait3A_1247 : memref<100000x64xf32, #tpu.memory_space<hbm>>) dst(%arg9 : memref<128x64xf32, #tpu.memory_space<vmem>>)
    %dma_start3A_1248 = arith.constant 43 : i32
    %dma_start3A_1249 = arith.constant 0 : i32
    %dma_start3A_1250 = tpu.memref_slice %arg4[%dma_start3A_1248, %mul3A_2, %dma_start3A_1249] : memref<50x4096x64xf32, #tpu.memory_space<hbm>> -> memref<1x128x64xf32, #tpu.memory_space<hbm>>
    %dma_start3A_1251 = tpu.memref_squeeze %dma_start3A_1250 : memref<1x128x64xf32, #tpu.memory_space<hbm>> -> memref<128x64xf32, #tpu.memory_space<hbm>>
    %dma_start3A_1252 = arith.constant 0 : i32
    %dma_start3A_1253 = tpu.memref_slice %arg4[%dma_start3A_1248, %mul3A_2, %dma_start3A_1252] : memref<50x4096x64xf32, #tpu.memory_space<hbm>> -> memref<1x128x64xf32, #tpu.memory_space<hbm>>
    %dma_start3A_1254 = tpu.memref_squeeze %dma_start3A_1253 : memref<1x128x64xf32, #tpu.memory_space<hbm>> -> memref<128x64xf32, #tpu.memory_space<hbm>>
    tpu.enqueue_dma source(%arg9 : memref<128x64xf32, #tpu.memory_space<vmem>>) target(%dma_start3A_1254 : memref<128x64xf32, #tpu.memory_space<hbm>>) target_semaphore(%arg17 : memref<!tpu.dma_semaphore, #tpu.memory_space<semaphore_mem>>)
    %dma_wait3A_1255 = arith.constant 43 : i32
    %dma_wait3A_1256 = arith.constant 0 : i32
    %dma_wait3A_1257 = tpu.memref_slice %arg4[%dma_wait3A_1255, %mul3A_2, %dma_wait3A_1256] : memref<50x4096x64xf32, #tpu.memory_space<hbm>> -> memref<1x128x64xf32, #tpu.memory_space<hbm>>
    %dma_wait3A_1258 = tpu.memref_squeeze %dma_wait3A_1257 : memref<1x128x64xf32, #tpu.memory_space<hbm>> -> memref<128x64xf32, #tpu.memory_space<hbm>>
    %dma_wait3A_1259 = arith.constant 0 : i32
    %dma_wait3A_1260 = tpu.memref_slice %arg4[%dma_wait3A_1255, %mul3A_2, %dma_wait3A_1259] : memref<50x4096x64xf32, #tpu.memory_space<hbm>> -> memref<1x128x64xf32, #tpu.memory_space<hbm>>
    %dma_wait3A_1261 = tpu.memref_squeeze %dma_wait3A_1260 : memref<1x128x64xf32, #tpu.memory_space<hbm>> -> memref<128x64xf32, #tpu.memory_space<hbm>>
    tpu.wait_dma2 semaphore(%arg17 : memref<!tpu.dma_semaphore, #tpu.memory_space<semaphore_mem>>) src(%arg9 : memref<128x64xf32, #tpu.memory_space<vmem>>) dst(%dma_wait3A_1261 : memref<128x64xf32, #tpu.memory_space<hbm>>)
    %dma_start3A_1262 = arith.constant 47 : i32
    %dma_start3A_1263 = arith.constant 0 : i32
    %dma_start3A_1264 = tpu.memref_slice %arg5[%dma_start3A_1262, %dma_start3A_1263] : memref<50x128xi32, #tpu.memory_space<vmem>> -> memref<1x128xi32, #tpu.memory_space<vmem>>
    %dma_start3A_1265 = tpu.memref_squeeze %dma_start3A_1264 : memref<1x128xi32, #tpu.memory_space<vmem>> -> memref<128xi32, #tpu.memory_space<vmem>>
    %dma_start3A_1266 = arith.constant 0 : i32
    %dma_start3A_1267 = arith.constant 0 : i32
    %dma_start3A_1268 = tpu.memref_slice %arg3[%dma_start3A_1266, %dma_start3A_1267] : memref<100000x64xf32, #tpu.memory_space<hbm>> -> memref<100000x64xf32, #tpu.memory_space<hbm>>
    tpu.enqueue_indirect_dma source(%dma_start3A_1268 : memref<100000x64xf32, #tpu.memory_space<hbm>>) target(%arg9 : memref<128x64xf32, #tpu.memory_space<vmem>>) offsets(%dma_start3A_1265 : memref<128xi32, #tpu.memory_space<vmem>>) semaphore(%arg13 : memref<!tpu.dma_semaphore, #tpu.memory_space<semaphore_mem>>)
    %dma_wait3A_1269 = arith.constant 44 : i32
    %dma_wait3A_1270 = arith.constant 0 : i32
    %dma_wait3A_1271 = tpu.memref_slice %arg5[%dma_wait3A_1269, %dma_wait3A_1270] : memref<50x128xi32, #tpu.memory_space<vmem>> -> memref<1x128xi32, #tpu.memory_space<vmem>>
    %dma_wait3A_1272 = tpu.memref_squeeze %dma_wait3A_1271 : memref<1x128xi32, #tpu.memory_space<vmem>> -> memref<128xi32, #tpu.memory_space<vmem>>
    %dma_wait3A_1273 = arith.constant 0 : i32
    %dma_wait3A_1274 = arith.constant 0 : i32
    %dma_wait3A_1275 = tpu.memref_slice %arg3[%dma_wait3A_1273, %dma_wait3A_1274] : memref<100000x64xf32, #tpu.memory_space<hbm>> -> memref<100000x64xf32, #tpu.memory_space<hbm>>
    tpu.wait_indirect_dma semaphore(%arg10 : memref<!tpu.dma_semaphore, #tpu.memory_space<semaphore_mem>>) src(%dma_wait3A_1275 : memref<100000x64xf32, #tpu.memory_space<hbm>>) dst(%arg6 : memref<128x64xf32, #tpu.memory_space<vmem>>)
    %dma_start3A_1276 = arith.constant 44 : i32
    %dma_start3A_1277 = arith.constant 0 : i32
    %dma_start3A_1278 = tpu.memref_slice %arg4[%dma_start3A_1276, %mul3A_2, %dma_start3A_1277] : memref<50x4096x64xf32, #tpu.memory_space<hbm>> -> memref<1x128x64xf32, #tpu.memory_space<hbm>>
    %dma_start3A_1279 = tpu.memref_squeeze %dma_start3A_1278 : memref<1x128x64xf32, #tpu.memory_space<hbm>> -> memref<128x64xf32, #tpu.memory_space<hbm>>
    %dma_start3A_1280 = arith.constant 0 : i32
    %dma_start3A_1281 = tpu.memref_slice %arg4[%dma_start3A_1276, %mul3A_2, %dma_start3A_1280] : memref<50x4096x64xf32, #tpu.memory_space<hbm>> -> memref<1x128x64xf32, #tpu.memory_space<hbm>>
    %dma_start3A_1282 = tpu.memref_squeeze %dma_start3A_1281 : memref<1x128x64xf32, #tpu.memory_space<hbm>> -> memref<128x64xf32, #tpu.memory_space<hbm>>
    tpu.enqueue_dma source(%arg6 : memref<128x64xf32, #tpu.memory_space<vmem>>) target(%dma_start3A_1282 : memref<128x64xf32, #tpu.memory_space<hbm>>) target_semaphore(%arg14 : memref<!tpu.dma_semaphore, #tpu.memory_space<semaphore_mem>>)
    %dma_wait3A_1283 = arith.constant 44 : i32
    %dma_wait3A_1284 = arith.constant 0 : i32
    %dma_wait3A_1285 = tpu.memref_slice %arg4[%dma_wait3A_1283, %mul3A_2, %dma_wait3A_1284] : memref<50x4096x64xf32, #tpu.memory_space<hbm>> -> memref<1x128x64xf32, #tpu.memory_space<hbm>>
    %dma_wait3A_1286 = tpu.memref_squeeze %dma_wait3A_1285 : memref<1x128x64xf32, #tpu.memory_space<hbm>> -> memref<128x64xf32, #tpu.memory_space<hbm>>
    %dma_wait3A_1287 = arith.constant 0 : i32
    %dma_wait3A_1288 = tpu.memref_slice %arg4[%dma_wait3A_1283, %mul3A_2, %dma_wait3A_1287] : memref<50x4096x64xf32, #tpu.memory_space<hbm>> -> memref<1x128x64xf32, #tpu.memory_space<hbm>>
    %dma_wait3A_1289 = tpu.memref_squeeze %dma_wait3A_1288 : memref<1x128x64xf32, #tpu.memory_space<hbm>> -> memref<128x64xf32, #tpu.memory_space<hbm>>
    tpu.wait_dma2 semaphore(%arg14 : memref<!tpu.dma_semaphore, #tpu.memory_space<semaphore_mem>>) src(%arg6 : memref<128x64xf32, #tpu.memory_space<vmem>>) dst(%dma_wait3A_1289 : memref<128x64xf32, #tpu.memory_space<hbm>>)
    %dma_start3A_1290 = arith.constant 48 : i32
    %dma_start3A_1291 = arith.constant 0 : i32
    %dma_start3A_1292 = tpu.memref_slice %arg5[%dma_start3A_1290, %dma_start3A_1291] : memref<50x128xi32, #tpu.memory_space<vmem>> -> memref<1x128xi32, #tpu.memory_space<vmem>>
    %dma_start3A_1293 = tpu.memref_squeeze %dma_start3A_1292 : memref<1x128xi32, #tpu.memory_space<vmem>> -> memref<128xi32, #tpu.memory_space<vmem>>
    %dma_start3A_1294 = arith.constant 0 : i32
    %dma_start3A_1295 = arith.constant 0 : i32
    %dma_start3A_1296 = tpu.memref_slice %arg3[%dma_start3A_1294, %dma_start3A_1295] : memref<100000x64xf32, #tpu.memory_space<hbm>> -> memref<100000x64xf32, #tpu.memory_space<hbm>>
    tpu.enqueue_indirect_dma source(%dma_start3A_1296 : memref<100000x64xf32, #tpu.memory_space<hbm>>) target(%arg6 : memref<128x64xf32, #tpu.memory_space<vmem>>) offsets(%dma_start3A_1293 : memref<128xi32, #tpu.memory_space<vmem>>) semaphore(%arg10 : memref<!tpu.dma_semaphore, #tpu.memory_space<semaphore_mem>>)
    %dma_wait3A_1297 = arith.constant 45 : i32
    %dma_wait3A_1298 = arith.constant 0 : i32
    %dma_wait3A_1299 = tpu.memref_slice %arg5[%dma_wait3A_1297, %dma_wait3A_1298] : memref<50x128xi32, #tpu.memory_space<vmem>> -> memref<1x128xi32, #tpu.memory_space<vmem>>
    %dma_wait3A_1300 = tpu.memref_squeeze %dma_wait3A_1299 : memref<1x128xi32, #tpu.memory_space<vmem>> -> memref<128xi32, #tpu.memory_space<vmem>>
    %dma_wait3A_1301 = arith.constant 0 : i32
    %dma_wait3A_1302 = arith.constant 0 : i32
    %dma_wait3A_1303 = tpu.memref_slice %arg3[%dma_wait3A_1301, %dma_wait3A_1302] : memref<100000x64xf32, #tpu.memory_space<hbm>> -> memref<100000x64xf32, #tpu.memory_space<hbm>>
    tpu.wait_indirect_dma semaphore(%arg11 : memref<!tpu.dma_semaphore, #tpu.memory_space<semaphore_mem>>) src(%dma_wait3A_1303 : memref<100000x64xf32, #tpu.memory_space<hbm>>) dst(%arg7 : memref<128x64xf32, #tpu.memory_space<vmem>>)
    %dma_start3A_1304 = arith.constant 45 : i32
    %dma_start3A_1305 = arith.constant 0 : i32
    %dma_start3A_1306 = tpu.memref_slice %arg4[%dma_start3A_1304, %mul3A_2, %dma_start3A_1305] : memref<50x4096x64xf32, #tpu.memory_space<hbm>> -> memref<1x128x64xf32, #tpu.memory_space<hbm>>
    %dma_start3A_1307 = tpu.memref_squeeze %dma_start3A_1306 : memref<1x128x64xf32, #tpu.memory_space<hbm>> -> memref<128x64xf32, #tpu.memory_space<hbm>>
    %dma_start3A_1308 = arith.constant 0 : i32
    %dma_start3A_1309 = tpu.memref_slice %arg4[%dma_start3A_1304, %mul3A_2, %dma_start3A_1308] : memref<50x4096x64xf32, #tpu.memory_space<hbm>> -> memref<1x128x64xf32, #tpu.memory_space<hbm>>
    %dma_start3A_1310 = tpu.memref_squeeze %dma_start3A_1309 : memref<1x128x64xf32, #tpu.memory_space<hbm>> -> memref<128x64xf32, #tpu.memory_space<hbm>>
    tpu.enqueue_dma source(%arg7 : memref<128x64xf32, #tpu.memory_space<vmem>>) target(%dma_start3A_1310 : memref<128x64xf32, #tpu.memory_space<hbm>>) target_semaphore(%arg15 : memref<!tpu.dma_semaphore, #tpu.memory_space<semaphore_mem>>)
    %dma_wait3A_1311 = arith.constant 45 : i32
    %dma_wait3A_1312 = arith.constant 0 : i32
    %dma_wait3A_1313 = tpu.memref_slice %arg4[%dma_wait3A_1311, %mul3A_2, %dma_wait3A_1312] : memref<50x4096x64xf32, #tpu.memory_space<hbm>> -> memref<1x128x64xf32, #tpu.memory_space<hbm>>
    %dma_wait3A_1314 = tpu.memref_squeeze %dma_wait3A_1313 : memref<1x128x64xf32, #tpu.memory_space<hbm>> -> memref<128x64xf32, #tpu.memory_space<hbm>>
    %dma_wait3A_1315 = arith.constant 0 : i32
    %dma_wait3A_1316 = tpu.memref_slice %arg4[%dma_wait3A_1311, %mul3A_2, %dma_wait3A_1315] : memref<50x4096x64xf32, #tpu.memory_space<hbm>> -> memref<1x128x64xf32, #tpu.memory_space<hbm>>
    %dma_wait3A_1317 = tpu.memref_squeeze %dma_wait3A_1316 : memref<1x128x64xf32, #tpu.memory_space<hbm>> -> memref<128x64xf32, #tpu.memory_space<hbm>>
    tpu.wait_dma2 semaphore(%arg15 : memref<!tpu.dma_semaphore, #tpu.memory_space<semaphore_mem>>) src(%arg7 : memref<128x64xf32, #tpu.memory_space<vmem>>) dst(%dma_wait3A_1317 : memref<128x64xf32, #tpu.memory_space<hbm>>)
    %dma_start3A_1318 = arith.constant 49 : i32
    %dma_start3A_1319 = arith.constant 0 : i32
    %dma_start3A_1320 = tpu.memref_slice %arg5[%dma_start3A_1318, %dma_start3A_1319] : memref<50x128xi32, #tpu.memory_space<vmem>> -> memref<1x128xi32, #tpu.memory_space<vmem>>
    %dma_start3A_1321 = tpu.memref_squeeze %dma_start3A_1320 : memref<1x128xi32, #tpu.memory_space<vmem>> -> memref<128xi32, #tpu.memory_space<vmem>>
    %dma_start3A_1322 = arith.constant 0 : i32
    %dma_start3A_1323 = arith.constant 0 : i32
    %dma_start3A_1324 = tpu.memref_slice %arg3[%dma_start3A_1322, %dma_start3A_1323] : memref<100000x64xf32, #tpu.memory_space<hbm>> -> memref<100000x64xf32, #tpu.memory_space<hbm>>
    tpu.enqueue_indirect_dma source(%dma_start3A_1324 : memref<100000x64xf32, #tpu.memory_space<hbm>>) target(%arg7 : memref<128x64xf32, #tpu.memory_space<vmem>>) offsets(%dma_start3A_1321 : memref<128xi32, #tpu.memory_space<vmem>>) semaphore(%arg11 : memref<!tpu.dma_semaphore, #tpu.memory_space<semaphore_mem>>)
    %dma_wait3A_1325 = arith.constant 46 : i32
    %dma_wait3A_1326 = arith.constant 0 : i32
    %dma_wait3A_1327 = tpu.memref_slice %arg5[%dma_wait3A_1325, %dma_wait3A_1326] : memref<50x128xi32, #tpu.memory_space<vmem>> -> memref<1x128xi32, #tpu.memory_space<vmem>>
    %dma_wait3A_1328 = tpu.memref_squeeze %dma_wait3A_1327 : memref<1x128xi32, #tpu.memory_space<vmem>> -> memref<128xi32, #tpu.memory_space<vmem>>
    %dma_wait3A_1329 = arith.constant 0 : i32
    %dma_wait3A_1330 = arith.constant 0 : i32
    %dma_wait3A_1331 = tpu.memref_slice %arg3[%dma_wait3A_1329, %dma_wait3A_1330] : memref<100000x64xf32, #tpu.memory_space<hbm>> -> memref<100000x64xf32, #tpu.memory_space<hbm>>
    tpu.wait_indirect_dma semaphore(%arg12 : memref<!tpu.dma_semaphore, #tpu.memory_space<semaphore_mem>>) src(%dma_wait3A_1331 : memref<100000x64xf32, #tpu.memory_space<hbm>>) dst(%arg8 : memref<128x64xf32, #tpu.memory_space<vmem>>)
    %dma_start3A_1332 = arith.constant 46 : i32
    %dma_start3A_1333 = arith.constant 0 : i32
    %dma_start3A_1334 = tpu.memref_slice %arg4[%dma_start3A_1332, %mul3A_2, %dma_start3A_1333] : memref<50x4096x64xf32, #tpu.memory_space<hbm>> -> memref<1x128x64xf32, #tpu.memory_space<hbm>>
    %dma_start3A_1335 = tpu.memref_squeeze %dma_start3A_1334 : memref<1x128x64xf32, #tpu.memory_space<hbm>> -> memref<128x64xf32, #tpu.memory_space<hbm>>
    %dma_start3A_1336 = arith.constant 0 : i32
    %dma_start3A_1337 = tpu.memref_slice %arg4[%dma_start3A_1332, %mul3A_2, %dma_start3A_1336] : memref<50x4096x64xf32, #tpu.memory_space<hbm>> -> memref<1x128x64xf32, #tpu.memory_space<hbm>>
    %dma_start3A_1338 = tpu.memref_squeeze %dma_start3A_1337 : memref<1x128x64xf32, #tpu.memory_space<hbm>> -> memref<128x64xf32, #tpu.memory_space<hbm>>
    tpu.enqueue_dma source(%arg8 : memref<128x64xf32, #tpu.memory_space<vmem>>) target(%dma_start3A_1338 : memref<128x64xf32, #tpu.memory_space<hbm>>) target_semaphore(%arg16 : memref<!tpu.dma_semaphore, #tpu.memory_space<semaphore_mem>>)
    %dma_wait3A_1339 = arith.constant 47 : i32
    %dma_wait3A_1340 = arith.constant 0 : i32
    %dma_wait3A_1341 = tpu.memref_slice %arg5[%dma_wait3A_1339, %dma_wait3A_1340] : memref<50x128xi32, #tpu.memory_space<vmem>> -> memref<1x128xi32, #tpu.memory_space<vmem>>
    %dma_wait3A_1342 = tpu.memref_squeeze %dma_wait3A_1341 : memref<1x128xi32, #tpu.memory_space<vmem>> -> memref<128xi32, #tpu.memory_space<vmem>>
    %dma_wait3A_1343 = arith.constant 0 : i32
    %dma_wait3A_1344 = arith.constant 0 : i32
    %dma_wait3A_1345 = tpu.memref_slice %arg3[%dma_wait3A_1343, %dma_wait3A_1344] : memref<100000x64xf32, #tpu.memory_space<hbm>> -> memref<100000x64xf32, #tpu.memory_space<hbm>>
    tpu.wait_indirect_dma semaphore(%arg13 : memref<!tpu.dma_semaphore, #tpu.memory_space<semaphore_mem>>) src(%dma_wait3A_1345 : memref<100000x64xf32, #tpu.memory_space<hbm>>) dst(%arg9 : memref<128x64xf32, #tpu.memory_space<vmem>>)
    %dma_start3A_1346 = arith.constant 47 : i32
    %dma_start3A_1347 = arith.constant 0 : i32
    %dma_start3A_1348 = tpu.memref_slice %arg4[%dma_start3A_1346, %mul3A_2, %dma_start3A_1347] : memref<50x4096x64xf32, #tpu.memory_space<hbm>> -> memref<1x128x64xf32, #tpu.memory_space<hbm>>
    %dma_start3A_1349 = tpu.memref_squeeze %dma_start3A_1348 : memref<1x128x64xf32, #tpu.memory_space<hbm>> -> memref<128x64xf32, #tpu.memory_space<hbm>>
    %dma_start3A_1350 = arith.constant 0 : i32
    %dma_start3A_1351 = tpu.memref_slice %arg4[%dma_start3A_1346, %mul3A_2, %dma_start3A_1350] : memref<50x4096x64xf32, #tpu.memory_space<hbm>> -> memref<1x128x64xf32, #tpu.memory_space<hbm>>
    %dma_start3A_1352 = tpu.memref_squeeze %dma_start3A_1351 : memref<1x128x64xf32, #tpu.memory_space<hbm>> -> memref<128x64xf32, #tpu.memory_space<hbm>>
    tpu.enqueue_dma source(%arg9 : memref<128x64xf32, #tpu.memory_space<vmem>>) target(%dma_start3A_1352 : memref<128x64xf32, #tpu.memory_space<hbm>>) target_semaphore(%arg17 : memref<!tpu.dma_semaphore, #tpu.memory_space<semaphore_mem>>)
    %dma_wait3A_1353 = arith.constant 48 : i32
    %dma_wait3A_1354 = arith.constant 0 : i32
    %dma_wait3A_1355 = tpu.memref_slice %arg5[%dma_wait3A_1353, %dma_wait3A_1354] : memref<50x128xi32, #tpu.memory_space<vmem>> -> memref<1x128xi32, #tpu.memory_space<vmem>>
    %dma_wait3A_1356 = tpu.memref_squeeze %dma_wait3A_1355 : memref<1x128xi32, #tpu.memory_space<vmem>> -> memref<128xi32, #tpu.memory_space<vmem>>
    %dma_wait3A_1357 = arith.constant 0 : i32
    %dma_wait3A_1358 = arith.constant 0 : i32
    %dma_wait3A_1359 = tpu.memref_slice %arg3[%dma_wait3A_1357, %dma_wait3A_1358] : memref<100000x64xf32, #tpu.memory_space<hbm>> -> memref<100000x64xf32, #tpu.memory_space<hbm>>
    tpu.wait_indirect_dma semaphore(%arg10 : memref<!tpu.dma_semaphore, #tpu.memory_space<semaphore_mem>>) src(%dma_wait3A_1359 : memref<100000x64xf32, #tpu.memory_space<hbm>>) dst(%arg6 : memref<128x64xf32, #tpu.memory_space<vmem>>)
    %dma_start3A_1360 = arith.constant 48 : i32
    %dma_start3A_1361 = arith.constant 0 : i32
    %dma_start3A_1362 = tpu.memref_slice %arg4[%dma_start3A_1360, %mul3A_2, %dma_start3A_1361] : memref<50x4096x64xf32, #tpu.memory_space<hbm>> -> memref<1x128x64xf32, #tpu.memory_space<hbm>>
    %dma_start3A_1363 = tpu.memref_squeeze %dma_start3A_1362 : memref<1x128x64xf32, #tpu.memory_space<hbm>> -> memref<128x64xf32, #tpu.memory_space<hbm>>
    %dma_start3A_1364 = arith.constant 0 : i32
    %dma_start3A_1365 = tpu.memref_slice %arg4[%dma_start3A_1360, %mul3A_2, %dma_start3A_1364] : memref<50x4096x64xf32, #tpu.memory_space<hbm>> -> memref<1x128x64xf32, #tpu.memory_space<hbm>>
    %dma_start3A_1366 = tpu.memref_squeeze %dma_start3A_1365 : memref<1x128x64xf32, #tpu.memory_space<hbm>> -> memref<128x64xf32, #tpu.memory_space<hbm>>
    tpu.enqueue_dma source(%arg6 : memref<128x64xf32, #tpu.memory_space<vmem>>) target(%dma_start3A_1366 : memref<128x64xf32, #tpu.memory_space<hbm>>) target_semaphore(%arg14 : memref<!tpu.dma_semaphore, #tpu.memory_space<semaphore_mem>>)
    %dma_wait3A_1367 = arith.constant 49 : i32
    %dma_wait3A_1368 = arith.constant 0 : i32
    %dma_wait3A_1369 = tpu.memref_slice %arg5[%dma_wait3A_1367, %dma_wait3A_1368] : memref<50x128xi32, #tpu.memory_space<vmem>> -> memref<1x128xi32, #tpu.memory_space<vmem>>
    %dma_wait3A_1370 = tpu.memref_squeeze %dma_wait3A_1369 : memref<1x128xi32, #tpu.memory_space<vmem>> -> memref<128xi32, #tpu.memory_space<vmem>>
    %dma_wait3A_1371 = arith.constant 0 : i32
    %dma_wait3A_1372 = arith.constant 0 : i32
    %dma_wait3A_1373 = tpu.memref_slice %arg3[%dma_wait3A_1371, %dma_wait3A_1372] : memref<100000x64xf32, #tpu.memory_space<hbm>> -> memref<100000x64xf32, #tpu.memory_space<hbm>>
    tpu.wait_indirect_dma semaphore(%arg11 : memref<!tpu.dma_semaphore, #tpu.memory_space<semaphore_mem>>) src(%dma_wait3A_1373 : memref<100000x64xf32, #tpu.memory_space<hbm>>) dst(%arg7 : memref<128x64xf32, #tpu.memory_space<vmem>>)
    %dma_start3A_1374 = arith.constant 49 : i32
    %dma_start3A_1375 = arith.constant 0 : i32
    %dma_start3A_1376 = tpu.memref_slice %arg4[%dma_start3A_1374, %mul3A_2, %dma_start3A_1375] : memref<50x4096x64xf32, #tpu.memory_space<hbm>> -> memref<1x128x64xf32, #tpu.memory_space<hbm>>
    %dma_start3A_1377 = tpu.memref_squeeze %dma_start3A_1376 : memref<1x128x64xf32, #tpu.memory_space<hbm>> -> memref<128x64xf32, #tpu.memory_space<hbm>>
    %dma_start3A_1378 = arith.constant 0 : i32
    %dma_start3A_1379 = tpu.memref_slice %arg4[%dma_start3A_1374, %mul3A_2, %dma_start3A_1378] : memref<50x4096x64xf32, #tpu.memory_space<hbm>> -> memref<1x128x64xf32, #tpu.memory_space<hbm>>
    %dma_start3A_1380 = tpu.memref_squeeze %dma_start3A_1379 : memref<1x128x64xf32, #tpu.memory_space<hbm>> -> memref<128x64xf32, #tpu.memory_space<hbm>>
    tpu.enqueue_dma source(%arg7 : memref<128x64xf32, #tpu.memory_space<vmem>>) target(%dma_start3A_1380 : memref<128x64xf32, #tpu.memory_space<hbm>>) target_semaphore(%arg15 : memref<!tpu.dma_semaphore, #tpu.memory_space<semaphore_mem>>)
    %dma_wait3A_1381 = arith.constant 46 : i32
    %dma_wait3A_1382 = arith.constant 0 : i32
    %dma_wait3A_1383 = tpu.memref_slice %arg4[%dma_wait3A_1381, %mul3A_2, %dma_wait3A_1382] : memref<50x4096x64xf32, #tpu.memory_space<hbm>> -> memref<1x128x64xf32, #tpu.memory_space<hbm>>
    %dma_wait3A_1384 = tpu.memref_squeeze %dma_wait3A_1383 : memref<1x128x64xf32, #tpu.memory_space<hbm>> -> memref<128x64xf32, #tpu.memory_space<hbm>>
    %dma_wait3A_1385 = arith.constant 0 : i32
    %dma_wait3A_1386 = tpu.memref_slice %arg4[%dma_wait3A_1381, %mul3A_2, %dma_wait3A_1385] : memref<50x4096x64xf32, #tpu.memory_space<hbm>> -> memref<1x128x64xf32, #tpu.memory_space<hbm>>
    %dma_wait3A_1387 = tpu.memref_squeeze %dma_wait3A_1386 : memref<1x128x64xf32, #tpu.memory_space<hbm>> -> memref<128x64xf32, #tpu.memory_space<hbm>>
    tpu.wait_dma2 semaphore(%arg16 : memref<!tpu.dma_semaphore, #tpu.memory_space<semaphore_mem>>) src(%arg8 : memref<128x64xf32, #tpu.memory_space<vmem>>) dst(%dma_wait3A_1387 : memref<128x64xf32, #tpu.memory_space<hbm>>)
    %dma_wait3A_1388 = arith.constant 47 : i32
    %dma_wait3A_1389 = arith.constant 0 : i32
    %dma_wait3A_1390 = tpu.memref_slice %arg4[%dma_wait3A_1388, %mul3A_2, %dma_wait3A_1389] : memref<50x4096x64xf32, #tpu.memory_space<hbm>> -> memref<1x128x64xf32, #tpu.memory_space<hbm>>
    %dma_wait3A_1391 = tpu.memref_squeeze %dma_wait3A_1390 : memref<1x128x64xf32, #tpu.memory_space<hbm>> -> memref<128x64xf32, #tpu.memory_space<hbm>>
    %dma_wait3A_1392 = arith.constant 0 : i32
    %dma_wait3A_1393 = tpu.memref_slice %arg4[%dma_wait3A_1388, %mul3A_2, %dma_wait3A_1392] : memref<50x4096x64xf32, #tpu.memory_space<hbm>> -> memref<1x128x64xf32, #tpu.memory_space<hbm>>
    %dma_wait3A_1394 = tpu.memref_squeeze %dma_wait3A_1393 : memref<1x128x64xf32, #tpu.memory_space<hbm>> -> memref<128x64xf32, #tpu.memory_space<hbm>>
    tpu.wait_dma2 semaphore(%arg17 : memref<!tpu.dma_semaphore, #tpu.memory_space<semaphore_mem>>) src(%arg9 : memref<128x64xf32, #tpu.memory_space<vmem>>) dst(%dma_wait3A_1394 : memref<128x64xf32, #tpu.memory_space<hbm>>)
    %dma_wait3A_1395 = arith.constant 48 : i32
    %dma_wait3A_1396 = arith.constant 0 : i32
    %dma_wait3A_1397 = tpu.memref_slice %arg4[%dma_wait3A_1395, %mul3A_2, %dma_wait3A_1396] : memref<50x4096x64xf32, #tpu.memory_space<hbm>> -> memref<1x128x64xf32, #tpu.memory_space<hbm>>
    %dma_wait3A_1398 = tpu.memref_squeeze %dma_wait3A_1397 : memref<1x128x64xf32, #tpu.memory_space<hbm>> -> memref<128x64xf32, #tpu.memory_space<hbm>>
    %dma_wait3A_1399 = arith.constant 0 : i32
    %dma_wait3A_1400 = tpu.memref_slice %arg4[%dma_wait3A_1395, %mul3A_2, %dma_wait3A_1399] : memref<50x4096x64xf32, #tpu.memory_space<hbm>> -> memref<1x128x64xf32, #tpu.memory_space<hbm>>
    %dma_wait3A_1401 = tpu.memref_squeeze %dma_wait3A_1400 : memref<1x128x64xf32, #tpu.memory_space<hbm>> -> memref<128x64xf32, #tpu.memory_space<hbm>>
    tpu.wait_dma2 semaphore(%arg14 : memref<!tpu.dma_semaphore, #tpu.memory_space<semaphore_mem>>) src(%arg6 : memref<128x64xf32, #tpu.memory_space<vmem>>) dst(%dma_wait3A_1401 : memref<128x64xf32, #tpu.memory_space<hbm>>)
    %dma_wait3A_1402 = arith.constant 49 : i32
    %dma_wait3A_1403 = arith.constant 0 : i32
    %dma_wait3A_1404 = tpu.memref_slice %arg4[%dma_wait3A_1402, %mul3A_2, %dma_wait3A_1403] : memref<50x4096x64xf32, #tpu.memory_space<hbm>> -> memref<1x128x64xf32, #tpu.memory_space<hbm>>
    %dma_wait3A_1405 = tpu.memref_squeeze %dma_wait3A_1404 : memref<1x128x64xf32, #tpu.memory_space<hbm>> -> memref<128x64xf32, #tpu.memory_space<hbm>>
    %dma_wait3A_1406 = arith.constant 0 : i32
    %dma_wait3A_1407 = tpu.memref_slice %arg4[%dma_wait3A_1402, %mul3A_2, %dma_wait3A_1406] : memref<50x4096x64xf32, #tpu.memory_space<hbm>> -> memref<1x128x64xf32, #tpu.memory_space<hbm>>
    %dma_wait3A_1408 = tpu.memref_squeeze %dma_wait3A_1407 : memref<1x128x64xf32, #tpu.memory_space<hbm>> -> memref<128x64xf32, #tpu.memory_space<hbm>>
    tpu.wait_dma2 semaphore(%arg15 : memref<!tpu.dma_semaphore, #tpu.memory_space<semaphore_mem>>) src(%arg7 : memref<128x64xf32, #tpu.memory_space<vmem>>) dst(%dma_wait3A_1408 : memref<128x64xf32, #tpu.memory_space<hbm>>)
    return
  }
}

</mosaic_0001>

<sc_bundles>
// kernel: kernel.3.cloned.1.call-start
scs
__scs_entry_jumppad:
0x0: {  	(pc) =	sbr.rel $0x88, $3  }
0x1: {  	(tag) =	ssettag $0x0;
	lr =	simm.s32 $0x1  }
0x2: {  	[smem:$0x3F9F] =	sst lr;
	_ =	strace $0xD0000000  }
0x3: {  	_ = 	snop  }
0x4: {  	_ = 	snop  }
0x5: {  	_ = 	snop  }
0x6: {  	_ = 	snop  }
0x7: {  	_ = 	snop  }
__scs_overlays_trampoline_lowered:
0x8: {  	[smem:$0x3FAE] =	sst s0  }
0x9: {  	[smem:$0x3FAF] =	sst s1  }
0xa: {  	[smem:$0x3FB0] =	sst s2  }
0xb: {  	[smem:$0x3FB1] =	sst s3  }
0xc: {  	[smem:$0x3FB2] =	sst s4  }
0xd: {  	[smem:$0x3FB3] =	sst s5  }
0xe: {  	[smem:$0x3FB4] =	sst s6  }
0xf: {  	[smem:$0x3FB5] =	sst s7  }
0x10: {  	[smem:$0x3FB6] =	sst s8  }
0x11: {  	[smem:$0x3FB7] =	sst s9;
	s0 =	simm.s32 @!p0 $0x0  }
0x12: {  	s1 =	sld [smem:$0x3F9D];
	s0 =	simm.s32 @p0 $0x1  }
0x13: {  	[smem:$0x3FB8] =	sst s0;
	s0 =	simm.s32 @!p1 $0x0  }
0x14: {  	s2 =	sld [smem:$0x3F9C];
	s0 =	simm.s32 @p1 $0x1  }
0x15: {  	[smem:$0x3FB9] =	sst s0;
	s0 =	simm.s32 @!p2 $0x0  }
0x16: {  	s3 =	sld [smem:$0x3FDB];
	s0 =	simm.s32 @p2 $0x1  }
0x17: {  	s4 =	simm.s32 $0x1BF5;
	[smem:$0x3FBB] =	sst s0  }
0x18: {  	s0 =	sld [smem:$0x3F9E];
	_ =	swait.ge [sflag:s4], $0x0  }
0x19: {  	s7 =	sld [smem:$0x3F9F]  }
0x1a: {  	s8 =	sadd.s32 $0xFFFFE003, lr  }
0x1b: {  	s9 =	sadd.s32 $0xFFFFFEF7, lr;
	s5 =	simm.s32 $0xFFFFFFFF;
	p2 =	slt.u32 s8, $0xFFFFF086  }
0x1c: {  	p1 =	slt.u32 s9, $0xF7A;
	s5 =	simm.s32 @!p2 $0x0  }
0x1d: {  	s5 =	simm.s32 @p1 $0x1;
	p0 =	seq.s32 s7, s2  }
0x1e: {  	s7 =	smul.u32 @!p0 $0xF7A, s2;
	p2 =	seq.s32 @!p0 s5, $0x0  }
0x1f: {  	s9 =	smul.u32 $0xF7A, s1;
	s8 =	simm.s32 @!p0 $0x1BF5;
	p2 =	por !p2, p0  }
0x20: {  	[sflag:s8] =	ssyncset.s32 @!p0 $0xFFFFF086;
	s6 =	sadd.s32 @!p0 s3, s7;
	s7 =	simm.s32 @!p0 $0x108  }
0x21: {  	s3 =	sadd.s32 s3, s9;
	s6 =	sadd.s32 @!p0 $0x88, s6;
	s7 =	simm.s32 @p2 $0x1082  }
0x22: {  	[simem:s7], [sflag:s8] =	dma.local @!p0 [hbm:s6], $0xF7A  }
0x23: {  	s9 =	sor.u32 $0xD0000000, s2;
	s6 =	simm.s32 $0x108;
	_ =	swait.ge @!p0 [sflag:s8], $0x0  }
0x24: {  	s3 =	sadd.s32 $0x88, s3;
	s6 =	simm.s32 @!p1 $0x1082;
	[sflag:s4] =	ssyncset.s32 $0xFFFFF086  }
0x25: {  	[simem:s6], [sflag:s4] =	dma.local [hbm:s3], $0xF7A  }
0x26: {  	[smem:$0x3F9F] =	sst s1;
	(tag) =	ssettag s2;
	_ =	strace s9  }
0x27: {  	s1 =	sld [smem:$0x3FAF]  }
0x28: {  	s2 =	sld [smem:$0x3FB0]  }
0x29: {  	s4 =	sld [smem:$0x3FB2]  }
0x2a: {  	p0 =	seq.s32 s5, $0x0;
	s5 =	sld [smem:$0x3FB3]  }
0x2b: {  	s6 =	sld [smem:$0x3FB4]  }
0x2c: {  	s7 =	sld [smem:$0x3FB5]  }
0x2d: {  	s3 =	simm.s32 $0x108;
	s8 =	sld [smem:$0x3FB6]  }
0x2e: {  	s3 =	simm.s32 @!p0 $0x1082;
	s9 =	sld [smem:$0x3FB7]  }
0x2f: {  	lr =	sadd.s32 s0, s3;
	s0 =	sld [smem:$0x3FAE]  }
0x30: {  	s3 =	sld [smem:$0x3FB1]  }
0x31: {  	[smem:$0x3FBA] =	sst s10  }
0x32: {  	s10 =	sld [smem:$0x3FB8];
	_ =	sdelay $0x3  }
0x33: {  	p0 =	seq.s32 s10, $0x1;
	s10 =	sld [smem:$0x3FBA];
	_ =	sdelay $0x3  }
0x34: {  	[smem:$0x3FBA] =	sst s10  }
0x35: {  	s10 =	sld [smem:$0x3FB9];
	_ =	sdelay $0x3  }
0x36: {  	p1 =	seq.s32 s10, $0x1;
	s10 =	sld [smem:$0x3FBA];
	_ =	sdelay $0x3  }
0x37: {  	[smem:$0x3FBA] =	sst s10  }
0x38: {  	s10 =	sld [smem:$0x3FBB]  }
0x39: {  	_ = 	snop;
	(pc) =	sbr.ind lr, $3  }
0x3a: {  	_ = 	snop  }
0x3b: {  	_ = 	snop  }
0x3c: {  	p2 =	seq.s32 s10, $0x1;
	s10 =	sld [smem:$0x3FBA]  }
0x3d: {  	_ =	shalt  }
0x3e: {  	_ =	shalt  }
0x3f: {  	_ =	shalt  }
0x40: {  	_ =	shalt  }
0x41: {  	_ =	shalt  }
0x42: {  	_ =	shalt  }
0x43: {  	_ =	shalt  }
0x44: {  	_ =	shalt  }
0x45: {  	_ =	shalt  }
0x46: {  	_ =	shalt  }
0x47: {  	_ =	shalt  }
0x48: {  	_ =	shalt  }
0x49: {  	_ =	shalt  }
0x4a: {  	_ =	shalt  }
0x4b: {  	_ =	shalt  }
0x4c: {  	_ =	shalt  }
0x4d: {  	_ =	shalt  }
0x4e: {  	_ =	shalt  }
0x4f: {  	_ =	shalt  }
0x50: {  	_ =	shalt  }
0x51: {  	_ =	shalt  }
0x52: {  	_ =	shalt  }
0x53: {  	_ =	shalt  }
0x54: {  	_ =	shalt  }
0x55: {  	_ =	shalt  }
0x56: {  	_ =	shalt  }
0x57: {  	_ =	shalt  }
0x58: {  	_ =	shalt  }
0x59: {  	_ =	shalt  }
0x5a: {  	_ =	shalt  }
0x5b: {  	_ =	shalt  }
0x5c: {  	_ =	shalt  }
0x5d: {  	_ =	shalt  }
0x5e: {  	_ =	shalt  }
0x5f: {  	_ =	shalt  }
0x60: {  	_ =	shalt  }
0x61: {  	_ =	shalt  }
0x62: {  	_ =	shalt  }
0x63: {  	_ =	shalt  }
0x64: {  	_ =	shalt  }
0x65: {  	_ =	shalt  }
0x66: {  	_ =	shalt  }
0x67: {  	_ =	shalt  }
0x68: {  	_ =	shalt  }
0x69: {  	_ =	shalt  }
0x6a: {  	_ =	shalt  }
0x6b: {  	_ =	shalt  }
0x6c: {  	_ =	shalt  }
0x6d: {  	_ =	shalt  }
0x6e: {  	_ =	shalt  }
0x6f: {  	_ =	shalt  }
0x70: {  	_ =	shalt  }
0x71: {  	_ =	shalt  }
0x72: {  	_ =	shalt  }
0x73: {  	_ =	shalt  }
0x74: {  	_ =	shalt  }
0x75: {  	_ =	shalt  }
0x76: {  	_ =	shalt  }
0x77: {  	_ =	shalt  }
0x78: {  	_ =	shalt  }
0x79: {  	_ =	shalt  }
0x7a: {  	_ =	shalt  }
0x7b: {  	_ =	shalt  }
0x7c: {  	_ =	shalt  }
0x7d: {  	_ =	shalt  }
0x7e: {  	_ =	shalt  }
0x7f: {  	_ =	shalt  }
0x80: {  	_ =	shalt  }
0x81: {  	_ =	shalt  }
0x82: {  	_ =	shalt  }
0x83: {  	_ =	shalt  }
0x84: {  	_ =	shalt  }
0x85: {  	_ =	shalt  }
0x86: {  	_ =	shalt  }
0x87: {  	_ =	shalt  }
.Lfunc_end0:
.L_simem_size_0:
called_computation.1_lowered:
.L_overlay_start_0:
0x88: {  	s2 =	sld [smem:$0x3FD9]  }
0x89: {  	s3 =	sld [smem:$0x3FFE];
	_ =	sdelay $0x1  }
0x8a: {  	s1 =	srdreg.scid  }
0x8b: {  	s0 =	sand.u32 $0x1, s1  }
0x8c: {  	s17 =	sshll.u32 s0, $0xA;
	s2 =	sadd.s32 s3, s2  }
0x8d: {  	s2 =	sadd.s32 s2, s17  }
0x8e: {  	[smem:$0x3FC6] =	sst s2  }
0x8f: {  	_ = 	snop  }
0x90: {  	s2 =	sld [smem:$0x3FD0];
	(tm) =	ssettm $0x1  }
0x91: {  	s18 =	sld [smem:$0x3FFB];
	_ =	sdelay $0x3  }
0x92: {  	_ =	strace s18  }
0x93: {  	s3 =	sld [smem:$0x3FFC];
	_ =	sdelay $0x3  }
0x94: {  	_ =	strace s3  }
0x95: {  	s3 =	sld [smem:$0x3FFD];
	_ =	sdelay $0x3  }
0x96: {  	_ =	strace s3  }
0x97: {  	_ =	strace $0x8FFFFFFF  }
0x98: {  	s19 =	sld [smem:$0x3FDB];
	_ =	sdelay $0x1  }
0x99: {  	s4 =	simm.s32 $_scs_section_size  }
0x9a: {  	s5 =	simm.s32 $_size__tile_overlayer_lowered;
	s6 =	simm.s32 $_tile_overlayer_lowered  }
0x9b: {  	s22 =	simm.s32 $0x1BFF;
	s21 =	sshll.u32 s6, $0x1;
	s3 =	sadd.s32 s4, s19  }
0x9c: {  	s7 =	simm.s32 $0x0;
	s20 =	sshll.u32 s5, $0x1;
	s5 =	sadd.s32 s21, s3  }
0x9d: {  	[timem:s7], [sflag:s22] =	dma.local [hbm:s5], s20  }
0x9e: {  	_ =	swait.ge [sflag:s22], s20  }
0x9f: {  	s4 =	ssub.s32 $0x0, s20;
	[sflag:s22] =	ssyncset.done $0x0  }
0xa0: {  	[sflag:s22] =	ssyncadd.s32 s4;
	_ =	sdelay $0x1  }
0xa1: {  	s23 =	simm.s32 $0x1B8B  }
0xa2: {  	_ =	swait.ge [sflag:s23], $0x1  }
0xa3: {  	[sflag:s23] =	ssyncset.done $0x0  }
0xa4: {  	s25 =	simm.s32 $0x1B8E;
	s24 =	sld [smem:$0x3FFE];
	[sflag:s23] =	ssyncadd.s32 $0xFFFFFFFF  }
0xa5: {  	s26 =	simm.s32 $execute0_lowered;
	[smem:$0x3FD2] =	sst s25  }
0xa6: {  	s5 =	sshll.u32 s26, $0x1;
	_ =	strace $0x80000046;
	[dreg:$0x1] =	wrdreg $0xFFFFFFFF  }
0xa7: {  	s28 =	simm.s32 $_size_execute0_lowered;
	s3 =	sadd.s32 s3, s5;
	[dreg:$0x0] =	wrdreg $0x0  }
0xa8: {  	s5 =	sshll.u32 s28, $0x1;
	[dreg:$0x2] =	wrdreg s3  }
0xa9: {  	[dreg:$0x3] =	wrdreg s5  }
0xaa: {  	[dreg:$0x4] =	wrdreg $0xC0  }
0xab: {  	_ =	task [dreg:s7], $0x5FFFF  }
0xac: {  	[dreg:$0x1] =	wrdreg $0xFFFFFFFF  }
0xad: {  	[dreg:$0x0] =	wrdreg $0x60  }
0xae: {  	[dreg:$0x2] =	wrdreg s24  }
0xaf: {  	[dreg:$0x3] =	wrdreg s2  }
0xb0: {  	[dreg:$0x4] =	wrdreg $0x9  }
0xb1: {  	_ =	task.clear_ibuf [dreg:s7], $0x5FFFF;
	_ =	strace $0x90000046  }
0xb2: {  	s29 =	simm.s32 $0x9;
	_ =	strace $0x80000048  }
0xb3: {  	_ =	swait.ge [sflag:s29], $0x1  }
0xb4: {  	[sflag:s29] =	ssyncadd.s32 $0xFFFFFFFF  }
0xb5: {  	_ =	strace $0x90000048  }
0xb6: {  	_ =	sfence  }
0xb7: {  	s30 =	sld [smem:$0x0];
	_ =	sdelay $0x2  }
0xb8: {  	s31 =	sshll.u32 s1, $0xD;
	s1 =	sshrl.u32 s1, $0x2  }
0xb9: {  	s3 =	sand.u32 $0x4000, s31;
	s1 =	sadd.s32 s1, s30  }
0xba: {  	s0 =	sor.u32 s3, s0;
	s1 =	sshll.u32 s1, $0x11  }
0xbb: {  	s0 =	sor.u32 s1, s0  }
0xbc: {  	s0 =	sadd.s32 $0x8F2B, s0  }
0xbd: {  	[sflag:s0] =	ssyncadd.remote.s32 $0x1  }
0xbe: {  	_ =	sfence.sel $0xFFFF  }
0xbf: {  	[dreg:$0x0] =	wrdreg $0xFFFFFFFF;
	(pc) =	sbr.abs _section_cstart, $3  }
0xc0: {  	[dreg:$0x1] =	wrdreg $0xFFFFFFFF  }
0xc1: {  	_ =	task.clear_ibuf [dreg:s7], $0x2FFFF;
	_ =	strace $0x9FFFFFFF  }
0xc2: {  	(tm) =	ssettm $0x7FFFFFFF  }
0xc3: {  	_ =	shalt  }
tec
execute0_lowered:
.L_overlay_start_1:
0x0: {  	(tag) =	ssettag $0x1  }
0x1: {  	s0 =	srdreg.scid  }
0x2: {  	s17 =	stileid.u32;
	s1 =	sand.u32 $0x1, s0  }
0x3: {  	s6 =	sshll.u32 s17, $0x8;
	s2 =	sshll.u32 s1, $0x7  }
0x4: {  	s3 =	rddreg [dreg:$0x0];
	s0 =	sor.u32 s2, s6  }
0x5: {  	s4 =	rddreg [dreg:$0x1];
	s5 =	sshrl.u32 s0, $0x3  }
0x6: {  	s2 =	simm.s32 $0x0;
	s0 =	sshll.u32 s0, $0x3;
	s5 =	sadd.s32 s5, s3  }
0x7: {  	[smem:$0x7FF] =	sst s2;
	s30 =	sadd.s32 s4, s0;
	s5 =	sadd.s32 $0x800, s5  }
0x8: {  	_ =	strace $0x80000047;
	s0 =	sadd.s32 $0x8000, s30;
	[dreg:$0x3] =	wrdreg s5  }
0x9: {  	s7 =	sadd.s32 $0x10000, s30;
	[dreg:$0x4] =	wrdreg s0  }
0xa: {  	s8 =	sadd.s32 $0x18000, s30;
	[dreg:$0x5] =	wrdreg s7  }
0xb: {  	s9 =	sadd.s32 $0x20000, s30;
	[dreg:$0x6] =	wrdreg s8  }
0xc: {  	s10 =	sadd.s32 $0x28000, s30;
	[dreg:$0x7] =	wrdreg s9  }
0xd: {  	s11 =	sadd.s32 $0x30000, s30;
	[dreg:$0x8] =	wrdreg s10  }
0xe: {  	s12 =	sadd.s32 $0x38000, s30;
	[dreg:$0x9] =	wrdreg s11  }
0xf: {  	s13 =	sadd.s32 $0x40000, s30;
	[dreg:$0xa] =	wrdreg s12  }
0x10: {  	s14 =	sadd.s32 $0x48000, s30;
	[dreg:$0xb] =	wrdreg s13  }
0x11: {  	s15 =	sadd.s32 $0x50000, s30;
	[dreg:$0xc] =	wrdreg s14  }
0x12: {  	s16 =	sadd.s32 $0x58000, s30;
	[dreg:$0xd] =	wrdreg s15  }
0x13: {  	s18 =	sadd.s32 $0x60000, s30;
	[dreg:$0xe] =	wrdreg s16  }
0x14: {  	s19 =	sadd.s32 $0x68000, s30;
	[dreg:$0xf] =	wrdreg s18  }
0x15: {  	s20 =	sadd.s32 $0x70000, s30;
	[dreg:$0x10] =	wrdreg s19  }
0x16: {  	s21 =	sadd.s32 $0x78000, s30;
	[dreg:$0x11] =	wrdreg s20  }
0x17: {  	s22 =	sadd.s32 $0x80000, s30;
	[dreg:$0x12] =	wrdreg s21  }
0x18: {  	s23 =	sadd.s32 $0x88000, s30;
	[dreg:$0x13] =	wrdreg s22  }
0x19: {  	s24 =	sadd.s32 $0x90000, s30;
	[dreg:$0x14] =	wrdreg s23  }
0x1a: {  	s25 =	sadd.s32 $0x98000, s30;
	[dreg:$0x15] =	wrdreg s24  }
0x1b: {  	s26 =	sadd.s32 $0xA0000, s30;
	[dreg:$0x16] =	wrdreg s25  }
0x1c: {  	s4 =	sadd.s32 $0xA8000, s30;
	[dreg:$0x17] =	wrdreg s26  }
0x1d: {  	s6 =	sadd.s32 $0xB8000, s30;
	[dreg:$0x18] =	wrdreg s4  }
0x1e: {  	s5 =	sadd.s32 $0xB0000, s30;
	[dreg:$0x1a] =	wrdreg s6  }
0x1f: {  	s7 =	sadd.s32 $0xC0000, s30;
	[dreg:$0x19] =	wrdreg s5  }
0x20: {  	s8 =	sadd.s32 $0xC8000, s30;
	[dreg:$0x1b] =	wrdreg s7  }
0x21: {  	s9 =	sadd.s32 $0xD0000, s30;
	[dreg:$0x1c] =	wrdreg s8  }
0x22: {  	s10 =	sadd.s32 $0xD8000, s30;
	[dreg:$0x1d] =	wrdreg s9  }
0x23: {  	s11 =	sadd.s32 $0xE0000, s30;
	[dreg:$0x1e] =	wrdreg s10  }
0x24: {  	s12 =	sadd.s32 $0xE8000, s30;
	[dreg:$0x1f] =	wrdreg s11  }
0x25: {  	s13 =	sadd.s32 $0xF0000, s30;
	[smem:$0x7C5] =	sst s12  }
0x26: {  	s14 =	sadd.s32 $0xF8000, s30;
	[smem:$0x7C6] =	sst s13  }
0x27: {  	s15 =	sadd.s32 $0x100000, s30;
	[smem:$0x7C7] =	sst s14  }
0x28: {  	s16 =	sadd.s32 $0x108000, s30;
	[smem:$0x7C8] =	sst s15  }
0x29: {  	s18 =	sadd.s32 $0x110000, s30;
	[smem:$0x7C9] =	sst s16  }
0x2a: {  	s19 =	sadd.s32 $0x118000, s30;
	[smem:$0x7CA] =	sst s18  }
0x2b: {  	s20 =	sadd.s32 $0x120000, s30;
	[smem:$0x7CB] =	sst s19  }
0x2c: {  	s21 =	sadd.s32 $0x128000, s30;
	[smem:$0x7CC] =	sst s20  }
0x2d: {  	s22 =	sadd.s32 $0x130000, s30;
	[smem:$0x7CD] =	sst s21  }
0x2e: {  	s23 =	sadd.s32 $0x138000, s30;
	[smem:$0x7CE] =	sst s22  }
0x2f: {  	s24 =	sadd.s32 $0x140000, s30;
	[smem:$0x7CF] =	sst s23  }
0x30: {  	s25 =	sadd.s32 $0x148000, s30;
	[smem:$0x7D0] =	sst s24  }
0x31: {  	s26 =	sadd.s32 $0x150000, s30;
	[smem:$0x7D1] =	sst s25  }
0x32: {  	s4 =	sadd.s32 $0x158000, s30;
	[smem:$0x7D2] =	sst s26  }
0x33: {  	s6 =	sadd.s32 $0x168000, s30;
	[smem:$0x7D3] =	sst s4  }
0x34: {  	[smem:$0x7D5] =	sst s6  }
0x35: {  	s5 =	sadd.s32 $0x160000, s30;
	s0 =	rddreg [dreg:$0x3]  }
0x36: {  	s7 =	sadd.s32 $0x170000, s30;
	[smem:$0x7D4] =	sst s5  }
0x37: {  	s8 =	sadd.s32 $0x178000, s30;
	[smem:$0x7D6] =	sst s7  }
0x38: {  	s9 =	sadd.s32 $0x180000, s30;
	[smem:$0x7D7] =	sst s8  }
0x39: {  	s10 =	sadd.s32 $0x188000, s30;
	[smem:$0x7D8] =	sst s9  }
0x3a: {  	s11 =	simm.s32 $0x100;
	[smem:$0x7D9] =	sst s10  }
0x3b: {  	s12 =	simm.s32 $0x180;
	[smem:$0x7DA] =	sst s11  }
0x3c: {  	s13 =	simm.s32 $0x200;
	[smem:$0x7DB] =	sst s12  }
0x3d: {  	s14 =	simm.s32 $0x280;
	[smem:$0x7DC] =	sst s13  }
0x3e: {  	s15 =	simm.s32 $0x300;
	[smem:$0x7DD] =	sst s14  }
0x3f: {  	s16 =	simm.s32 $0x380;
	[smem:$0x7DE] =	sst s15  }
0x40: {  	s18 =	simm.s32 $0x400;
	[smem:$0x7DF] =	sst s16  }
0x41: {  	s19 =	simm.s32 $0x480;
	[smem:$0x7E0] =	sst s18  }
0x42: {  	s20 =	simm.s32 $0x500;
	[smem:$0x7E1] =	sst s19  }
0x43: {  	s21 =	simm.s32 $0x580;
	[smem:$0x7E2] =	sst s20  }
0x44: {  	s22 =	simm.s32 $0x600;
	[smem:$0x7E3] =	sst s21  }
0x45: {  	s23 =	simm.s32 $0x680;
	[smem:$0x7E4] =	sst s22  }
0x46: {  	s24 =	simm.s32 $0x700;
	[smem:$0x7E5] =	sst s23  }
0x47: {  	s29 =	simm.s32 $0x1000;
	s25 =	simm.s32 $0x780;
	[smem:$0x7E6] =	sst s24  }
0x48: {  	s31 =	simm.s32 $0x9;
	s26 =	simm.s32 $0x800;
	[smem:$0x7E7] =	sst s25  }
0x49: {  	s28 =	simm.s32 $0x1400;
	s4 =	simm.s32 $0x880;
	[smem:$0x7E8] =	sst s26  }
0x4a: {  	p0 =	por $0x0, $0x0;
	s6 =	simm.s32 $0x980;
	[smem:$0x7E9] =	sst s4  }
0x4b: {  	s1 =	ssub.s32 $0x2, s1;
	s5 =	simm.s32 $0x900;
	[smem:$0x7EB] =	sst s6  }
0x4c: {  	s3 =	sadd.s32 $0x6C00, s3;
	s7 =	simm.s32 $0xA00;
	[smem:$0x7EA] =	sst s5  }
0x4d: {  	s8 =	simm.s32 $0xA80;
	s9 =	sshrl.u32 s1, $0x1;
	[smem:$0x7EC] =	sst s7  }
0x4e: {  	s10 =	simm.s32 $0xB00;
	s11 =	simm.s32 $0xB80;
	[smem:$0x7ED] =	sst s8  }
0x4f: {  	s12 =	simm.s32 $0xC00;
	s13 =	simm.s32 $0xC80;
	[smem:$0x7EE] =	sst s10  }
0x50: {  	s14 =	simm.s32 $0xD00;
	s15 =	simm.s32 $0xD80;
	[smem:$0x7EF] =	sst s11  }
0x51: {  	s16 =	simm.s32 $0xE00;
	s4 =	simm.s32 $0x3900;
	[smem:$0x7F0] =	sst s12  }
0x52: {  	s18 =	simm.s32 $0xE80;
	s19 =	simm.s32 $0xF00;
	[smem:$0x7F1] =	sst s13  }
0x53: {  	s20 =	simm.s32 $0xF80;
	s21 =	simm.s32 $0x1080;
	[smem:$0x7F2] =	sst s14  }
0x54: {  	s6 =	simm.s32 $0x5;
	s22 =	simm.s32 $0x1100;
	[smem:$0x7F3] =	sst s15  }
0x55: {  	s23 =	simm.s32 $0x1180;
	s24 =	simm.s32 $0x1200;
	[smem:$0x7F4] =	sst s16  }
0x56: {  	s25 =	simm.s32 $0x1280;
	s26 =	simm.s32 $0x1300;
	[smem:$0x7F5] =	sst s18  }
0x57: {  	s1 =	ssub.s32 s1, s9;
	s8 =	simm.s32 $0x80;
	[smem:$0x7F6] =	sst s19  }
0x58: {  	s5 =	simm.s32 $0x1900;
	s12 =	simm.s32 $0x5900;
	[smem:$0x7F7] =	sst s20  }
0x59: {  	s10 =	simm.s32 $0x7900;
	s9 =	simm.s32 $0x1;
	[smem:$0x7F8] =	sst s21  }
0x5a: {  	s11 =	simm.s32 $0x2;
	[smem:$0x7F9] =	sst s22;
	s7 =	simm.s32 $0x6  }
0x5b: {  	[smem:$0x7FA] =	sst s23;
	s15 =	simm.s32 $0x3;
	s1 =	smax.u32 s1, $0x1  }
0x5c: {  	[smem:$0x7FB] =	sst s24;
	s13 =	simm.s32 $0x7;
	p1 =	sne.s32 s1, $0x1  }
.Ltmp0:
0x5d: {  	[smem:$0x7FC] =	sst s25;
	s16 =	simm.s32 $0x4;
	(pc) =	sbr.rel @!p1 .LBB2_1-.Ltmp0, $4  }
0x5e: {  	s14 =	simm.s32 $0x8;
	[smem:$0x7FD] =	sst s26;
	s26 =	simm.s32 $0x1480  }
0x5f: {  	s25 =	simm.s32 $0x1500;
	s24 =	simm.s32 $0x1580;
	s23 =	simm.s32 $0x1600  }
0x60: {  	s22 =	simm.s32 $0x1680;
	s21 =	simm.s32 $0x1700;
	s20 =	simm.s32 $0x1780  }
0x61: {  	s19 =	simm.s32 $0x1800;
	s18 =	simm.s32 $0x1880;
	s1 =	sadd.s32 $0xFFFFFFFF, s1  }
0x62: {  	[tilespmem:s2], [sflag:$0x9] =	stream.strided.gather [hbm4b:s0+s8], $0x1900, s29, s8, $0x38;
	[tilespmem:$0x9900] =	vst v63  }
0x63: {  	_ =	swait.ge [sflag:s31], $0x1900  }
0x64: {  	[sflag:s31] =	ssyncset.done $0x0  }
0x65: {  	[sflag:s31] =	ssyncadd.s32 $0xFFFFE700  }
0x66: {  	[tilespmem:s5], [sflag:$0x1] =	stream.indirect.gather [hbm4b:s3+s8], $0x40, s2, s8, $0xb8;
	[tilespmem:$0x9900] =	vst v63  }
0x67: {  	s0 =	sld [smem:$0x7DA]  }
0x68: {  	[tilespmem:s4], [sflag:$0x2] =	stream.indirect.gather [hbm4b:s3+s8], $0x40, s8, s8, $0xb8;
	[tilespmem:$0x9900] =	vst v63  }
0x69: {  	s17 =	smov.u32 s1;
	s1 =	sld [smem:$0x7DB]  }
0x6a: {  	[tilespmem:s12], [sflag:$0x3] =	stream.indirect.gather [hbm4b:s3+s8], $0x40, s0, s8, $0xb8;
	[tilespmem:$0x9900] =	vst v63  }
0x6b: {  	_ = 	snop  }
0x6c: {  	[tilespmem:s10], [sflag:$0x4] =	stream.indirect.gather [hbm4b:s3+s8], $0x40, s1, s8, $0xb8;
	[tilespmem:$0x9900] =	vst v63  }
0x6d: {  	_ =	swait.ge [sflag:s9], $0x2000  }
0x6e: {  	[sflag:s9] =	ssyncset.done $0x0  }
0x6f: {  	[sflag:s9] =	ssyncadd.s32 $0xFFFFE000  }
0x70: {  	[hbm4b:s30+s2] =	stream.linear.scatter [tilespmem:s5], [sflag:$0x5], $0x2000, $0x38;
	[tilespmem:$0x9900] =	vst v63  }
0x71: {  	_ =	swait.ge [sflag:s6], $0x2000  }
0x72: {  	s1 =	sld [smem:$0x7DC]  }
0x73: {  	[sflag:s6] =	ssyncset.done $0x0  }
0x74: {  	[sflag:s6] =	ssyncadd.s32 $0xFFFFE000  }
0x75: {  	[tilespmem:s5], [sflag:$0x1] =	stream.indirect.gather [hbm4b:s3+s8], $0x40, s1, s8, $0xb8;
	[tilespmem:$0x9900] =	vst v63  }
0x76: {  	_ =	swait.ge [sflag:s11], $0x2000  }
0x77: {  	[sflag:s11] =	ssyncset.done $0x0  }
0x78: {  	s1 =	rddreg [dreg:$0x4];
	[sflag:s11] =	ssyncadd.s32 $0xFFFFE000  }
0x79: {  	[hbm4b:s1+s2] =	stream.linear.scatter [tilespmem:s4], [sflag:$0x6], $0x2000, $0x38;
	[tilespmem:$0x9900] =	vst v63  }
0x7a: {  	_ =	swait.ge [sflag:s7], $0x2000  }
0x7b: {  	s1 =	sld [smem:$0x7DD]  }
0x7c: {  	[sflag:s7] =	ssyncset.done $0x0  }
0x7d: {  	[sflag:s7] =	ssyncadd.s32 $0xFFFFE000  }
0x7e: {  	[tilespmem:s4], [sflag:$0x2] =	stream.indirect.gather [hbm4b:s3+s8], $0x40, s1, s8, $0xb8;
	[tilespmem:$0x9900] =	vst v63  }
0x7f: {  	_ =	swait.ge [sflag:s15], $0x2000  }
0x80: {  	[sflag:s15] =	ssyncset.done $0x0  }
0x81: {  	s1 =	rddreg [dreg:$0x5];
	[sflag:s15] =	ssyncadd.s32 $0xFFFFE000  }
0x82: {  	[hbm4b:s1+s2] =	stream.linear.scatter [tilespmem:s12], [sflag:$0x7], $0x2000, $0x38;
	[tilespmem:$0x9900] =	vst v63  }
0x83: {  	_ =	swait.ge [sflag:s13], $0x2000  }
0x84: {  	s1 =	sld [smem:$0x7DE]  }
0x85: {  	[sflag:s13] =	ssyncset.done $0x0  }
0x86: {  	[sflag:s13] =	ssyncadd.s32 $0xFFFFE000  }
0x87: {  	[tilespmem:s12], [sflag:$0x3] =	stream.indirect.gather [hbm4b:s3+s8], $0x40, s1, s8, $0xb8;
	[tilespmem:$0x9900] =	vst v63  }
0x88: {  	_ =	swait.ge [sflag:s16], $0x2000  }
0x89: {  	[sflag:s16] =	ssyncset.done $0x0  }
0x8a: {  	s1 =	rddreg [dreg:$0x6];
	[sflag:s16] =	ssyncadd.s32 $0xFFFFE000  }
0x8b: {  	[hbm4b:s1+s2] =	stream.linear.scatter [tilespmem:s10], [sflag:$0x8], $0x2000, $0x38;
	[tilespmem:$0x9900] =	vst v63  }
0x8c: {  	_ =	swait.ge [sflag:s14], $0x2000  }
0x8d: {  	s1 =	sld [smem:$0x7DF]  }
0x8e: {  	[sflag:s14] =	ssyncset.done $0x0  }
0x8f: {  	[sflag:s14] =	ssyncadd.s32 $0xFFFFE000  }
0x90: {  	[tilespmem:s10], [sflag:$0x4] =	stream.indirect.gather [hbm4b:s3+s8], $0x40, s1, s8, $0xb8;
	[tilespmem:$0x9900] =	vst v63  }
0x91: {  	_ =	swait.ge [sflag:s9], $0x2000  }
0x92: {  	[sflag:s9] =	ssyncset.done $0x0  }
0x93: {  	s1 =	rddreg [dreg:$0x7];
	[sflag:s9] =	ssyncadd.s32 $0xFFFFE000  }
0x94: {  	[hbm4b:s1+s2] =	stream.linear.scatter [tilespmem:s5], [sflag:$0x5], $0x2000, $0x38;
	[tilespmem:$0x9900] =	vst v63  }
0x95: {  	_ =	swait.ge [sflag:s6], $0x2000  }
0x96: {  	s1 =	sld [smem:$0x7E0]  }
0x97: {  	[sflag:s6] =	ssyncset.done $0x0  }
0x98: {  	[sflag:s6] =	ssyncadd.s32 $0xFFFFE000  }
0x99: {  	[tilespmem:s5], [sflag:$0x1] =	stream.indirect.gather [hbm4b:s3+s8], $0x40, s1, s8, $0xb8;
	[tilespmem:$0x9900] =	vst v63  }
0x9a: {  	_ =	swait.ge [sflag:s11], $0x2000  }
0x9b: {  	[sflag:s11] =	ssyncset.done $0x0  }
0x9c: {  	s1 =	rddreg [dreg:$0x8];
	[sflag:s11] =	ssyncadd.s32 $0xFFFFE000  }
0x9d: {  	[hbm4b:s1+s2] =	stream.linear.scatter [tilespmem:s4], [sflag:$0x6], $0x2000, $0x38;
	[tilespmem:$0x9900] =	vst v63  }
0x9e: {  	_ =	swait.ge [sflag:s7], $0x2000  }
0x9f: {  	s1 =	sld [smem:$0x7E1]  }
0xa0: {  	[sflag:s7] =	ssyncset.done $0x0  }
0xa1: {  	[sflag:s7] =	ssyncadd.s32 $0xFFFFE000  }
0xa2: {  	[tilespmem:s4], [sflag:$0x2] =	stream.indirect.gather [hbm4b:s3+s8], $0x40, s1, s8, $0xb8;
	[tilespmem:$0x9900] =	vst v63  }
0xa3: {  	_ =	swait.ge [sflag:s15], $0x2000  }
0xa4: {  	[sflag:s15] =	ssyncset.done $0x0  }
0xa5: {  	s1 =	rddreg [dreg:$0x9];
	[sflag:s15] =	ssyncadd.s32 $0xFFFFE000  }
0xa6: {  	[hbm4b:s1+s2] =	stream.linear.scatter [tilespmem:s12], [sflag:$0x7], $0x2000, $0x38;
	[tilespmem:$0x9900] =	vst v63  }
0xa7: {  	_ =	swait.ge [sflag:s13], $0x2000  }
0xa8: {  	s1 =	sld [smem:$0x7E2]  }
0xa9: {  	[sflag:s13] =	ssyncset.done $0x0  }
0xaa: {  	[sflag:s13] =	ssyncadd.s32 $0xFFFFE000  }
0xab: {  	[tilespmem:s12], [sflag:$0x3] =	stream.indirect.gather [hbm4b:s3+s8], $0x40, s1, s8, $0xb8;
	[tilespmem:$0x9900] =	vst v63  }
0xac: {  	_ =	swait.ge [sflag:s16], $0x2000  }
0xad: {  	[sflag:s16] =	ssyncset.done $0x0  }
0xae: {  	s1 =	rddreg [dreg:$0xa];
	[sflag:s16] =	ssyncadd.s32 $0xFFFFE000  }
0xaf: {  	[hbm4b:s1+s2] =	stream.linear.scatter [tilespmem:s10], [sflag:$0x8], $0x2000, $0x38;
	[tilespmem:$0x9900] =	vst v63  }
0xb0: {  	_ =	swait.ge [sflag:s14], $0x2000  }
0xb1: {  	s1 =	sld [smem:$0x7E3]  }
0xb2: {  	[sflag:s14] =	ssyncset.done $0x0  }
0xb3: {  	[sflag:s14] =	ssyncadd.s32 $0xFFFFE000  }
0xb4: {  	[tilespmem:s10], [sflag:$0x4] =	stream.indirect.gather [hbm4b:s3+s8], $0x40, s1, s8, $0xb8;
	[tilespmem:$0x9900] =	vst v63  }
0xb5: {  	_ =	swait.ge [sflag:s9], $0x2000  }
0xb6: {  	[sflag:s9] =	ssyncset.done $0x0  }
0xb7: {  	s1 =	rddreg [dreg:$0xb];
	[sflag:s9] =	ssyncadd.s32 $0xFFFFE000  }
0xb8: {  	[hbm4b:s1+s2] =	stream.linear.scatter [tilespmem:s5], [sflag:$0x5], $0x2000, $0x38;
	[tilespmem:$0x9900] =	vst v63  }
0xb9: {  	_ =	swait.ge [sflag:s6], $0x2000  }
0xba: {  	s1 =	sld [smem:$0x7E4]  }
0xbb: {  	[sflag:s6] =	ssyncset.done $0x0  }
0xbc: {  	[sflag:s6] =	ssyncadd.s32 $0xFFFFE000  }
0xbd: {  	[tilespmem:s5], [sflag:$0x1] =	stream.indirect.gather [hbm4b:s3+s8], $0x40, s1, s8, $0xb8;
	[tilespmem:$0x9900] =	vst v63  }
0xbe: {  	_ =	swait.ge [sflag:s11], $0x2000  }
0xbf: {  	[sflag:s11] =	ssyncset.done $0x0  }
0xc0: {  	s1 =	rddreg [dreg:$0xc];
	[sflag:s11] =	ssyncadd.s32 $0xFFFFE000  }
0xc1: {  	[hbm4b:s1+s2] =	stream.linear.scatter [tilespmem:s4], [sflag:$0x6], $0x2000, $0x38;
	[tilespmem:$0x9900] =	vst v63  }
0xc2: {  	_ =	swait.ge [sflag:s7], $0x2000  }
0xc3: {  	s1 =	sld [smem:$0x7E5]  }
0xc4: {  	[sflag:s7] =	ssyncset.done $0x0  }
0xc5: {  	[sflag:s7] =	ssyncadd.s32 $0xFFFFE000  }
0xc6: {  	[tilespmem:s4], [sflag:$0x2] =	stream.indirect.gather [hbm4b:s3+s8], $0x40, s1, s8, $0xb8;
	[tilespmem:$0x9900] =	vst v63  }
0xc7: {  	_ =	swait.ge [sflag:s15], $0x2000  }
0xc8: {  	[sflag:s15] =	ssyncset.done $0x0  }
0xc9: {  	s1 =	rddreg [dreg:$0xd];
	[sflag:s15] =	ssyncadd.s32 $0xFFFFE000  }
0xca: {  	[hbm4b:s1+s2] =	stream.linear.scatter [tilespmem:s12], [sflag:$0x7], $0x2000, $0x38;
	[tilespmem:$0x9900] =	vst v63  }
0xcb: {  	_ =	swait.ge [sflag:s13], $0x2000  }
0xcc: {  	s1 =	sld [smem:$0x7E6]  }
0xcd: {  	[sflag:s13] =	ssyncset.done $0x0  }
0xce: {  	[sflag:s13] =	ssyncadd.s32 $0xFFFFE000  }
0xcf: {  	[tilespmem:s12], [sflag:$0x3] =	stream.indirect.gather [hbm4b:s3+s8], $0x40, s1, s8, $0xb8;
	[tilespmem:$0x9900] =	vst v63  }
0xd0: {  	_ =	swait.ge [sflag:s16], $0x2000  }
0xd1: {  	[sflag:s16] =	ssyncset.done $0x0  }
0xd2: {  	s1 =	rddreg [dreg:$0xe];
	[sflag:s16] =	ssyncadd.s32 $0xFFFFE000  }
0xd3: {  	[hbm4b:s1+s2] =	stream.linear.scatter [tilespmem:s10], [sflag:$0x8], $0x2000, $0x38;
	[tilespmem:$0x9900] =	vst v63  }
0xd4: {  	_ =	swait.ge [sflag:s14], $0x2000  }
0xd5: {  	s1 =	sld [smem:$0x7E7]  }
0xd6: {  	[sflag:s14] =	ssyncset.done $0x0  }
0xd7: {  	[sflag:s14] =	ssyncadd.s32 $0xFFFFE000  }
0xd8: {  	[tilespmem:s10], [sflag:$0x4] =	stream.indirect.gather [hbm4b:s3+s8], $0x40, s1, s8, $0xb8;
	[tilespmem:$0x9900] =	vst v63  }
0xd9: {  	_ =	swait.ge [sflag:s9], $0x2000  }
0xda: {  	[sflag:s9] =	ssyncset.done $0x0  }
0xdb: {  	s1 =	rddreg [dreg:$0xf];
	[sflag:s9] =	ssyncadd.s32 $0xFFFFE000  }
0xdc: {  	[hbm4b:s1+s2] =	stream.linear.scatter [tilespmem:s5], [sflag:$0x5], $0x2000, $0x38;
	[tilespmem:$0x9900] =	vst v63  }
0xdd: {  	_ =	swait.ge [sflag:s6], $0x2000  }
0xde: {  	s1 =	sld [smem:$0x7E8]  }
0xdf: {  	[sflag:s6] =	ssyncset.done $0x0  }
0xe0: {  	[sflag:s6] =	ssyncadd.s32 $0xFFFFE000  }
0xe1: {  	[tilespmem:s5], [sflag:$0x1] =	stream.indirect.gather [hbm4b:s3+s8], $0x40, s1, s8, $0xb8;
	[tilespmem:$0x9900] =	vst v63  }
0xe2: {  	_ =	swait.ge [sflag:s11], $0x2000  }
0xe3: {  	[sflag:s11] =	ssyncset.done $0x0  }
0xe4: {  	s1 =	rddreg [dreg:$0x10];
	[sflag:s11] =	ssyncadd.s32 $0xFFFFE000  }
0xe5: {  	[hbm4b:s1+s2] =	stream.linear.scatter [tilespmem:s4], [sflag:$0x6], $0x2000, $0x38;
	[tilespmem:$0x9900] =	vst v63  }
0xe6: {  	_ =	swait.ge [sflag:s7], $0x2000  }
0xe7: {  	s1 =	sld [smem:$0x7E9]  }
0xe8: {  	[sflag:s7] =	ssyncset.done $0x0  }
0xe9: {  	[sflag:s7] =	ssyncadd.s32 $0xFFFFE000  }
0xea: {  	[tilespmem:s4], [sflag:$0x2] =	stream.indirect.gather [hbm4b:s3+s8], $0x40, s1, s8, $0xb8;
	[tilespmem:$0x9900] =	vst v63  }
0xeb: {  	_ =	swait.ge [sflag:s15], $0x2000  }
0xec: {  	[sflag:s15] =	ssyncset.done $0x0  }
0xed: {  	s1 =	rddreg [dreg:$0x11];
	[sflag:s15] =	ssyncadd.s32 $0xFFFFE000  }
0xee: {  	[hbm4b:s1+s2] =	stream.linear.scatter [tilespmem:s12], [sflag:$0x7], $0x2000, $0x38;
	[tilespmem:$0x9900] =	vst v63  }
0xef: {  	_ =	swait.ge [sflag:s13], $0x2000  }
0xf0: {  	s1 =	sld [smem:$0x7EA]  }
0xf1: {  	[sflag:s13] =	ssyncset.done $0x0  }
0xf2: {  	[sflag:s13] =	ssyncadd.s32 $0xFFFFE000  }
0xf3: {  	[tilespmem:s12], [sflag:$0x3] =	stream.indirect.gather [hbm4b:s3+s8], $0x40, s1, s8, $0xb8;
	[tilespmem:$0x9900] =	vst v63  }
0xf4: {  	_ =	swait.ge [sflag:s16], $0x2000  }
0xf5: {  	[sflag:s16] =	ssyncset.done $0x0  }
0xf6: {  	s1 =	rddreg [dreg:$0x12];
	[sflag:s16] =	ssyncadd.s32 $0xFFFFE000  }
0xf7: {  	[hbm4b:s1+s2] =	stream.linear.scatter [tilespmem:s10], [sflag:$0x8], $0x2000, $0x38;
	[tilespmem:$0x9900] =	vst v63  }
0xf8: {  	_ =	swait.ge [sflag:s14], $0x2000  }
0xf9: {  	s1 =	sld [smem:$0x7EB]  }
0xfa: {  	[sflag:s14] =	ssyncset.done $0x0  }
0xfb: {  	[sflag:s14] =	ssyncadd.s32 $0xFFFFE000  }
0xfc: {  	[tilespmem:s10], [sflag:$0x4] =	stream.indirect.gather [hbm4b:s3+s8], $0x40, s1, s8, $0xb8;
	[tilespmem:$0x9900] =	vst v63  }
0xfd: {  	_ =	swait.ge [sflag:s9], $0x2000  }
0xfe: {  	[sflag:s9] =	ssyncset.done $0x0  }
0xff: {  	s1 =	rddreg [dreg:$0x13];
	[sflag:s9] =	ssyncadd.s32 $0xFFFFE000  }
0x100: {  	[hbm4b:s1+s2] =	stream.linear.scatter [tilespmem:s5], [sflag:$0x5], $0x2000, $0x38;
	[tilespmem:$0x9900] =	vst v63  }
0x101: {  	_ =	swait.ge [sflag:s6], $0x2000  }
0x102: {  	s1 =	sld [smem:$0x7EC]  }
0x103: {  	[sflag:s6] =	ssyncset.done $0x0  }
0x104: {  	[sflag:s6] =	ssyncadd.s32 $0xFFFFE000  }
0x105: {  	[tilespmem:s5], [sflag:$0x1] =	stream.indirect.gather [hbm4b:s3+s8], $0x40, s1, s8, $0xb8;
	[tilespmem:$0x9900] =	vst v63  }
0x106: {  	_ =	swait.ge [sflag:s11], $0x2000  }
0x107: {  	[sflag:s11] =	ssyncset.done $0x0  }
0x108: {  	s1 =	rddreg [dreg:$0x14];
	[sflag:s11] =	ssyncadd.s32 $0xFFFFE000  }
0x109: {  	[hbm4b:s1+s2] =	stream.linear.scatter [tilespmem:s4], [sflag:$0x6], $0x2000, $0x38;
	[tilespmem:$0x9900] =	vst v63  }
0x10a: {  	_ =	swait.ge [sflag:s7], $0x2000  }
0x10b: {  	s1 =	sld [smem:$0x7ED]  }
0x10c: {  	[sflag:s7] =	ssyncset.done $0x0  }
0x10d: {  	[sflag:s7] =	ssyncadd.s32 $0xFFFFE000  }
0x10e: {  	[tilespmem:s4], [sflag:$0x2] =	stream.indirect.gather [hbm4b:s3+s8], $0x40, s1, s8, $0xb8;
	[tilespmem:$0x9900] =	vst v63  }
0x10f: {  	_ =	swait.ge [sflag:s15], $0x2000  }
0x110: {  	[sflag:s15] =	ssyncset.done $0x0  }
0x111: {  	s1 =	rddreg [dreg:$0x15];
	[sflag:s15] =	ssyncadd.s32 $0xFFFFE000  }
0x112: {  	[hbm4b:s1+s2] =	stream.linear.scatter [tilespmem:s12], [sflag:$0x7], $0x2000, $0x38;
	[tilespmem:$0x9900] =	vst v63  }
0x113: {  	_ =	swait.ge [sflag:s13], $0x2000  }
0x114: {  	s1 =	sld [smem:$0x7EE]  }
0x115: {  	[sflag:s13] =	ssyncset.done $0x0  }
0x116: {  	[sflag:s13] =	ssyncadd.s32 $0xFFFFE000  }
0x117: {  	[tilespmem:s12], [sflag:$0x3] =	stream.indirect.gather [hbm4b:s3+s8], $0x40, s1, s8, $0xb8;
	[tilespmem:$0x9900] =	vst v63  }
0x118: {  	_ =	swait.ge [sflag:s16], $0x2000  }
0x119: {  	[sflag:s16] =	ssyncset.done $0x0  }
0x11a: {  	s1 =	rddreg [dreg:$0x16];
	[sflag:s16] =	ssyncadd.s32 $0xFFFFE000  }
0x11b: {  	[hbm4b:s1+s2] =	stream.linear.scatter [tilespmem:s10], [sflag:$0x8], $0x2000, $0x38;
	[tilespmem:$0x9900] =	vst v63  }
0x11c: {  	_ =	swait.ge [sflag:s14], $0x2000  }
0x11d: {  	s1 =	sld [smem:$0x7EF]  }
0x11e: {  	[sflag:s14] =	ssyncset.done $0x0  }
0x11f: {  	[sflag:s14] =	ssyncadd.s32 $0xFFFFE000  }
0x120: {  	[tilespmem:s10], [sflag:$0x4] =	stream.indirect.gather [hbm4b:s3+s8], $0x40, s1, s8, $0xb8;
	[tilespmem:$0x9900] =	vst v63  }
0x121: {  	_ =	swait.ge [sflag:s9], $0x2000  }
0x122: {  	[sflag:s9] =	ssyncset.done $0x0  }
0x123: {  	s1 =	rddreg [dreg:$0x17];
	[sflag:s9] =	ssyncadd.s32 $0xFFFFE000  }
0x124: {  	[hbm4b:s1+s2] =	stream.linear.scatter [tilespmem:s5], [sflag:$0x5], $0x2000, $0x38;
	[tilespmem:$0x9900] =	vst v63  }
0x125: {  	_ =	swait.ge [sflag:s6], $0x2000  }
0x126: {  	s1 =	sld [smem:$0x7F0]  }
0x127: {  	[sflag:s6] =	ssyncset.done $0x0  }
0x128: {  	[sflag:s6] =	ssyncadd.s32 $0xFFFFE000  }
0x129: {  	[tilespmem:s5], [sflag:$0x1] =	stream.indirect.gather [hbm4b:s3+s8], $0x40, s1, s8, $0xb8;
	[tilespmem:$0x9900] =	vst v63  }
0x12a: {  	_ =	swait.ge [sflag:s11], $0x2000  }
0x12b: {  	[sflag:s11] =	ssyncset.done $0x0  }
0x12c: {  	s1 =	rddreg [dreg:$0x18];
	[sflag:s11] =	ssyncadd.s32 $0xFFFFE000  }
0x12d: {  	[hbm4b:s1+s2] =	stream.linear.scatter [tilespmem:s4], [sflag:$0x6], $0x2000, $0x38;
	[tilespmem:$0x9900] =	vst v63  }
0x12e: {  	_ =	swait.ge [sflag:s7], $0x2000  }
0x12f: {  	s1 =	sld [smem:$0x7F1]  }
0x130: {  	[sflag:s7] =	ssyncset.done $0x0  }
0x131: {  	[sflag:s7] =	ssyncadd.s32 $0xFFFFE000  }
0x132: {  	[tilespmem:s4], [sflag:$0x2] =	stream.indirect.gather [hbm4b:s3+s8], $0x40, s1, s8, $0xb8;
	[tilespmem:$0x9900] =	vst v63  }
0x133: {  	_ =	swait.ge [sflag:s15], $0x2000  }
0x134: {  	[sflag:s15] =	ssyncset.done $0x0  }
0x135: {  	s1 =	rddreg [dreg:$0x19];
	[sflag:s15] =	ssyncadd.s32 $0xFFFFE000  }
0x136: {  	[hbm4b:s1+s2] =	stream.linear.scatter [tilespmem:s12], [sflag:$0x7], $0x2000, $0x38;
	[tilespmem:$0x9900] =	vst v63  }
0x137: {  	_ =	swait.ge [sflag:s13], $0x2000  }
0x138: {  	s1 =	sld [smem:$0x7F2]  }
0x139: {  	[sflag:s13] =	ssyncset.done $0x0  }
0x13a: {  	[sflag:s13] =	ssyncadd.s32 $0xFFFFE000  }
0x13b: {  	[tilespmem:s12], [sflag:$0x3] =	stream.indirect.gather [hbm4b:s3+s8], $0x40, s1, s8, $0xb8;
	[tilespmem:$0x9900] =	vst v63  }
0x13c: {  	_ =	swait.ge [sflag:s16], $0x2000  }
0x13d: {  	[sflag:s16] =	ssyncset.done $0x0  }
0x13e: {  	s1 =	rddreg [dreg:$0x1a];
	[sflag:s16] =	ssyncadd.s32 $0xFFFFE000  }
0x13f: {  	[hbm4b:s1+s2] =	stream.linear.scatter [tilespmem:s10], [sflag:$0x8], $0x2000, $0x38;
	[tilespmem:$0x9900] =	vst v63  }
0x140: {  	_ =	swait.ge [sflag:s14], $0x2000  }
0x141: {  	s1 =	sld [smem:$0x7F3]  }
0x142: {  	[sflag:s14] =	ssyncset.done $0x0  }
0x143: {  	[sflag:s14] =	ssyncadd.s32 $0xFFFFE000  }
0x144: {  	[tilespmem:s10], [sflag:$0x4] =	stream.indirect.gather [hbm4b:s3+s8], $0x40, s1, s8, $0xb8;
	[tilespmem:$0x9900] =	vst v63  }
0x145: {  	_ =	swait.ge [sflag:s9], $0x2000  }
0x146: {  	[sflag:s9] =	ssyncset.done $0x0  }
0x147: {  	s1 =	rddreg [dreg:$0x1b];
	[sflag:s9] =	ssyncadd.s32 $0xFFFFE000  }
0x148: {  	[hbm4b:s1+s2] =	stream.linear.scatter [tilespmem:s5], [sflag:$0x5], $0x2000, $0x38;
	[tilespmem:$0x9900] =	vst v63  }
0x149: {  	_ =	swait.ge [sflag:s6], $0x2000  }
0x14a: {  	s1 =	sld [smem:$0x7F4]  }
0x14b: {  	[sflag:s6] =	ssyncset.done $0x0  }
0x14c: {  	[sflag:s6] =	ssyncadd.s32 $0xFFFFE000  }
0x14d: {  	[tilespmem:s5], [sflag:$0x1] =	stream.indirect.gather [hbm4b:s3+s8], $0x40, s1, s8, $0xb8;
	[tilespmem:$0x9900] =	vst v63  }
0x14e: {  	_ =	swait.ge [sflag:s11], $0x2000  }
0x14f: {  	[sflag:s11] =	ssyncset.done $0x0  }
0x150: {  	s1 =	rddreg [dreg:$0x1c];
	[sflag:s11] =	ssyncadd.s32 $0xFFFFE000  }
0x151: {  	[hbm4b:s1+s2] =	stream.linear.scatter [tilespmem:s4], [sflag:$0x6], $0x2000, $0x38;
	[tilespmem:$0x9900] =	vst v63  }
0x152: {  	_ =	swait.ge [sflag:s7], $0x2000  }
0x153: {  	s1 =	sld [smem:$0x7F5]  }
0x154: {  	[sflag:s7] =	ssyncset.done $0x0  }
0x155: {  	[sflag:s7] =	ssyncadd.s32 $0xFFFFE000  }
0x156: {  	[tilespmem:s4], [sflag:$0x2] =	stream.indirect.gather [hbm4b:s3+s8], $0x40, s1, s8, $0xb8;
	[tilespmem:$0x9900] =	vst v63  }
0x157: {  	_ =	swait.ge [sflag:s15], $0x2000  }
0x158: {  	[sflag:s15] =	ssyncset.done $0x0  }
0x159: {  	s1 =	rddreg [dreg:$0x1d];
	[sflag:s15] =	ssyncadd.s32 $0xFFFFE000  }
0x15a: {  	[hbm4b:s1+s2] =	stream.linear.scatter [tilespmem:s12], [sflag:$0x7], $0x2000, $0x38;
	[tilespmem:$0x9900] =	vst v63  }
0x15b: {  	_ =	swait.ge [sflag:s13], $0x2000  }
0x15c: {  	s1 =	sld [smem:$0x7F6]  }
0x15d: {  	[sflag:s13] =	ssyncset.done $0x0  }
0x15e: {  	[sflag:s13] =	ssyncadd.s32 $0xFFFFE000  }
0x15f: {  	[tilespmem:s12], [sflag:$0x3] =	stream.indirect.gather [hbm4b:s3+s8], $0x40, s1, s8, $0xb8;
	[tilespmem:$0x9900] =	vst v63  }
0x160: {  	_ =	swait.ge [sflag:s16], $0x2000  }
0x161: {  	[sflag:s16] =	ssyncset.done $0x0  }
0x162: {  	s1 =	rddreg [dreg:$0x1e];
	[sflag:s16] =	ssyncadd.s32 $0xFFFFE000  }
0x163: {  	[hbm4b:s1+s2] =	stream.linear.scatter [tilespmem:s10], [sflag:$0x8], $0x2000, $0x38;
	[tilespmem:$0x9900] =	vst v63  }
0x164: {  	_ =	swait.ge [sflag:s14], $0x2000  }
0x165: {  	s1 =	sld [smem:$0x7F7]  }
0x166: {  	[sflag:s14] =	ssyncset.done $0x0  }
0x167: {  	[sflag:s14] =	ssyncadd.s32 $0xFFFFE000  }
0x168: {  	[tilespmem:s10], [sflag:$0x4] =	stream.indirect.gather [hbm4b:s3+s8], $0x40, s1, s8, $0xb8;
	[tilespmem:$0x9900] =	vst v63  }
0x169: {  	_ =	swait.ge [sflag:s9], $0x2000  }
0x16a: {  	[sflag:s9] =	ssyncset.done $0x0  }
0x16b: {  	s1 =	rddreg [dreg:$0x1f];
	[sflag:s9] =	ssyncadd.s32 $0xFFFFE000  }
0x16c: {  	[hbm4b:s1+s2] =	stream.linear.scatter [tilespmem:s5], [sflag:$0x5], $0x2000, $0x38;
	[tilespmem:$0x9900] =	vst v63  }
0x16d: {  	_ =	swait.ge [sflag:s6], $0x2000  }
0x16e: {  	[sflag:s6] =	ssyncset.done $0x0  }
0x16f: {  	[sflag:s6] =	ssyncadd.s32 $0xFFFFE000  }
0x170: {  	[tilespmem:s5], [sflag:$0x1] =	stream.indirect.gather [hbm4b:s3+s8], $0x40, s29, s8, $0xb8;
	[tilespmem:$0x9900] =	vst v63  }
0x171: {  	_ =	swait.ge [sflag:s11], $0x2000  }
0x172: {  	s1 =	sld [smem:$0x7C5]  }
0x173: {  	[sflag:s11] =	ssyncset.done $0x0  }
0x174: {  	[sflag:s11] =	ssyncadd.s32 $0xFFFFE000  }
0x175: {  	[hbm4b:s1+s2] =	stream.linear.scatter [tilespmem:s4], [sflag:$0x6], $0x2000, $0x38;
	[tilespmem:$0x9900] =	vst v63  }
0x176: {  	_ =	swait.ge [sflag:s7], $0x2000  }
0x177: {  	s1 =	sld [smem:$0x7F8]  }
0x178: {  	[sflag:s7] =	ssyncset.done $0x0  }
0x179: {  	[sflag:s7] =	ssyncadd.s32 $0xFFFFE000  }
0x17a: {  	[tilespmem:s4], [sflag:$0x2] =	stream.indirect.gather [hbm4b:s3+s8], $0x40, s1, s8, $0xb8;
	[tilespmem:$0x9900] =	vst v63  }
0x17b: {  	_ =	swait.ge [sflag:s15], $0x2000  }
0x17c: {  	s1 =	sld [smem:$0x7C6]  }
0x17d: {  	[sflag:s15] =	ssyncset.done $0x0  }
0x17e: {  	[sflag:s15] =	ssyncadd.s32 $0xFFFFE000  }
0x17f: {  	[hbm4b:s1+s2] =	stream.linear.scatter [tilespmem:s12], [sflag:$0x7], $0x2000, $0x38;
	[tilespmem:$0x9900] =	vst v63  }
0x180: {  	_ =	swait.ge [sflag:s13], $0x2000  }
0x181: {  	s1 =	sld [smem:$0x7F9]  }
0x182: {  	[sflag:s13] =	ssyncset.done $0x0  }
0x183: {  	[sflag:s13] =	ssyncadd.s32 $0xFFFFE000  }
0x184: {  	[tilespmem:s12], [sflag:$0x3] =	stream.indirect.gather [hbm4b:s3+s8], $0x40, s1, s8, $0xb8;
	[tilespmem:$0x9900] =	vst v63  }
0x185: {  	_ =	swait.ge [sflag:s16], $0x2000  }
0x186: {  	s1 =	sld [smem:$0x7C7]  }
0x187: {  	[sflag:s16] =	ssyncset.done $0x0  }
0x188: {  	[sflag:s16] =	ssyncadd.s32 $0xFFFFE000  }
0x189: {  	[hbm4b:s1+s2] =	stream.linear.scatter [tilespmem:s10], [sflag:$0x8], $0x2000, $0x38;
	[tilespmem:$0x9900] =	vst v63  }
0x18a: {  	_ =	swait.ge [sflag:s14], $0x2000  }
0x18b: {  	s1 =	sld [smem:$0x7FA]  }
0x18c: {  	[sflag:s14] =	ssyncset.done $0x0  }
0x18d: {  	[sflag:s14] =	ssyncadd.s32 $0xFFFFE000  }
0x18e: {  	[tilespmem:s10], [sflag:$0x4] =	stream.indirect.gather [hbm4b:s3+s8], $0x40, s1, s8, $0xb8;
	[tilespmem:$0x9900] =	vst v63  }
0x18f: {  	_ =	swait.ge [sflag:s9], $0x2000  }
0x190: {  	s1 =	sld [smem:$0x7C8]  }
0x191: {  	[sflag:s9] =	ssyncset.done $0x0  }
0x192: {  	[sflag:s9] =	ssyncadd.s32 $0xFFFFE000  }
0x193: {  	[hbm4b:s1+s2] =	stream.linear.scatter [tilespmem:s5], [sflag:$0x5], $0x2000, $0x38;
	[tilespmem:$0x9900] =	vst v63  }
0x194: {  	_ =	swait.ge [sflag:s6], $0x2000  }
0x195: {  	s1 =	sld [smem:$0x7FB]  }
0x196: {  	[sflag:s6] =	ssyncset.done $0x0  }
0x197: {  	[sflag:s6] =	ssyncadd.s32 $0xFFFFE000  }
0x198: {  	[tilespmem:s5], [sflag:$0x1] =	stream.indirect.gather [hbm4b:s3+s8], $0x40, s1, s8, $0xb8;
	[tilespmem:$0x9900] =	vst v63  }
0x199: {  	_ =	swait.ge [sflag:s11], $0x2000  }
0x19a: {  	s1 =	sld [smem:$0x7C9]  }
0x19b: {  	[sflag:s11] =	ssyncset.done $0x0  }
0x19c: {  	[sflag:s11] =	ssyncadd.s32 $0xFFFFE000  }
0x19d: {  	[hbm4b:s1+s2] =	stream.linear.scatter [tilespmem:s4], [sflag:$0x6], $0x2000, $0x38;
	[tilespmem:$0x9900] =	vst v63  }
0x19e: {  	_ =	swait.ge [sflag:s7], $0x2000  }
0x19f: {  	s1 =	sld [smem:$0x7FC]  }
0x1a0: {  	[sflag:s7] =	ssyncset.done $0x0  }
0x1a1: {  	[sflag:s7] =	ssyncadd.s32 $0xFFFFE000  }
0x1a2: {  	[tilespmem:s4], [sflag:$0x2] =	stream.indirect.gather [hbm4b:s3+s8], $0x40, s1, s8, $0xb8;
	[tilespmem:$0x9900] =	vst v63  }
0x1a3: {  	_ =	swait.ge [sflag:s15], $0x2000  }
0x1a4: {  	s1 =	sld [smem:$0x7CA]  }
0x1a5: {  	[sflag:s15] =	ssyncset.done $0x0  }
0x1a6: {  	[sflag:s15] =	ssyncadd.s32 $0xFFFFE000  }
0x1a7: {  	[hbm4b:s1+s2] =	stream.linear.scatter [tilespmem:s12], [sflag:$0x7], $0x2000, $0x38;
	[tilespmem:$0x9900] =	vst v63  }
0x1a8: {  	_ =	swait.ge [sflag:s13], $0x2000  }
0x1a9: {  	s1 =	sld [smem:$0x7FD]  }
0x1aa: {  	[sflag:s13] =	ssyncset.done $0x0  }
0x1ab: {  	[sflag:s13] =	ssyncadd.s32 $0xFFFFE000  }
0x1ac: {  	[tilespmem:s12], [sflag:$0x3] =	stream.indirect.gather [hbm4b:s3+s8], $0x40, s1, s8, $0xb8;
	[tilespmem:$0x9900] =	vst v63  }
0x1ad: {  	_ =	swait.ge [sflag:s16], $0x2000  }
0x1ae: {  	s1 =	sld [smem:$0x7CB]  }
0x1af: {  	[sflag:s16] =	ssyncset.done $0x0  }
0x1b0: {  	[sflag:s16] =	ssyncadd.s32 $0xFFFFE000  }
0x1b1: {  	[hbm4b:s1+s2] =	stream.linear.scatter [tilespmem:s10], [sflag:$0x8], $0x2000, $0x38;
	[tilespmem:$0x9900] =	vst v63  }
0x1b2: {  	_ =	swait.ge [sflag:s14], $0x2000  }
0x1b3: {  	[sflag:s14] =	ssyncset.done $0x0  }
0x1b4: {  	s1 =	simm.s32 $0x1380;
	[sflag:s14] =	ssyncadd.s32 $0xFFFFE000  }
0x1b5: {  	[tilespmem:s10], [sflag:$0x4] =	stream.indirect.gather [hbm4b:s3+s8], $0x40, s1, s8, $0xb8;
	[tilespmem:$0x9900] =	vst v63  }
0x1b6: {  	_ =	swait.ge [sflag:s9], $0x2000  }
0x1b7: {  	s1 =	sld [smem:$0x7CC]  }
0x1b8: {  	[sflag:s9] =	ssyncset.done $0x0  }
0x1b9: {  	[sflag:s9] =	ssyncadd.s32 $0xFFFFE000  }
0x1ba: {  	[hbm4b:s1+s2] =	stream.linear.scatter [tilespmem:s5], [sflag:$0x5], $0x2000, $0x38;
	[tilespmem:$0x9900] =	vst v63  }
0x1bb: {  	_ =	swait.ge [sflag:s6], $0x2000  }
0x1bc: {  	[sflag:s6] =	ssyncset.done $0x0  }
0x1bd: {  	[sflag:s6] =	ssyncadd.s32 $0xFFFFE000  }
0x1be: {  	[tilespmem:s5], [sflag:$0x1] =	stream.indirect.gather [hbm4b:s3+s8], $0x40, s28, s8, $0xb8;
	[tilespmem:$0x9900] =	vst v63  }
0x1bf: {  	_ =	swait.ge [sflag:s11], $0x2000  }
0x1c0: {  	s1 =	sld [smem:$0x7CD]  }
0x1c1: {  	[sflag:s11] =	ssyncset.done $0x0  }
0x1c2: {  	[sflag:s11] =	ssyncadd.s32 $0xFFFFE000  }
0x1c3: {  	[hbm4b:s1+s2] =	stream.linear.scatter [tilespmem:s4], [sflag:$0x6], $0x2000, $0x38;
	[tilespmem:$0x9900] =	vst v63  }
0x1c4: {  	_ =	swait.ge [sflag:s7], $0x2000  }
0x1c5: {  	[sflag:s7] =	ssyncset.done $0x0  }
0x1c6: {  	[sflag:s7] =	ssyncadd.s32 $0xFFFFE000  }
0x1c7: {  	[tilespmem:s4], [sflag:$0x2] =	stream.indirect.gather [hbm4b:s3+s8], $0x40, s26, s8, $0xb8;
	[tilespmem:$0x9900] =	vst v63  }
0x1c8: {  	_ =	swait.ge [sflag:s15], $0x2000  }
0x1c9: {  	s1 =	sld [smem:$0x7CE]  }
0x1ca: {  	[sflag:s15] =	ssyncset.done $0x0  }
0x1cb: {  	[sflag:s15] =	ssyncadd.s32 $0xFFFFE000  }
0x1cc: {  	[hbm4b:s1+s2] =	stream.linear.scatter [tilespmem:s12], [sflag:$0x7], $0x2000, $0x38;
	[tilespmem:$0x9900] =	vst v63  }
0x1cd: {  	_ =	swait.ge [sflag:s13], $0x2000  }
0x1ce: {  	[sflag:s13] =	ssyncset.done $0x0  }
0x1cf: {  	[sflag:s13] =	ssyncadd.s32 $0xFFFFE000  }
0x1d0: {  	[tilespmem:s12], [sflag:$0x3] =	stream.indirect.gather [hbm4b:s3+s8], $0x40, s25, s8, $0xb8;
	[tilespmem:$0x9900] =	vst v63  }
0x1d1: {  	_ =	swait.ge [sflag:s16], $0x2000  }
0x1d2: {  	s1 =	sld [smem:$0x7CF]  }
0x1d3: {  	[sflag:s16] =	ssyncset.done $0x0  }
0x1d4: {  	[sflag:s16] =	ssyncadd.s32 $0xFFFFE000  }
0x1d5: {  	[hbm4b:s1+s2] =	stream.linear.scatter [tilespmem:s10], [sflag:$0x8], $0x2000, $0x38;
	[tilespmem:$0x9900] =	vst v63  }
0x1d6: {  	_ =	swait.ge [sflag:s14], $0x2000  }
0x1d7: {  	[sflag:s14] =	ssyncset.done $0x0  }
0x1d8: {  	[sflag:s14] =	ssyncadd.s32 $0xFFFFE000  }
0x1d9: {  	[tilespmem:s10], [sflag:$0x4] =	stream.indirect.gather [hbm4b:s3+s8], $0x40, s24, s8, $0xb8;
	[tilespmem:$0x9900] =	vst v63  }
0x1da: {  	_ =	swait.ge [sflag:s9], $0x2000  }
0x1db: {  	s1 =	sld [smem:$0x7D0]  }
0x1dc: {  	[sflag:s9] =	ssyncset.done $0x0  }
0x1dd: {  	[sflag:s9] =	ssyncadd.s32 $0xFFFFE000  }
0x1de: {  	[hbm4b:s1+s2] =	stream.linear.scatter [tilespmem:s5], [sflag:$0x5], $0x2000, $0x38;
	[tilespmem:$0x9900] =	vst v63  }
0x1df: {  	_ =	swait.ge [sflag:s6], $0x2000  }
0x1e0: {  	[sflag:s6] =	ssyncset.done $0x0  }
0x1e1: {  	[sflag:s6] =	ssyncadd.s32 $0xFFFFE000  }
0x1e2: {  	[tilespmem:s5], [sflag:$0x1] =	stream.indirect.gather [hbm4b:s3+s8], $0x40, s23, s8, $0xb8;
	[tilespmem:$0x9900] =	vst v63  }
0x1e3: {  	_ =	swait.ge [sflag:s11], $0x2000  }
0x1e4: {  	s1 =	sld [smem:$0x7D1]  }
0x1e5: {  	[sflag:s11] =	ssyncset.done $0x0  }
0x1e6: {  	[sflag:s11] =	ssyncadd.s32 $0xFFFFE000  }
0x1e7: {  	[hbm4b:s1+s2] =	stream.linear.scatter [tilespmem:s4], [sflag:$0x6], $0x2000, $0x38;
	[tilespmem:$0x9900] =	vst v63  }
0x1e8: {  	_ =	swait.ge [sflag:s7], $0x2000  }
0x1e9: {  	[sflag:s7] =	ssyncset.done $0x0  }
0x1ea: {  	[sflag:s7] =	ssyncadd.s32 $0xFFFFE000  }
0x1eb: {  	[tilespmem:s4], [sflag:$0x2] =	stream.indirect.gather [hbm4b:s3+s8], $0x40, s22, s8, $0xb8;
	[tilespmem:$0x9900] =	vst v63  }
0x1ec: {  	_ =	swait.ge [sflag:s15], $0x2000  }
0x1ed: {  	s1 =	sld [smem:$0x7D2]  }
0x1ee: {  	[sflag:s15] =	ssyncset.done $0x0  }
0x1ef: {  	[sflag:s15] =	ssyncadd.s32 $0xFFFFE000  }
0x1f0: {  	[hbm4b:s1+s2] =	stream.linear.scatter [tilespmem:s12], [sflag:$0x7], $0x2000, $0x38;
	[tilespmem:$0x9900] =	vst v63  }
0x1f1: {  	_ =	swait.ge [sflag:s13], $0x2000  }
0x1f2: {  	[sflag:s13] =	ssyncset.done $0x0  }
0x1f3: {  	[sflag:s13] =	ssyncadd.s32 $0xFFFFE000  }
0x1f4: {  	[tilespmem:s12], [sflag:$0x3] =	stream.indirect.gather [hbm4b:s3+s8], $0x40, s21, s8, $0xb8;
	[tilespmem:$0x9900] =	vst v63  }
0x1f5: {  	_ =	swait.ge [sflag:s16], $0x2000  }
0x1f6: {  	s1 =	sld [smem:$0x7D3]  }
0x1f7: {  	[sflag:s16] =	ssyncset.done $0x0  }
0x1f8: {  	[sflag:s16] =	ssyncadd.s32 $0xFFFFE000  }
0x1f9: {  	[hbm4b:s1+s2] =	stream.linear.scatter [tilespmem:s10], [sflag:$0x8], $0x2000, $0x38;
	[tilespmem:$0x9900] =	vst v63  }
0x1fa: {  	_ =	swait.ge [sflag:s14], $0x2000  }
0x1fb: {  	[sflag:s14] =	ssyncset.done $0x0  }
0x1fc: {  	[sflag:s14] =	ssyncadd.s32 $0xFFFFE000  }
0x1fd: {  	[tilespmem:s10], [sflag:$0x4] =	stream.indirect.gather [hbm4b:s3+s8], $0x40, s20, s8, $0xb8;
	[tilespmem:$0x9900] =	vst v63  }
0x1fe: {  	_ =	swait.ge [sflag:s9], $0x2000  }
0x1ff: {  	s1 =	sld [smem:$0x7D4]  }
0x200: {  	[sflag:s9] =	ssyncset.done $0x0  }
0x201: {  	[sflag:s9] =	ssyncadd.s32 $0xFFFFE000  }
0x202: {  	[hbm4b:s1+s2] =	stream.linear.scatter [tilespmem:s5], [sflag:$0x5], $0x2000, $0x38;
	[tilespmem:$0x9900] =	vst v63  }
0x203: {  	_ =	swait.ge [sflag:s6], $0x2000  }
0x204: {  	[sflag:s6] =	ssyncset.done $0x0  }
0x205: {  	[sflag:s6] =	ssyncadd.s32 $0xFFFFE000  }
0x206: {  	[tilespmem:s5], [sflag:$0x1] =	stream.indirect.gather [hbm4b:s3+s8], $0x40, s19, s8, $0xb8;
	[tilespmem:$0x9900] =	vst v63  }
0x207: {  	_ =	swait.ge [sflag:s11], $0x2000  }
0x208: {  	s1 =	sld [smem:$0x7D5]  }
0x209: {  	[sflag:s11] =	ssyncset.done $0x0  }
0x20a: {  	[sflag:s11] =	ssyncadd.s32 $0xFFFFE000  }
0x20b: {  	[hbm4b:s1+s2] =	stream.linear.scatter [tilespmem:s4], [sflag:$0x6], $0x2000, $0x38;
	[tilespmem:$0x9900] =	vst v63  }
0x20c: {  	_ =	swait.ge [sflag:s7], $0x2000  }
0x20d: {  	[sflag:s7] =	ssyncset.done $0x0  }
0x20e: {  	[sflag:s7] =	ssyncadd.s32 $0xFFFFE000  }
0x20f: {  	[tilespmem:s4], [sflag:$0x2] =	stream.indirect.gather [hbm4b:s3+s8], $0x40, s18, s8, $0xb8;
	[tilespmem:$0x9900] =	vst v63  }
0x210: {  	_ =	swait.ge [sflag:s15], $0x2000  }
0x211: {  	s1 =	sld [smem:$0x7D6]  }
0x212: {  	[sflag:s15] =	ssyncset.done $0x0  }
0x213: {  	[sflag:s15] =	ssyncadd.s32 $0xFFFFE000  }
0x214: {  	[hbm4b:s1+s2] =	stream.linear.scatter [tilespmem:s12], [sflag:$0x7], $0x2000, $0x38;
	[tilespmem:$0x9900] =	vst v63  }
0x215: {  	_ =	swait.ge [sflag:s16], $0x2000  }
0x216: {  	s1 =	sld [smem:$0x7D7]  }
0x217: {  	[sflag:s16] =	ssyncset.done $0x0  }
0x218: {  	[sflag:s16] =	ssyncadd.s32 $0xFFFFE000  }
0x219: {  	[hbm4b:s1+s2] =	stream.linear.scatter [tilespmem:s10], [sflag:$0x8], $0x2000, $0x38;
	[tilespmem:$0x9900] =	vst v63  }
0x21a: {  	_ =	swait.ge [sflag:s9], $0x2000  }
0x21b: {  	s1 =	sld [smem:$0x7D8]  }
0x21c: {  	[sflag:s9] =	ssyncset.done $0x0  }
0x21d: {  	[sflag:s9] =	ssyncadd.s32 $0xFFFFE000  }
0x21e: {  	[hbm4b:s1+s2] =	stream.linear.scatter [tilespmem:s5], [sflag:$0x5], $0x2000, $0x38;
	[tilespmem:$0x9900] =	vst v63  }
0x21f: {  	_ =	swait.ge [sflag:s11], $0x2000  }
0x220: {  	s1 =	sld [smem:$0x7D9]  }
0x221: {  	[sflag:s11] =	ssyncset.done $0x0  }
0x222: {  	[sflag:s11] =	ssyncadd.s32 $0xFFFFE000  }
0x223: {  	[hbm4b:s1+s2] =	stream.linear.scatter [tilespmem:s4], [sflag:$0x6], $0x2000, $0x38;
	[tilespmem:$0x9900] =	vst v63  }
0x224: {  	_ =	swait.ge [sflag:s13], $0x2000  }
0x225: {  	[sflag:s13] =	ssyncset.done $0x0  }
0x226: {  	[sflag:s13] =	ssyncadd.s32 $0xFFFFE000  }
0x227: {  	_ =	swait.ge [sflag:s14], $0x2000  }
0x228: {  	[sflag:s14] =	ssyncset.done $0x0  }
0x229: {  	p1 =	sne.s32 s17, $0x1;
	[sflag:s14] =	ssyncadd.s32 $0xFFFFE000  }
.Ltmp1:
0x22a: {  	_ =	swait.ge [sflag:s6], $0x2000;
	(pc) =	sbr.rel @!p1 .LBB2_3-.Ltmp1, $4  }
0x22b: {  	[sflag:s6] =	ssyncset.done $0x0  }
0x22c: {  	[sflag:s6] =	ssyncadd.s32 $0xFFFFE000  }
0x22d: {  	p0 =	por $0x1, $0x1;
	_ =	swait.ge [sflag:s7], $0x2000  }
0x22e: {  	s1 =	sadd.s32 $0xFFFFFFFF, s17;
	s0 =	rddreg [dreg:$0x3];
	[sflag:s7] =	ssyncset.done $0x0  }
.LBB2_4:
0x22f: {  	[sflag:s7] =	ssyncadd.s32 $0xFFFFE000  }
0x230: {  	[tilespmem:s2], [sflag:$0x9] =	stream.strided.gather [hbm4b:s0+s8], $0x1900, s29, s8, $0x38;
	[tilespmem:$0x9900] =	vst v63  }
0x231: {  	_ =	swait.ge [sflag:s31], $0x1900  }
0x232: {  	[sflag:s31] =	ssyncset.done $0x0  }
0x233: {  	[sflag:s31] =	ssyncadd.s32 $0xFFFFE700  }
0x234: {  	[tilespmem:s5], [sflag:$0x1] =	stream.indirect.gather [hbm4b:s3+s8], $0x40, s2, s8, $0xb8;
	[tilespmem:$0x9900] =	vst v63  }
0x235: {  	s0 =	sld [smem:$0x7DA]  }
0x236: {  	[tilespmem:s4], [sflag:$0x2] =	stream.indirect.gather [hbm4b:s3+s8], $0x40, s8, s8, $0xb8;
	[tilespmem:$0x9900] =	vst v63  }
0x237: {  	s17 =	sld [smem:$0x7DB]  }
0x238: {  	[tilespmem:s12], [sflag:$0x3] =	stream.indirect.gather [hbm4b:s3+s8], $0x40, s0, s8, $0xb8;
	[tilespmem:$0x9900] =	vst v63  }
0x239: {  	_ = 	snop  }
0x23a: {  	[tilespmem:s10], [sflag:$0x4] =	stream.indirect.gather [hbm4b:s3+s8], $0x40, s17, s8, $0xb8;
	[tilespmem:$0x9900] =	vst v63  }
0x23b: {  	_ =	swait.ge [sflag:s9], $0x2000  }
0x23c: {  	[sflag:s9] =	ssyncset.done $0x0  }
0x23d: {  	[sflag:s9] =	ssyncadd.s32 $0xFFFFE000  }
0x23e: {  	[hbm4b:s30+s2] =	stream.linear.scatter [tilespmem:s5], [sflag:$0x5], $0x2000, $0x38;
	[tilespmem:$0x9900] =	vst v63  }
0x23f: {  	_ =	swait.ge [sflag:s6], $0x2000  }
0x240: {  	s17 =	sld [smem:$0x7DC]  }
0x241: {  	[sflag:s6] =	ssyncset.done $0x0  }
0x242: {  	[sflag:s6] =	ssyncadd.s32 $0xFFFFE000  }
0x243: {  	[tilespmem:s5], [sflag:$0x1] =	stream.indirect.gather [hbm4b:s3+s8], $0x40, s17, s8, $0xb8;
	[tilespmem:$0x9900] =	vst v63  }
0x244: {  	_ =	swait.ge [sflag:s11], $0x2000  }
0x245: {  	[sflag:s11] =	ssyncset.done $0x0  }
0x246: {  	s17 =	rddreg [dreg:$0x4];
	[sflag:s11] =	ssyncadd.s32 $0xFFFFE000  }
0x247: {  	[hbm4b:s17+s2] =	stream.linear.scatter [tilespmem:s4], [sflag:$0x6], $0x2000, $0x38;
	[tilespmem:$0x9900] =	vst v63  }
0x248: {  	_ =	swait.ge [sflag:s7], $0x2000  }
0x249: {  	s17 =	sld [smem:$0x7DD]  }
0x24a: {  	[sflag:s7] =	ssyncset.done $0x0  }
0x24b: {  	[sflag:s7] =	ssyncadd.s32 $0xFFFFE000  }
0x24c: {  	[tilespmem:s4], [sflag:$0x2] =	stream.indirect.gather [hbm4b:s3+s8], $0x40, s17, s8, $0xb8;
	[tilespmem:$0x9900] =	vst v63  }
0x24d: {  	_ =	swait.ge [sflag:s15], $0x2000  }
0x24e: {  	[sflag:s15] =	ssyncset.done $0x0  }
0x24f: {  	s17 =	rddreg [dreg:$0x5];
	[sflag:s15] =	ssyncadd.s32 $0xFFFFE000  }
0x250: {  	[hbm4b:s17+s2] =	stream.linear.scatter [tilespmem:s12], [sflag:$0x7], $0x2000, $0x38;
	[tilespmem:$0x9900] =	vst v63  }
0x251: {  	_ =	swait.ge [sflag:s13], $0x2000  }
0x252: {  	s17 =	sld [smem:$0x7DE]  }
0x253: {  	[sflag:s13] =	ssyncset.done $0x0  }
0x254: {  	[sflag:s13] =	ssyncadd.s32 $0xFFFFE000  }
0x255: {  	[tilespmem:s12], [sflag:$0x3] =	stream.indirect.gather [hbm4b:s3+s8], $0x40, s17, s8, $0xb8;
	[tilespmem:$0x9900] =	vst v63  }
0x256: {  	_ =	swait.ge [sflag:s16], $0x2000  }
0x257: {  	[sflag:s16] =	ssyncset.done $0x0  }
0x258: {  	s17 =	rddreg [dreg:$0x6];
	[sflag:s16] =	ssyncadd.s32 $0xFFFFE000  }
0x259: {  	[hbm4b:s17+s2] =	stream.linear.scatter [tilespmem:s10], [sflag:$0x8], $0x2000, $0x38;
	[tilespmem:$0x9900] =	vst v63  }
0x25a: {  	_ =	swait.ge [sflag:s14], $0x2000  }
0x25b: {  	s17 =	sld [smem:$0x7DF]  }
0x25c: {  	[sflag:s14] =	ssyncset.done $0x0  }
0x25d: {  	[sflag:s14] =	ssyncadd.s32 $0xFFFFE000  }
0x25e: {  	[tilespmem:s10], [sflag:$0x4] =	stream.indirect.gather [hbm4b:s3+s8], $0x40, s17, s8, $0xb8;
	[tilespmem:$0x9900] =	vst v63  }
0x25f: {  	_ =	swait.ge [sflag:s9], $0x2000  }
0x260: {  	[sflag:s9] =	ssyncset.done $0x0  }
0x261: {  	s17 =	rddreg [dreg:$0x7];
	[sflag:s9] =	ssyncadd.s32 $0xFFFFE000  }
0x262: {  	[hbm4b:s17+s2] =	stream.linear.scatter [tilespmem:s5], [sflag:$0x5], $0x2000, $0x38;
	[tilespmem:$0x9900] =	vst v63  }
0x263: {  	_ =	swait.ge [sflag:s6], $0x2000  }
0x264: {  	s17 =	sld [smem:$0x7E0]  }
0x265: {  	[sflag:s6] =	ssyncset.done $0x0  }
0x266: {  	[sflag:s6] =	ssyncadd.s32 $0xFFFFE000  }
0x267: {  	[tilespmem:s5], [sflag:$0x1] =	stream.indirect.gather [hbm4b:s3+s8], $0x40, s17, s8, $0xb8;
	[tilespmem:$0x9900] =	vst v63  }
0x268: {  	_ =	swait.ge [sflag:s11], $0x2000  }
0x269: {  	[sflag:s11] =	ssyncset.done $0x0  }
0x26a: {  	s17 =	rddreg [dreg:$0x8];
	[sflag:s11] =	ssyncadd.s32 $0xFFFFE000  }
0x26b: {  	[hbm4b:s17+s2] =	stream.linear.scatter [tilespmem:s4], [sflag:$0x6], $0x2000, $0x38;
	[tilespmem:$0x9900] =	vst v63  }
0x26c: {  	_ =	swait.ge [sflag:s7], $0x2000  }
0x26d: {  	s17 =	sld [smem:$0x7E1]  }
0x26e: {  	[sflag:s7] =	ssyncset.done $0x0  }
0x26f: {  	[sflag:s7] =	ssyncadd.s32 $0xFFFFE000  }
0x270: {  	[tilespmem:s4], [sflag:$0x2] =	stream.indirect.gather [hbm4b:s3+s8], $0x40, s17, s8, $0xb8;
	[tilespmem:$0x9900] =	vst v63  }
0x271: {  	_ =	swait.ge [sflag:s15], $0x2000  }
0x272: {  	[sflag:s15] =	ssyncset.done $0x0  }
0x273: {  	s17 =	rddreg [dreg:$0x9];
	[sflag:s15] =	ssyncadd.s32 $0xFFFFE000  }
0x274: {  	[hbm4b:s17+s2] =	stream.linear.scatter [tilespmem:s12], [sflag:$0x7], $0x2000, $0x38;
	[tilespmem:$0x9900] =	vst v63  }
0x275: {  	_ =	swait.ge [sflag:s13], $0x2000  }
0x276: {  	s17 =	sld [smem:$0x7E2]  }
0x277: {  	[sflag:s13] =	ssyncset.done $0x0  }
0x278: {  	[sflag:s13] =	ssyncadd.s32 $0xFFFFE000  }
0x279: {  	[tilespmem:s12], [sflag:$0x3] =	stream.indirect.gather [hbm4b:s3+s8], $0x40, s17, s8, $0xb8;
	[tilespmem:$0x9900] =	vst v63  }
0x27a: {  	_ =	swait.ge [sflag:s16], $0x2000  }
0x27b: {  	[sflag:s16] =	ssyncset.done $0x0  }
0x27c: {  	s17 =	rddreg [dreg:$0xa];
	[sflag:s16] =	ssyncadd.s32 $0xFFFFE000  }
0x27d: {  	[hbm4b:s17+s2] =	stream.linear.scatter [tilespmem:s10], [sflag:$0x8], $0x2000, $0x38;
	[tilespmem:$0x9900] =	vst v63  }
0x27e: {  	_ =	swait.ge [sflag:s14], $0x2000  }
0x27f: {  	s17 =	sld [smem:$0x7E3]  }
0x280: {  	[sflag:s14] =	ssyncset.done $0x0  }
0x281: {  	[sflag:s14] =	ssyncadd.s32 $0xFFFFE000  }
0x282: {  	[tilespmem:s10], [sflag:$0x4] =	stream.indirect.gather [hbm4b:s3+s8], $0x40, s17, s8, $0xb8;
	[tilespmem:$0x9900] =	vst v63  }
0x283: {  	_ =	swait.ge [sflag:s9], $0x2000  }
0x284: {  	[sflag:s9] =	ssyncset.done $0x0  }
0x285: {  	s17 =	rddreg [dreg:$0xb];
	[sflag:s9] =	ssyncadd.s32 $0xFFFFE000  }
0x286: {  	[hbm4b:s17+s2] =	stream.linear.scatter [tilespmem:s5], [sflag:$0x5], $0x2000, $0x38;
	[tilespmem:$0x9900] =	vst v63  }
0x287: {  	_ =	swait.ge [sflag:s6], $0x2000  }
0x288: {  	s17 =	sld [smem:$0x7E4]  }
0x289: {  	[sflag:s6] =	ssyncset.done $0x0  }
0x28a: {  	[sflag:s6] =	ssyncadd.s32 $0xFFFFE000  }
0x28b: {  	[tilespmem:s5], [sflag:$0x1] =	stream.indirect.gather [hbm4b:s3+s8], $0x40, s17, s8, $0xb8;
	[tilespmem:$0x9900] =	vst v63  }
0x28c: {  	_ =	swait.ge [sflag:s11], $0x2000  }
0x28d: {  	[sflag:s11] =	ssyncset.done $0x0  }
0x28e: {  	s17 =	rddreg [dreg:$0xc];
	[sflag:s11] =	ssyncadd.s32 $0xFFFFE000  }
0x28f: {  	[hbm4b:s17+s2] =	stream.linear.scatter [tilespmem:s4], [sflag:$0x6], $0x2000, $0x38;
	[tilespmem:$0x9900] =	vst v63  }
0x290: {  	_ =	swait.ge [sflag:s7], $0x2000  }
0x291: {  	s17 =	sld [smem:$0x7E5]  }
0x292: {  	[sflag:s7] =	ssyncset.done $0x0  }
0x293: {  	[sflag:s7] =	ssyncadd.s32 $0xFFFFE000  }
0x294: {  	[tilespmem:s4], [sflag:$0x2] =	stream.indirect.gather [hbm4b:s3+s8], $0x40, s17, s8, $0xb8;
	[tilespmem:$0x9900] =	vst v63  }
0x295: {  	_ =	swait.ge [sflag:s15], $0x2000  }
0x296: {  	[sflag:s15] =	ssyncset.done $0x0  }
0x297: {  	s17 =	rddreg [dreg:$0xd];
	[sflag:s15] =	ssyncadd.s32 $0xFFFFE000  }
0x298: {  	[hbm4b:s17+s2] =	stream.linear.scatter [tilespmem:s12], [sflag:$0x7], $0x2000, $0x38;
	[tilespmem:$0x9900] =	vst v63  }
0x299: {  	_ =	swait.ge [sflag:s13], $0x2000  }
0x29a: {  	s17 =	sld [smem:$0x7E6]  }
0x29b: {  	[sflag:s13] =	ssyncset.done $0x0  }
0x29c: {  	[sflag:s13] =	ssyncadd.s32 $0xFFFFE000  }
0x29d: {  	[tilespmem:s12], [sflag:$0x3] =	stream.indirect.gather [hbm4b:s3+s8], $0x40, s17, s8, $0xb8;
	[tilespmem:$0x9900] =	vst v63  }
0x29e: {  	_ =	swait.ge [sflag:s16], $0x2000  }
0x29f: {  	[sflag:s16] =	ssyncset.done $0x0  }
0x2a0: {  	s17 =	rddreg [dreg:$0xe];
	[sflag:s16] =	ssyncadd.s32 $0xFFFFE000  }
0x2a1: {  	[hbm4b:s17+s2] =	stream.linear.scatter [tilespmem:s10], [sflag:$0x8], $0x2000, $0x38;
	[tilespmem:$0x9900] =	vst v63  }
0x2a2: {  	_ =	swait.ge [sflag:s14], $0x2000  }
0x2a3: {  	s17 =	sld [smem:$0x7E7]  }
0x2a4: {  	[sflag:s14] =	ssyncset.done $0x0  }
0x2a5: {  	[sflag:s14] =	ssyncadd.s32 $0xFFFFE000  }
0x2a6: {  	[tilespmem:s10], [sflag:$0x4] =	stream.indirect.gather [hbm4b:s3+s8], $0x40, s17, s8, $0xb8;
	[tilespmem:$0x9900] =	vst v63  }
0x2a7: {  	_ =	swait.ge [sflag:s9], $0x2000  }
0x2a8: {  	[sflag:s9] =	ssyncset.done $0x0  }
0x2a9: {  	s17 =	rddreg [dreg:$0xf];
	[sflag:s9] =	ssyncadd.s32 $0xFFFFE000  }
0x2aa: {  	[hbm4b:s17+s2] =	stream.linear.scatter [tilespmem:s5], [sflag:$0x5], $0x2000, $0x38;
	[tilespmem:$0x9900] =	vst v63  }
0x2ab: {  	_ =	swait.ge [sflag:s6], $0x2000  }
0x2ac: {  	s17 =	sld [smem:$0x7E8]  }
0x2ad: {  	[sflag:s6] =	ssyncset.done $0x0  }
0x2ae: {  	[sflag:s6] =	ssyncadd.s32 $0xFFFFE000  }
0x2af: {  	[tilespmem:s5], [sflag:$0x1] =	stream.indirect.gather [hbm4b:s3+s8], $0x40, s17, s8, $0xb8;
	[tilespmem:$0x9900] =	vst v63  }
0x2b0: {  	_ =	swait.ge [sflag:s11], $0x2000  }
0x2b1: {  	[sflag:s11] =	ssyncset.done $0x0  }
0x2b2: {  	s17 =	rddreg [dreg:$0x10];
	[sflag:s11] =	ssyncadd.s32 $0xFFFFE000  }
0x2b3: {  	[hbm4b:s17+s2] =	stream.linear.scatter [tilespmem:s4], [sflag:$0x6], $0x2000, $0x38;
	[tilespmem:$0x9900] =	vst v63  }
0x2b4: {  	_ =	swait.ge [sflag:s7], $0x2000  }
0x2b5: {  	s17 =	sld [smem:$0x7E9]  }
0x2b6: {  	[sflag:s7] =	ssyncset.done $0x0  }
0x2b7: {  	[sflag:s7] =	ssyncadd.s32 $0xFFFFE000  }
0x2b8: {  	[tilespmem:s4], [sflag:$0x2] =	stream.indirect.gather [hbm4b:s3+s8], $0x40, s17, s8, $0xb8;
	[tilespmem:$0x9900] =	vst v63  }
0x2b9: {  	_ =	swait.ge [sflag:s15], $0x2000  }
0x2ba: {  	[sflag:s15] =	ssyncset.done $0x0  }
0x2bb: {  	s17 =	rddreg [dreg:$0x11];
	[sflag:s15] =	ssyncadd.s32 $0xFFFFE000  }
0x2bc: {  	[hbm4b:s17+s2] =	stream.linear.scatter [tilespmem:s12], [sflag:$0x7], $0x2000, $0x38;
	[tilespmem:$0x9900] =	vst v63  }
0x2bd: {  	_ =	swait.ge [sflag:s13], $0x2000  }
0x2be: {  	s17 =	sld [smem:$0x7EA]  }
0x2bf: {  	[sflag:s13] =	ssyncset.done $0x0  }
0x2c0: {  	[sflag:s13] =	ssyncadd.s32 $0xFFFFE000  }
0x2c1: {  	[tilespmem:s12], [sflag:$0x3] =	stream.indirect.gather [hbm4b:s3+s8], $0x40, s17, s8, $0xb8;
	[tilespmem:$0x9900] =	vst v63  }
0x2c2: {  	_ =	swait.ge [sflag:s16], $0x2000  }
0x2c3: {  	[sflag:s16] =	ssyncset.done $0x0  }
0x2c4: {  	s17 =	rddreg [dreg:$0x12];
	[sflag:s16] =	ssyncadd.s32 $0xFFFFE000  }
0x2c5: {  	[hbm4b:s17+s2] =	stream.linear.scatter [tilespmem:s10], [sflag:$0x8], $0x2000, $0x38;
	[tilespmem:$0x9900] =	vst v63  }
0x2c6: {  	_ =	swait.ge [sflag:s14], $0x2000  }
0x2c7: {  	s17 =	sld [smem:$0x7EB]  }
0x2c8: {  	[sflag:s14] =	ssyncset.done $0x0  }
0x2c9: {  	[sflag:s14] =	ssyncadd.s32 $0xFFFFE000  }
0x2ca: {  	[tilespmem:s10], [sflag:$0x4] =	stream.indirect.gather [hbm4b:s3+s8], $0x40, s17, s8, $0xb8;
	[tilespmem:$0x9900] =	vst v63  }
0x2cb: {  	_ =	swait.ge [sflag:s9], $0x2000  }
0x2cc: {  	[sflag:s9] =	ssyncset.done $0x0  }
0x2cd: {  	s17 =	rddreg [dreg:$0x13];
	[sflag:s9] =	ssyncadd.s32 $0xFFFFE000  }
0x2ce: {  	[hbm4b:s17+s2] =	stream.linear.scatter [tilespmem:s5], [sflag:$0x5], $0x2000, $0x38;
	[tilespmem:$0x9900] =	vst v63  }
0x2cf: {  	_ =	swait.ge [sflag:s6], $0x2000  }
0x2d0: {  	s17 =	sld [smem:$0x7EC]  }
0x2d1: {  	[sflag:s6] =	ssyncset.done $0x0  }
0x2d2: {  	[sflag:s6] =	ssyncadd.s32 $0xFFFFE000  }
0x2d3: {  	[tilespmem:s5], [sflag:$0x1] =	stream.indirect.gather [hbm4b:s3+s8], $0x40, s17, s8, $0xb8;
	[tilespmem:$0x9900] =	vst v63  }
0x2d4: {  	_ =	swait.ge [sflag:s11], $0x2000  }
0x2d5: {  	[sflag:s11] =	ssyncset.done $0x0  }
0x2d6: {  	s17 =	rddreg [dreg:$0x14];
	[sflag:s11] =	ssyncadd.s32 $0xFFFFE000  }
0x2d7: {  	[hbm4b:s17+s2] =	stream.linear.scatter [tilespmem:s4], [sflag:$0x6], $0x2000, $0x38;
	[tilespmem:$0x9900] =	vst v63  }
0x2d8: {  	_ =	swait.ge [sflag:s7], $0x2000  }
0x2d9: {  	s17 =	sld [smem:$0x7ED]  }
0x2da: {  	[sflag:s7] =	ssyncset.done $0x0  }
0x2db: {  	[sflag:s7] =	ssyncadd.s32 $0xFFFFE000  }
0x2dc: {  	[tilespmem:s4], [sflag:$0x2] =	stream.indirect.gather [hbm4b:s3+s8], $0x40, s17, s8, $0xb8;
	[tilespmem:$0x9900] =	vst v63  }
0x2dd: {  	_ =	swait.ge [sflag:s15], $0x2000  }
0x2de: {  	[sflag:s15] =	ssyncset.done $0x0  }
0x2df: {  	s17 =	rddreg [dreg:$0x15];
	[sflag:s15] =	ssyncadd.s32 $0xFFFFE000  }
0x2e0: {  	[hbm4b:s17+s2] =	stream.linear.scatter [tilespmem:s12], [sflag:$0x7], $0x2000, $0x38;
	[tilespmem:$0x9900] =	vst v63  }
0x2e1: {  	_ =	swait.ge [sflag:s13], $0x2000  }
0x2e2: {  	s17 =	sld [smem:$0x7EE]  }
0x2e3: {  	[sflag:s13] =	ssyncset.done $0x0  }
0x2e4: {  	[sflag:s13] =	ssyncadd.s32 $0xFFFFE000  }
0x2e5: {  	[tilespmem:s12], [sflag:$0x3] =	stream.indirect.gather [hbm4b:s3+s8], $0x40, s17, s8, $0xb8;
	[tilespmem:$0x9900] =	vst v63  }
0x2e6: {  	_ =	swait.ge [sflag:s16], $0x2000  }
0x2e7: {  	[sflag:s16] =	ssyncset.done $0x0  }
0x2e8: {  	s17 =	rddreg [dreg:$0x16];
	[sflag:s16] =	ssyncadd.s32 $0xFFFFE000  }
0x2e9: {  	[hbm4b:s17+s2] =	stream.linear.scatter [tilespmem:s10], [sflag:$0x8], $0x2000, $0x38;
	[tilespmem:$0x9900] =	vst v63  }
0x2ea: {  	_ =	swait.ge [sflag:s14], $0x2000  }
0x2eb: {  	s17 =	sld [smem:$0x7EF]  }
0x2ec: {  	[sflag:s14] =	ssyncset.done $0x0  }
0x2ed: {  	[sflag:s14] =	ssyncadd.s32 $0xFFFFE000  }
0x2ee: {  	[tilespmem:s10], [sflag:$0x4] =	stream.indirect.gather [hbm4b:s3+s8], $0x40, s17, s8, $0xb8;
	[tilespmem:$0x9900] =	vst v63  }
0x2ef: {  	_ =	swait.ge [sflag:s9], $0x2000  }
0x2f0: {  	[sflag:s9] =	ssyncset.done $0x0  }
0x2f1: {  	s17 =	rddreg [dreg:$0x17];
	[sflag:s9] =	ssyncadd.s32 $0xFFFFE000  }
0x2f2: {  	[hbm4b:s17+s2] =	stream.linear.scatter [tilespmem:s5], [sflag:$0x5], $0x2000, $0x38;
	[tilespmem:$0x9900] =	vst v63  }
0x2f3: {  	_ =	swait.ge [sflag:s6], $0x2000  }
0x2f4: {  	s17 =	sld [smem:$0x7F0]  }
0x2f5: {  	[sflag:s6] =	ssyncset.done $0x0  }
0x2f6: {  	[sflag:s6] =	ssyncadd.s32 $0xFFFFE000  }
0x2f7: {  	[tilespmem:s5], [sflag:$0x1] =	stream.indirect.gather [hbm4b:s3+s8], $0x40, s17, s8, $0xb8;
	[tilespmem:$0x9900] =	vst v63  }
0x2f8: {  	_ =	swait.ge [sflag:s11], $0x2000  }
0x2f9: {  	[sflag:s11] =	ssyncset.done $0x0  }
0x2fa: {  	s17 =	rddreg [dreg:$0x18];
	[sflag:s11] =	ssyncadd.s32 $0xFFFFE000  }
0x2fb: {  	[hbm4b:s17+s2] =	stream.linear.scatter [tilespmem:s4], [sflag:$0x6], $0x2000, $0x38;
	[tilespmem:$0x9900] =	vst v63  }
0x2fc: {  	_ =	swait.ge [sflag:s7], $0x2000  }
0x2fd: {  	s17 =	sld [smem:$0x7F1]  }
0x2fe: {  	[sflag:s7] =	ssyncset.done $0x0  }
0x2ff: {  	[sflag:s7] =	ssyncadd.s32 $0xFFFFE000  }
0x300: {  	[tilespmem:s4], [sflag:$0x2] =	stream.indirect.gather [hbm4b:s3+s8], $0x40, s17, s8, $0xb8;
	[tilespmem:$0x9900] =	vst v63  }
0x301: {  	_ =	swait.ge [sflag:s15], $0x2000  }
0x302: {  	[sflag:s15] =	ssyncset.done $0x0  }
0x303: {  	s17 =	rddreg [dreg:$0x19];
	[sflag:s15] =	ssyncadd.s32 $0xFFFFE000  }
0x304: {  	[hbm4b:s17+s2] =	stream.linear.scatter [tilespmem:s12], [sflag:$0x7], $0x2000, $0x38;
	[tilespmem:$0x9900] =	vst v63  }
0x305: {  	_ =	swait.ge [sflag:s13], $0x2000  }
0x306: {  	s17 =	sld [smem:$0x7F2]  }
0x307: {  	[sflag:s13] =	ssyncset.done $0x0  }
0x308: {  	[sflag:s13] =	ssyncadd.s32 $0xFFFFE000  }
0x309: {  	[tilespmem:s12], [sflag:$0x3] =	stream.indirect.gather [hbm4b:s3+s8], $0x40, s17, s8, $0xb8;
	[tilespmem:$0x9900] =	vst v63  }
0x30a: {  	_ =	swait.ge [sflag:s16], $0x2000  }
0x30b: {  	[sflag:s16] =	ssyncset.done $0x0  }
0x30c: {  	s17 =	rddreg [dreg:$0x1a];
	[sflag:s16] =	ssyncadd.s32 $0xFFFFE000  }
0x30d: {  	[hbm4b:s17+s2] =	stream.linear.scatter [tilespmem:s10], [sflag:$0x8], $0x2000, $0x38;
	[tilespmem:$0x9900] =	vst v63  }
0x30e: {  	_ =	swait.ge [sflag:s14], $0x2000  }
0x30f: {  	s17 =	sld [smem:$0x7F3]  }
0x310: {  	[sflag:s14] =	ssyncset.done $0x0  }
0x311: {  	[sflag:s14] =	ssyncadd.s32 $0xFFFFE000  }
0x312: {  	[tilespmem:s10], [sflag:$0x4] =	stream.indirect.gather [hbm4b:s3+s8], $0x40, s17, s8, $0xb8;
	[tilespmem:$0x9900] =	vst v63  }
0x313: {  	_ =	swait.ge [sflag:s9], $0x2000  }
0x314: {  	[sflag:s9] =	ssyncset.done $0x0  }
0x315: {  	s17 =	rddreg [dreg:$0x1b];
	[sflag:s9] =	ssyncadd.s32 $0xFFFFE000  }
0x316: {  	[hbm4b:s17+s2] =	stream.linear.scatter [tilespmem:s5], [sflag:$0x5], $0x2000, $0x38;
	[tilespmem:$0x9900] =	vst v63  }
0x317: {  	_ =	swait.ge [sflag:s6], $0x2000  }
0x318: {  	s17 =	sld [smem:$0x7F4]  }
0x319: {  	[sflag:s6] =	ssyncset.done $0x0  }
0x31a: {  	[sflag:s6] =	ssyncadd.s32 $0xFFFFE000  }
0x31b: {  	[tilespmem:s5], [sflag:$0x1] =	stream.indirect.gather [hbm4b:s3+s8], $0x40, s17, s8, $0xb8;
	[tilespmem:$0x9900] =	vst v63  }
0x31c: {  	_ =	swait.ge [sflag:s11], $0x2000  }
0x31d: {  	[sflag:s11] =	ssyncset.done $0x0  }
0x31e: {  	s17 =	rddreg [dreg:$0x1c];
	[sflag:s11] =	ssyncadd.s32 $0xFFFFE000  }
0x31f: {  	[hbm4b:s17+s2] =	stream.linear.scatter [tilespmem:s4], [sflag:$0x6], $0x2000, $0x38;
	[tilespmem:$0x9900] =	vst v63  }
0x320: {  	_ =	swait.ge [sflag:s7], $0x2000  }
0x321: {  	s17 =	sld [smem:$0x7F5]  }
0x322: {  	[sflag:s7] =	ssyncset.done $0x0  }
0x323: {  	[sflag:s7] =	ssyncadd.s32 $0xFFFFE000  }
0x324: {  	[tilespmem:s4], [sflag:$0x2] =	stream.indirect.gather [hbm4b:s3+s8], $0x40, s17, s8, $0xb8;
	[tilespmem:$0x9900] =	vst v63  }
0x325: {  	_ =	swait.ge [sflag:s15], $0x2000  }
0x326: {  	[sflag:s15] =	ssyncset.done $0x0  }
0x327: {  	s17 =	rddreg [dreg:$0x1d];
	[sflag:s15] =	ssyncadd.s32 $0xFFFFE000  }
0x328: {  	[hbm4b:s17+s2] =	stream.linear.scatter [tilespmem:s12], [sflag:$0x7], $0x2000, $0x38;
	[tilespmem:$0x9900] =	vst v63  }
0x329: {  	_ =	swait.ge [sflag:s13], $0x2000  }
0x32a: {  	s17 =	sld [smem:$0x7F6]  }
0x32b: {  	[sflag:s13] =	ssyncset.done $0x0  }
0x32c: {  	[sflag:s13] =	ssyncadd.s32 $0xFFFFE000  }
0x32d: {  	[tilespmem:s12], [sflag:$0x3] =	stream.indirect.gather [hbm4b:s3+s8], $0x40, s17, s8, $0xb8;
	[tilespmem:$0x9900] =	vst v63  }
0x32e: {  	_ =	swait.ge [sflag:s16], $0x2000  }
0x32f: {  	[sflag:s16] =	ssyncset.done $0x0  }
0x330: {  	s17 =	rddreg [dreg:$0x1e];
	[sflag:s16] =	ssyncadd.s32 $0xFFFFE000  }
0x331: {  	[hbm4b:s17+s2] =	stream.linear.scatter [tilespmem:s10], [sflag:$0x8], $0x2000, $0x38;
	[tilespmem:$0x9900] =	vst v63  }
0x332: {  	_ =	swait.ge [sflag:s14], $0x2000  }
0x333: {  	s17 =	sld [smem:$0x7F7]  }
0x334: {  	[sflag:s14] =	ssyncset.done $0x0  }
0x335: {  	[sflag:s14] =	ssyncadd.s32 $0xFFFFE000  }
0x336: {  	[tilespmem:s10], [sflag:$0x4] =	stream.indirect.gather [hbm4b:s3+s8], $0x40, s17, s8, $0xb8;
	[tilespmem:$0x9900] =	vst v63  }
0x337: {  	_ =	swait.ge [sflag:s9], $0x2000  }
0x338: {  	[sflag:s9] =	ssyncset.done $0x0  }
0x339: {  	s17 =	rddreg [dreg:$0x1f];
	[sflag:s9] =	ssyncadd.s32 $0xFFFFE000  }
0x33a: {  	[hbm4b:s17+s2] =	stream.linear.scatter [tilespmem:s5], [sflag:$0x5], $0x2000, $0x38;
	[tilespmem:$0x9900] =	vst v63  }
0x33b: {  	_ =	swait.ge [sflag:s6], $0x2000  }
0x33c: {  	[sflag:s6] =	ssyncset.done $0x0  }
0x33d: {  	[sflag:s6] =	ssyncadd.s32 $0xFFFFE000  }
0x33e: {  	[tilespmem:s5], [sflag:$0x1] =	stream.indirect.gather [hbm4b:s3+s8], $0x40, s29, s8, $0xb8;
	[tilespmem:$0x9900] =	vst v63  }
0x33f: {  	_ =	swait.ge [sflag:s11], $0x2000  }
0x340: {  	s17 =	sld [smem:$0x7C5]  }
0x341: {  	[sflag:s11] =	ssyncset.done $0x0  }
0x342: {  	[sflag:s11] =	ssyncadd.s32 $0xFFFFE000  }
0x343: {  	[hbm4b:s17+s2] =	stream.linear.scatter [tilespmem:s4], [sflag:$0x6], $0x2000, $0x38;
	[tilespmem:$0x9900] =	vst v63  }
0x344: {  	_ =	swait.ge [sflag:s7], $0x2000  }
0x345: {  	s17 =	sld [smem:$0x7F8]  }
0x346: {  	[sflag:s7] =	ssyncset.done $0x0  }
0x347: {  	[sflag:s7] =	ssyncadd.s32 $0xFFFFE000  }
0x348: {  	[tilespmem:s4], [sflag:$0x2] =	stream.indirect.gather [hbm4b:s3+s8], $0x40, s17, s8, $0xb8;
	[tilespmem:$0x9900] =	vst v63  }
0x349: {  	_ =	swait.ge [sflag:s15], $0x2000  }
0x34a: {  	s17 =	sld [smem:$0x7C6]  }
0x34b: {  	[sflag:s15] =	ssyncset.done $0x0  }
0x34c: {  	[sflag:s15] =	ssyncadd.s32 $0xFFFFE000  }
0x34d: {  	[hbm4b:s17+s2] =	stream.linear.scatter [tilespmem:s12], [sflag:$0x7], $0x2000, $0x38;
	[tilespmem:$0x9900] =	vst v63  }
0x34e: {  	_ =	swait.ge [sflag:s13], $0x2000  }
0x34f: {  	s17 =	sld [smem:$0x7F9]  }
0x350: {  	[sflag:s13] =	ssyncset.done $0x0  }
0x351: {  	[sflag:s13] =	ssyncadd.s32 $0xFFFFE000  }
0x352: {  	[tilespmem:s12], [sflag:$0x3] =	stream.indirect.gather [hbm4b:s3+s8], $0x40, s17, s8, $0xb8;
	[tilespmem:$0x9900] =	vst v63  }
0x353: {  	_ =	swait.ge [sflag:s16], $0x2000  }
0x354: {  	s17 =	sld [smem:$0x7C7]  }
0x355: {  	[sflag:s16] =	ssyncset.done $0x0  }
0x356: {  	[sflag:s16] =	ssyncadd.s32 $0xFFFFE000  }
0x357: {  	[hbm4b:s17+s2] =	stream.linear.scatter [tilespmem:s10], [sflag:$0x8], $0x2000, $0x38;
	[tilespmem:$0x9900] =	vst v63  }
0x358: {  	_ =	swait.ge [sflag:s14], $0x2000  }
0x359: {  	s17 =	sld [smem:$0x7FA]  }
0x35a: {  	[sflag:s14] =	ssyncset.done $0x0  }
0x35b: {  	[sflag:s14] =	ssyncadd.s32 $0xFFFFE000  }
0x35c: {  	[tilespmem:s10], [sflag:$0x4] =	stream.indirect.gather [hbm4b:s3+s8], $0x40, s17, s8, $0xb8;
	[tilespmem:$0x9900] =	vst v63  }
0x35d: {  	_ =	swait.ge [sflag:s9], $0x2000  }
0x35e: {  	s17 =	sld [smem:$0x7C8]  }
0x35f: {  	[sflag:s9] =	ssyncset.done $0x0  }
0x360: {  	[sflag:s9] =	ssyncadd.s32 $0xFFFFE000  }
0x361: {  	[hbm4b:s17+s2] =	stream.linear.scatter [tilespmem:s5], [sflag:$0x5], $0x2000, $0x38;
	[tilespmem:$0x9900] =	vst v63  }
0x362: {  	_ =	swait.ge [sflag:s6], $0x2000  }
0x363: {  	s17 =	sld [smem:$0x7FB]  }
0x364: {  	[sflag:s6] =	ssyncset.done $0x0  }
0x365: {  	[sflag:s6] =	ssyncadd.s32 $0xFFFFE000  }
0x366: {  	[tilespmem:s5], [sflag:$0x1] =	stream.indirect.gather [hbm4b:s3+s8], $0x40, s17, s8, $0xb8;
	[tilespmem:$0x9900] =	vst v63  }
0x367: {  	_ =	swait.ge [sflag:s11], $0x2000  }
0x368: {  	s17 =	sld [smem:$0x7C9]  }
0x369: {  	[sflag:s11] =	ssyncset.done $0x0  }
0x36a: {  	[sflag:s11] =	ssyncadd.s32 $0xFFFFE000  }
0x36b: {  	[hbm4b:s17+s2] =	stream.linear.scatter [tilespmem:s4], [sflag:$0x6], $0x2000, $0x38;
	[tilespmem:$0x9900] =	vst v63  }
0x36c: {  	_ =	swait.ge [sflag:s7], $0x2000  }
0x36d: {  	s17 =	sld [smem:$0x7FC]  }
0x36e: {  	[sflag:s7] =	ssyncset.done $0x0  }
0x36f: {  	[sflag:s7] =	ssyncadd.s32 $0xFFFFE000  }
0x370: {  	[tilespmem:s4], [sflag:$0x2] =	stream.indirect.gather [hbm4b:s3+s8], $0x40, s17, s8, $0xb8;
	[tilespmem:$0x9900] =	vst v63  }
0x371: {  	_ =	swait.ge [sflag:s15], $0x2000  }
0x372: {  	s17 =	sld [smem:$0x7CA]  }
0x373: {  	[sflag:s15] =	ssyncset.done $0x0  }
0x374: {  	[sflag:s15] =	ssyncadd.s32 $0xFFFFE000  }
0x375: {  	[hbm4b:s17+s2] =	stream.linear.scatter [tilespmem:s12], [sflag:$0x7], $0x2000, $0x38;
	[tilespmem:$0x9900] =	vst v63  }
0x376: {  	_ =	swait.ge [sflag:s13], $0x2000  }
0x377: {  	s17 =	sld [smem:$0x7FD]  }
0x378: {  	[sflag:s13] =	ssyncset.done $0x0  }
0x379: {  	[sflag:s13] =	ssyncadd.s32 $0xFFFFE000  }
0x37a: {  	[tilespmem:s12], [sflag:$0x3] =	stream.indirect.gather [hbm4b:s3+s8], $0x40, s17, s8, $0xb8;
	[tilespmem:$0x9900] =	vst v63  }
0x37b: {  	_ =	swait.ge [sflag:s16], $0x2000  }
0x37c: {  	s17 =	sld [smem:$0x7CB]  }
0x37d: {  	[sflag:s16] =	ssyncset.done $0x0  }
0x37e: {  	[sflag:s16] =	ssyncadd.s32 $0xFFFFE000  }
0x37f: {  	[hbm4b:s17+s2] =	stream.linear.scatter [tilespmem:s10], [sflag:$0x8], $0x2000, $0x38;
	[tilespmem:$0x9900] =	vst v63  }
0x380: {  	_ =	swait.ge [sflag:s14], $0x2000  }
0x381: {  	[sflag:s14] =	ssyncset.done $0x0  }
0x382: {  	s17 =	simm.s32 $0x1380;
	[sflag:s14] =	ssyncadd.s32 $0xFFFFE000  }
0x383: {  	[tilespmem:s10], [sflag:$0x4] =	stream.indirect.gather [hbm4b:s3+s8], $0x40, s17, s8, $0xb8;
	[tilespmem:$0x9900] =	vst v63  }
0x384: {  	_ =	swait.ge [sflag:s9], $0x2000  }
0x385: {  	s17 =	sld [smem:$0x7CC]  }
0x386: {  	[sflag:s9] =	ssyncset.done $0x0  }
0x387: {  	[sflag:s9] =	ssyncadd.s32 $0xFFFFE000  }
0x388: {  	[hbm4b:s17+s2] =	stream.linear.scatter [tilespmem:s5], [sflag:$0x5], $0x2000, $0x38;
	[tilespmem:$0x9900] =	vst v63  }
0x389: {  	_ =	swait.ge [sflag:s6], $0x2000  }
0x38a: {  	[sflag:s6] =	ssyncset.done $0x0  }
0x38b: {  	[sflag:s6] =	ssyncadd.s32 $0xFFFFE000  }
0x38c: {  	[tilespmem:s5], [sflag:$0x1] =	stream.indirect.gather [hbm4b:s3+s8], $0x40, s28, s8, $0xb8;
	[tilespmem:$0x9900] =	vst v63  }
0x38d: {  	_ =	swait.ge [sflag:s11], $0x2000  }
0x38e: {  	s17 =	sld [smem:$0x7CD]  }
0x38f: {  	[sflag:s11] =	ssyncset.done $0x0  }
0x390: {  	[sflag:s11] =	ssyncadd.s32 $0xFFFFE000  }
0x391: {  	[hbm4b:s17+s2] =	stream.linear.scatter [tilespmem:s4], [sflag:$0x6], $0x2000, $0x38;
	[tilespmem:$0x9900] =	vst v63  }
0x392: {  	_ =	swait.ge [sflag:s7], $0x2000  }
0x393: {  	[sflag:s7] =	ssyncset.done $0x0  }
0x394: {  	[sflag:s7] =	ssyncadd.s32 $0xFFFFE000  }
0x395: {  	[tilespmem:s4], [sflag:$0x2] =	stream.indirect.gather [hbm4b:s3+s8], $0x40, s26, s8, $0xb8;
	[tilespmem:$0x9900] =	vst v63  }
0x396: {  	_ =	swait.ge [sflag:s15], $0x2000  }
0x397: {  	s17 =	sld [smem:$0x7CE]  }
0x398: {  	[sflag:s15] =	ssyncset.done $0x0  }
0x399: {  	[sflag:s15] =	ssyncadd.s32 $0xFFFFE000  }
0x39a: {  	[hbm4b:s17+s2] =	stream.linear.scatter [tilespmem:s12], [sflag:$0x7], $0x2000, $0x38;
	[tilespmem:$0x9900] =	vst v63  }
0x39b: {  	_ =	swait.ge [sflag:s13], $0x2000  }
0x39c: {  	[sflag:s13] =	ssyncset.done $0x0  }
0x39d: {  	[sflag:s13] =	ssyncadd.s32 $0xFFFFE000  }
0x39e: {  	[tilespmem:s12], [sflag:$0x3] =	stream.indirect.gather [hbm4b:s3+s8], $0x40, s25, s8, $0xb8;
	[tilespmem:$0x9900] =	vst v63  }
0x39f: {  	_ =	swait.ge [sflag:s16], $0x2000  }
0x3a0: {  	s17 =	sld [smem:$0x7CF]  }
0x3a1: {  	[sflag:s16] =	ssyncset.done $0x0  }
0x3a2: {  	[sflag:s16] =	ssyncadd.s32 $0xFFFFE000  }
0x3a3: {  	[hbm4b:s17+s2] =	stream.linear.scatter [tilespmem:s10], [sflag:$0x8], $0x2000, $0x38;
	[tilespmem:$0x9900] =	vst v63  }
0x3a4: {  	_ =	swait.ge [sflag:s14], $0x2000  }
0x3a5: {  	[sflag:s14] =	ssyncset.done $0x0  }
0x3a6: {  	[sflag:s14] =	ssyncadd.s32 $0xFFFFE000  }
0x3a7: {  	[tilespmem:s10], [sflag:$0x4] =	stream.indirect.gather [hbm4b:s3+s8], $0x40, s24, s8, $0xb8;
	[tilespmem:$0x9900] =	vst v63  }
0x3a8: {  	_ =	swait.ge [sflag:s9], $0x2000  }
0x3a9: {  	s17 =	sld [smem:$0x7D0]  }
0x3aa: {  	[sflag:s9] =	ssyncset.done $0x0  }
0x3ab: {  	[sflag:s9] =	ssyncadd.s32 $0xFFFFE000  }
0x3ac: {  	[hbm4b:s17+s2] =	stream.linear.scatter [tilespmem:s5], [sflag:$0x5], $0x2000, $0x38;
	[tilespmem:$0x9900] =	vst v63  }
0x3ad: {  	_ =	swait.ge [sflag:s6], $0x2000  }
0x3ae: {  	[sflag:s6] =	ssyncset.done $0x0  }
0x3af: {  	[sflag:s6] =	ssyncadd.s32 $0xFFFFE000  }
0x3b0: {  	[tilespmem:s5], [sflag:$0x1] =	stream.indirect.gather [hbm4b:s3+s8], $0x40, s23, s8, $0xb8;
	[tilespmem:$0x9900] =	vst v63  }
0x3b1: {  	_ =	swait.ge [sflag:s11], $0x2000  }
0x3b2: {  	s17 =	sld [smem:$0x7D1]  }
0x3b3: {  	[sflag:s11] =	ssyncset.done $0x0  }
0x3b4: {  	[sflag:s11] =	ssyncadd.s32 $0xFFFFE000  }
0x3b5: {  	[hbm4b:s17+s2] =	stream.linear.scatter [tilespmem:s4], [sflag:$0x6], $0x2000, $0x38;
	[tilespmem:$0x9900] =	vst v63  }
0x3b6: {  	_ =	swait.ge [sflag:s7], $0x2000  }
0x3b7: {  	[sflag:s7] =	ssyncset.done $0x0  }
0x3b8: {  	[sflag:s7] =	ssyncadd.s32 $0xFFFFE000  }
0x3b9: {  	[tilespmem:s4], [sflag:$0x2] =	stream.indirect.gather [hbm4b:s3+s8], $0x40, s22, s8, $0xb8;
	[tilespmem:$0x9900] =	vst v63  }
0x3ba: {  	_ =	swait.ge [sflag:s15], $0x2000  }
0x3bb: {  	s17 =	sld [smem:$0x7D2]  }
0x3bc: {  	[sflag:s15] =	ssyncset.done $0x0  }
0x3bd: {  	[sflag:s15] =	ssyncadd.s32 $0xFFFFE000  }
0x3be: {  	[hbm4b:s17+s2] =	stream.linear.scatter [tilespmem:s12], [sflag:$0x7], $0x2000, $0x38;
	[tilespmem:$0x9900] =	vst v63  }
0x3bf: {  	_ =	swait.ge [sflag:s13], $0x2000  }
0x3c0: {  	[sflag:s13] =	ssyncset.done $0x0  }
0x3c1: {  	[sflag:s13] =	ssyncadd.s32 $0xFFFFE000  }
0x3c2: {  	[tilespmem:s12], [sflag:$0x3] =	stream.indirect.gather [hbm4b:s3+s8], $0x40, s21, s8, $0xb8;
	[tilespmem:$0x9900] =	vst v63  }
0x3c3: {  	_ =	swait.ge [sflag:s16], $0x2000  }
0x3c4: {  	s17 =	sld [smem:$0x7D3]  }
0x3c5: {  	[sflag:s16] =	ssyncset.done $0x0  }
0x3c6: {  	[sflag:s16] =	ssyncadd.s32 $0xFFFFE000  }
0x3c7: {  	[hbm4b:s17+s2] =	stream.linear.scatter [tilespmem:s10], [sflag:$0x8], $0x2000, $0x38;
	[tilespmem:$0x9900] =	vst v63  }
0x3c8: {  	_ =	swait.ge [sflag:s14], $0x2000  }
0x3c9: {  	[sflag:s14] =	ssyncset.done $0x0  }
0x3ca: {  	[sflag:s14] =	ssyncadd.s32 $0xFFFFE000  }
0x3cb: {  	[tilespmem:s10], [sflag:$0x4] =	stream.indirect.gather [hbm4b:s3+s8], $0x40, s20, s8, $0xb8;
	[tilespmem:$0x9900] =	vst v63  }
0x3cc: {  	_ =	swait.ge [sflag:s9], $0x2000  }
0x3cd: {  	s17 =	sld [smem:$0x7D4]  }
0x3ce: {  	[sflag:s9] =	ssyncset.done $0x0  }
0x3cf: {  	[sflag:s9] =	ssyncadd.s32 $0xFFFFE000  }
0x3d0: {  	[hbm4b:s17+s2] =	stream.linear.scatter [tilespmem:s5], [sflag:$0x5], $0x2000, $0x38;
	[tilespmem:$0x9900] =	vst v63  }
0x3d1: {  	_ =	swait.ge [sflag:s6], $0x2000  }
0x3d2: {  	[sflag:s6] =	ssyncset.done $0x0  }
0x3d3: {  	[sflag:s6] =	ssyncadd.s32 $0xFFFFE000  }
0x3d4: {  	[tilespmem:s5], [sflag:$0x1] =	stream.indirect.gather [hbm4b:s3+s8], $0x40, s19, s8, $0xb8;
	[tilespmem:$0x9900] =	vst v63  }
0x3d5: {  	_ =	swait.ge [sflag:s11], $0x2000  }
0x3d6: {  	s17 =	sld [smem:$0x7D5]  }
0x3d7: {  	[sflag:s11] =	ssyncset.done $0x0  }
0x3d8: {  	[sflag:s11] =	ssyncadd.s32 $0xFFFFE000  }
0x3d9: {  	[hbm4b:s17+s2] =	stream.linear.scatter [tilespmem:s4], [sflag:$0x6], $0x2000, $0x38;
	[tilespmem:$0x9900] =	vst v63  }
0x3da: {  	_ =	swait.ge [sflag:s7], $0x2000  }
0x3db: {  	[sflag:s7] =	ssyncset.done $0x0  }
0x3dc: {  	[sflag:s7] =	ssyncadd.s32 $0xFFFFE000  }
0x3dd: {  	[tilespmem:s4], [sflag:$0x2] =	stream.indirect.gather [hbm4b:s3+s8], $0x40, s18, s8, $0xb8;
	[tilespmem:$0x9900] =	vst v63  }
0x3de: {  	_ =	swait.ge [sflag:s15], $0x2000  }
0x3df: {  	s17 =	sld [smem:$0x7D6]  }
0x3e0: {  	[sflag:s15] =	ssyncset.done $0x0  }
0x3e1: {  	[sflag:s15] =	ssyncadd.s32 $0xFFFFE000  }
0x3e2: {  	[hbm4b:s17+s2] =	stream.linear.scatter [tilespmem:s12], [sflag:$0x7], $0x2000, $0x38;
	[tilespmem:$0x9900] =	vst v63  }
0x3e3: {  	_ =	swait.ge [sflag:s16], $0x2000  }
0x3e4: {  	s17 =	sld [smem:$0x7D7]  }
0x3e5: {  	[sflag:s16] =	ssyncset.done $0x0  }
0x3e6: {  	[sflag:s16] =	ssyncadd.s32 $0xFFFFE000  }
0x3e7: {  	[hbm4b:s17+s2] =	stream.linear.scatter [tilespmem:s10], [sflag:$0x8], $0x2000, $0x38;
	[tilespmem:$0x9900] =	vst v63  }
0x3e8: {  	_ =	swait.ge [sflag:s9], $0x2000  }
0x3e9: {  	s17 =	sld [smem:$0x7D8]  }
0x3ea: {  	[sflag:s9] =	ssyncset.done $0x0  }
0x3eb: {  	[sflag:s9] =	ssyncadd.s32 $0xFFFFE000  }
0x3ec: {  	[hbm4b:s17+s2] =	stream.linear.scatter [tilespmem:s5], [sflag:$0x5], $0x2000, $0x38;
	[tilespmem:$0x9900] =	vst v63  }
0x3ed: {  	_ =	swait.ge [sflag:s11], $0x2000  }
0x3ee: {  	s17 =	sld [smem:$0x7D9]  }
0x3ef: {  	[sflag:s11] =	ssyncset.done $0x0  }
0x3f0: {  	[sflag:s11] =	ssyncadd.s32 $0xFFFFE000  }
0x3f1: {  	[hbm4b:s17+s2] =	stream.linear.scatter [tilespmem:s4], [sflag:$0x6], $0x2000, $0x38;
	[tilespmem:$0x9900] =	vst v63  }
0x3f2: {  	_ =	swait.ge [sflag:s13], $0x2000  }
0x3f3: {  	[sflag:s13] =	ssyncset.done $0x0  }
0x3f4: {  	[sflag:s13] =	ssyncadd.s32 $0xFFFFE000  }
0x3f5: {  	_ =	swait.ge [sflag:s14], $0x2000  }
0x3f6: {  	[sflag:s14] =	ssyncset.done $0x0  }
0x3f7: {  	p1 =	sne.s32 s1, $0x1;
	[sflag:s14] =	ssyncadd.s32 $0xFFFFE000  }
.Ltmp2:
0x3f8: {  	_ =	swait.ge [sflag:s6], $0x2000;
	(pc) =	sbr.rel @p1 .LBB2_4-.Ltmp2, $4  }
0x3f9: {  	[sflag:s6] =	ssyncset.done $0x0  }
0x3fa: {  	[sflag:s6] =	ssyncadd.s32 $0xFFFFE000  }
0x3fb: {  	_ =	swait.ge [sflag:s7], $0x2000  }
0x3fc: {  	s1 =	sadd.s32 $0xFFFFFFFF, s1;
	s0 =	rddreg [dreg:$0x3];
	[sflag:s7] =	ssyncset.done $0x0  }
0x3fd: {  	s18 =	simm.s32 $0x1380;
	s28 =	simm.s32 $0x1400  }
0x3fe: {  	s26 =	simm.s32 $0x1480;
	s25 =	simm.s32 $0x1500;
	s24 =	simm.s32 $0x1580  }
0x3ff: {  	s23 =	simm.s32 $0x1600;
	s22 =	simm.s32 $0x1680;
	s21 =	simm.s32 $0x1700  }
0x400: {  	s20 =	simm.s32 $0x1780;
	s19 =	simm.s32 $0x1800;
	s17 =	stileid.u32  }
.LBB2_6:
0x401: {  	[sflag:s7] =	ssyncadd.s32 @p0 $0xFFFFE000  }
0x402: {  	[tilespmem:s2], [sflag:$0x9] =	stream.strided.gather [hbm4b:s0+s8], $0x1900, s29, s8, $0x38;
	[tilespmem:$0x9900] =	vst v63  }
0x403: {  	_ =	swait.ge [sflag:s31], $0x1900  }
0x404: {  	[sflag:s31] =	ssyncset.done $0x0  }
0x405: {  	[sflag:s31] =	ssyncadd.s32 $0xFFFFE700  }
0x406: {  	[tilespmem:s5], [sflag:$0x1] =	stream.indirect.gather [hbm4b:s3+s8], $0x40, s2, s8, $0xb8;
	[tilespmem:$0x9900] =	vst v63  }
0x407: {  	s31 =	sld [smem:$0x7DA]  }
0x408: {  	[tilespmem:s4], [sflag:$0x2] =	stream.indirect.gather [hbm4b:s3+s8], $0x40, s8, s8, $0xb8;
	[tilespmem:$0x9900] =	vst v63  }
0x409: {  	s1 =	sld [smem:$0x7DB]  }
0x40a: {  	[tilespmem:s12], [sflag:$0x3] =	stream.indirect.gather [hbm4b:s3+s8], $0x40, s31, s8, $0xb8;
	[tilespmem:$0x9900] =	vst v63  }
0x40b: {  	_ = 	snop  }
0x40c: {  	[tilespmem:s10], [sflag:$0x4] =	stream.indirect.gather [hbm4b:s3+s8], $0x40, s1, s8, $0xb8;
	[tilespmem:$0x9900] =	vst v63  }
0x40d: {  	_ =	swait.ge [sflag:s9], $0x2000  }
0x40e: {  	[sflag:s9] =	ssyncset.done $0x0  }
0x40f: {  	[sflag:s9] =	ssyncadd.s32 $0xFFFFE000  }
0x410: {  	[hbm4b:s30+s2] =	stream.linear.scatter [tilespmem:s5], [sflag:$0x5], $0x2000, $0x38;
	[tilespmem:$0x9900] =	vst v63  }
0x411: {  	_ =	swait.ge [sflag:s6], $0x2000  }
0x412: {  	s30 =	sld [smem:$0x7DC]  }
0x413: {  	[sflag:s6] =	ssyncset.done $0x0  }
0x414: {  	[sflag:s6] =	ssyncadd.s32 $0xFFFFE000  }
0x415: {  	[tilespmem:s5], [sflag:$0x1] =	stream.indirect.gather [hbm4b:s3+s8], $0x40, s30, s8, $0xb8;
	[tilespmem:$0x9900] =	vst v63  }
0x416: {  	_ =	swait.ge [sflag:s11], $0x2000  }
0x417: {  	[sflag:s11] =	ssyncset.done $0x0  }
0x418: {  	s31 =	rddreg [dreg:$0x4];
	[sflag:s11] =	ssyncadd.s32 $0xFFFFE000  }
0x419: {  	[hbm4b:s31+s2] =	stream.linear.scatter [tilespmem:s4], [sflag:$0x6], $0x2000, $0x38;
	[tilespmem:$0x9900] =	vst v63  }
0x41a: {  	_ =	swait.ge [sflag:s7], $0x2000  }
0x41b: {  	s1 =	sld [smem:$0x7DD]  }
0x41c: {  	[sflag:s7] =	ssyncset.done $0x0  }
0x41d: {  	[sflag:s7] =	ssyncadd.s32 $0xFFFFE000  }
0x41e: {  	[tilespmem:s4], [sflag:$0x2] =	stream.indirect.gather [hbm4b:s3+s8], $0x40, s1, s8, $0xb8;
	[tilespmem:$0x9900] =	vst v63  }
0x41f: {  	_ =	swait.ge [sflag:s15], $0x2000  }
0x420: {  	[sflag:s15] =	ssyncset.done $0x0  }
0x421: {  	s30 =	rddreg [dreg:$0x5];
	[sflag:s15] =	ssyncadd.s32 $0xFFFFE000  }
0x422: {  	[hbm4b:s30+s2] =	stream.linear.scatter [tilespmem:s12], [sflag:$0x7], $0x2000, $0x38;
	[tilespmem:$0x9900] =	vst v63  }
0x423: {  	_ =	swait.ge [sflag:s13], $0x2000  }
0x424: {  	s31 =	sld [smem:$0x7DE]  }
0x425: {  	[sflag:s13] =	ssyncset.done $0x0  }
0x426: {  	[sflag:s13] =	ssyncadd.s32 $0xFFFFE000  }
0x427: {  	[tilespmem:s12], [sflag:$0x3] =	stream.indirect.gather [hbm4b:s3+s8], $0x40, s31, s8, $0xb8;
	[tilespmem:$0x9900] =	vst v63  }
0x428: {  	_ =	swait.ge [sflag:s16], $0x2000  }
0x429: {  	[sflag:s16] =	ssyncset.done $0x0  }
0x42a: {  	s1 =	rddreg [dreg:$0x6];
	[sflag:s16] =	ssyncadd.s32 $0xFFFFE000  }
0x42b: {  	[hbm4b:s1+s2] =	stream.linear.scatter [tilespmem:s10], [sflag:$0x8], $0x2000, $0x38;
	[tilespmem:$0x9900] =	vst v63  }
0x42c: {  	_ =	swait.ge [sflag:s14], $0x2000  }
0x42d: {  	s30 =	sld [smem:$0x7DF]  }
0x42e: {  	[sflag:s14] =	ssyncset.done $0x0  }
0x42f: {  	[sflag:s14] =	ssyncadd.s32 $0xFFFFE000  }
0x430: {  	[tilespmem:s10], [sflag:$0x4] =	stream.indirect.gather [hbm4b:s3+s8], $0x40, s30, s8, $0xb8;
	[tilespmem:$0x9900] =	vst v63  }
0x431: {  	_ =	swait.ge [sflag:s9], $0x2000  }
0x432: {  	[sflag:s9] =	ssyncset.done $0x0  }
0x433: {  	s31 =	rddreg [dreg:$0x7];
	[sflag:s9] =	ssyncadd.s32 $0xFFFFE000  }
0x434: {  	[hbm4b:s31+s2] =	stream.linear.scatter [tilespmem:s5], [sflag:$0x5], $0x2000, $0x38;
	[tilespmem:$0x9900] =	vst v63  }
0x435: {  	_ =	swait.ge [sflag:s6], $0x2000  }
0x436: {  	s1 =	sld [smem:$0x7E0]  }
0x437: {  	[sflag:s6] =	ssyncset.done $0x0  }
0x438: {  	[sflag:s6] =	ssyncadd.s32 $0xFFFFE000  }
0x439: {  	[tilespmem:s5], [sflag:$0x1] =	stream.indirect.gather [hbm4b:s3+s8], $0x40, s1, s8, $0xb8;
	[tilespmem:$0x9900] =	vst v63  }
0x43a: {  	_ =	swait.ge [sflag:s11], $0x2000  }
0x43b: {  	[sflag:s11] =	ssyncset.done $0x0  }
0x43c: {  	s30 =	rddreg [dreg:$0x8];
	[sflag:s11] =	ssyncadd.s32 $0xFFFFE000  }
0x43d: {  	[hbm4b:s30+s2] =	stream.linear.scatter [tilespmem:s4], [sflag:$0x6], $0x2000, $0x38;
	[tilespmem:$0x9900] =	vst v63  }
0x43e: {  	_ =	swait.ge [sflag:s7], $0x2000  }
0x43f: {  	s31 =	sld [smem:$0x7E1]  }
0x440: {  	[sflag:s7] =	ssyncset.done $0x0  }
0x441: {  	[sflag:s7] =	ssyncadd.s32 $0xFFFFE000  }
0x442: {  	[tilespmem:s4], [sflag:$0x2] =	stream.indirect.gather [hbm4b:s3+s8], $0x40, s31, s8, $0xb8;
	[tilespmem:$0x9900] =	vst v63  }
0x443: {  	_ =	swait.ge [sflag:s15], $0x2000  }
0x444: {  	[sflag:s15] =	ssyncset.done $0x0  }
0x445: {  	s1 =	rddreg [dreg:$0x9];
	[sflag:s15] =	ssyncadd.s32 $0xFFFFE000  }
0x446: {  	[hbm4b:s1+s2] =	stream.linear.scatter [tilespmem:s12], [sflag:$0x7], $0x2000, $0x38;
	[tilespmem:$0x9900] =	vst v63  }
0x447: {  	_ =	swait.ge [sflag:s13], $0x2000  }
0x448: {  	s30 =	sld [smem:$0x7E2]  }
0x449: {  	[sflag:s13] =	ssyncset.done $0x0  }
0x44a: {  	[sflag:s13] =	ssyncadd.s32 $0xFFFFE000  }
0x44b: {  	[tilespmem:s12], [sflag:$0x3] =	stream.indirect.gather [hbm4b:s3+s8], $0x40, s30, s8, $0xb8;
	[tilespmem:$0x9900] =	vst v63  }
0x44c: {  	_ =	swait.ge [sflag:s16], $0x2000  }
0x44d: {  	[sflag:s16] =	ssyncset.done $0x0  }
0x44e: {  	s31 =	rddreg [dreg:$0xa];
	[sflag:s16] =	ssyncadd.s32 $0xFFFFE000  }
0x44f: {  	[hbm4b:s31+s2] =	stream.linear.scatter [tilespmem:s10], [sflag:$0x8], $0x2000, $0x38;
	[tilespmem:$0x9900] =	vst v63  }
0x450: {  	_ =	swait.ge [sflag:s14], $0x2000  }
0x451: {  	s1 =	sld [smem:$0x7E3]  }
0x452: {  	[sflag:s14] =	ssyncset.done $0x0  }
0x453: {  	[sflag:s14] =	ssyncadd.s32 $0xFFFFE000  }
0x454: {  	[tilespmem:s10], [sflag:$0x4] =	stream.indirect.gather [hbm4b:s3+s8], $0x40, s1, s8, $0xb8;
	[tilespmem:$0x9900] =	vst v63  }
0x455: {  	_ =	swait.ge [sflag:s9], $0x2000  }
0x456: {  	[sflag:s9] =	ssyncset.done $0x0  }
0x457: {  	s30 =	rddreg [dreg:$0xb];
	[sflag:s9] =	ssyncadd.s32 $0xFFFFE000  }
0x458: {  	[hbm4b:s30+s2] =	stream.linear.scatter [tilespmem:s5], [sflag:$0x5], $0x2000, $0x38;
	[tilespmem:$0x9900] =	vst v63  }
0x459: {  	_ =	swait.ge [sflag:s6], $0x2000  }
0x45a: {  	s31 =	sld [smem:$0x7E4]  }
0x45b: {  	[sflag:s6] =	ssyncset.done $0x0  }
0x45c: {  	[sflag:s6] =	ssyncadd.s32 $0xFFFFE000  }
0x45d: {  	[tilespmem:s5], [sflag:$0x1] =	stream.indirect.gather [hbm4b:s3+s8], $0x40, s31, s8, $0xb8;
	[tilespmem:$0x9900] =	vst v63  }
0x45e: {  	_ =	swait.ge [sflag:s11], $0x2000  }
0x45f: {  	[sflag:s11] =	ssyncset.done $0x0  }
0x460: {  	s1 =	rddreg [dreg:$0xc];
	[sflag:s11] =	ssyncadd.s32 $0xFFFFE000  }
0x461: {  	[hbm4b:s1+s2] =	stream.linear.scatter [tilespmem:s4], [sflag:$0x6], $0x2000, $0x38;
	[tilespmem:$0x9900] =	vst v63  }
0x462: {  	_ =	swait.ge [sflag:s7], $0x2000  }
0x463: {  	s30 =	sld [smem:$0x7E5]  }
0x464: {  	[sflag:s7] =	ssyncset.done $0x0  }
0x465: {  	[sflag:s7] =	ssyncadd.s32 $0xFFFFE000  }
0x466: {  	[tilespmem:s4], [sflag:$0x2] =	stream.indirect.gather [hbm4b:s3+s8], $0x40, s30, s8, $0xb8;
	[tilespmem:$0x9900] =	vst v63  }
0x467: {  	_ =	swait.ge [sflag:s15], $0x2000  }
0x468: {  	[sflag:s15] =	ssyncset.done $0x0  }
0x469: {  	s31 =	rddreg [dreg:$0xd];
	[sflag:s15] =	ssyncadd.s32 $0xFFFFE000  }
0x46a: {  	[hbm4b:s31+s2] =	stream.linear.scatter [tilespmem:s12], [sflag:$0x7], $0x2000, $0x38;
	[tilespmem:$0x9900] =	vst v63  }
0x46b: {  	_ =	swait.ge [sflag:s13], $0x2000  }
0x46c: {  	s1 =	sld [smem:$0x7E6]  }
0x46d: {  	[sflag:s13] =	ssyncset.done $0x0  }
0x46e: {  	[sflag:s13] =	ssyncadd.s32 $0xFFFFE000  }
0x46f: {  	[tilespmem:s12], [sflag:$0x3] =	stream.indirect.gather [hbm4b:s3+s8], $0x40, s1, s8, $0xb8;
	[tilespmem:$0x9900] =	vst v63  }
0x470: {  	_ =	swait.ge [sflag:s16], $0x2000  }
0x471: {  	[sflag:s16] =	ssyncset.done $0x0  }
0x472: {  	s30 =	rddreg [dreg:$0xe];
	[sflag:s16] =	ssyncadd.s32 $0xFFFFE000  }
0x473: {  	[hbm4b:s30+s2] =	stream.linear.scatter [tilespmem:s10], [sflag:$0x8], $0x2000, $0x38;
	[tilespmem:$0x9900] =	vst v63  }
0x474: {  	_ =	swait.ge [sflag:s14], $0x2000  }
0x475: {  	s31 =	sld [smem:$0x7E7]  }
0x476: {  	[sflag:s14] =	ssyncset.done $0x0  }
0x477: {  	[sflag:s14] =	ssyncadd.s32 $0xFFFFE000  }
0x478: {  	[tilespmem:s10], [sflag:$0x4] =	stream.indirect.gather [hbm4b:s3+s8], $0x40, s31, s8, $0xb8;
	[tilespmem:$0x9900] =	vst v63  }
0x479: {  	_ =	swait.ge [sflag:s9], $0x2000  }
0x47a: {  	[sflag:s9] =	ssyncset.done $0x0  }
0x47b: {  	s1 =	rddreg [dreg:$0xf];
	[sflag:s9] =	ssyncadd.s32 $0xFFFFE000  }
0x47c: {  	[hbm4b:s1+s2] =	stream.linear.scatter [tilespmem:s5], [sflag:$0x5], $0x2000, $0x38;
	[tilespmem:$0x9900] =	vst v63  }
0x47d: {  	_ =	swait.ge [sflag:s6], $0x2000  }
0x47e: {  	s30 =	sld [smem:$0x7E8]  }
0x47f: {  	[sflag:s6] =	ssyncset.done $0x0  }
0x480: {  	[sflag:s6] =	ssyncadd.s32 $0xFFFFE000  }
0x481: {  	[tilespmem:s5], [sflag:$0x1] =	stream.indirect.gather [hbm4b:s3+s8], $0x40, s30, s8, $0xb8;
	[tilespmem:$0x9900] =	vst v63  }
0x482: {  	_ =	swait.ge [sflag:s11], $0x2000  }
0x483: {  	[sflag:s11] =	ssyncset.done $0x0  }
0x484: {  	s31 =	rddreg [dreg:$0x10];
	[sflag:s11] =	ssyncadd.s32 $0xFFFFE000  }
0x485: {  	[hbm4b:s31+s2] =	stream.linear.scatter [tilespmem:s4], [sflag:$0x6], $0x2000, $0x38;
	[tilespmem:$0x9900] =	vst v63  }
0x486: {  	_ =	swait.ge [sflag:s7], $0x2000  }
0x487: {  	s1 =	sld [smem:$0x7E9]  }
0x488: {  	[sflag:s7] =	ssyncset.done $0x0  }
0x489: {  	[sflag:s7] =	ssyncadd.s32 $0xFFFFE000  }
0x48a: {  	[tilespmem:s4], [sflag:$0x2] =	stream.indirect.gather [hbm4b:s3+s8], $0x40, s1, s8, $0xb8;
	[tilespmem:$0x9900] =	vst v63  }
0x48b: {  	_ =	swait.ge [sflag:s15], $0x2000  }
0x48c: {  	[sflag:s15] =	ssyncset.done $0x0  }
0x48d: {  	s30 =	rddreg [dreg:$0x11];
	[sflag:s15] =	ssyncadd.s32 $0xFFFFE000  }
0x48e: {  	[hbm4b:s30+s2] =	stream.linear.scatter [tilespmem:s12], [sflag:$0x7], $0x2000, $0x38;
	[tilespmem:$0x9900] =	vst v63  }
0x48f: {  	_ =	swait.ge [sflag:s13], $0x2000  }
0x490: {  	s31 =	sld [smem:$0x7EA]  }
0x491: {  	[sflag:s13] =	ssyncset.done $0x0  }
0x492: {  	[sflag:s13] =	ssyncadd.s32 $0xFFFFE000  }
0x493: {  	[tilespmem:s12], [sflag:$0x3] =	stream.indirect.gather [hbm4b:s3+s8], $0x40, s31, s8, $0xb8;
	[tilespmem:$0x9900] =	vst v63  }
0x494: {  	_ =	swait.ge [sflag:s16], $0x2000  }
0x495: {  	[sflag:s16] =	ssyncset.done $0x0  }
0x496: {  	s1 =	rddreg [dreg:$0x12];
	[sflag:s16] =	ssyncadd.s32 $0xFFFFE000  }
0x497: {  	[hbm4b:s1+s2] =	stream.linear.scatter [tilespmem:s10], [sflag:$0x8], $0x2000, $0x38;
	[tilespmem:$0x9900] =	vst v63  }
0x498: {  	_ =	swait.ge [sflag:s14], $0x2000  }
0x499: {  	s30 =	sld [smem:$0x7EB]  }
0x49a: {  	[sflag:s14] =	ssyncset.done $0x0  }
0x49b: {  	[sflag:s14] =	ssyncadd.s32 $0xFFFFE000  }
0x49c: {  	[tilespmem:s10], [sflag:$0x4] =	stream.indirect.gather [hbm4b:s3+s8], $0x40, s30, s8, $0xb8;
	[tilespmem:$0x9900] =	vst v63  }
0x49d: {  	_ =	swait.ge [sflag:s9], $0x2000  }
0x49e: {  	[sflag:s9] =	ssyncset.done $0x0  }
0x49f: {  	s31 =	rddreg [dreg:$0x13];
	[sflag:s9] =	ssyncadd.s32 $0xFFFFE000  }
0x4a0: {  	[hbm4b:s31+s2] =	stream.linear.scatter [tilespmem:s5], [sflag:$0x5], $0x2000, $0x38;
	[tilespmem:$0x9900] =	vst v63  }
0x4a1: {  	_ =	swait.ge [sflag:s6], $0x2000  }
0x4a2: {  	s1 =	sld [smem:$0x7EC]  }
0x4a3: {  	[sflag:s6] =	ssyncset.done $0x0  }
0x4a4: {  	[sflag:s6] =	ssyncadd.s32 $0xFFFFE000  }
0x4a5: {  	[tilespmem:s5], [sflag:$0x1] =	stream.indirect.gather [hbm4b:s3+s8], $0x40, s1, s8, $0xb8;
	[tilespmem:$0x9900] =	vst v63  }
0x4a6: {  	_ =	swait.ge [sflag:s11], $0x2000  }
0x4a7: {  	[sflag:s11] =	ssyncset.done $0x0  }
0x4a8: {  	s30 =	rddreg [dreg:$0x14];
	[sflag:s11] =	ssyncadd.s32 $0xFFFFE000  }
0x4a9: {  	[hbm4b:s30+s2] =	stream.linear.scatter [tilespmem:s4], [sflag:$0x6], $0x2000, $0x38;
	[tilespmem:$0x9900] =	vst v63  }
0x4aa: {  	_ =	swait.ge [sflag:s7], $0x2000  }
0x4ab: {  	s31 =	sld [smem:$0x7ED]  }
0x4ac: {  	[sflag:s7] =	ssyncset.done $0x0  }
0x4ad: {  	[sflag:s7] =	ssyncadd.s32 $0xFFFFE000  }
0x4ae: {  	[tilespmem:s4], [sflag:$0x2] =	stream.indirect.gather [hbm4b:s3+s8], $0x40, s31, s8, $0xb8;
	[tilespmem:$0x9900] =	vst v63  }
0x4af: {  	_ =	swait.ge [sflag:s15], $0x2000  }
0x4b0: {  	[sflag:s15] =	ssyncset.done $0x0  }
0x4b1: {  	s1 =	rddreg [dreg:$0x15];
	[sflag:s15] =	ssyncadd.s32 $0xFFFFE000  }
0x4b2: {  	[hbm4b:s1+s2] =	stream.linear.scatter [tilespmem:s12], [sflag:$0x7], $0x2000, $0x38;
	[tilespmem:$0x9900] =	vst v63  }
0x4b3: {  	_ =	swait.ge [sflag:s13], $0x2000  }
0x4b4: {  	s30 =	sld [smem:$0x7EE]  }
0x4b5: {  	[sflag:s13] =	ssyncset.done $0x0  }
0x4b6: {  	[sflag:s13] =	ssyncadd.s32 $0xFFFFE000  }
0x4b7: {  	[tilespmem:s12], [sflag:$0x3] =	stream.indirect.gather [hbm4b:s3+s8], $0x40, s30, s8, $0xb8;
	[tilespmem:$0x9900] =	vst v63  }
0x4b8: {  	_ =	swait.ge [sflag:s16], $0x2000  }
0x4b9: {  	[sflag:s16] =	ssyncset.done $0x0  }
0x4ba: {  	s31 =	rddreg [dreg:$0x16];
	[sflag:s16] =	ssyncadd.s32 $0xFFFFE000  }
0x4bb: {  	[hbm4b:s31+s2] =	stream.linear.scatter [tilespmem:s10], [sflag:$0x8], $0x2000, $0x38;
	[tilespmem:$0x9900] =	vst v63  }
0x4bc: {  	_ =	swait.ge [sflag:s14], $0x2000  }
0x4bd: {  	s1 =	sld [smem:$0x7EF]  }
0x4be: {  	[sflag:s14] =	ssyncset.done $0x0  }
0x4bf: {  	[sflag:s14] =	ssyncadd.s32 $0xFFFFE000  }
0x4c0: {  	[tilespmem:s10], [sflag:$0x4] =	stream.indirect.gather [hbm4b:s3+s8], $0x40, s1, s8, $0xb8;
	[tilespmem:$0x9900] =	vst v63  }
0x4c1: {  	_ =	swait.ge [sflag:s9], $0x2000  }
0x4c2: {  	[sflag:s9] =	ssyncset.done $0x0  }
0x4c3: {  	s30 =	rddreg [dreg:$0x17];
	[sflag:s9] =	ssyncadd.s32 $0xFFFFE000  }
0x4c4: {  	[hbm4b:s30+s2] =	stream.linear.scatter [tilespmem:s5], [sflag:$0x5], $0x2000, $0x38;
	[tilespmem:$0x9900] =	vst v63  }
0x4c5: {  	_ =	swait.ge [sflag:s6], $0x2000  }
0x4c6: {  	s31 =	sld [smem:$0x7F0]  }
0x4c7: {  	[sflag:s6] =	ssyncset.done $0x0  }
0x4c8: {  	[sflag:s6] =	ssyncadd.s32 $0xFFFFE000  }
0x4c9: {  	[tilespmem:s5], [sflag:$0x1] =	stream.indirect.gather [hbm4b:s3+s8], $0x40, s31, s8, $0xb8;
	[tilespmem:$0x9900] =	vst v63  }
0x4ca: {  	_ =	swait.ge [sflag:s11], $0x2000  }
0x4cb: {  	[sflag:s11] =	ssyncset.done $0x0  }
0x4cc: {  	s1 =	rddreg [dreg:$0x18];
	[sflag:s11] =	ssyncadd.s32 $0xFFFFE000  }
0x4cd: {  	[hbm4b:s1+s2] =	stream.linear.scatter [tilespmem:s4], [sflag:$0x6], $0x2000, $0x38;
	[tilespmem:$0x9900] =	vst v63  }
0x4ce: {  	_ =	swait.ge [sflag:s7], $0x2000  }
0x4cf: {  	s30 =	sld [smem:$0x7F1]  }
0x4d0: {  	[sflag:s7] =	ssyncset.done $0x0  }
0x4d1: {  	[sflag:s7] =	ssyncadd.s32 $0xFFFFE000  }
0x4d2: {  	[tilespmem:s4], [sflag:$0x2] =	stream.indirect.gather [hbm4b:s3+s8], $0x40, s30, s8, $0xb8;
	[tilespmem:$0x9900] =	vst v63  }
0x4d3: {  	_ =	swait.ge [sflag:s15], $0x2000  }
0x4d4: {  	[sflag:s15] =	ssyncset.done $0x0  }
0x4d5: {  	s31 =	rddreg [dreg:$0x19];
	[sflag:s15] =	ssyncadd.s32 $0xFFFFE000  }
0x4d6: {  	[hbm4b:s31+s2] =	stream.linear.scatter [tilespmem:s12], [sflag:$0x7], $0x2000, $0x38;
	[tilespmem:$0x9900] =	vst v63  }
0x4d7: {  	_ =	swait.ge [sflag:s13], $0x2000  }
0x4d8: {  	s1 =	sld [smem:$0x7F2]  }
0x4d9: {  	[sflag:s13] =	ssyncset.done $0x0  }
0x4da: {  	[sflag:s13] =	ssyncadd.s32 $0xFFFFE000  }
0x4db: {  	[tilespmem:s12], [sflag:$0x3] =	stream.indirect.gather [hbm4b:s3+s8], $0x40, s1, s8, $0xb8;
	[tilespmem:$0x9900] =	vst v63  }
0x4dc: {  	_ =	swait.ge [sflag:s16], $0x2000  }
0x4dd: {  	[sflag:s16] =	ssyncset.done $0x0  }
0x4de: {  	s30 =	rddreg [dreg:$0x1a];
	[sflag:s16] =	ssyncadd.s32 $0xFFFFE000  }
0x4df: {  	[hbm4b:s30+s2] =	stream.linear.scatter [tilespmem:s10], [sflag:$0x8], $0x2000, $0x38;
	[tilespmem:$0x9900] =	vst v63  }
0x4e0: {  	_ =	swait.ge [sflag:s14], $0x2000  }
0x4e1: {  	s31 =	sld [smem:$0x7F3]  }
0x4e2: {  	[sflag:s14] =	ssyncset.done $0x0  }
0x4e3: {  	[sflag:s14] =	ssyncadd.s32 $0xFFFFE000  }
0x4e4: {  	[tilespmem:s10], [sflag:$0x4] =	stream.indirect.gather [hbm4b:s3+s8], $0x40, s31, s8, $0xb8;
	[tilespmem:$0x9900] =	vst v63  }
0x4e5: {  	_ =	swait.ge [sflag:s9], $0x2000  }
0x4e6: {  	[sflag:s9] =	ssyncset.done $0x0  }
0x4e7: {  	s1 =	rddreg [dreg:$0x1b];
	[sflag:s9] =	ssyncadd.s32 $0xFFFFE000  }
0x4e8: {  	[hbm4b:s1+s2] =	stream.linear.scatter [tilespmem:s5], [sflag:$0x5], $0x2000, $0x38;
	[tilespmem:$0x9900] =	vst v63  }
0x4e9: {  	_ =	swait.ge [sflag:s6], $0x2000  }
0x4ea: {  	s30 =	sld [smem:$0x7F4]  }
0x4eb: {  	[sflag:s6] =	ssyncset.done $0x0  }
0x4ec: {  	[sflag:s6] =	ssyncadd.s32 $0xFFFFE000  }
0x4ed: {  	[tilespmem:s5], [sflag:$0x1] =	stream.indirect.gather [hbm4b:s3+s8], $0x40, s30, s8, $0xb8;
	[tilespmem:$0x9900] =	vst v63  }
0x4ee: {  	_ =	swait.ge [sflag:s11], $0x2000  }
0x4ef: {  	[sflag:s11] =	ssyncset.done $0x0  }
0x4f0: {  	s31 =	rddreg [dreg:$0x1c];
	[sflag:s11] =	ssyncadd.s32 $0xFFFFE000  }
0x4f1: {  	[hbm4b:s31+s2] =	stream.linear.scatter [tilespmem:s4], [sflag:$0x6], $0x2000, $0x38;
	[tilespmem:$0x9900] =	vst v63  }
0x4f2: {  	_ =	swait.ge [sflag:s7], $0x2000  }
0x4f3: {  	s1 =	sld [smem:$0x7F5]  }
0x4f4: {  	[sflag:s7] =	ssyncset.done $0x0  }
0x4f5: {  	[sflag:s7] =	ssyncadd.s32 $0xFFFFE000  }
0x4f6: {  	[tilespmem:s4], [sflag:$0x2] =	stream.indirect.gather [hbm4b:s3+s8], $0x40, s1, s8, $0xb8;
	[tilespmem:$0x9900] =	vst v63  }
0x4f7: {  	_ =	swait.ge [sflag:s15], $0x2000  }
0x4f8: {  	[sflag:s15] =	ssyncset.done $0x0  }
0x4f9: {  	s30 =	rddreg [dreg:$0x1d];
	[sflag:s15] =	ssyncadd.s32 $0xFFFFE000  }
0x4fa: {  	[hbm4b:s30+s2] =	stream.linear.scatter [tilespmem:s12], [sflag:$0x7], $0x2000, $0x38;
	[tilespmem:$0x9900] =	vst v63  }
0x4fb: {  	_ =	swait.ge [sflag:s13], $0x2000  }
0x4fc: {  	s31 =	sld [smem:$0x7F6]  }
0x4fd: {  	[sflag:s13] =	ssyncset.done $0x0  }
0x4fe: {  	[sflag:s13] =	ssyncadd.s32 $0xFFFFE000  }
0x4ff: {  	[tilespmem:s12], [sflag:$0x3] =	stream.indirect.gather [hbm4b:s3+s8], $0x40, s31, s8, $0xb8;
	[tilespmem:$0x9900] =	vst v63  }
0x500: {  	_ =	swait.ge [sflag:s16], $0x2000  }
0x501: {  	[sflag:s16] =	ssyncset.done $0x0  }
0x502: {  	s1 =	rddreg [dreg:$0x1e];
	[sflag:s16] =	ssyncadd.s32 $0xFFFFE000  }
0x503: {  	[hbm4b:s1+s2] =	stream.linear.scatter [tilespmem:s10], [sflag:$0x8], $0x2000, $0x38;
	[tilespmem:$0x9900] =	vst v63  }
0x504: {  	_ =	swait.ge [sflag:s14], $0x2000  }
0x505: {  	s30 =	sld [smem:$0x7F7]  }
0x506: {  	[sflag:s14] =	ssyncset.done $0x0  }
0x507: {  	[sflag:s14] =	ssyncadd.s32 $0xFFFFE000  }
0x508: {  	[tilespmem:s10], [sflag:$0x4] =	stream.indirect.gather [hbm4b:s3+s8], $0x40, s30, s8, $0xb8;
	[tilespmem:$0x9900] =	vst v63  }
0x509: {  	_ =	swait.ge [sflag:s9], $0x2000  }
0x50a: {  	[sflag:s9] =	ssyncset.done $0x0  }
0x50b: {  	s31 =	rddreg [dreg:$0x1f];
	[sflag:s9] =	ssyncadd.s32 $0xFFFFE000  }
0x50c: {  	[hbm4b:s31+s2] =	stream.linear.scatter [tilespmem:s5], [sflag:$0x5], $0x2000, $0x38;
	[tilespmem:$0x9900] =	vst v63  }
0x50d: {  	_ =	swait.ge [sflag:s6], $0x2000  }
0x50e: {  	[sflag:s6] =	ssyncset.done $0x0  }
0x50f: {  	[sflag:s6] =	ssyncadd.s32 $0xFFFFE000  }
0x510: {  	[tilespmem:s5], [sflag:$0x1] =	stream.indirect.gather [hbm4b:s3+s8], $0x40, s29, s8, $0xb8;
	[tilespmem:$0x9900] =	vst v63  }
0x511: {  	_ =	swait.ge [sflag:s11], $0x2000  }
0x512: {  	s1 =	sld [smem:$0x7C5]  }
0x513: {  	[sflag:s11] =	ssyncset.done $0x0  }
0x514: {  	[sflag:s11] =	ssyncadd.s32 $0xFFFFE000  }
0x515: {  	[hbm4b:s1+s2] =	stream.linear.scatter [tilespmem:s4], [sflag:$0x6], $0x2000, $0x38;
	[tilespmem:$0x9900] =	vst v63  }
0x516: {  	_ =	swait.ge [sflag:s7], $0x2000  }
0x517: {  	s29 =	sld [smem:$0x7F8]  }
0x518: {  	[sflag:s7] =	ssyncset.done $0x0  }
0x519: {  	[sflag:s7] =	ssyncadd.s32 $0xFFFFE000  }
0x51a: {  	[tilespmem:s4], [sflag:$0x2] =	stream.indirect.gather [hbm4b:s3+s8], $0x40, s29, s8, $0xb8;
	[tilespmem:$0x9900] =	vst v63  }
0x51b: {  	_ =	swait.ge [sflag:s15], $0x2000  }
0x51c: {  	s30 =	sld [smem:$0x7C6]  }
0x51d: {  	[sflag:s15] =	ssyncset.done $0x0  }
0x51e: {  	[sflag:s15] =	ssyncadd.s32 $0xFFFFE000  }
0x51f: {  	[hbm4b:s30+s2] =	stream.linear.scatter [tilespmem:s12], [sflag:$0x7], $0x2000, $0x38;
	[tilespmem:$0x9900] =	vst v63  }
0x520: {  	_ =	swait.ge [sflag:s13], $0x2000  }
0x521: {  	s31 =	sld [smem:$0x7F9]  }
0x522: {  	[sflag:s13] =	ssyncset.done $0x0  }
0x523: {  	[sflag:s13] =	ssyncadd.s32 $0xFFFFE000  }
0x524: {  	[tilespmem:s12], [sflag:$0x3] =	stream.indirect.gather [hbm4b:s3+s8], $0x40, s31, s8, $0xb8;
	[tilespmem:$0x9900] =	vst v63  }
0x525: {  	_ =	swait.ge [sflag:s16], $0x2000  }
0x526: {  	s1 =	sld [smem:$0x7C7]  }
0x527: {  	[sflag:s16] =	ssyncset.done $0x0  }
0x528: {  	[sflag:s16] =	ssyncadd.s32 $0xFFFFE000  }
0x529: {  	[hbm4b:s1+s2] =	stream.linear.scatter [tilespmem:s10], [sflag:$0x8], $0x2000, $0x38;
	[tilespmem:$0x9900] =	vst v63  }
0x52a: {  	_ =	swait.ge [sflag:s14], $0x2000  }
0x52b: {  	s29 =	sld [smem:$0x7FA]  }
0x52c: {  	[sflag:s14] =	ssyncset.done $0x0  }
0x52d: {  	[sflag:s14] =	ssyncadd.s32 $0xFFFFE000  }
0x52e: {  	[tilespmem:s10], [sflag:$0x4] =	stream.indirect.gather [hbm4b:s3+s8], $0x40, s29, s8, $0xb8;
	[tilespmem:$0x9900] =	vst v63  }
0x52f: {  	_ =	swait.ge [sflag:s9], $0x2000  }
0x530: {  	s30 =	sld [smem:$0x7C8]  }
0x531: {  	[sflag:s9] =	ssyncset.done $0x0  }
0x532: {  	[sflag:s9] =	ssyncadd.s32 $0xFFFFE000  }
0x533: {  	[hbm4b:s30+s2] =	stream.linear.scatter [tilespmem:s5], [sflag:$0x5], $0x2000, $0x38;
	[tilespmem:$0x9900] =	vst v63  }
0x534: {  	_ =	swait.ge [sflag:s6], $0x2000  }
0x535: {  	s31 =	sld [smem:$0x7FB]  }
0x536: {  	[sflag:s6] =	ssyncset.done $0x0  }
0x537: {  	[sflag:s6] =	ssyncadd.s32 $0xFFFFE000  }
0x538: {  	[tilespmem:s5], [sflag:$0x1] =	stream.indirect.gather [hbm4b:s3+s8], $0x40, s31, s8, $0xb8;
	[tilespmem:$0x9900] =	vst v63  }
0x539: {  	_ =	swait.ge [sflag:s11], $0x2000  }
0x53a: {  	s1 =	sld [smem:$0x7C9]  }
0x53b: {  	[sflag:s11] =	ssyncset.done $0x0  }
0x53c: {  	[sflag:s11] =	ssyncadd.s32 $0xFFFFE000  }
0x53d: {  	[hbm4b:s1+s2] =	stream.linear.scatter [tilespmem:s4], [sflag:$0x6], $0x2000, $0x38;
	[tilespmem:$0x9900] =	vst v63  }
0x53e: {  	_ =	swait.ge [sflag:s7], $0x2000  }
0x53f: {  	s29 =	sld [smem:$0x7FC]  }
0x540: {  	[sflag:s7] =	ssyncset.done $0x0  }
0x541: {  	[sflag:s7] =	ssyncadd.s32 $0xFFFFE000  }
0x542: {  	[tilespmem:s4], [sflag:$0x2] =	stream.indirect.gather [hbm4b:s3+s8], $0x40, s29, s8, $0xb8;
	[tilespmem:$0x9900] =	vst v63  }
0x543: {  	_ =	swait.ge [sflag:s15], $0x2000  }
0x544: {  	s30 =	sld [smem:$0x7CA]  }
0x545: {  	[sflag:s15] =	ssyncset.done $0x0  }
0x546: {  	[sflag:s15] =	ssyncadd.s32 $0xFFFFE000  }
0x547: {  	[hbm4b:s30+s2] =	stream.linear.scatter [tilespmem:s12], [sflag:$0x7], $0x2000, $0x38;
	[tilespmem:$0x9900] =	vst v63  }
0x548: {  	_ =	swait.ge [sflag:s13], $0x2000  }
0x549: {  	s31 =	sld [smem:$0x7FD]  }
0x54a: {  	[sflag:s13] =	ssyncset.done $0x0  }
0x54b: {  	[sflag:s13] =	ssyncadd.s32 $0xFFFFE000  }
0x54c: {  	[tilespmem:s12], [sflag:$0x3] =	stream.indirect.gather [hbm4b:s3+s8], $0x40, s31, s8, $0xb8;
	[tilespmem:$0x9900] =	vst v63  }
0x54d: {  	_ =	swait.ge [sflag:s16], $0x2000  }
0x54e: {  	s1 =	sld [smem:$0x7CB]  }
0x54f: {  	[sflag:s16] =	ssyncset.done $0x0  }
0x550: {  	[sflag:s16] =	ssyncadd.s32 $0xFFFFE000  }
0x551: {  	[hbm4b:s1+s2] =	stream.linear.scatter [tilespmem:s10], [sflag:$0x8], $0x2000, $0x38;
	[tilespmem:$0x9900] =	vst v63  }
0x552: {  	_ =	swait.ge [sflag:s14], $0x2000  }
0x553: {  	[sflag:s14] =	ssyncset.done $0x0  }
0x554: {  	[sflag:s14] =	ssyncadd.s32 $0xFFFFE000  }
0x555: {  	[tilespmem:s10], [sflag:$0x4] =	stream.indirect.gather [hbm4b:s3+s8], $0x40, s18, s8, $0xb8;
	[tilespmem:$0x9900] =	vst v63  }
0x556: {  	_ =	swait.ge [sflag:s9], $0x2000  }
0x557: {  	s18 =	sld [smem:$0x7CC]  }
0x558: {  	[sflag:s9] =	ssyncset.done $0x0  }
0x559: {  	[sflag:s9] =	ssyncadd.s32 $0xFFFFE000  }
0x55a: {  	[hbm4b:s18+s2] =	stream.linear.scatter [tilespmem:s5], [sflag:$0x5], $0x2000, $0x38;
	[tilespmem:$0x9900] =	vst v63  }
0x55b: {  	_ =	swait.ge [sflag:s6], $0x2000  }
0x55c: {  	[sflag:s6] =	ssyncset.done $0x0  }
0x55d: {  	[sflag:s6] =	ssyncadd.s32 $0xFFFFE000  }
0x55e: {  	[tilespmem:s5], [sflag:$0x1] =	stream.indirect.gather [hbm4b:s3+s8], $0x40, s28, s8, $0xb8;
	[tilespmem:$0x9900] =	vst v63  }
0x55f: {  	_ =	swait.ge [sflag:s11], $0x2000  }
0x560: {  	s29 =	sld [smem:$0x7CD]  }
0x561: {  	[sflag:s11] =	ssyncset.done $0x0  }
0x562: {  	[sflag:s11] =	ssyncadd.s32 $0xFFFFE000  }
0x563: {  	[hbm4b:s29+s2] =	stream.linear.scatter [tilespmem:s4], [sflag:$0x6], $0x2000, $0x38;
	[tilespmem:$0x9900] =	vst v63  }
0x564: {  	_ =	swait.ge [sflag:s7], $0x2000  }
0x565: {  	[sflag:s7] =	ssyncset.done $0x0  }
0x566: {  	[sflag:s7] =	ssyncadd.s32 $0xFFFFE000  }
0x567: {  	[tilespmem:s4], [sflag:$0x2] =	stream.indirect.gather [hbm4b:s3+s8], $0x40, s26, s8, $0xb8;
	[tilespmem:$0x9900] =	vst v63  }
0x568: {  	_ =	swait.ge [sflag:s15], $0x2000  }
0x569: {  	s30 =	sld [smem:$0x7CE]  }
0x56a: {  	[sflag:s15] =	ssyncset.done $0x0  }
0x56b: {  	[sflag:s15] =	ssyncadd.s32 $0xFFFFE000  }
0x56c: {  	[hbm4b:s30+s2] =	stream.linear.scatter [tilespmem:s12], [sflag:$0x7], $0x2000, $0x38;
	[tilespmem:$0x9900] =	vst v63  }
0x56d: {  	_ =	swait.ge [sflag:s13], $0x2000  }
0x56e: {  	[sflag:s13] =	ssyncset.done $0x0  }
0x56f: {  	[sflag:s13] =	ssyncadd.s32 $0xFFFFE000  }
0x570: {  	[tilespmem:s12], [sflag:$0x3] =	stream.indirect.gather [hbm4b:s3+s8], $0x40, s25, s8, $0xb8;
	[tilespmem:$0x9900] =	vst v63  }
0x571: {  	_ =	swait.ge [sflag:s16], $0x2000  }
0x572: {  	s31 =	sld [smem:$0x7CF]  }
0x573: {  	[sflag:s16] =	ssyncset.done $0x0  }
0x574: {  	[sflag:s16] =	ssyncadd.s32 $0xFFFFE000  }
0x575: {  	[hbm4b:s31+s2] =	stream.linear.scatter [tilespmem:s10], [sflag:$0x8], $0x2000, $0x38;
	[tilespmem:$0x9900] =	vst v63  }
0x576: {  	_ =	swait.ge [sflag:s14], $0x2000  }
0x577: {  	[sflag:s14] =	ssyncset.done $0x0  }
0x578: {  	[sflag:s14] =	ssyncadd.s32 $0xFFFFE000  }
0x579: {  	[tilespmem:s10], [sflag:$0x4] =	stream.indirect.gather [hbm4b:s3+s8], $0x40, s24, s8, $0xb8;
	[tilespmem:$0x9900] =	vst v63  }
0x57a: {  	_ =	swait.ge [sflag:s9], $0x2000  }
0x57b: {  	s1 =	sld [smem:$0x7D0]  }
0x57c: {  	[sflag:s9] =	ssyncset.done $0x0  }
0x57d: {  	[sflag:s9] =	ssyncadd.s32 $0xFFFFE000  }
0x57e: {  	[hbm4b:s1+s2] =	stream.linear.scatter [tilespmem:s5], [sflag:$0x5], $0x2000, $0x38;
	[tilespmem:$0x9900] =	vst v63  }
0x57f: {  	_ =	swait.ge [sflag:s6], $0x2000  }
0x580: {  	[sflag:s6] =	ssyncset.done $0x0  }
0x581: {  	[sflag:s6] =	ssyncadd.s32 $0xFFFFE000  }
0x582: {  	[tilespmem:s5], [sflag:$0x1] =	stream.indirect.gather [hbm4b:s3+s8], $0x40, s23, s8, $0xb8;
	[tilespmem:$0x9900] =	vst v63  }
0x583: {  	_ =	swait.ge [sflag:s11], $0x2000  }
0x584: {  	s18 =	sld [smem:$0x7D1]  }
0x585: {  	[sflag:s11] =	ssyncset.done $0x0  }
0x586: {  	[sflag:s11] =	ssyncadd.s32 $0xFFFFE000  }
0x587: {  	[hbm4b:s18+s2] =	stream.linear.scatter [tilespmem:s4], [sflag:$0x6], $0x2000, $0x38;
	[tilespmem:$0x9900] =	vst v63  }
0x588: {  	_ =	swait.ge [sflag:s7], $0x2000  }
0x589: {  	[sflag:s7] =	ssyncset.done $0x0  }
0x58a: {  	[sflag:s7] =	ssyncadd.s32 $0xFFFFE000  }
0x58b: {  	[tilespmem:s4], [sflag:$0x2] =	stream.indirect.gather [hbm4b:s3+s8], $0x40, s22, s8, $0xb8;
	[tilespmem:$0x9900] =	vst v63  }
0x58c: {  	_ =	swait.ge [sflag:s15], $0x2000  }
0x58d: {  	s22 =	sld [smem:$0x7D2]  }
0x58e: {  	[sflag:s15] =	ssyncset.done $0x0  }
0x58f: {  	[sflag:s15] =	ssyncadd.s32 $0xFFFFE000  }
0x590: {  	[hbm4b:s22+s2] =	stream.linear.scatter [tilespmem:s12], [sflag:$0x7], $0x2000, $0x38;
	[tilespmem:$0x9900] =	vst v63  }
0x591: {  	_ =	swait.ge [sflag:s13], $0x2000  }
0x592: {  	[sflag:s13] =	ssyncset.done $0x0  }
0x593: {  	[sflag:s13] =	ssyncadd.s32 $0xFFFFE000  }
0x594: {  	[tilespmem:s12], [sflag:$0x3] =	stream.indirect.gather [hbm4b:s3+s8], $0x40, s21, s8, $0xb8;
	[tilespmem:$0x9900] =	vst v63  }
0x595: {  	_ =	swait.ge [sflag:s16], $0x2000  }
0x596: {  	s23 =	sld [smem:$0x7D3]  }
0x597: {  	[sflag:s16] =	ssyncset.done $0x0  }
0x598: {  	[sflag:s16] =	ssyncadd.s32 $0xFFFFE000  }
0x599: {  	[hbm4b:s23+s2] =	stream.linear.scatter [tilespmem:s10], [sflag:$0x8], $0x2000, $0x38;
	[tilespmem:$0x9900] =	vst v63  }
0x59a: {  	_ =	swait.ge [sflag:s14], $0x2000  }
0x59b: {  	[sflag:s14] =	ssyncset.done $0x0  }
0x59c: {  	[sflag:s14] =	ssyncadd.s32 $0xFFFFE000  }
0x59d: {  	[tilespmem:s10], [sflag:$0x4] =	stream.indirect.gather [hbm4b:s3+s8], $0x40, s20, s8, $0xb8;
	[tilespmem:$0x9900] =	vst v63  }
0x59e: {  	_ =	swait.ge [sflag:s9], $0x2000  }
0x59f: {  	s24 =	sld [smem:$0x7D4]  }
0x5a0: {  	[sflag:s9] =	ssyncset.done $0x0  }
0x5a1: {  	[sflag:s9] =	ssyncadd.s32 $0xFFFFE000  }
0x5a2: {  	[hbm4b:s24+s2] =	stream.linear.scatter [tilespmem:s5], [sflag:$0x5], $0x2000, $0x38;
	[tilespmem:$0x9900] =	vst v63  }
0x5a3: {  	_ =	swait.ge [sflag:s6], $0x2000  }
0x5a4: {  	[sflag:s6] =	ssyncset.done $0x0  }
0x5a5: {  	[sflag:s6] =	ssyncadd.s32 $0xFFFFE000  }
0x5a6: {  	[tilespmem:s5], [sflag:$0x1] =	stream.indirect.gather [hbm4b:s3+s8], $0x40, s19, s8, $0xb8;
	[tilespmem:$0x9900] =	vst v63  }
0x5a7: {  	_ =	swait.ge [sflag:s11], $0x2000  }
0x5a8: {  	s25 =	sld [smem:$0x7D5]  }
0x5a9: {  	[sflag:s11] =	ssyncset.done $0x0  }
0x5aa: {  	[sflag:s11] =	ssyncadd.s32 $0xFFFFE000  }
0x5ab: {  	[hbm4b:s25+s2] =	stream.linear.scatter [tilespmem:s4], [sflag:$0x6], $0x2000, $0x38;
	[tilespmem:$0x9900] =	vst v63  }
0x5ac: {  	_ =	swait.ge [sflag:s7], $0x2000  }
0x5ad: {  	[sflag:s7] =	ssyncset.done $0x0  }
0x5ae: {  	s26 =	simm.s32 $0x1880;
	[sflag:s7] =	ssyncadd.s32 $0xFFFFE000  }
0x5af: {  	[tilespmem:s4], [sflag:$0x2] =	stream.indirect.gather [hbm4b:s3+s8], $0x40, s26, s8, $0xb8;
	[tilespmem:$0x9900] =	vst v63  }
0x5b0: {  	_ =	swait.ge [sflag:s15], $0x2000  }
0x5b1: {  	s28 =	sld [smem:$0x7D6]  }
0x5b2: {  	[sflag:s15] =	ssyncset.done $0x0  }
0x5b3: {  	[sflag:s15] =	ssyncadd.s32 $0xFFFFE000  }
0x5b4: {  	[hbm4b:s28+s2] =	stream.linear.scatter [tilespmem:s12], [sflag:$0x7], $0x2000, $0x38;
	[tilespmem:$0x9900] =	vst v63  }
0x5b5: {  	_ =	swait.ge [sflag:s16], $0x2000  }
0x5b6: {  	s29 =	sld [smem:$0x7D7]  }
0x5b7: {  	[sflag:s16] =	ssyncset.done $0x0  }
0x5b8: {  	[sflag:s16] =	ssyncadd.s32 $0xFFFFE000  }
0x5b9: {  	[hbm4b:s29+s2] =	stream.linear.scatter [tilespmem:s10], [sflag:$0x8], $0x2000, $0x38;
	[tilespmem:$0x9900] =	vst v63  }
0x5ba: {  	_ =	swait.ge [sflag:s9], $0x2000  }
0x5bb: {  	s30 =	sld [smem:$0x7D8]  }
0x5bc: {  	[sflag:s9] =	ssyncset.done $0x0  }
0x5bd: {  	[sflag:s9] =	ssyncadd.s32 $0xFFFFE000  }
0x5be: {  	[hbm4b:s30+s2] =	stream.linear.scatter [tilespmem:s5], [sflag:$0x5], $0x2000, $0x38;
	[tilespmem:$0x9900] =	vst v63  }
0x5bf: {  	_ =	swait.ge [sflag:s11], $0x2000  }
0x5c0: {  	s31 =	sld [smem:$0x7D9]  }
0x5c1: {  	[sflag:s11] =	ssyncset.done $0x0  }
0x5c2: {  	[sflag:s11] =	ssyncadd.s32 $0xFFFFE000  }
0x5c3: {  	[hbm4b:s31+s2] =	stream.linear.scatter [tilespmem:s4], [sflag:$0x6], $0x2000, $0x38;
	[tilespmem:$0x9900] =	vst v63  }
0x5c4: {  	_ =	swait.ge [sflag:s13], $0x2000  }
0x5c5: {  	[sflag:s13] =	ssyncset.done $0x0  }
0x5c6: {  	[sflag:s13] =	ssyncadd.s32 $0xFFFFE000  }
0x5c7: {  	_ =	swait.ge [sflag:s14], $0x2000  }
0x5c8: {  	[sflag:s14] =	ssyncset.done $0x0  }
0x5c9: {  	[sflag:s14] =	ssyncadd.s32 $0xFFFFE000  }
0x5ca: {  	_ =	swait.ge [sflag:s6], $0x2000  }
0x5cb: {  	[sflag:s6] =	ssyncset.done $0x0  }
0x5cc: {  	[sflag:s6] =	ssyncadd.s32 $0xFFFFE000  }
0x5cd: {  	_ =	swait.ge [sflag:s7], $0x2000  }
0x5ce: {  	[sflag:s7] =	ssyncset.done $0x0  }
0x5cf: {  	[sflag:s7] =	ssyncadd.s32 $0xFFFFE000  }
0x5d0: {  	_ =	sfence.sel $0x180000  }
0x5d1: {  	[bflag:$0x0] =	sbarrier.arrive $0xFFFF  }
0x5d2: {  	_ =	strace $0x90000047  }
0x5d3: {  	[bflag:$0x2] =	sbarrier.arrive $0xFFFF  }
0x5d4: {  	p0 =	sne.s32 s17, $0x0;
	s0 =	rddreg [dreg:$0x2]  }
0x5d5: {  	s0 =	sadd.s32 @!p0 $0x100000, s0  }
0x5d6: {  	[sflag:s0] =	ssyncadd.tile.s32 @!p0 $0x1;
	_ =	shalt  }
.LBB2_1:
.Ltmp3:
0x5d7: {  	(pc) =	sbr.rel .LBB2_6-.Ltmp3, $4  }
0x5d8: {  	s18 =	simm.s32 $0x1380  }
0x5d9: {  	s28 =	simm.s32 $0x1400;
	s26 =	simm.s32 $0x1480;
	s25 =	simm.s32 $0x1500  }
0x5da: {  	s24 =	simm.s32 $0x1580;
	s23 =	simm.s32 $0x1600;
	s22 =	simm.s32 $0x1680  }
0x5db: {  	s21 =	simm.s32 $0x1700;
	s20 =	simm.s32 $0x1780;
	s19 =	simm.s32 $0x1800  }
.LBB2_3:
.Ltmp4:
0x5dc: {  	(pc) =	sbr.rel .LBB2_6-.Ltmp4, $4  }
0x5dd: {  	s18 =	simm.s32 $0x1380;
	s28 =	simm.s32 $0x1400  }
0x5de: {  	s26 =	simm.s32 $0x1480;
	s25 =	simm.s32 $0x1500;
	s24 =	simm.s32 $0x1580  }
0x5df: {  	s23 =	simm.s32 $0x1600;
	s22 =	simm.s32 $0x1680;
	s21 =	simm.s32 $0x1700  }
0x5e0: {  	s20 =	simm.s32 $0x1780;
	s19 =	simm.s32 $0x1800;
	s17 =	stileid.u32  }
.Lfunc_end2:
_tile_overlayer_lowered:
.L_overlay_start_2:
0x5e1: {  	(tag) =	ssettag $0x2  }
0x5e2: {  	s0 =	rddreg [dreg:$0x0];
	s2 =	stileid.u32  }
0x5e3: {  	s1 =	rddreg [dreg:$0x1];
	p0 =	sne.s32 s2, $0x0  }
0x5e4: {  	s3 =	rddreg [dreg:$0x2];
	[bflag:$0x3] =	sbarrier.arrive $0xFFFF;
	s2 =	simm.s32 @!p0 $0x1C0A  }
0x5e5: {  	[timem:s3], [sflag:s2] =	dma.local @!p0 [hbm:s0], s1  }
0x5e6: {  	s0 =	simm.s32 @!p0 $0xA  }
0x5e7: {  	_ =	swait.ge @!p0 [sflag:s0], s1  }
0x5e8: {  	s1 =	ssub.s32 @!p0 $0x0, s1;
	[sflag:s0] =	ssyncset.done @!p0 $0x0  }
0x5e9: {  	[sflag:s0] =	ssyncadd.s32 @!p0 s1  }
0x5ea: {  	[bflag:$0x3] =	sbarrier.arrive $0xFFFF  }
0x5eb: {  	_ =	shalt  }

// kernel: sparse-core-data-format-call.cloned.1.call-start
scs
called_computation_lowered:
.L_overlay_start_0:
0x0: {  	s2 =	sld [smem:$0x3FD9]  }
0x1: {  	s3 =	sld [smem:$0x3FFE];
	_ =	sdelay $0x1  }
0x2: {  	s1 =	srdreg.scid  }
0x3: {  	s0 =	sand.u32 $0x1, s1  }
0x4: {  	s18 =	sshll.u32 s0, $0xA;
	s2 =	sadd.s32 s3, s2  }
0x5: {  	s2 =	sadd.s32 s2, s18  }
0x6: {  	[smem:$0x3FC6] =	sst s2  }
0x7: {  	_ = 	snop  }
0x8: {  	s2 =	sld [smem:$0x3FD0];
	(tm) =	ssettm $0x1  }
0x9: {  	s19 =	sld [smem:$0x3FFB];
	_ =	sdelay $0x3  }
0xa: {  	_ =	strace s19  }
0xb: {  	s3 =	sld [smem:$0x3FFC];
	_ =	sdelay $0x3  }
0xc: {  	_ =	strace s3  }
0xd: {  	s3 =	sld [smem:$0x3FFD];
	_ =	sdelay $0x3  }
0xe: {  	_ =	strace s3  }
0xf: {  	_ =	strace $0x8FFFFFFF  }
0x10: {  	s20 =	sld [smem:$0x3FDB];
	_ =	sdelay $0x1  }
0x11: {  	s4 =	simm.s32 $_scs_section_size  }
0x12: {  	s5 =	simm.s32 $_size__tile_overlayer_lowered;
	s6 =	simm.s32 $_tile_overlayer_lowered  }
0x13: {  	s23 =	simm.s32 $0x1BFF;
	s22 =	sshll.u32 s6, $0x1;
	s3 =	sadd.s32 s4, s20  }
0x14: {  	s7 =	simm.s32 $0x0;
	s21 =	sshll.u32 s5, $0x1;
	s5 =	sadd.s32 s22, s3  }
0x15: {  	[timem:s7], [sflag:s23] =	dma.local [hbm:s5], s21  }
0x16: {  	_ =	swait.ge [sflag:s23], s21  }
0x17: {  	s4 =	ssub.s32 $0x0, s21;
	[sflag:s23] =	ssyncset.done $0x0  }
0x18: {  	[sflag:s23] =	ssyncadd.s32 s4;
	_ =	sdelay $0x1  }
0x19: {  	s24 =	simm.s32 $0x1B8B  }
0x1a: {  	_ =	swait.ge [sflag:s24], $0x1  }
0x1b: {  	[sflag:s24] =	ssyncset.done $0x0  }
0x1c: {  	s26 =	simm.s32 $0x1B8E;
	s25 =	sld [smem:$0x3FFE];
	[sflag:s24] =	ssyncadd.s32 $0xFFFFFFFF  }
0x1d: {  	s27 =	simm.s32 $execute0_lowered;
	[smem:$0x3FD2] =	sst s26  }
0x1e: {  	s5 =	sshll.u32 s27, $0x1;
	_ =	strace $0x80000049;
	[dreg:$0x1] =	wrdreg $0xFFFFFFFF  }
0x1f: {  	s28 =	simm.s32 $_size_execute0_lowered;
	s3 =	sadd.s32 s3, s5;
	[dreg:$0x0] =	wrdreg $0x0  }
0x20: {  	s5 =	sshll.u32 s28, $0x1;
	[dreg:$0x2] =	wrdreg s3  }
0x21: {  	[dreg:$0x3] =	wrdreg s5  }
0x22: {  	[dreg:$0x4] =	wrdreg $0xC0  }
0x23: {  	_ =	task [dreg:s7], $0x5FFFF  }
0x24: {  	[dreg:$0x1] =	wrdreg $0xFFFFFFFF  }
0x25: {  	[dreg:$0x0] =	wrdreg $0x60  }
0x26: {  	[dreg:$0x2] =	wrdreg s25  }
0x27: {  	[dreg:$0x3] =	wrdreg s2  }
0x28: {  	[dreg:$0x4] =	wrdreg $0x9  }
0x29: {  	_ =	task.clear_ibuf [dreg:s7], $0x5FFFF;
	_ =	strace $0x90000049  }
0x2a: {  	s29 =	simm.s32 $0x9;
	_ =	strace $0x8000004B  }
0x2b: {  	_ =	swait.ge [sflag:s29], $0x1  }
0x2c: {  	[sflag:s29] =	ssyncadd.s32 $0xFFFFFFFF  }
0x2d: {  	_ =	strace $0x9000004B  }
0x2e: {  	_ =	sfence  }
0x2f: {  	s30 =	sld [smem:$0x0];
	_ =	sdelay $0x2  }
0x30: {  	s31 =	sshll.u32 s1, $0xD;
	s1 =	sshrl.u32 s1, $0x2  }
0x31: {  	s3 =	sand.u32 $0x4000, s31;
	s1 =	sadd.s32 s1, s30  }
0x32: {  	s0 =	sor.u32 s3, s0;
	s1 =	sshll.u32 s1, $0x11  }
0x33: {  	s0 =	sor.u32 s1, s0  }
0x34: {  	s0 =	sadd.s32 $0x8F2B, s0  }
0x35: {  	[sflag:s0] =	ssyncadd.remote.s32 $0x1  }
0x36: {  	_ =	sfence.sel $0xFFFF  }
0x37: {  	[dreg:$0x0] =	wrdreg $0xFFFFFFFF;
	(pc) =	sbr.abs _section_cstart, $3  }
0x38: {  	[dreg:$0x1] =	wrdreg $0xFFFFFFFF  }
0x39: {  	_ =	task.clear_ibuf [dreg:s7], $0x2FFFF;
	_ =	strace $0x9FFFFFFF  }
0x3a: {  	(tm) =	ssettm $0x7FFFFFFF  }
0x3b: {  	_ =	shalt  }
tec
execute0_lowered:
.L_overlay_start_1:
0x0: {  	(tag) =	ssettag $0x1  }
0x1: {  	s0 =	srdreg.scid  }
0x2: {  	s1 =	sshll.u32 s0, $0x4  }
0x3: {  	s5 =	rddreg [dreg:$0x0];
	s0 =	stileid.u32;
	s1 =	sand.u32 $0x10, s1  }
0x4: {  	s3 =	rddreg [dreg:$0x1];
	s31 =	simm.s32 $0x2;
	s4 =	sor.u32 s0, s1  }
0x5: {  	s13 =	simm.s32 $0x0;
	s9 =	simm.s32 $0x400;
	s2 =	sshll.u32 s4, $0x7  }
0x6: {  	s10 =	simm.s32 $0x8000;
	s14 =	simm.s32 $0x0;
	s6 =	ssub.s32 $0x1000, s2  }
0x7: {  	s1 =	rddreg [dreg:$0x2];
	_ =	strace $0x8000004A;
	s7 =	sand.u32 $0xF80, s6  }
0x8: {  	s4 =	sshll.u32 s4, $0xB;
	p0 =	sne.s32 s7, $0x0;
	s7 =	simm.s32 $0x1  }
.Ltmp0:
0x9: {  	s6 =	sshrl.u32 s6, $0xC;
	s7 =	simm.s32 @!p0 $0x0;
	(pc) =	sbr.rel .LBB1_1-.Ltmp0, $4  }
0xa: {  	s8 =	sadd.s32 s4, s5;
	s4 =	simm.s32 $0x1;
	s30 =	sadd.s32 s7, s6  }
0xb: {  	s11 =	simm.s32 $0x0;
	[sflag:s4] =	ssyncpa.u1 $0x0;
	s5 =	smul.u32 $0x19, s30  }
0xc: {  	s12 =	simm.s32 $0x0;
	[sflag:s31] =	ssyncpa.u1 $0x0;
	p0 =	por $0x0, $0x0  }
0xd: {  	s6 =	sadd.s32 $0x800, s8;
	s7 =	sadd.s32 $0x10800, s8;
	s8 =	sadd.s32 $0x1, s5  }
.LBB1_7:
0xe: {  	s15 =	sadd.s32 $0x2, s11  }
0xf: {  	p2 =	sgt.s32 s15, $0x31  }
0x10: {  	s15 =	simm.s32 @p2 $0x0;
	p2 =	sne.s32 s12, s8  }
.Ltmp1:
0x11: {  	p1 =	slt.u32 s12, $0x2;
	(pc) =	sbr.rel @!p2 .LBB1_8-.Ltmp1, $4  }
0x12: {  	s13 =	simm.s32 @!p1 $0x2  }
0x13: {  	s16 =	sadd.s32 $0x1, s12;
	s14 =	smov.u32 s11;
	_ =	swait.ge @!p1 [sflag:s13], $0x4000  }
0x14: {  	p0 =	por !p0, !p0;
	s12 =	smov.u32 s16;
	[sflag:s13] =	ssyncset.done @!p1 $0x0  }
0x15: {  	s11 =	smov.u32 s15;
	[sflag:s13] =	ssyncadd.s32 @!p1 $0xFFFFC000;
	s13 =	smov.u32 s2  }
.LBB1_1:
0x16: {  	p1 =	sge.u32 s12, s5  }
0x17: {  	s15 =	sxor.u32 @!p1 $0xFFFFFFFF, s12  }
0x18: {  	s16 =	sshll.u32 @!p1 s11, $0x10;
	s18 =	simm.s32 @!p1 $0x40;
	s15 =	sshll.u32 @!p1 s15, $0xE  }
0x19: {  	s19 =	simm.s32 @!p1 $0x80;
	s17 =	sadd.s32 @!p1 s16, s6;
	s15 =	sand.u32 @!p1 $0x4000, s15  }
0x1a: {  	[tilespmem:s15], [sflag:$0x1] =	stream.strided.gather @!p1 [hbm4b:s17+s18], $0x2000, s19, s18, $0x38;
	[tilespmem:$0x10100] =	vst v63  }
0x1b: {  	s31 =	sadd.s32 $0xFFFFFFFF, s12;
	s16 =	sadd.s32 @!p1 s16, s7;
	s15 =	sor.u32 @!p1 $0x2000, s15  }
0x1c: {  	[tilespmem:s15], [sflag:$0x1] =	stream.strided.gather @!p1 [hbm4b:s16+s18], $0x2000, s19, s18, $0x38;
	[tilespmem:$0x10100] =	vst v63  }
0x1d: {  	p1 =	sge.u32 s31, s5  }
.Ltmp2:
0x1e: {  	_ = 	snop;
	(pc) =	sbr.rel @p1 .LBB1_7-.Ltmp2, $1  }
0x1f: {  	_ =	sdelay $0x3  }
0x20: {  	s15 =	simm.s32 $0x1;
	s17 =	sand.u32 $0x1, s12  }
0x21: {  	_ =	swait.ge [sflag:s4], $0x4000;
	s15 =	simm.s32 @!p0 $0x0;
	s17 =	smul.u32 $0x10200, s17  }
0x22: {  	p2 =	por $0x1, $0x1;
	[sflag:s4] =	ssyncset.done $0x0;
	s16 =	smul.u32 $0x10200, s15  }
0x23: {  	s18 =	sshll.u32 s15, $0x10;
	[sflag:s4] =	ssyncadd.s32 $0xFFFFC000;
	s30 =	sshrl.u32 s17, $0x2  }
0x24: {  	s31 =	sshrl.u32 s18, $0x2;
	s18 =	simm.s32 $0x0;
	s16 =	sshrl.u32 s16, $0x2  }
0x25: {  	s15 =	sor.u32 $0x8000, s30;
	s17 =	sadd.s32 $0x20, s31;
	s16 =	sor.u32 $0x8000, s16  }
.LBB1_3:
0x26: {  	s19 =	sshll.u32 s18, $0xD  }
0x27: {  	s19 =	sand.u32 $0x3FFFE000, s19  }
0x28: {  	s21 =	sadd.s32 s19, s17  }
0x29: {  	s31 =	smul.u32 $0x8100, s18;
	v3 =	vld [tilespmem:s21+$0x10]  }
0x2a: {  	v1 =	vld [tilespmem:s21+$0xFFFFFFF0]  }
0x2b: {  	s18 =	sshra.s32 s31, $0x2;
	v0 =	vld [tilespmem:s21+$0x0]  }
0x2c: {  	s18 =	sadd.s32 s18, s16;
	v2 =	vld [tilespmem:s21+$0xFFFFFFE0]  }
0x2d: {  	s19 =	sadd.s32 $0x0, s18  }
0x2e: {  	p1 =	por p2, p2;
	s20 =	simm.s32 $0x4;
	s21 =	sadd.s32 $0x40, s21;
	[tilespmem:s19+$0x1830 ss:$0x81] =	vst.msk $0xffff, v3  }
.LBB1_4:
0x2f: {  	v3 =	vld [tilespmem:s21+$0x10];
	p2 =	sne.s32 s20, $0x1FC;
	[tilespmem:s19+$0x810 ss:$0x81] =	vst.msk $0xffff, v1;
	s22 =	smov.u32 s20;
	s20 =	sadd.s32 $0x4, s20  }
.Ltmp3:
0x30: {  	v1 =	vld [tilespmem:s21+$0xFFFFFFF0];
	[tilespmem:s19+$0x1020 ss:$0x81] =	vst.msk $0xffff, v0;
	(pc) =	sbr.rel @p2 .LBB1_4-.Ltmp3, $4  }
0x31: {  	v0 =	vld [tilespmem:s21+$0x0];
	[tilespmem:s19+$0x0 ss:$0x81] =	vst.msk $0xffff, v2  }
0x32: {  	s19 =	sshra.s32 s22, $0x2;
	v2 =	vld [tilespmem:s21+$0xFFFFFFE0]  }
0x33: {  	s19 =	sadd.s32 s19, s18  }
0x34: {  	s21 =	sadd.s32 $0x40, s21;
	[tilespmem:s19+$0x1830 ss:$0x81] =	vst.msk $0xffff, v3  }
.Ltmp4:
0x35: {  	(pc) =	sbr.rel @p1 .LBB1_3-.Ltmp4, $4  }
0x36: {  	_ = 	snop  }
0x37: {  	[tilespmem:s19+$0x810 ss:$0x81] =	vst.msk $0xffff, v1  }
0x38: {  	[tilespmem:s19+$0x1020 ss:$0x81] =	vst.msk $0xffff, v0  }
0x39: {  	s18 =	simm.s32 $0x1;
	p2 =	por $0x0, $0x0;
	[tilespmem:s19+$0x0 ss:$0x81] =	vst.msk $0xffff, v2  }
.Ltmp5:
0x3a: {  	(pc) =	sbr.rel .LBB1_7-.Ltmp5, $4  }
0x3b: {  	s14 =	sshll.u32 s14, $0xF  }
0x3c: {  	s14 =	sadd.s32 s3, s14  }
0x3d: {  	s13 =	sadd.s32 s13, s14  }
0x3e: {  	[hbm4b:s13+s9] =	stream.strided.scatter [tilespmem:s15], [sflag:$0x2], $0x4000, s10, s9, $0x20;
	[tilespmem:$0x10100] =	vst v63  }
.LBB1_8:
0x3f: {  	_ =	sfence.sel $0x180000  }
0x40: {  	s2 =	simm.s32 $0x1;
	[bflag:$0x0] =	sbarrier.arrive $0xFFFF  }
0x41: {  	s31 =	simm.s32 $0x2;
	[sflag:s2] =	ssyncpa.u1 $0x1  }
0x42: {  	[sflag:s31] =	ssyncpa.u1 $0x1  }
0x43: {  	p0 =	sne.s32 s0, $0x0;
	_ =	strace $0x9000004A  }
0x44: {  	s0 =	sadd.s32 @!p0 $0x100000, s1;
	[bflag:$0x2] =	sbarrier.arrive $0xFFFF  }
0x45: {  	[sflag:s0] =	ssyncadd.tile.s32 @!p0 $0x1;
	_ =	shalt  }
.Lfunc_end1:
_tile_overlayer_lowered:
.L_overlay_start_2:
0x46: {  	(tag) =	ssettag $0x2  }
0x47: {  	s0 =	rddreg [dreg:$0x0];
	s2 =	stileid.u32  }
0x48: {  	s1 =	rddreg [dreg:$0x1];
	p0 =	sne.s32 s2, $0x0  }
0x49: {  	s3 =	rddreg [dreg:$0x2];
	[bflag:$0x3] =	sbarrier.arrive $0xFFFF;
	s2 =	simm.s32 @!p0 $0x1C01  }
0x4a: {  	[timem:s3], [sflag:s2] =	dma.local @!p0 [hbm:s0], s1  }
0x4b: {  	s0 =	simm.s32 @!p0 $0x1  }
0x4c: {  	_ =	swait.ge @!p0 [sflag:s0], s1  }
0x4d: {  	s1 =	ssub.s32 @!p0 $0x0, s1;
	[sflag:s0] =	ssyncset.done @!p0 $0x0  }
0x4e: {  	[sflag:s0] =	ssyncadd.s32 @!p0 s1  }
0x4f: {  	[bflag:$0x3] =	sbarrier.arrive $0xFFFF  }
0x50: {  	_ =	shalt  }

</sc_bundles>
